<compile_context>
chip_gen: v7x
topology: tpu7x:2x2x1
jax: 0.10.2.dev20260603
libtpu: 0.0.44.dev20260713+nightly
codegen_flags: <defaults>
</compile_context>

<pallas_src>
import functools
import math

import jax
import jax.numpy as jnp
from jax import lax
from jax.experimental import pallas as pl
from jax.experimental.pallas import tpu as pltpu
from jax.experimental.pallas import tpu_sc as plsc

_NC = 2
_NS = 16
_NT = _NC * _NS
_BLK = 128
_LW = 128
_G = 16

_BN_SCALE = 1.0 / math.sqrt(1.0 + 1e-5)
_MM = dict(preferred_element_type=jnp.float32, precision=lax.Precision.HIGHEST)


def _sc_mesh():
    return plsc.VectorSubcoreMesh(core_axis_name="c", subcore_axis_name="s")


def _zero_fill(zeros_hbm, buf_v, acc_sh, row0, rpt, width):
    pltpu.sync_copy(zeros_hbm, buf_v)
    n_full, rem = divmod(rpt, _BLK)
    for z in range(n_full):
        pltpu.sync_copy(buf_v, acc_sh.at[pl.ds(row0 + z * _BLK, _BLK)])
    if rem:
        pltpu.sync_copy(buf_v.at[pl.ds(0, rem)],
                        acc_sh.at[pl.ds(row0 + n_full * _BLK, rem)])


def _copy_out(acc_sh, buf_v, out_hbm, c, row0, rpt):
    n_full, rem = divmod(rpt, _BLK)
    for z in range(n_full):
        r = row0 + z * _BLK
        pltpu.sync_copy(acc_sh.at[pl.ds(r, _BLK)], buf_v)
        pltpu.sync_copy(buf_v, out_hbm.at[c, pl.ds(r, _BLK)])
    if rem:
        r = row0 + n_full * _BLK
        pltpu.sync_copy(acc_sh.at[pl.ds(r, rem)], buf_v.at[pl.ds(0, rem)])
        pltpu.sync_copy(buf_v.at[pl.ds(0, rem)], out_hbm.at[c, pl.ds(r, rem)])


def _sc_count(dst_r, ones_blk, zeros_blk, np_rows):
    kpt = dst_r.shape[1]
    rpt = np_rows // _NS

    @functools.partial(
        pl.kernel,
        out_type=jax.ShapeDtypeStruct((_NC, np_rows, 16), jnp.float32),
        mesh=_sc_mesh(),
        scratch_types=[
            pltpu.VMEM((kpt, _BLK), jnp.int32),
            pltpu.VMEM((_BLK, 16), jnp.float32),
            pltpu.VMEM((_BLK, 16), jnp.float32),
            pltpu.VMEM_SHARED((np_rows, 16), jnp.float32),
        ],
    )
    def k(dst_hbm, ones_hbm, zeros_hbm, out_hbm, dst_v, ones_v, buf_v, acc_sh):
        c = lax.axis_index("c")
        s = lax.axis_index("s")
        wid = c * _NS + s
        pltpu.sync_copy(dst_hbm.at[wid], dst_v)
        pltpu.sync_copy(ones_hbm, ones_v)
        row0 = s * rpt
        _zero_fill(zeros_hbm, buf_v, acc_sh, row0, rpt, 16)
        plsc.subcore_barrier()

        @pl.loop(0, kpt)
        def _(j):
            pltpu.sync_copy(ones_v, acc_sh.at[dst_v.at[j]], add=True)

        plsc.subcore_barrier()
        _copy_out(acc_sh, buf_v, out_hbm, c, row0, rpt)

    return k(dst_r, ones_blk, zeros_blk)


def _sc_agg(hp, src_r, dst_r, zeros_blk, np_rows):
    kpt = src_r.shape[1]
    rpt = np_rows // _NS

    @functools.partial(
        pl.kernel,
        out_type=jax.ShapeDtypeStruct((_NC, np_rows, _LW), jnp.float32),
        mesh=_sc_mesh(),
        scratch_types=[
            pltpu.VMEM((kpt, _BLK), jnp.int32),
            pltpu.VMEM((kpt, _BLK), jnp.int32),
            pltpu.VMEM((_BLK, _LW), jnp.float32),
            pltpu.VMEM_SHARED((np_rows, _LW), jnp.float32),
        ],
    )
    def k(hp_hbm, src_hbm, dst_hbm, zeros_hbm, out_hbm,
          src_v, dst_v, buf_v, acc_sh):
        c = lax.axis_index("c")
        s = lax.axis_index("s")
        wid = c * _NS + s
        pltpu.sync_copy(src_hbm.at[wid], src_v)
        pltpu.sync_copy(dst_hbm.at[wid], dst_v)
        row0 = s * rpt
        _zero_fill(zeros_hbm, buf_v, acc_sh, row0, rpt, _LW)
        plsc.subcore_barrier()

        @pl.loop(0, kpt)
        def _(j):
            pltpu.sync_copy(hp_hbm.at[src_v.at[j]], buf_v)
            pltpu.sync_copy(buf_v, acc_sh.at[dst_v.at[j]], add=True)

        plsc.subcore_barrier()
        _copy_out(acc_sh, buf_v, out_hbm, c, row0, rpt)

    return k(hp, src_r, dst_r, zeros_blk)


def _tc_matmul(x, w, rb=1000):
    n, din = x.shape
    dout = w.shape[1]

    def body(x_ref, w_ref, o_ref):
        o_ref[...] = jnp.dot(x_ref[...], w_ref[...], **_MM)

    return pl.pallas_call(
        body,
        grid=(n // rb,),
        in_specs=[pl.BlockSpec((rb, din), lambda i: (i, 0)),
                  pl.BlockSpec((din, dout), lambda i: (0, 0))],
        out_specs=pl.BlockSpec((rb, dout), lambda i: (i, 0)),
        out_shape=jax.ShapeDtypeStruct((n, dout), jnp.float32),
    )(x, w)


def _tc_prep(cnt, h, rb=1000):
    n, dh = h.shape

    def body(cnt_ref, h_ref, dis_ref, hp_ref, d2h_ref):
        deg = cnt_ref[0][:, 0:1] + cnt_ref[1][:, 0:1] + 1.0
        dis = lax.rsqrt(deg)
        hp = h_ref[...] * dis
        dis_ref[...] = dis
        hp_ref[...] = jnp.concatenate(
            [hp, jnp.zeros((rb, _LW - dh), jnp.float32)], axis=1)
        d2h_ref[...] = hp * dis

    return pl.pallas_call(
        body,
        grid=(n // rb,),
        in_specs=[pl.BlockSpec((_NC, rb, 16), lambda i: (0, i, 0)),
                  pl.BlockSpec((rb, dh), lambda i: (i, 0))],
        out_specs=[pl.BlockSpec((rb, 1), lambda i: (i, 0)),
                   pl.BlockSpec((rb, _LW), lambda i: (i, 0)),
                   pl.BlockSpec((rb, dh), lambda i: (i, 0))],
        out_shape=[jax.ShapeDtypeStruct((n, 1), jnp.float32),
                   jax.ShapeDtypeStruct((n, _LW), jnp.float32),
                   jax.ShapeDtypeStruct((n, dh), jnp.float32)],
    )(cnt, h)


def _tc_mid(p, d2h, dis, b, g, be, w, rb=1000):
    n, dp = d2h.shape
    dn = w.shape[1]

    def body(p_ref, d2h_ref, dis_ref, b_ref, g_ref, be_ref, w_ref,
             hp_o, d2h_o):
        dis = dis_ref[...]
        agg = p_ref[0][:, :dp] + p_ref[1][:, :dp]
        conv = dis * agg + d2h_ref[...] + b_ref[...]
        xn = jnp.maximum(conv * (g_ref[...] * _BN_SCALE) + be_ref[...], 0.0)
        hp = jnp.dot(xn, w_ref[...], **_MM) * dis
        hp_o[...] = jnp.concatenate(
            [hp, jnp.zeros((rb, _LW - dn), jnp.float32)], axis=1)
        d2h_o[...] = hp * dis

    return pl.pallas_call(
        body,
        grid=(n // rb,),
        in_specs=[pl.BlockSpec((_NC, rb, _LW), lambda i: (0, i, 0)),
                  pl.BlockSpec((rb, dp), lambda i: (i, 0)),
                  pl.BlockSpec((rb, 1), lambda i: (i, 0)),
                  pl.BlockSpec((1, dp), lambda i: (0, 0)),
                  pl.BlockSpec((1, dp), lambda i: (0, 0)),
                  pl.BlockSpec((1, dp), lambda i: (0, 0)),
                  pl.BlockSpec((dp, dn), lambda i: (0, 0))],
        out_specs=[pl.BlockSpec((rb, _LW), lambda i: (i, 0)),
                   pl.BlockSpec((rb, dn), lambda i: (i, 0))],
        out_shape=[jax.ShapeDtypeStruct((n, _LW), jnp.float32),
                   jax.ShapeDtypeStruct((n, dn), jnp.float32)],
    )(p, d2h, dis, b, g, be, w)


def _tc_final(p, d2h, dis, b, bt, wp, bp):
    n, d = d2h.shape
    dproj = wp.shape[1]

    def body(p_ref, d2h_ref, dis_ref, b_ref, bt_ref, wp_ref, bp_ref,
             h_o, grep_o):
        dis = dis_ref[...]
        agg = p_ref[0][:, :d] + p_ref[1][:, :d]
        h = jnp.maximum(dis * agg + d2h_ref[...] + b_ref[...], 0.0)
        h_o[...] = h
        btc = bt_ref[...]
        sums, maxs, cnts = [], [], []
        for g in range(_G):
            m = btc == g
            sums.append(jnp.sum(jnp.where(m, h, 0.0), axis=0, keepdims=True))
            maxs.append(jnp.max(jnp.where(m, h, -jnp.inf), axis=0,
                                keepdims=True))
            cnts.append(jnp.sum(jnp.where(m, 1.0, 0.0), axis=0,
                                keepdims=True)[:, 0:1])
        gsum = jnp.concatenate(sums, axis=0)
        gmax = jnp.concatenate(maxs, axis=0)
        gcnt = jnp.concatenate(cnts, axis=0)
        gmean = gsum / jnp.maximum(gcnt, 1.0)
        grep = jnp.dot(jnp.concatenate([gmean, gmax], axis=1),
                       wp_ref[...], **_MM) + bp_ref[...]
        grep_o[...] = grep

    return pl.pallas_call(
        body,
        grid=(1,),
        in_specs=[pl.BlockSpec((_NC, n, _LW), lambda i: (0, 0, 0)),
                  pl.BlockSpec((n, d), lambda i: (0, 0)),
                  pl.BlockSpec((n, 1), lambda i: (0, 0)),
                  pl.BlockSpec((1, d), lambda i: (0, 0)),
                  pl.BlockSpec((n, 1), lambda i: (0, 0)),
                  pl.BlockSpec((d + d, dproj), lambda i: (0, 0)),
                  pl.BlockSpec((1, dproj), lambda i: (0, 0))],
        out_specs=[pl.BlockSpec((n, d), lambda i: (0, 0)),
                   pl.BlockSpec((_G, dproj), lambda i: (0, 0))],
        out_shape=[jax.ShapeDtypeStruct((n, d), jnp.float32),
                   jax.ShapeDtypeStruct((_G, dproj), jnp.float32)],
    )(p, d2h, dis, b, bt, wp, bp)


def kernel(x, edge_index, batch, W1, b1, g1, be1, W2, b2, g2, be2,
           W3, b3, Wp, bp):
    n = x.shape[0]
    e = edge_index.shape[1]
    dh = W1.shape[1]
    dout = W3.shape[1]

    np_rows = ((n + 1 + 127) // 128) * 128

    kpt = -(-e // (_NT * _BLK))
    pad = _NT * kpt * _BLK - e
    srcp = jnp.concatenate([edge_index[0], jnp.zeros((pad,), jnp.int32)])
    dstp = jnp.concatenate([edge_index[1], jnp.full((pad,), n, jnp.int32)])
    src_r = srcp.reshape(_NT, kpt, _BLK)
    dst_r = dstp.reshape(_NT, kpt, _BLK)

    ones16 = jnp.ones((_BLK, 16), jnp.float32)
    zeros16 = jnp.zeros((_BLK, 16), jnp.float32)
    zeros_lw = jnp.zeros((_BLK, _LW), jnp.float32)

    cnt = _sc_count(dst_r, ones16, zeros16, np_rows)
    h1 = _tc_matmul(x, W1)
    dis, hp1, d2h1 = _tc_prep(cnt[:, :n, :], h1)

    p1 = _sc_agg(hp1, src_r, dst_r, zeros_lw, np_rows)
    hp2, d2h2 = _tc_mid(p1[:, :n], d2h1, dis, b1.reshape(1, dh),
                        g1.reshape(1, dh), be1.reshape(1, dh), W2)

    p2 = _sc_agg(hp2, src_r, dst_r, zeros_lw, np_rows)
    hp3, d2h3 = _tc_mid(p2[:, :n], d2h2, dis, b2.reshape(1, dh),
                        g2.reshape(1, dh), be2.reshape(1, dh), W3)

    p3 = _sc_agg(hp3, src_r, dst_r, zeros_lw, np_rows)
    h, grep = _tc_final(p3[:, :n], d2h3, dis, b3.reshape(1, dout),
                        batch.reshape(n, 1), Wp, bp.reshape(1, dout))
    return h, grep

# --- scband reference (transcript-rebuilt; emitter-appended) ---
"""Pipeline reference for scband-global-gnn-2224793059853 (READ-ONLY COPY).

The authoritative reference and input builder live on the scoring server;
editing this copy changes nothing except your own understanding.
"""

import jax, jax.numpy as jnp
import numpy as np

N = 10000
E = 320000
DIN = 128
DH = 64
DOUT = 32
G = 16


def setup_inputs(seed: int = 0) -> dict:
    key = jax.random.key(seed)
    ks = jax.random.split(key, 16)
    x = jax.random.normal(ks[0], (N, DIN), dtype=jnp.float32)
    edge_index = jax.random.randint(ks[1], (2, E), 0, N, dtype=jnp.int32)
    batch = jnp.sort(jax.random.randint(ks[2], (N,), 0, G, dtype=jnp.int32))
    def glorot(k, fan_in, fan_out):
        lim = jnp.sqrt(6.0 / (fan_in + fan_out))
        return jax.random.uniform(k, (fan_in, fan_out), jnp.float32, -lim, lim)
    W1 = glorot(ks[3], DIN, DH)
    b1 = jnp.zeros((DH,), jnp.float32)
    g1 = jnp.ones((DH,), jnp.float32)
    be1 = jnp.zeros((DH,), jnp.float32)
    W2 = glorot(ks[4], DH, DH)
    b2 = jnp.zeros((DH,), jnp.float32)
    g2 = jnp.ones((DH,), jnp.float32)
    be2 = jnp.zeros((DH,), jnp.float32)
    W3 = glorot(ks[5], DH, DOUT)
    b3 = jnp.zeros((DOUT,), jnp.float32)
    Wp = glorot(ks[6], 2 * DOUT, DOUT)
    bp = jnp.zeros((DOUT,), jnp.float32)
    return {"x": x, "edge_index": edge_index, "batch": batch,
            "W1": W1, "b1": b1, "g1": g1, "be1": be1,
            "W2": W2, "b2": b2, "g2": g2, "be2": be2,
            "W3": W3, "b3": b3, "Wp": Wp, "bp": bp}


def _gcn_conv(x, edge_index, W, b):
    # PyG GCNConv: add self-loops, sym-normalize, aggregate, bias
    n = x.shape[0]
    loop = jnp.arange(n, dtype=edge_index.dtype)
    src = jnp.concatenate([edge_index[0], loop])
    dst = jnp.concatenate([edge_index[1], loop])
    deg = jnp.zeros((n,), x.dtype).at[dst].add(1.0)
    dis = jnp.where(deg > 0, 1.0 / jnp.sqrt(deg), 0.0)
    norm = dis[src] * dis[dst]
    h = x @ W
    msg = h[src] * norm[:, None]
    out = jnp.zeros((n, W.shape[1]), x.dtype).at[dst].add(msg)
    return out + b


def _bn_eval(x, gamma, beta):
    # BatchNorm1d in eval mode with fresh running stats (mean=0, var=1)
    return gamma * x / jnp.sqrt(1.0 + 1e-5) + beta


def reference(x, edge_index, batch, W1, b1, g1, be1, W2, b2, g2, be2, W3, b3, Wp, bp):
    h = _gcn_conv(x, edge_index, W1, b1)
    h = jax.nn.relu(_bn_eval(h, g1, be1))
    h = _gcn_conv(h, edge_index, W2, b2)
    h = jax.nn.relu(_bn_eval(h, g2, be2))
    h = jax.nn.relu(_gcn_conv(h, edge_index, W3, b3))
    counts = jax.ops.segment_sum(jnp.ones((h.shape[0],), h.dtype), batch, num_segments=G)
    gmean = jax.ops.segment_sum(h, batch, num_segments=G) / jnp.maximum(counts, 1.0)[:, None]
    gmax = jax.ops.segment_max(h, batch, num_segments=G)
    grep = jnp.concatenate([gmean, gmax], axis=1) @ Wp + bp
    return (h, grep)

if __name__ == "__main__":
    import jax
    _d = setup_inputs()
    print(jax.jit(kernel)(*tuple(_d.values())))

</pallas_src>

<mosaic_0001>
#map = affine_map<(d0, d1) -> (0, 0, 0)>
#map1 = affine_map<(d0, d1) -> (0, 0)>
module attributes {stable_mosaic.version = 14 : i64} {
  func.func @k(%arg0: i32, %arg1: i32, %arg2: memref<32x79x128xi32, #tpu.memory_space<hbm>>, %arg3: memref<128x16xf32, #tpu.memory_space<hbm>>, %arg4: memref<128x16xf32, #tpu.memory_space<hbm>>, %arg5: memref<2x10112x16xf32, #tpu.memory_space<hbm>>, %arg6: memref<79x128xi32, #tpu.memory_space<vmem>>, %arg7: memref<128x16xf32, #tpu.memory_space<vmem>>, %arg8: memref<128x16xf32, #tpu.memory_space<vmem>>, %arg9: memref<10112x16xf32, #tpu.memory_space<vmem_shared>>) attributes {dimension_semantics = [#tpu.dimension_semantics<core_parallel>, #tpu.dimension_semantics<subcore_parallel>], iteration_bounds = array<i64: 2, 16>, scalar_prefetch = 0 : i64, scratch_operands = 4 : i64, tpu.core_type = #tpu.core_type<sc_vector_subcore>, window_params = [{transform_indices = #map}, {transform_indices = #map1}, {transform_indices = #map1}, {transform_indices = #map}]} {
    %mul3A = arith.constant 16 : i32
    %mul3A_0 = arith.muli %arg0, %mul3A : i32
    %add3A = arith.addi %mul3A_0, %arg1 : i32
    "tpu.region"() ({
      %run_scoped3A = tpu.sem_alloc : memref<!tpu.dma_semaphore, #tpu.memory_space<semaphore_mem>>
      %dma_start3A = arith.constant 0 : i32
      %dma_start3A_28 = arith.constant 0 : i32
      %dma_start3A_29 = tpu.memref_slice %arg2[%add3A, %dma_start3A, %dma_start3A_28] : memref<32x79x128xi32, #tpu.memory_space<hbm>> -> memref<1x79x128xi32, #tpu.memory_space<hbm>>
      %dma_start3A_30 = tpu.memref_squeeze %dma_start3A_29 : memref<1x79x128xi32, #tpu.memory_space<hbm>> -> memref<79x128xi32, #tpu.memory_space<hbm>>
      %dma_start3A_31 = arith.constant 0 : i32
      %dma_start3A_32 = arith.constant 0 : i32
      %dma_start3A_33 = tpu.memref_slice %arg2[%add3A, %dma_start3A_31, %dma_start3A_32] : memref<32x79x128xi32, #tpu.memory_space<hbm>> -> memref<1x79x128xi32, #tpu.memory_space<hbm>>
      %dma_start3A_34 = tpu.memref_squeeze %dma_start3A_33 : memref<1x79x128xi32, #tpu.memory_space<hbm>> -> memref<79x128xi32, #tpu.memory_space<hbm>>
      tpu.enqueue_dma source(%dma_start3A_34 : memref<79x128xi32, #tpu.memory_space<hbm>>) target(%arg6 : memref<79x128xi32, #tpu.memory_space<vmem>>) target_semaphore(%run_scoped3A : memref<!tpu.dma_semaphore, #tpu.memory_space<semaphore_mem>>)
      %dma_wait3A = arith.constant 0 : i32
      %dma_wait3A_35 = arith.constant 0 : i32
      %dma_wait3A_36 = tpu.memref_slice %arg2[%add3A, %dma_wait3A, %dma_wait3A_35] : memref<32x79x128xi32, #tpu.memory_space<hbm>> -> memref<1x79x128xi32, #tpu.memory_space<hbm>>
      %dma_wait3A_37 = tpu.memref_squeeze %dma_wait3A_36 : memref<1x79x128xi32, #tpu.memory_space<hbm>> -> memref<79x128xi32, #tpu.memory_space<hbm>>
      %dma_wait3A_38 = arith.constant 0 : i32
      %dma_wait3A_39 = arith.constant 0 : i32
      %dma_wait3A_40 = tpu.memref_slice %arg2[%add3A, %dma_wait3A_38, %dma_wait3A_39] : memref<32x79x128xi32, #tpu.memory_space<hbm>> -> memref<1x79x128xi32, #tpu.memory_space<hbm>>
      %dma_wait3A_41 = tpu.memref_squeeze %dma_wait3A_40 : memref<1x79x128xi32, #tpu.memory_space<hbm>> -> memref<79x128xi32, #tpu.memory_space<hbm>>
      tpu.wait_dma2 semaphore(%run_scoped3A : memref<!tpu.dma_semaphore, #tpu.memory_space<semaphore_mem>>) src(%dma_wait3A_41 : memref<79x128xi32, #tpu.memory_space<hbm>>) dst(%arg6 : memref<79x128xi32, #tpu.memory_space<vmem>>)
      tpu.yield
    }) : () -> ()
    "tpu.region"() ({
      %run_scoped3A = tpu.sem_alloc : memref<!tpu.dma_semaphore, #tpu.memory_space<semaphore_mem>>
      tpu.enqueue_dma source(%arg3 : memref<128x16xf32, #tpu.memory_space<hbm>>) target(%arg7 : memref<128x16xf32, #tpu.memory_space<vmem>>) target_semaphore(%run_scoped3A : memref<!tpu.dma_semaphore, #tpu.memory_space<semaphore_mem>>)
      tpu.wait_dma2 semaphore(%run_scoped3A : memref<!tpu.dma_semaphore, #tpu.memory_space<semaphore_mem>>) src(%arg3 : memref<128x16xf32, #tpu.memory_space<hbm>>) dst(%arg7 : memref<128x16xf32, #tpu.memory_space<vmem>>)
      tpu.yield
    }) : () -> ()
    %mul3A_1 = arith.constant 632 : i32
    %mul3A_2 = arith.muli %arg1, %mul3A_1 : i32
    "tpu.region"() ({
      %run_scoped3A = tpu.sem_alloc : memref<!tpu.dma_semaphore, #tpu.memory_space<semaphore_mem>>
      tpu.enqueue_dma source(%arg4 : memref<128x16xf32, #tpu.memory_space<hbm>>) target(%arg8 : memref<128x16xf32, #tpu.memory_space<vmem>>) target_semaphore(%run_scoped3A : memref<!tpu.dma_semaphore, #tpu.memory_space<semaphore_mem>>)
      tpu.wait_dma2 semaphore(%run_scoped3A : memref<!tpu.dma_semaphore, #tpu.memory_space<semaphore_mem>>) src(%arg4 : memref<128x16xf32, #tpu.memory_space<hbm>>) dst(%arg8 : memref<128x16xf32, #tpu.memory_space<vmem>>)
      tpu.yield
    }) : () -> ()
    %add3A_3 = arith.constant 0 : i32
    %add3A_4 = arith.addi %mul3A_2, %add3A_3 : i32
    "tpu.region"() ({
      %run_scoped3A = tpu.sem_alloc : memref<!tpu.dma_semaphore, #tpu.memory_space<semaphore_mem>>
      %dma_start3A = arith.constant 0 : i32
      %dma_start3A_28 = tpu.memref_slice %arg9[%add3A_4, %dma_start3A] : memref<10112x16xf32, #tpu.memory_space<vmem_shared>> -> memref<128x16xf32, #tpu.memory_space<vmem_shared>>
      %dma_start3A_29 = arith.constant 0 : i32
      %dma_start3A_30 = tpu.memref_slice %arg9[%add3A_4, %dma_start3A_29] : memref<10112x16xf32, #tpu.memory_space<vmem_shared>> -> memref<128x16xf32, #tpu.memory_space<vmem_shared>>
      tpu.enqueue_dma source(%arg8 : memref<128x16xf32, #tpu.memory_space<vmem>>) target(%dma_start3A_30 : memref<128x16xf32, #tpu.memory_space<vmem_shared>>) target_semaphore(%run_scoped3A : memref<!tpu.dma_semaphore, #tpu.memory_space<semaphore_mem>>)
      %dma_wait3A = arith.constant 0 : i32
      %dma_wait3A_31 = tpu.memref_slice %arg9[%add3A_4, %dma_wait3A] : memref<10112x16xf32, #tpu.memory_space<vmem_shared>> -> memref<128x16xf32, #tpu.memory_space<vmem_shared>>
      %dma_wait3A_32 = arith.constant 0 : i32
      %dma_wait3A_33 = tpu.memref_slice %arg9[%add3A_4, %dma_wait3A_32] : memref<10112x16xf32, #tpu.memory_space<vmem_shared>> -> memref<128x16xf32, #tpu.memory_space<vmem_shared>>
      tpu.wait_dma2 semaphore(%run_scoped3A : memref<!tpu.dma_semaphore, #tpu.memory_space<semaphore_mem>>) src(%arg8 : memref<128x16xf32, #tpu.memory_space<vmem>>) dst(%dma_wait3A_33 : memref<128x16xf32, #tpu.memory_space<vmem_shared>>)
      tpu.yield
    }) : () -> ()
    %add3A_5 = arith.constant 128 : i32
    %add3A_6 = arith.addi %mul3A_2, %add3A_5 : i32
    "tpu.region"() ({
      %run_scoped3A = tpu.sem_alloc : memref<!tpu.dma_semaphore, #tpu.memory_space<semaphore_mem>>
      %dma_start3A = arith.constant 0 : i32
      %dma_start3A_28 = tpu.memref_slice %arg9[%add3A_6, %dma_start3A] : memref<10112x16xf32, #tpu.memory_space<vmem_shared>> -> memref<128x16xf32, #tpu.memory_space<vmem_shared>>
      %dma_start3A_29 = arith.constant 0 : i32
      %dma_start3A_30 = tpu.memref_slice %arg9[%add3A_6, %dma_start3A_29] : memref<10112x16xf32, #tpu.memory_space<vmem_shared>> -> memref<128x16xf32, #tpu.memory_space<vmem_shared>>
      tpu.enqueue_dma source(%arg8 : memref<128x16xf32, #tpu.memory_space<vmem>>) target(%dma_start3A_30 : memref<128x16xf32, #tpu.memory_space<vmem_shared>>) target_semaphore(%run_scoped3A : memref<!tpu.dma_semaphore, #tpu.memory_space<semaphore_mem>>)
      %dma_wait3A = arith.constant 0 : i32
      %dma_wait3A_31 = tpu.memref_slice %arg9[%add3A_6, %dma_wait3A] : memref<10112x16xf32, #tpu.memory_space<vmem_shared>> -> memref<128x16xf32, #tpu.memory_space<vmem_shared>>
      %dma_wait3A_32 = arith.constant 0 : i32
      %dma_wait3A_33 = tpu.memref_slice %arg9[%add3A_6, %dma_wait3A_32] : memref<10112x16xf32, #tpu.memory_space<vmem_shared>> -> memref<128x16xf32, #tpu.memory_space<vmem_shared>>
      tpu.wait_dma2 semaphore(%run_scoped3A : memref<!tpu.dma_semaphore, #tpu.memory_space<semaphore_mem>>) src(%arg8 : memref<128x16xf32, #tpu.memory_space<vmem>>) dst(%dma_wait3A_33 : memref<128x16xf32, #tpu.memory_space<vmem_shared>>)
      tpu.yield
    }) : () -> ()
    %add3A_7 = arith.constant 256 : i32
    %add3A_8 = arith.addi %mul3A_2, %add3A_7 : i32
    "tpu.region"() ({
      %run_scoped3A = tpu.sem_alloc : memref<!tpu.dma_semaphore, #tpu.memory_space<semaphore_mem>>
      %dma_start3A = arith.constant 0 : i32
      %dma_start3A_28 = tpu.memref_slice %arg9[%add3A_8, %dma_start3A] : memref<10112x16xf32, #tpu.memory_space<vmem_shared>> -> memref<128x16xf32, #tpu.memory_space<vmem_shared>>
      %dma_start3A_29 = arith.constant 0 : i32
      %dma_start3A_30 = tpu.memref_slice %arg9[%add3A_8, %dma_start3A_29] : memref<10112x16xf32, #tpu.memory_space<vmem_shared>> -> memref<128x16xf32, #tpu.memory_space<vmem_shared>>
      tpu.enqueue_dma source(%arg8 : memref<128x16xf32, #tpu.memory_space<vmem>>) target(%dma_start3A_30 : memref<128x16xf32, #tpu.memory_space<vmem_shared>>) target_semaphore(%run_scoped3A : memref<!tpu.dma_semaphore, #tpu.memory_space<semaphore_mem>>)
      %dma_wait3A = arith.constant 0 : i32
      %dma_wait3A_31 = tpu.memref_slice %arg9[%add3A_8, %dma_wait3A] : memref<10112x16xf32, #tpu.memory_space<vmem_shared>> -> memref<128x16xf32, #tpu.memory_space<vmem_shared>>
      %dma_wait3A_32 = arith.constant 0 : i32
      %dma_wait3A_33 = tpu.memref_slice %arg9[%add3A_8, %dma_wait3A_32] : memref<10112x16xf32, #tpu.memory_space<vmem_shared>> -> memref<128x16xf32, #tpu.memory_space<vmem_shared>>
      tpu.wait_dma2 semaphore(%run_scoped3A : memref<!tpu.dma_semaphore, #tpu.memory_space<semaphore_mem>>) src(%arg8 : memref<128x16xf32, #tpu.memory_space<vmem>>) dst(%dma_wait3A_33 : memref<128x16xf32, #tpu.memory_space<vmem_shared>>)
      tpu.yield
    }) : () -> ()
    %add3A_9 = arith.constant 384 : i32
    %add3A_10 = arith.addi %mul3A_2, %add3A_9 : i32
    "tpu.region"() ({
      %run_scoped3A = tpu.sem_alloc : memref<!tpu.dma_semaphore, #tpu.memory_space<semaphore_mem>>
      %dma_start3A = arith.constant 0 : i32
      %dma_start3A_28 = tpu.memref_slice %arg9[%add3A_10, %dma_start3A] : memref<10112x16xf32, #tpu.memory_space<vmem_shared>> -> memref<128x16xf32, #tpu.memory_space<vmem_shared>>
      %dma_start3A_29 = arith.constant 0 : i32
      %dma_start3A_30 = tpu.memref_slice %arg9[%add3A_10, %dma_start3A_29] : memref<10112x16xf32, #tpu.memory_space<vmem_shared>> -> memref<128x16xf32, #tpu.memory_space<vmem_shared>>
      tpu.enqueue_dma source(%arg8 : memref<128x16xf32, #tpu.memory_space<vmem>>) target(%dma_start3A_30 : memref<128x16xf32, #tpu.memory_space<vmem_shared>>) target_semaphore(%run_scoped3A : memref<!tpu.dma_semaphore, #tpu.memory_space<semaphore_mem>>)
      %dma_wait3A = arith.constant 0 : i32
      %dma_wait3A_31 = tpu.memref_slice %arg9[%add3A_10, %dma_wait3A] : memref<10112x16xf32, #tpu.memory_space<vmem_shared>> -> memref<128x16xf32, #tpu.memory_space<vmem_shared>>
      %dma_wait3A_32 = arith.constant 0 : i32
      %dma_wait3A_33 = tpu.memref_slice %arg9[%add3A_10, %dma_wait3A_32] : memref<10112x16xf32, #tpu.memory_space<vmem_shared>> -> memref<128x16xf32, #tpu.memory_space<vmem_shared>>
      tpu.wait_dma2 semaphore(%run_scoped3A : memref<!tpu.dma_semaphore, #tpu.memory_space<semaphore_mem>>) src(%arg8 : memref<128x16xf32, #tpu.memory_space<vmem>>) dst(%dma_wait3A_33 : memref<128x16xf32, #tpu.memory_space<vmem_shared>>)
      tpu.yield
    }) : () -> ()
    %add3A_11 = arith.constant 512 : i32
    %add3A_12 = arith.addi %mul3A_2, %add3A_11 : i32
    "tpu.region"() ({
      %run_scoped3A = tpu.sem_alloc : memref<!tpu.dma_semaphore, #tpu.memory_space<semaphore_mem>>
      %dma_start3A = arith.constant 0 : i32
      %dma_start3A_28 = arith.constant 0 : i32
      %dma_start3A_29 = tpu.memref_slice %arg8[%dma_start3A, %dma_start3A_28] : memref<128x16xf32, #tpu.memory_space<vmem>> -> memref<120x16xf32, #tpu.memory_space<vmem>>
      %dma_start3A_30 = arith.constant 0 : i32
      %dma_start3A_31 = tpu.memref_slice %arg9[%add3A_12, %dma_start3A_30] : memref<10112x16xf32, #tpu.memory_space<vmem_shared>> -> memref<120x16xf32, #tpu.memory_space<vmem_shared>>
      %dma_start3A_32 = arith.constant 0 : i32
      %dma_start3A_33 = tpu.memref_slice %arg9[%add3A_12, %dma_start3A_32] : memref<10112x16xf32, #tpu.memory_space<vmem_shared>> -> memref<120x16xf32, #tpu.memory_space<vmem_shared>>
      %dma_start3A_34 = arith.constant 0 : i32
      %dma_start3A_35 = arith.constant 0 : i32
      %dma_start3A_36 = tpu.memref_slice %arg8[%dma_start3A_34, %dma_start3A_35] : memref<128x16xf32, #tpu.memory_space<vmem>> -> memref<120x16xf32, #tpu.memory_space<vmem>>
      tpu.enqueue_dma source(%dma_start3A_36 : memref<120x16xf32, #tpu.memory_space<vmem>>) target(%dma_start3A_33 : memref<120x16xf32, #tpu.memory_space<vmem_shared>>) target_semaphore(%run_scoped3A : memref<!tpu.dma_semaphore, #tpu.memory_space<semaphore_mem>>)
      %dma_wait3A = arith.constant 0 : i32
      %dma_wait3A_37 = arith.constant 0 : i32
      %dma_wait3A_38 = tpu.memref_slice %arg8[%dma_wait3A, %dma_wait3A_37] : memref<128x16xf32, #tpu.memory_space<vmem>> -> memref<120x16xf32, #tpu.memory_space<vmem>>
      %dma_wait3A_39 = arith.constant 0 : i32
      %dma_wait3A_40 = tpu.memref_slice %arg9[%add3A_12, %dma_wait3A_39] : memref<10112x16xf32, #tpu.memory_space<vmem_shared>> -> memref<120x16xf32, #tpu.memory_space<vmem_shared>>
      %dma_wait3A_41 = arith.constant 0 : i32
      %dma_wait3A_42 = tpu.memref_slice %arg9[%add3A_12, %dma_wait3A_41] : memref<10112x16xf32, #tpu.memory_space<vmem_shared>> -> memref<120x16xf32, #tpu.memory_space<vmem_shared>>
      %dma_wait3A_43 = arith.constant 0 : i32
      %dma_wait3A_44 = arith.constant 0 : i32
      %dma_wait3A_45 = tpu.memref_slice %arg8[%dma_wait3A_43, %dma_wait3A_44] : memref<128x16xf32, #tpu.memory_space<vmem>> -> memref<120x16xf32, #tpu.memory_space<vmem>>
      tpu.wait_dma2 semaphore(%run_scoped3A : memref<!tpu.dma_semaphore, #tpu.memory_space<semaphore_mem>>) src(%dma_wait3A_45 : memref<120x16xf32, #tpu.memory_space<vmem>>) dst(%dma_wait3A_42 : memref<120x16xf32, #tpu.memory_space<vmem_shared>>)
      tpu.yield
    }) : () -> ()
    %barrier3A = arith.constant 0 : index
    tpu.barrier barrier_id(%barrier3A)
    %scan3A = arith.constant 0 : i32
    %scan3A_13 = arith.constant 79 : i32
    %scan3A_14 = arith.addi %scan3A, %scan3A_13 : i32
    %scan3A_15 = arith.constant 1 : i32
    scf.for %scan3A_28 = %scan3A to %scan3A_14 step %scan3A_15  : i32 {
      %mul3A_29 = arith.constant 1 : i32
      %mul3A_30 = arith.muli %scan3A_28, %mul3A_29 : i32
      %add3A_31 = arith.constant 0 : i32
      %add3A_32 = arith.addi %add3A_31, %mul3A_30 : i32
      "tpu.region"() ({
        %run_scoped3A = tpu.sem_alloc : memref<!tpu.dma_semaphore, #tpu.memory_space<semaphore_mem>>
        %dma_start3A = arith.constant 0 : i32
        %dma_start3A_33 = tpu.memref_slice %arg6[%add3A_32, %dma_start3A] : memref<79x128xi32, #tpu.memory_space<vmem>> -> memref<1x128xi32, #tpu.memory_space<vmem>>
        %dma_start3A_34 = tpu.memref_squeeze %dma_start3A_33 : memref<1x128xi32, #tpu.memory_space<vmem>> -> memref<128xi32, #tpu.memory_space<vmem>>
        %dma_start3A_35 = arith.constant 0 : i32
        %dma_start3A_36 = arith.constant 0 : i32
        %dma_start3A_37 = tpu.memref_slice %arg9[%dma_start3A_35, %dma_start3A_36] : memref<10112x16xf32, #tpu.memory_space<vmem_shared>> -> memref<10112x16xf32, #tpu.memory_space<vmem_shared>>
        tpu.enqueue_indirect_dma source(%arg7 : memref<128x16xf32, #tpu.memory_space<vmem>>) target(%dma_start3A_37 : memref<10112x16xf32, #tpu.memory_space<vmem_shared>>) offsets(%dma_start3A_34 : memref<128xi32, #tpu.memory_space<vmem>>) semaphore(%run_scoped3A : memref<!tpu.dma_semaphore, #tpu.memory_space<semaphore_mem>>) {add = true}
        %dma_wait3A = arith.constant 0 : i32
        %dma_wait3A_38 = tpu.memref_slice %arg6[%add3A_32, %dma_wait3A] : memref<79x128xi32, #tpu.memory_space<vmem>> -> memref<1x128xi32, #tpu.memory_space<vmem>>
        %dma_wait3A_39 = tpu.memref_squeeze %dma_wait3A_38 : memref<1x128xi32, #tpu.memory_space<vmem>> -> memref<128xi32, #tpu.memory_space<vmem>>
        %dma_wait3A_40 = arith.constant 0 : i32
        %dma_wait3A_41 = arith.constant 0 : i32
        %dma_wait3A_42 = tpu.memref_slice %arg9[%dma_wait3A_40, %dma_wait3A_41] : memref<10112x16xf32, #tpu.memory_space<vmem_shared>> -> memref<10112x16xf32, #tpu.memory_space<vmem_shared>>
        tpu.wait_indirect_dma semaphore(%run_scoped3A : memref<!tpu.dma_semaphore, #tpu.memory_space<semaphore_mem>>) src(%arg7 : memref<128x16xf32, #tpu.memory_space<vmem>>) dst(%dma_wait3A_42 : memref<10112x16xf32, #tpu.memory_space<vmem_shared>>)
        tpu.yield
      }) : () -> ()
    }
    %scan3A_16 = arith.constant 79 : i32
    %barrier3A_17 = arith.constant 0 : index
    tpu.barrier barrier_id(%barrier3A_17)
    %add3A_18 = arith.constant 0 : i32
    %add3A_19 = arith.addi %mul3A_2, %add3A_18 : i32
    "tpu.region"() ({
      %run_scoped3A = tpu.sem_alloc : memref<!tpu.dma_semaphore, #tpu.memory_space<semaphore_mem>>
      %dma_start3A = arith.constant 0 : i32
      %dma_start3A_28 = tpu.memref_slice %arg9[%add3A_19, %dma_start3A] : memref<10112x16xf32, #tpu.memory_space<vmem_shared>> -> memref<128x16xf32, #tpu.memory_space<vmem_shared>>
      %dma_start3A_29 = arith.constant 0 : i32
      %dma_start3A_30 = tpu.memref_slice %arg9[%add3A_19, %dma_start3A_29] : memref<10112x16xf32, #tpu.memory_space<vmem_shared>> -> memref<128x16xf32, #tpu.memory_space<vmem_shared>>
      tpu.enqueue_dma source(%dma_start3A_30 : memref<128x16xf32, #tpu.memory_space<vmem_shared>>) target(%arg8 : memref<128x16xf32, #tpu.memory_space<vmem>>) target_semaphore(%run_scoped3A : memref<!tpu.dma_semaphore, #tpu.memory_space<semaphore_mem>>)
      %dma_wait3A = arith.constant 0 : i32
      %dma_wait3A_31 = tpu.memref_slice %arg9[%add3A_19, %dma_wait3A] : memref<10112x16xf32, #tpu.memory_space<vmem_shared>> -> memref<128x16xf32, #tpu.memory_space<vmem_shared>>
      %dma_wait3A_32 = arith.constant 0 : i32
      %dma_wait3A_33 = tpu.memref_slice %arg9[%add3A_19, %dma_wait3A_32] : memref<10112x16xf32, #tpu.memory_space<vmem_shared>> -> memref<128x16xf32, #tpu.memory_space<vmem_shared>>
      tpu.wait_dma2 semaphore(%run_scoped3A : memref<!tpu.dma_semaphore, #tpu.memory_space<semaphore_mem>>) src(%dma_wait3A_33 : memref<128x16xf32, #tpu.memory_space<vmem_shared>>) dst(%arg8 : memref<128x16xf32, #tpu.memory_space<vmem>>)
      tpu.yield
    }) : () -> ()
    "tpu.region"() ({
      %run_scoped3A = tpu.sem_alloc : memref<!tpu.dma_semaphore, #tpu.memory_space<semaphore_mem>>
      %dma_start3A = arith.constant 0 : i32
      %dma_start3A_28 = tpu.memref_slice %arg5[%arg0, %add3A_19, %dma_start3A] : memref<2x10112x16xf32, #tpu.memory_space<hbm>> -> memref<1x128x16xf32, #tpu.memory_space<hbm>>
      %dma_start3A_29 = tpu.memref_squeeze %dma_start3A_28 : memref<1x128x16xf32, #tpu.memory_space<hbm>> -> memref<128x16xf32, #tpu.memory_space<hbm>>
      %dma_start3A_30 = arith.constant 0 : i32
      %dma_start3A_31 = tpu.memref_slice %arg5[%arg0, %add3A_19, %dma_start3A_30] : memref<2x10112x16xf32, #tpu.memory_space<hbm>> -> memref<1x128x16xf32, #tpu.memory_space<hbm>>
      %dma_start3A_32 = tpu.memref_squeeze %dma_start3A_31 : memref<1x128x16xf32, #tpu.memory_space<hbm>> -> memref<128x16xf32, #tpu.memory_space<hbm>>
      tpu.enqueue_dma source(%arg8 : memref<128x16xf32, #tpu.memory_space<vmem>>) target(%dma_start3A_32 : memref<128x16xf32, #tpu.memory_space<hbm>>) target_semaphore(%run_scoped3A : memref<!tpu.dma_semaphore, #tpu.memory_space<semaphore_mem>>)
      %dma_wait3A = arith.constant 0 : i32
      %dma_wait3A_33 = tpu.memref_slice %arg5[%arg0, %add3A_19, %dma_wait3A] : memref<2x10112x16xf32, #tpu.memory_space<hbm>> -> memref<1x128x16xf32, #tpu.memory_space<hbm>>
      %dma_wait3A_34 = tpu.memref_squeeze %dma_wait3A_33 : memref<1x128x16xf32, #tpu.memory_space<hbm>> -> memref<128x16xf32, #tpu.memory_space<hbm>>
      %dma_wait3A_35 = arith.constant 0 : i32
      %dma_wait3A_36 = tpu.memref_slice %arg5[%arg0, %add3A_19, %dma_wait3A_35] : memref<2x10112x16xf32, #tpu.memory_space<hbm>> -> memref<1x128x16xf32, #tpu.memory_space<hbm>>
      %dma_wait3A_37 = tpu.memref_squeeze %dma_wait3A_36 : memref<1x128x16xf32, #tpu.memory_space<hbm>> -> memref<128x16xf32, #tpu.memory_space<hbm>>
      tpu.wait_dma2 semaphore(%run_scoped3A : memref<!tpu.dma_semaphore, #tpu.memory_space<semaphore_mem>>) src(%arg8 : memref<128x16xf32, #tpu.memory_space<vmem>>) dst(%dma_wait3A_37 : memref<128x16xf32, #tpu.memory_space<hbm>>)
      tpu.yield
    }) : () -> ()
    %add3A_20 = arith.constant 128 : i32
    %add3A_21 = arith.addi %mul3A_2, %add3A_20 : i32
    "tpu.region"() ({
      %run_scoped3A = tpu.sem_alloc : memref<!tpu.dma_semaphore, #tpu.memory_space<semaphore_mem>>
      %dma_start3A = arith.constant 0 : i32
      %dma_start3A_28 = tpu.memref_slice %arg9[%add3A_21, %dma_start3A] : memref<10112x16xf32, #tpu.memory_space<vmem_shared>> -> memref<128x16xf32, #tpu.memory_space<vmem_shared>>
      %dma_start3A_29 = arith.constant 0 : i32
      %dma_start3A_30 = tpu.memref_slice %arg9[%add3A_21, %dma_start3A_29] : memref<10112x16xf32, #tpu.memory_space<vmem_shared>> -> memref<128x16xf32, #tpu.memory_space<vmem_shared>>
      tpu.enqueue_dma source(%dma_start3A_30 : memref<128x16xf32, #tpu.memory_space<vmem_shared>>) target(%arg8 : memref<128x16xf32, #tpu.memory_space<vmem>>) target_semaphore(%run_scoped3A : memref<!tpu.dma_semaphore, #tpu.memory_space<semaphore_mem>>)
      %dma_wait3A = arith.constant 0 : i32
      %dma_wait3A_31 = tpu.memref_slice %arg9[%add3A_21, %dma_wait3A] : memref<10112x16xf32, #tpu.memory_space<vmem_shared>> -> memref<128x16xf32, #tpu.memory_space<vmem_shared>>
      %dma_wait3A_32 = arith.constant 0 : i32
      %dma_wait3A_33 = tpu.memref_slice %arg9[%add3A_21, %dma_wait3A_32] : memref<10112x16xf32, #tpu.memory_space<vmem_shared>> -> memref<128x16xf32, #tpu.memory_space<vmem_shared>>
      tpu.wait_dma2 semaphore(%run_scoped3A : memref<!tpu.dma_semaphore, #tpu.memory_space<semaphore_mem>>) src(%dma_wait3A_33 : memref<128x16xf32, #tpu.memory_space<vmem_shared>>) dst(%arg8 : memref<128x16xf32, #tpu.memory_space<vmem>>)
      tpu.yield
    }) : () -> ()
    "tpu.region"() ({
      %run_scoped3A = tpu.sem_alloc : memref<!tpu.dma_semaphore, #tpu.memory_space<semaphore_mem>>
      %dma_start3A = arith.constant 0 : i32
      %dma_start3A_28 = tpu.memref_slice %arg5[%arg0, %add3A_21, %dma_start3A] : memref<2x10112x16xf32, #tpu.memory_space<hbm>> -> memref<1x128x16xf32, #tpu.memory_space<hbm>>
      %dma_start3A_29 = tpu.memref_squeeze %dma_start3A_28 : memref<1x128x16xf32, #tpu.memory_space<hbm>> -> memref<128x16xf32, #tpu.memory_space<hbm>>
      %dma_start3A_30 = arith.constant 0 : i32
      %dma_start3A_31 = tpu.memref_slice %arg5[%arg0, %add3A_21, %dma_start3A_30] : memref<2x10112x16xf32, #tpu.memory_space<hbm>> -> memref<1x128x16xf32, #tpu.memory_space<hbm>>
      %dma_start3A_32 = tpu.memref_squeeze %dma_start3A_31 : memref<1x128x16xf32, #tpu.memory_space<hbm>> -> memref<128x16xf32, #tpu.memory_space<hbm>>
      tpu.enqueue_dma source(%arg8 : memref<128x16xf32, #tpu.memory_space<vmem>>) target(%dma_start3A_32 : memref<128x16xf32, #tpu.memory_space<hbm>>) target_semaphore(%run_scoped3A : memref<!tpu.dma_semaphore, #tpu.memory_space<semaphore_mem>>)
      %dma_wait3A = arith.constant 0 : i32
      %dma_wait3A_33 = tpu.memref_slice %arg5[%arg0, %add3A_21, %dma_wait3A] : memref<2x10112x16xf32, #tpu.memory_space<hbm>> -> memref<1x128x16xf32, #tpu.memory_space<hbm>>
      %dma_wait3A_34 = tpu.memref_squeeze %dma_wait3A_33 : memref<1x128x16xf32, #tpu.memory_space<hbm>> -> memref<128x16xf32, #tpu.memory_space<hbm>>
      %dma_wait3A_35 = arith.constant 0 : i32
      %dma_wait3A_36 = tpu.memref_slice %arg5[%arg0, %add3A_21, %dma_wait3A_35] : memref<2x10112x16xf32, #tpu.memory_space<hbm>> -> memref<1x128x16xf32, #tpu.memory_space<hbm>>
      %dma_wait3A_37 = tpu.memref_squeeze %dma_wait3A_36 : memref<1x128x16xf32, #tpu.memory_space<hbm>> -> memref<128x16xf32, #tpu.memory_space<hbm>>
      tpu.wait_dma2 semaphore(%run_scoped3A : memref<!tpu.dma_semaphore, #tpu.memory_space<semaphore_mem>>) src(%arg8 : memref<128x16xf32, #tpu.memory_space<vmem>>) dst(%dma_wait3A_37 : memref<128x16xf32, #tpu.memory_space<hbm>>)
      tpu.yield
    }) : () -> ()
    %add3A_22 = arith.constant 256 : i32
    %add3A_23 = arith.addi %mul3A_2, %add3A_22 : i32
    "tpu.region"() ({
      %run_scoped3A = tpu.sem_alloc : memref<!tpu.dma_semaphore, #tpu.memory_space<semaphore_mem>>
      %dma_start3A = arith.constant 0 : i32
      %dma_start3A_28 = tpu.memref_slice %arg9[%add3A_23, %dma_start3A] : memref<10112x16xf32, #tpu.memory_space<vmem_shared>> -> memref<128x16xf32, #tpu.memory_space<vmem_shared>>
      %dma_start3A_29 = arith.constant 0 : i32
      %dma_start3A_30 = tpu.memref_slice %arg9[%add3A_23, %dma_start3A_29] : memref<10112x16xf32, #tpu.memory_space<vmem_shared>> -> memref<128x16xf32, #tpu.memory_space<vmem_shared>>
      tpu.enqueue_dma source(%dma_start3A_30 : memref<128x16xf32, #tpu.memory_space<vmem_shared>>) target(%arg8 : memref<128x16xf32, #tpu.memory_space<vmem>>) target_semaphore(%run_scoped3A : memref<!tpu.dma_semaphore, #tpu.memory_space<semaphore_mem>>)
      %dma_wait3A = arith.constant 0 : i32
      %dma_wait3A_31 = tpu.memref_slice %arg9[%add3A_23, %dma_wait3A] : memref<10112x16xf32, #tpu.memory_space<vmem_shared>> -> memref<128x16xf32, #tpu.memory_space<vmem_shared>>
      %dma_wait3A_32 = arith.constant 0 : i32
      %dma_wait3A_33 = tpu.memref_slice %arg9[%add3A_23, %dma_wait3A_32] : memref<10112x16xf32, #tpu.memory_space<vmem_shared>> -> memref<128x16xf32, #tpu.memory_space<vmem_shared>>
      tpu.wait_dma2 semaphore(%run_scoped3A : memref<!tpu.dma_semaphore, #tpu.memory_space<semaphore_mem>>) src(%dma_wait3A_33 : memref<128x16xf32, #tpu.memory_space<vmem_shared>>) dst(%arg8 : memref<128x16xf32, #tpu.memory_space<vmem>>)
      tpu.yield
    }) : () -> ()
    "tpu.region"() ({
      %run_scoped3A = tpu.sem_alloc : memref<!tpu.dma_semaphore, #tpu.memory_space<semaphore_mem>>
      %dma_start3A = arith.constant 0 : i32
      %dma_start3A_28 = tpu.memref_slice %arg5[%arg0, %add3A_23, %dma_start3A] : memref<2x10112x16xf32, #tpu.memory_space<hbm>> -> memref<1x128x16xf32, #tpu.memory_space<hbm>>
      %dma_start3A_29 = tpu.memref_squeeze %dma_start3A_28 : memref<1x128x16xf32, #tpu.memory_space<hbm>> -> memref<128x16xf32, #tpu.memory_space<hbm>>
      %dma_start3A_30 = arith.constant 0 : i32
      %dma_start3A_31 = tpu.memref_slice %arg5[%arg0, %add3A_23, %dma_start3A_30] : memref<2x10112x16xf32, #tpu.memory_space<hbm>> -> memref<1x128x16xf32, #tpu.memory_space<hbm>>
      %dma_start3A_32 = tpu.memref_squeeze %dma_start3A_31 : memref<1x128x16xf32, #tpu.memory_space<hbm>> -> memref<128x16xf32, #tpu.memory_space<hbm>>
      tpu.enqueue_dma source(%arg8 : memref<128x16xf32, #tpu.memory_space<vmem>>) target(%dma_start3A_32 : memref<128x16xf32, #tpu.memory_space<hbm>>) target_semaphore(%run_scoped3A : memref<!tpu.dma_semaphore, #tpu.memory_space<semaphore_mem>>)
      %dma_wait3A = arith.constant 0 : i32
      %dma_wait3A_33 = tpu.memref_slice %arg5[%arg0, %add3A_23, %dma_wait3A] : memref<2x10112x16xf32, #tpu.memory_space<hbm>> -> memref<1x128x16xf32, #tpu.memory_space<hbm>>
      %dma_wait3A_34 = tpu.memref_squeeze %dma_wait3A_33 : memref<1x128x16xf32, #tpu.memory_space<hbm>> -> memref<128x16xf32, #tpu.memory_space<hbm>>
      %dma_wait3A_35 = arith.constant 0 : i32
      %dma_wait3A_36 = tpu.memref_slice %arg5[%arg0, %add3A_23, %dma_wait3A_35] : memref<2x10112x16xf32, #tpu.memory_space<hbm>> -> memref<1x128x16xf32, #tpu.memory_space<hbm>>
      %dma_wait3A_37 = tpu.memref_squeeze %dma_wait3A_36 : memref<1x128x16xf32, #tpu.memory_space<hbm>> -> memref<128x16xf32, #tpu.memory_space<hbm>>
      tpu.wait_dma2 semaphore(%run_scoped3A : memref<!tpu.dma_semaphore, #tpu.memory_space<semaphore_mem>>) src(%arg8 : memref<128x16xf32, #tpu.memory_space<vmem>>) dst(%dma_wait3A_37 : memref<128x16xf32, #tpu.memory_space<hbm>>)
      tpu.yield
    }) : () -> ()
    %add3A_24 = arith.constant 384 : i32
    %add3A_25 = arith.addi %mul3A_2, %add3A_24 : i32
    "tpu.region"() ({
      %run_scoped3A = tpu.sem_alloc : memref<!tpu.dma_semaphore, #tpu.memory_space<semaphore_mem>>
      %dma_start3A = arith.constant 0 : i32
      %dma_start3A_28 = tpu.memref_slice %arg9[%add3A_25, %dma_start3A] : memref<10112x16xf32, #tpu.memory_space<vmem_shared>> -> memref<128x16xf32, #tpu.memory_space<vmem_shared>>
      %dma_start3A_29 = arith.constant 0 : i32
      %dma_start3A_30 = tpu.memref_slice %arg9[%add3A_25, %dma_start3A_29] : memref<10112x16xf32, #tpu.memory_space<vmem_shared>> -> memref<128x16xf32, #tpu.memory_space<vmem_shared>>
      tpu.enqueue_dma source(%dma_start3A_30 : memref<128x16xf32, #tpu.memory_space<vmem_shared>>) target(%arg8 : memref<128x16xf32, #tpu.memory_space<vmem>>) target_semaphore(%run_scoped3A : memref<!tpu.dma_semaphore, #tpu.memory_space<semaphore_mem>>)
      %dma_wait3A = arith.constant 0 : i32
      %dma_wait3A_31 = tpu.memref_slice %arg9[%add3A_25, %dma_wait3A] : memref<10112x16xf32, #tpu.memory_space<vmem_shared>> -> memref<128x16xf32, #tpu.memory_space<vmem_shared>>
      %dma_wait3A_32 = arith.constant 0 : i32
      %dma_wait3A_33 = tpu.memref_slice %arg9[%add3A_25, %dma_wait3A_32] : memref<10112x16xf32, #tpu.memory_space<vmem_shared>> -> memref<128x16xf32, #tpu.memory_space<vmem_shared>>
      tpu.wait_dma2 semaphore(%run_scoped3A : memref<!tpu.dma_semaphore, #tpu.memory_space<semaphore_mem>>) src(%dma_wait3A_33 : memref<128x16xf32, #tpu.memory_space<vmem_shared>>) dst(%arg8 : memref<128x16xf32, #tpu.memory_space<vmem>>)
      tpu.yield
    }) : () -> ()
    "tpu.region"() ({
      %run_scoped3A = tpu.sem_alloc : memref<!tpu.dma_semaphore, #tpu.memory_space<semaphore_mem>>
      %dma_start3A = arith.constant 0 : i32
      %dma_start3A_28 = tpu.memref_slice %arg5[%arg0, %add3A_25, %dma_start3A] : memref<2x10112x16xf32, #tpu.memory_space<hbm>> -> memref<1x128x16xf32, #tpu.memory_space<hbm>>
      %dma_start3A_29 = tpu.memref_squeeze %dma_start3A_28 : memref<1x128x16xf32, #tpu.memory_space<hbm>> -> memref<128x16xf32, #tpu.memory_space<hbm>>
      %dma_start3A_30 = arith.constant 0 : i32
      %dma_start3A_31 = tpu.memref_slice %arg5[%arg0, %add3A_25, %dma_start3A_30] : memref<2x10112x16xf32, #tpu.memory_space<hbm>> -> memref<1x128x16xf32, #tpu.memory_space<hbm>>
      %dma_start3A_32 = tpu.memref_squeeze %dma_start3A_31 : memref<1x128x16xf32, #tpu.memory_space<hbm>> -> memref<128x16xf32, #tpu.memory_space<hbm>>
      tpu.enqueue_dma source(%arg8 : memref<128x16xf32, #tpu.memory_space<vmem>>) target(%dma_start3A_32 : memref<128x16xf32, #tpu.memory_space<hbm>>) target_semaphore(%run_scoped3A : memref<!tpu.dma_semaphore, #tpu.memory_space<semaphore_mem>>)
      %dma_wait3A = arith.constant 0 : i32
      %dma_wait3A_33 = tpu.memref_slice %arg5[%arg0, %add3A_25, %dma_wait3A] : memref<2x10112x16xf32, #tpu.memory_space<hbm>> -> memref<1x128x16xf32, #tpu.memory_space<hbm>>
      %dma_wait3A_34 = tpu.memref_squeeze %dma_wait3A_33 : memref<1x128x16xf32, #tpu.memory_space<hbm>> -> memref<128x16xf32, #tpu.memory_space<hbm>>
      %dma_wait3A_35 = arith.constant 0 : i32
      %dma_wait3A_36 = tpu.memref_slice %arg5[%arg0, %add3A_25, %dma_wait3A_35] : memref<2x10112x16xf32, #tpu.memory_space<hbm>> -> memref<1x128x16xf32, #tpu.memory_space<hbm>>
      %dma_wait3A_37 = tpu.memref_squeeze %dma_wait3A_36 : memref<1x128x16xf32, #tpu.memory_space<hbm>> -> memref<128x16xf32, #tpu.memory_space<hbm>>
      tpu.wait_dma2 semaphore(%run_scoped3A : memref<!tpu.dma_semaphore, #tpu.memory_space<semaphore_mem>>) src(%arg8 : memref<128x16xf32, #tpu.memory_space<vmem>>) dst(%dma_wait3A_37 : memref<128x16xf32, #tpu.memory_space<hbm>>)
      tpu.yield
    }) : () -> ()
    %add3A_26 = arith.constant 512 : i32
    %add3A_27 = arith.addi %mul3A_2, %add3A_26 : i32
    "tpu.region"() ({
      %run_scoped3A = tpu.sem_alloc : memref<!tpu.dma_semaphore, #tpu.memory_space<semaphore_mem>>
      %dma_start3A = arith.constant 0 : i32
      %dma_start3A_28 = arith.constant 0 : i32
      %dma_start3A_29 = tpu.memref_slice %arg8[%dma_start3A, %dma_start3A_28] : memref<128x16xf32, #tpu.memory_space<vmem>> -> memref<120x16xf32, #tpu.memory_space<vmem>>
      %dma_start3A_30 = arith.constant 0 : i32
      %dma_start3A_31 = tpu.memref_slice %arg9[%add3A_27, %dma_start3A_30] : memref<10112x16xf32, #tpu.memory_space<vmem_shared>> -> memref<120x16xf32, #tpu.memory_space<vmem_shared>>
      %dma_start3A_32 = arith.constant 0 : i32
      %dma_start3A_33 = arith.constant 0 : i32
      %dma_start3A_34 = tpu.memref_slice %arg8[%dma_start3A_32, %dma_start3A_33] : memref<128x16xf32, #tpu.memory_space<vmem>> -> memref<120x16xf32, #tpu.memory_space<vmem>>
      %dma_start3A_35 = arith.constant 0 : i32
      %dma_start3A_36 = tpu.memref_slice %arg9[%add3A_27, %dma_start3A_35] : memref<10112x16xf32, #tpu.memory_space<vmem_shared>> -> memref<120x16xf32, #tpu.memory_space<vmem_shared>>
      tpu.enqueue_dma source(%dma_start3A_36 : memref<120x16xf32, #tpu.memory_space<vmem_shared>>) target(%dma_start3A_34 : memref<120x16xf32, #tpu.memory_space<vmem>>) target_semaphore(%run_scoped3A : memref<!tpu.dma_semaphore, #tpu.memory_space<semaphore_mem>>)
      %dma_wait3A = arith.constant 0 : i32
      %dma_wait3A_37 = arith.constant 0 : i32
      %dma_wait3A_38 = tpu.memref_slice %arg8[%dma_wait3A, %dma_wait3A_37] : memref<128x16xf32, #tpu.memory_space<vmem>> -> memref<120x16xf32, #tpu.memory_space<vmem>>
      %dma_wait3A_39 = arith.constant 0 : i32
      %dma_wait3A_40 = tpu.memref_slice %arg9[%add3A_27, %dma_wait3A_39] : memref<10112x16xf32, #tpu.memory_space<vmem_shared>> -> memref<120x16xf32, #tpu.memory_space<vmem_shared>>
      %dma_wait3A_41 = arith.constant 0 : i32
      %dma_wait3A_42 = arith.constant 0 : i32
      %dma_wait3A_43 = tpu.memref_slice %arg8[%dma_wait3A_41, %dma_wait3A_42] : memref<128x16xf32, #tpu.memory_space<vmem>> -> memref<120x16xf32, #tpu.memory_space<vmem>>
      %dma_wait3A_44 = arith.constant 0 : i32
      %dma_wait3A_45 = tpu.memref_slice %arg9[%add3A_27, %dma_wait3A_44] : memref<10112x16xf32, #tpu.memory_space<vmem_shared>> -> memref<120x16xf32, #tpu.memory_space<vmem_shared>>
      tpu.wait_dma2 semaphore(%run_scoped3A : memref<!tpu.dma_semaphore, #tpu.memory_space<semaphore_mem>>) src(%dma_wait3A_45 : memref<120x16xf32, #tpu.memory_space<vmem_shared>>) dst(%dma_wait3A_43 : memref<120x16xf32, #tpu.memory_space<vmem>>)
      tpu.yield
    }) : () -> ()
    "tpu.region"() ({
      %run_scoped3A = tpu.sem_alloc : memref<!tpu.dma_semaphore, #tpu.memory_space<semaphore_mem>>
      %dma_start3A = arith.constant 0 : i32
      %dma_start3A_28 = arith.constant 0 : i32
      %dma_start3A_29 = tpu.memref_slice %arg8[%dma_start3A, %dma_start3A_28] : memref<128x16xf32, #tpu.memory_space<vmem>> -> memref<120x16xf32, #tpu.memory_space<vmem>>
      %dma_start3A_30 = arith.constant 0 : i32
      %dma_start3A_31 = tpu.memref_slice %arg5[%arg0, %add3A_27, %dma_start3A_30] : memref<2x10112x16xf32, #tpu.memory_space<hbm>> -> memref<1x120x16xf32, #tpu.memory_space<hbm>>
      %dma_start3A_32 = tpu.memref_squeeze %dma_start3A_31 : memref<1x120x16xf32, #tpu.memory_space<hbm>> -> memref<120x16xf32, #tpu.memory_space<hbm>>
      %dma_start3A_33 = arith.constant 0 : i32
      %dma_start3A_34 = tpu.memref_slice %arg5[%arg0, %add3A_27, %dma_start3A_33] : memref<2x10112x16xf32, #tpu.memory_space<hbm>> -> memref<1x120x16xf32, #tpu.memory_space<hbm>>
      %dma_start3A_35 = tpu.memref_squeeze %dma_start3A_34 : memref<1x120x16xf32, #tpu.memory_space<hbm>> -> memref<120x16xf32, #tpu.memory_space<hbm>>
      %dma_start3A_36 = arith.constant 0 : i32
      %dma_start3A_37 = arith.constant 0 : i32
      %dma_start3A_38 = tpu.memref_slice %arg8[%dma_start3A_36, %dma_start3A_37] : memref<128x16xf32, #tpu.memory_space<vmem>> -> memref<120x16xf32, #tpu.memory_space<vmem>>
      tpu.enqueue_dma source(%dma_start3A_38 : memref<120x16xf32, #tpu.memory_space<vmem>>) target(%dma_start3A_35 : memref<120x16xf32, #tpu.memory_space<hbm>>) target_semaphore(%run_scoped3A : memref<!tpu.dma_semaphore, #tpu.memory_space<semaphore_mem>>)
      %dma_wait3A = arith.constant 0 : i32
      %dma_wait3A_39 = arith.constant 0 : i32
      %dma_wait3A_40 = tpu.memref_slice %arg8[%dma_wait3A, %dma_wait3A_39] : memref<128x16xf32, #tpu.memory_space<vmem>> -> memref<120x16xf32, #tpu.memory_space<vmem>>
      %dma_wait3A_41 = arith.constant 0 : i32
      %dma_wait3A_42 = tpu.memref_slice %arg5[%arg0, %add3A_27, %dma_wait3A_41] : memref<2x10112x16xf32, #tpu.memory_space<hbm>> -> memref<1x120x16xf32, #tpu.memory_space<hbm>>
      %dma_wait3A_43 = tpu.memref_squeeze %dma_wait3A_42 : memref<1x120x16xf32, #tpu.memory_space<hbm>> -> memref<120x16xf32, #tpu.memory_space<hbm>>
      %dma_wait3A_44 = arith.constant 0 : i32
      %dma_wait3A_45 = tpu.memref_slice %arg5[%arg0, %add3A_27, %dma_wait3A_44] : memref<2x10112x16xf32, #tpu.memory_space<hbm>> -> memref<1x120x16xf32, #tpu.memory_space<hbm>>
      %dma_wait3A_46 = tpu.memref_squeeze %dma_wait3A_45 : memref<1x120x16xf32, #tpu.memory_space<hbm>> -> memref<120x16xf32, #tpu.memory_space<hbm>>
      %dma_wait3A_47 = arith.constant 0 : i32
      %dma_wait3A_48 = arith.constant 0 : i32
      %dma_wait3A_49 = tpu.memref_slice %arg8[%dma_wait3A_47, %dma_wait3A_48] : memref<128x16xf32, #tpu.memory_space<vmem>> -> memref<120x16xf32, #tpu.memory_space<vmem>>
      tpu.wait_dma2 semaphore(%run_scoped3A : memref<!tpu.dma_semaphore, #tpu.memory_space<semaphore_mem>>) src(%dma_wait3A_49 : memref<120x16xf32, #tpu.memory_space<vmem>>) dst(%dma_wait3A_46 : memref<120x16xf32, #tpu.memory_space<hbm>>)
      tpu.yield
    }) : () -> ()
    return
  }
}

#map = affine_map<(d0, d1) -> (0, 0)>
#map1 = affine_map<(d0, d1) -> (0, 0, 0)>
module attributes {stable_mosaic.version = 14 : i64} {
  func.func @k(%arg0: i32, %arg1: i32, %arg2: memref<10000x128xf32, #tpu.memory_space<hbm>>, %arg3: memref<32x79x128xi32, #tpu.memory_space<hbm>>, %arg4: memref<32x79x128xi32, #tpu.memory_space<hbm>>, %arg5: memref<128x128xf32, #tpu.memory_space<hbm>>, %arg6: memref<2x10112x128xf32, #tpu.memory_space<hbm>>, %arg7: memref<79x128xi32, #tpu.memory_space<vmem>>, %arg8: memref<79x128xi32, #tpu.memory_space<vmem>>, %arg9: memref<128x128xf32, #tpu.memory_space<vmem>>, %arg10: memref<10112x128xf32, #tpu.memory_space<vmem_shared>>) attributes {dimension_semantics = [#tpu.dimension_semantics<core_parallel>, #tpu.dimension_semantics<subcore_parallel>], iteration_bounds = array<i64: 2, 16>, scalar_prefetch = 0 : i64, scratch_operands = 4 : i64, tpu.core_type = #tpu.core_type<sc_vector_subcore>, window_params = [{transform_indices = #map}, {transform_indices = #map1}, {transform_indices = #map1}, {transform_indices = #map}, {transform_indices = #map1}]} {
    %mul3A = arith.constant 16 : i32
    %mul3A_0 = arith.muli %arg0, %mul3A : i32
    %add3A = arith.addi %mul3A_0, %arg1 : i32
    "tpu.region"() ({
      %run_scoped3A = tpu.sem_alloc : memref<!tpu.dma_semaphore, #tpu.memory_space<semaphore_mem>>
      %dma_start3A = arith.constant 0 : i32
      %dma_start3A_28 = arith.constant 0 : i32
      %dma_start3A_29 = tpu.memref_slice %arg3[%add3A, %dma_start3A, %dma_start3A_28] : memref<32x79x128xi32, #tpu.memory_space<hbm>> -> memref<1x79x128xi32, #tpu.memory_space<hbm>>
      %dma_start3A_30 = tpu.memref_squeeze %dma_start3A_29 : memref<1x79x128xi32, #tpu.memory_space<hbm>> -> memref<79x128xi32, #tpu.memory_space<hbm>>
      %dma_start3A_31 = arith.constant 0 : i32
      %dma_start3A_32 = arith.constant 0 : i32
      %dma_start3A_33 = tpu.memref_slice %arg3[%add3A, %dma_start3A_31, %dma_start3A_32] : memref<32x79x128xi32, #tpu.memory_space<hbm>> -> memref<1x79x128xi32, #tpu.memory_space<hbm>>
      %dma_start3A_34 = tpu.memref_squeeze %dma_start3A_33 : memref<1x79x128xi32, #tpu.memory_space<hbm>> -> memref<79x128xi32, #tpu.memory_space<hbm>>
      tpu.enqueue_dma source(%dma_start3A_34 : memref<79x128xi32, #tpu.memory_space<hbm>>) target(%arg7 : memref<79x128xi32, #tpu.memory_space<vmem>>) target_semaphore(%run_scoped3A : memref<!tpu.dma_semaphore, #tpu.memory_space<semaphore_mem>>)
      %dma_wait3A = arith.constant 0 : i32
      %dma_wait3A_35 = arith.constant 0 : i32
      %dma_wait3A_36 = tpu.memref_slice %arg3[%add3A, %dma_wait3A, %dma_wait3A_35] : memref<32x79x128xi32, #tpu.memory_space<hbm>> -> memref<1x79x128xi32, #tpu.memory_space<hbm>>
      %dma_wait3A_37 = tpu.memref_squeeze %dma_wait3A_36 : memref<1x79x128xi32, #tpu.memory_space<hbm>> -> memref<79x128xi32, #tpu.memory_space<hbm>>
      %dma_wait3A_38 = arith.constant 0 : i32
      %dma_wait3A_39 = arith.constant 0 : i32
      %dma_wait3A_40 = tpu.memref_slice %arg3[%add3A, %dma_wait3A_38, %dma_wait3A_39] : memref<32x79x128xi32, #tpu.memory_space<hbm>> -> memref<1x79x128xi32, #tpu.memory_space<hbm>>
      %dma_wait3A_41 = tpu.memref_squeeze %dma_wait3A_40 : memref<1x79x128xi32, #tpu.memory_space<hbm>> -> memref<79x128xi32, #tpu.memory_space<hbm>>
      tpu.wait_dma2 semaphore(%run_scoped3A : memref<!tpu.dma_semaphore, #tpu.memory_space<semaphore_mem>>) src(%dma_wait3A_41 : memref<79x128xi32, #tpu.memory_space<hbm>>) dst(%arg7 : memref<79x128xi32, #tpu.memory_space<vmem>>)
      tpu.yield
    }) : () -> ()
    "tpu.region"() ({
      %run_scoped3A = tpu.sem_alloc : memref<!tpu.dma_semaphore, #tpu.memory_space<semaphore_mem>>
      %dma_start3A = arith.constant 0 : i32
      %dma_start3A_28 = arith.constant 0 : i32
      %dma_start3A_29 = tpu.memref_slice %arg4[%add3A, %dma_start3A, %dma_start3A_28] : memref<32x79x128xi32, #tpu.memory_space<hbm>> -> memref<1x79x128xi32, #tpu.memory_space<hbm>>
      %dma_start3A_30 = tpu.memref_squeeze %dma_start3A_29 : memref<1x79x128xi32, #tpu.memory_space<hbm>> -> memref<79x128xi32, #tpu.memory_space<hbm>>
      %dma_start3A_31 = arith.constant 0 : i32
      %dma_start3A_32 = arith.constant 0 : i32
      %dma_start3A_33 = tpu.memref_slice %arg4[%add3A, %dma_start3A_31, %dma_start3A_32] : memref<32x79x128xi32, #tpu.memory_space<hbm>> -> memref<1x79x128xi32, #tpu.memory_space<hbm>>
      %dma_start3A_34 = tpu.memref_squeeze %dma_start3A_33 : memref<1x79x128xi32, #tpu.memory_space<hbm>> -> memref<79x128xi32, #tpu.memory_space<hbm>>
      tpu.enqueue_dma source(%dma_start3A_34 : memref<79x128xi32, #tpu.memory_space<hbm>>) target(%arg8 : memref<79x128xi32, #tpu.memory_space<vmem>>) target_semaphore(%run_scoped3A : memref<!tpu.dma_semaphore, #tpu.memory_space<semaphore_mem>>)
      %dma_wait3A = arith.constant 0 : i32
      %dma_wait3A_35 = arith.constant 0 : i32
      %dma_wait3A_36 = tpu.memref_slice %arg4[%add3A, %dma_wait3A, %dma_wait3A_35] : memref<32x79x128xi32, #tpu.memory_space<hbm>> -> memref<1x79x128xi32, #tpu.memory_space<hbm>>
      %dma_wait3A_37 = tpu.memref_squeeze %dma_wait3A_36 : memref<1x79x128xi32, #tpu.memory_space<hbm>> -> memref<79x128xi32, #tpu.memory_space<hbm>>
      %dma_wait3A_38 = arith.constant 0 : i32
      %dma_wait3A_39 = arith.constant 0 : i32
      %dma_wait3A_40 = tpu.memref_slice %arg4[%add3A, %dma_wait3A_38, %dma_wait3A_39] : memref<32x79x128xi32, #tpu.memory_space<hbm>> -> memref<1x79x128xi32, #tpu.memory_space<hbm>>
      %dma_wait3A_41 = tpu.memref_squeeze %dma_wait3A_40 : memref<1x79x128xi32, #tpu.memory_space<hbm>> -> memref<79x128xi32, #tpu.memory_space<hbm>>
      tpu.wait_dma2 semaphore(%run_scoped3A : memref<!tpu.dma_semaphore, #tpu.memory_space<semaphore_mem>>) src(%dma_wait3A_41 : memref<79x128xi32, #tpu.memory_space<hbm>>) dst(%arg8 : memref<79x128xi32, #tpu.memory_space<vmem>>)
      tpu.yield
    }) : () -> ()
    %mul3A_1 = arith.constant 632 : i32
    %mul3A_2 = arith.muli %arg1, %mul3A_1 : i32
    "tpu.region"() ({
      %run_scoped3A = tpu.sem_alloc : memref<!tpu.dma_semaphore, #tpu.memory_space<semaphore_mem>>
      tpu.enqueue_dma source(%arg5 : memref<128x128xf32, #tpu.memory_space<hbm>>) target(%arg9 : memref<128x128xf32, #tpu.memory_space<vmem>>) target_semaphore(%run_scoped3A : memref<!tpu.dma_semaphore, #tpu.memory_space<semaphore_mem>>)
      tpu.wait_dma2 semaphore(%run_scoped3A : memref<!tpu.dma_semaphore, #tpu.memory_space<semaphore_mem>>) src(%arg5 : memref<128x128xf32, #tpu.memory_space<hbm>>) dst(%arg9 : memref<128x128xf32, #tpu.memory_space<vmem>>)
      tpu.yield
    }) : () -> ()
    %add3A_3 = arith.constant 0 : i32
    %add3A_4 = arith.addi %mul3A_2, %add3A_3 : i32
    "tpu.region"() ({
      %run_scoped3A = tpu.sem_alloc : memref<!tpu.dma_semaphore, #tpu.memory_space<semaphore_mem>>
      %dma_start3A = arith.constant 0 : i32
      %dma_start3A_28 = tpu.memref_slice %arg10[%add3A_4, %dma_start3A] : memref<10112x128xf32, #tpu.memory_space<vmem_shared>> -> memref<128x128xf32, #tpu.memory_space<vmem_shared>>
      %dma_start3A_29 = arith.constant 0 : i32
      %dma_start3A_30 = tpu.memref_slice %arg10[%add3A_4, %dma_start3A_29] : memref<10112x128xf32, #tpu.memory_space<vmem_shared>> -> memref<128x128xf32, #tpu.memory_space<vmem_shared>>
      tpu.enqueue_dma source(%arg9 : memref<128x128xf32, #tpu.memory_space<vmem>>) target(%dma_start3A_30 : memref<128x128xf32, #tpu.memory_space<vmem_shared>>) target_semaphore(%run_scoped3A : memref<!tpu.dma_semaphore, #tpu.memory_space<semaphore_mem>>)
      %dma_wait3A = arith.constant 0 : i32
      %dma_wait3A_31 = tpu.memref_slice %arg10[%add3A_4, %dma_wait3A] : memref<10112x128xf32, #tpu.memory_space<vmem_shared>> -> memref<128x128xf32, #tpu.memory_space<vmem_shared>>
      %dma_wait3A_32 = arith.constant 0 : i32
      %dma_wait3A_33 = tpu.memref_slice %arg10[%add3A_4, %dma_wait3A_32] : memref<10112x128xf32, #tpu.memory_space<vmem_shared>> -> memref<128x128xf32, #tpu.memory_space<vmem_shared>>
      tpu.wait_dma2 semaphore(%run_scoped3A : memref<!tpu.dma_semaphore, #tpu.memory_space<semaphore_mem>>) src(%arg9 : memref<128x128xf32, #tpu.memory_space<vmem>>) dst(%dma_wait3A_33 : memref<128x128xf32, #tpu.memory_space<vmem_shared>>)
      tpu.yield
    }) : () -> ()
    %add3A_5 = arith.constant 128 : i32
    %add3A_6 = arith.addi %mul3A_2, %add3A_5 : i32
    "tpu.region"() ({
      %run_scoped3A = tpu.sem_alloc : memref<!tpu.dma_semaphore, #tpu.memory_space<semaphore_mem>>
      %dma_start3A = arith.constant 0 : i32
      %dma_start3A_28 = tpu.memref_slice %arg10[%add3A_6, %dma_start3A] : memref<10112x128xf32, #tpu.memory_space<vmem_shared>> -> memref<128x128xf32, #tpu.memory_space<vmem_shared>>
      %dma_start3A_29 = arith.constant 0 : i32
      %dma_start3A_30 = tpu.memref_slice %arg10[%add3A_6, %dma_start3A_29] : memref<10112x128xf32, #tpu.memory_space<vmem_shared>> -> memref<128x128xf32, #tpu.memory_space<vmem_shared>>
      tpu.enqueue_dma source(%arg9 : memref<128x128xf32, #tpu.memory_space<vmem>>) target(%dma_start3A_30 : memref<128x128xf32, #tpu.memory_space<vmem_shared>>) target_semaphore(%run_scoped3A : memref<!tpu.dma_semaphore, #tpu.memory_space<semaphore_mem>>)
      %dma_wait3A = arith.constant 0 : i32
      %dma_wait3A_31 = tpu.memref_slice %arg10[%add3A_6, %dma_wait3A] : memref<10112x128xf32, #tpu.memory_space<vmem_shared>> -> memref<128x128xf32, #tpu.memory_space<vmem_shared>>
      %dma_wait3A_32 = arith.constant 0 : i32
      %dma_wait3A_33 = tpu.memref_slice %arg10[%add3A_6, %dma_wait3A_32] : memref<10112x128xf32, #tpu.memory_space<vmem_shared>> -> memref<128x128xf32, #tpu.memory_space<vmem_shared>>
      tpu.wait_dma2 semaphore(%run_scoped3A : memref<!tpu.dma_semaphore, #tpu.memory_space<semaphore_mem>>) src(%arg9 : memref<128x128xf32, #tpu.memory_space<vmem>>) dst(%dma_wait3A_33 : memref<128x128xf32, #tpu.memory_space<vmem_shared>>)
      tpu.yield
    }) : () -> ()
    %add3A_7 = arith.constant 256 : i32
    %add3A_8 = arith.addi %mul3A_2, %add3A_7 : i32
    "tpu.region"() ({
      %run_scoped3A = tpu.sem_alloc : memref<!tpu.dma_semaphore, #tpu.memory_space<semaphore_mem>>
      %dma_start3A = arith.constant 0 : i32
      %dma_start3A_28 = tpu.memref_slice %arg10[%add3A_8, %dma_start3A] : memref<10112x128xf32, #tpu.memory_space<vmem_shared>> -> memref<128x128xf32, #tpu.memory_space<vmem_shared>>
      %dma_start3A_29 = arith.constant 0 : i32
      %dma_start3A_30 = tpu.memref_slice %arg10[%add3A_8, %dma_start3A_29] : memref<10112x128xf32, #tpu.memory_space<vmem_shared>> -> memref<128x128xf32, #tpu.memory_space<vmem_shared>>
      tpu.enqueue_dma source(%arg9 : memref<128x128xf32, #tpu.memory_space<vmem>>) target(%dma_start3A_30 : memref<128x128xf32, #tpu.memory_space<vmem_shared>>) target_semaphore(%run_scoped3A : memref<!tpu.dma_semaphore, #tpu.memory_space<semaphore_mem>>)
      %dma_wait3A = arith.constant 0 : i32
      %dma_wait3A_31 = tpu.memref_slice %arg10[%add3A_8, %dma_wait3A] : memref<10112x128xf32, #tpu.memory_space<vmem_shared>> -> memref<128x128xf32, #tpu.memory_space<vmem_shared>>
      %dma_wait3A_32 = arith.constant 0 : i32
      %dma_wait3A_33 = tpu.memref_slice %arg10[%add3A_8, %dma_wait3A_32] : memref<10112x128xf32, #tpu.memory_space<vmem_shared>> -> memref<128x128xf32, #tpu.memory_space<vmem_shared>>
      tpu.wait_dma2 semaphore(%run_scoped3A : memref<!tpu.dma_semaphore, #tpu.memory_space<semaphore_mem>>) src(%arg9 : memref<128x128xf32, #tpu.memory_space<vmem>>) dst(%dma_wait3A_33 : memref<128x128xf32, #tpu.memory_space<vmem_shared>>)
      tpu.yield
    }) : () -> ()
    %add3A_9 = arith.constant 384 : i32
    %add3A_10 = arith.addi %mul3A_2, %add3A_9 : i32
    "tpu.region"() ({
      %run_scoped3A = tpu.sem_alloc : memref<!tpu.dma_semaphore, #tpu.memory_space<semaphore_mem>>
      %dma_start3A = arith.constant 0 : i32
      %dma_start3A_28 = tpu.memref_slice %arg10[%add3A_10, %dma_start3A] : memref<10112x128xf32, #tpu.memory_space<vmem_shared>> -> memref<128x128xf32, #tpu.memory_space<vmem_shared>>
      %dma_start3A_29 = arith.constant 0 : i32
      %dma_start3A_30 = tpu.memref_slice %arg10[%add3A_10, %dma_start3A_29] : memref<10112x128xf32, #tpu.memory_space<vmem_shared>> -> memref<128x128xf32, #tpu.memory_space<vmem_shared>>
      tpu.enqueue_dma source(%arg9 : memref<128x128xf32, #tpu.memory_space<vmem>>) target(%dma_start3A_30 : memref<128x128xf32, #tpu.memory_space<vmem_shared>>) target_semaphore(%run_scoped3A : memref<!tpu.dma_semaphore, #tpu.memory_space<semaphore_mem>>)
      %dma_wait3A = arith.constant 0 : i32
      %dma_wait3A_31 = tpu.memref_slice %arg10[%add3A_10, %dma_wait3A] : memref<10112x128xf32, #tpu.memory_space<vmem_shared>> -> memref<128x128xf32, #tpu.memory_space<vmem_shared>>
      %dma_wait3A_32 = arith.constant 0 : i32
      %dma_wait3A_33 = tpu.memref_slice %arg10[%add3A_10, %dma_wait3A_32] : memref<10112x128xf32, #tpu.memory_space<vmem_shared>> -> memref<128x128xf32, #tpu.memory_space<vmem_shared>>
      tpu.wait_dma2 semaphore(%run_scoped3A : memref<!tpu.dma_semaphore, #tpu.memory_space<semaphore_mem>>) src(%arg9 : memref<128x128xf32, #tpu.memory_space<vmem>>) dst(%dma_wait3A_33 : memref<128x128xf32, #tpu.memory_space<vmem_shared>>)
      tpu.yield
    }) : () -> ()
    %add3A_11 = arith.constant 512 : i32
    %add3A_12 = arith.addi %mul3A_2, %add3A_11 : i32
    "tpu.region"() ({
      %run_scoped3A = tpu.sem_alloc : memref<!tpu.dma_semaphore, #tpu.memory_space<semaphore_mem>>
      %dma_start3A = arith.constant 0 : i32
      %dma_start3A_28 = arith.constant 0 : i32
      %dma_start3A_29 = tpu.memref_slice %arg9[%dma_start3A, %dma_start3A_28] : memref<128x128xf32, #tpu.memory_space<vmem>> -> memref<120x128xf32, #tpu.memory_space<vmem>>
      %dma_start3A_30 = arith.constant 0 : i32
      %dma_start3A_31 = tpu.memref_slice %arg10[%add3A_12, %dma_start3A_30] : memref<10112x128xf32, #tpu.memory_space<vmem_shared>> -> memref<120x128xf32, #tpu.memory_space<vmem_shared>>
      %dma_start3A_32 = arith.constant 0 : i32
      %dma_start3A_33 = tpu.memref_slice %arg10[%add3A_12, %dma_start3A_32] : memref<10112x128xf32, #tpu.memory_space<vmem_shared>> -> memref<120x128xf32, #tpu.memory_space<vmem_shared>>
      %dma_start3A_34 = arith.constant 0 : i32
      %dma_start3A_35 = arith.constant 0 : i32
      %dma_start3A_36 = tpu.memref_slice %arg9[%dma_start3A_34, %dma_start3A_35] : memref<128x128xf32, #tpu.memory_space<vmem>> -> memref<120x128xf32, #tpu.memory_space<vmem>>
      tpu.enqueue_dma source(%dma_start3A_36 : memref<120x128xf32, #tpu.memory_space<vmem>>) target(%dma_start3A_33 : memref<120x128xf32, #tpu.memory_space<vmem_shared>>) target_semaphore(%run_scoped3A : memref<!tpu.dma_semaphore, #tpu.memory_space<semaphore_mem>>)
      %dma_wait3A = arith.constant 0 : i32
      %dma_wait3A_37 = arith.constant 0 : i32
      %dma_wait3A_38 = tpu.memref_slice %arg9[%dma_wait3A, %dma_wait3A_37] : memref<128x128xf32, #tpu.memory_space<vmem>> -> memref<120x128xf32, #tpu.memory_space<vmem>>
      %dma_wait3A_39 = arith.constant 0 : i32
      %dma_wait3A_40 = tpu.memref_slice %arg10[%add3A_12, %dma_wait3A_39] : memref<10112x128xf32, #tpu.memory_space<vmem_shared>> -> memref<120x128xf32, #tpu.memory_space<vmem_shared>>
      %dma_wait3A_41 = arith.constant 0 : i32
      %dma_wait3A_42 = tpu.memref_slice %arg10[%add3A_12, %dma_wait3A_41] : memref<10112x128xf32, #tpu.memory_space<vmem_shared>> -> memref<120x128xf32, #tpu.memory_space<vmem_shared>>
      %dma_wait3A_43 = arith.constant 0 : i32
      %dma_wait3A_44 = arith.constant 0 : i32
      %dma_wait3A_45 = tpu.memref_slice %arg9[%dma_wait3A_43, %dma_wait3A_44] : memref<128x128xf32, #tpu.memory_space<vmem>> -> memref<120x128xf32, #tpu.memory_space<vmem>>
      tpu.wait_dma2 semaphore(%run_scoped3A : memref<!tpu.dma_semaphore, #tpu.memory_space<semaphore_mem>>) src(%dma_wait3A_45 : memref<120x128xf32, #tpu.memory_space<vmem>>) dst(%dma_wait3A_42 : memref<120x128xf32, #tpu.memory_space<vmem_shared>>)
      tpu.yield
    }) : () -> ()
    %barrier3A = arith.constant 0 : index
    tpu.barrier barrier_id(%barrier3A)
    %scan3A = arith.constant 0 : i32
    %scan3A_13 = arith.constant 79 : i32
    %scan3A_14 = arith.addi %scan3A, %scan3A_13 : i32
    %scan3A_15 = arith.constant 1 : i32
    scf.for %scan3A_28 = %scan3A to %scan3A_14 step %scan3A_15  : i32 {
      %mul3A_29 = arith.constant 1 : i32
      %mul3A_30 = arith.muli %scan3A_28, %mul3A_29 : i32
      %add3A_31 = arith.constant 0 : i32
      %add3A_32 = arith.addi %add3A_31, %mul3A_30 : i32
      "tpu.region"() ({
        %run_scoped3A = tpu.sem_alloc : memref<!tpu.dma_semaphore, #tpu.memory_space<semaphore_mem>>
        %dma_start3A = arith.constant 0 : i32
        %dma_start3A_33 = tpu.memref_slice %arg7[%add3A_32, %dma_start3A] : memref<79x128xi32, #tpu.memory_space<vmem>> -> memref<1x128xi32, #tpu.memory_space<vmem>>
        %dma_start3A_34 = tpu.memref_squeeze %dma_start3A_33 : memref<1x128xi32, #tpu.memory_space<vmem>> -> memref<128xi32, #tpu.memory_space<vmem>>
        %dma_start3A_35 = arith.constant 0 : i32
        %dma_start3A_36 = arith.constant 0 : i32
        %dma_start3A_37 = tpu.memref_slice %arg2[%dma_start3A_35, %dma_start3A_36] : memref<10000x128xf32, #tpu.memory_space<hbm>> -> memref<10000x128xf32, #tpu.memory_space<hbm>>
        tpu.enqueue_indirect_dma source(%dma_start3A_37 : memref<10000x128xf32, #tpu.memory_space<hbm>>) target(%arg9 : memref<128x128xf32, #tpu.memory_space<vmem>>) offsets(%dma_start3A_34 : memref<128xi32, #tpu.memory_space<vmem>>) semaphore(%run_scoped3A : memref<!tpu.dma_semaphore, #tpu.memory_space<semaphore_mem>>)
        %dma_wait3A = arith.constant 0 : i32
        %dma_wait3A_38 = tpu.memref_slice %arg7[%add3A_32, %dma_wait3A] : memref<79x128xi32, #tpu.memory_space<vmem>> -> memref<1x128xi32, #tpu.memory_space<vmem>>
        %dma_wait3A_39 = tpu.memref_squeeze %dma_wait3A_38 : memref<1x128xi32, #tpu.memory_space<vmem>> -> memref<128xi32, #tpu.memory_space<vmem>>
        %dma_wait3A_40 = arith.constant 0 : i32
        %dma_wait3A_41 = arith.constant 0 : i32
        %dma_wait3A_42 = tpu.memref_slice %arg2[%dma_wait3A_40, %dma_wait3A_41] : memref<10000x128xf32, #tpu.memory_space<hbm>> -> memref<10000x128xf32, #tpu.memory_space<hbm>>
        tpu.wait_indirect_dma semaphore(%run_scoped3A : memref<!tpu.dma_semaphore, #tpu.memory_space<semaphore_mem>>) src(%dma_wait3A_42 : memref<10000x128xf32, #tpu.memory_space<hbm>>) dst(%arg9 : memref<128x128xf32, #tpu.memory_space<vmem>>)
        tpu.yield
      }) : () -> ()
      "tpu.region"() ({
        %run_scoped3A = tpu.sem_alloc : memref<!tpu.dma_semaphore, #tpu.memory_space<semaphore_mem>>
        %dma_start3A = arith.constant 0 : i32
        %dma_start3A_33 = tpu.memref_slice %arg8[%add3A_32, %dma_start3A] : memref<79x128xi32, #tpu.memory_space<vmem>> -> memref<1x128xi32, #tpu.memory_space<vmem>>
        %dma_start3A_34 = tpu.memref_squeeze %dma_start3A_33 : memref<1x128xi32, #tpu.memory_space<vmem>> -> memref<128xi32, #tpu.memory_space<vmem>>
        %dma_start3A_35 = arith.constant 0 : i32
        %dma_start3A_36 = arith.constant 0 : i32
        %dma_start3A_37 = tpu.memref_slice %arg10[%dma_start3A_35, %dma_start3A_36] : memref<10112x128xf32, #tpu.memory_space<vmem_shared>> -> memref<10112x128xf32, #tpu.memory_space<vmem_shared>>
        tpu.enqueue_indirect_dma source(%arg9 : memref<128x128xf32, #tpu.memory_space<vmem>>) target(%dma_start3A_37 : memref<10112x128xf32, #tpu.memory_space<vmem_shared>>) offsets(%dma_start3A_34 : memref<128xi32, #tpu.memory_space<vmem>>) semaphore(%run_scoped3A : memref<!tpu.dma_semaphore, #tpu.memory_space<semaphore_mem>>) {add = true}
        %dma_wait3A = arith.constant 0 : i32
        %dma_wait3A_38 = tpu.memref_slice %arg8[%add3A_32, %dma_wait3A] : memref<79x128xi32, #tpu.memory_space<vmem>> -> memref<1x128xi32, #tpu.memory_space<vmem>>
        %dma_wait3A_39 = tpu.memref_squeeze %dma_wait3A_38 : memref<1x128xi32, #tpu.memory_space<vmem>> -> memref<128xi32, #tpu.memory_space<vmem>>
        %dma_wait3A_40 = arith.constant 0 : i32
        %dma_wait3A_41 = arith.constant 0 : i32
        %dma_wait3A_42 = tpu.memref_slice %arg10[%dma_wait3A_40, %dma_wait3A_41] : memref<10112x128xf32, #tpu.memory_space<vmem_shared>> -> memref<10112x128xf32, #tpu.memory_space<vmem_shared>>
        tpu.wait_indirect_dma semaphore(%run_scoped3A : memref<!tpu.dma_semaphore, #tpu.memory_space<semaphore_mem>>) src(%arg9 : memref<128x128xf32, #tpu.memory_space<vmem>>) dst(%dma_wait3A_42 : memref<10112x128xf32, #tpu.memory_space<vmem_shared>>)
        tpu.yield
      }) : () -> ()
    }
    %scan3A_16 = arith.constant 79 : i32
    %barrier3A_17 = arith.constant 0 : index
    tpu.barrier barrier_id(%barrier3A_17)
    %add3A_18 = arith.constant 0 : i32
    %add3A_19 = arith.addi %mul3A_2, %add3A_18 : i32
    "tpu.region"() ({
      %run_scoped3A = tpu.sem_alloc : memref<!tpu.dma_semaphore, #tpu.memory_space<semaphore_mem>>
      %dma_start3A = arith.constant 0 : i32
      %dma_start3A_28 = tpu.memref_slice %arg10[%add3A_19, %dma_start3A] : memref<10112x128xf32, #tpu.memory_space<vmem_shared>> -> memref<128x128xf32, #tpu.memory_space<vmem_shared>>
      %dma_start3A_29 = arith.constant 0 : i32
      %dma_start3A_30 = tpu.memref_slice %arg10[%add3A_19, %dma_start3A_29] : memref<10112x128xf32, #tpu.memory_space<vmem_shared>> -> memref<128x128xf32, #tpu.memory_space<vmem_shared>>
      tpu.enqueue_dma source(%dma_start3A_30 : memref<128x128xf32, #tpu.memory_space<vmem_shared>>) target(%arg9 : memref<128x128xf32, #tpu.memory_space<vmem>>) target_semaphore(%run_scoped3A : memref<!tpu.dma_semaphore, #tpu.memory_space<semaphore_mem>>)
      %dma_wait3A = arith.constant 0 : i32
      %dma_wait3A_31 = tpu.memref_slice %arg10[%add3A_19, %dma_wait3A] : memref<10112x128xf32, #tpu.memory_space<vmem_shared>> -> memref<128x128xf32, #tpu.memory_space<vmem_shared>>
      %dma_wait3A_32 = arith.constant 0 : i32
      %dma_wait3A_33 = tpu.memref_slice %arg10[%add3A_19, %dma_wait3A_32] : memref<10112x128xf32, #tpu.memory_space<vmem_shared>> -> memref<128x128xf32, #tpu.memory_space<vmem_shared>>
      tpu.wait_dma2 semaphore(%run_scoped3A : memref<!tpu.dma_semaphore, #tpu.memory_space<semaphore_mem>>) src(%dma_wait3A_33 : memref<128x128xf32, #tpu.memory_space<vmem_shared>>) dst(%arg9 : memref<128x128xf32, #tpu.memory_space<vmem>>)
      tpu.yield
    }) : () -> ()
    "tpu.region"() ({
      %run_scoped3A = tpu.sem_alloc : memref<!tpu.dma_semaphore, #tpu.memory_space<semaphore_mem>>
      %dma_start3A = arith.constant 0 : i32
      %dma_start3A_28 = tpu.memref_slice %arg6[%arg0, %add3A_19, %dma_start3A] : memref<2x10112x128xf32, #tpu.memory_space<hbm>> -> memref<1x128x128xf32, #tpu.memory_space<hbm>>
      %dma_start3A_29 = tpu.memref_squeeze %dma_start3A_28 : memref<1x128x128xf32, #tpu.memory_space<hbm>> -> memref<128x128xf32, #tpu.memory_space<hbm>>
      %dma_start3A_30 = arith.constant 0 : i32
      %dma_start3A_31 = tpu.memref_slice %arg6[%arg0, %add3A_19, %dma_start3A_30] : memref<2x10112x128xf32, #tpu.memory_space<hbm>> -> memref<1x128x128xf32, #tpu.memory_space<hbm>>
      %dma_start3A_32 = tpu.memref_squeeze %dma_start3A_31 : memref<1x128x128xf32, #tpu.memory_space<hbm>> -> memref<128x128xf32, #tpu.memory_space<hbm>>
      tpu.enqueue_dma source(%arg9 : memref<128x128xf32, #tpu.memory_space<vmem>>) target(%dma_start3A_32 : memref<128x128xf32, #tpu.memory_space<hbm>>) target_semaphore(%run_scoped3A : memref<!tpu.dma_semaphore, #tpu.memory_space<semaphore_mem>>)
      %dma_wait3A = arith.constant 0 : i32
      %dma_wait3A_33 = tpu.memref_slice %arg6[%arg0, %add3A_19, %dma_wait3A] : memref<2x10112x128xf32, #tpu.memory_space<hbm>> -> memref<1x128x128xf32, #tpu.memory_space<hbm>>
      %dma_wait3A_34 = tpu.memref_squeeze %dma_wait3A_33 : memref<1x128x128xf32, #tpu.memory_space<hbm>> -> memref<128x128xf32, #tpu.memory_space<hbm>>
      %dma_wait3A_35 = arith.constant 0 : i32
      %dma_wait3A_36 = tpu.memref_slice %arg6[%arg0, %add3A_19, %dma_wait3A_35] : memref<2x10112x128xf32, #tpu.memory_space<hbm>> -> memref<1x128x128xf32, #tpu.memory_space<hbm>>
      %dma_wait3A_37 = tpu.memref_squeeze %dma_wait3A_36 : memref<1x128x128xf32, #tpu.memory_space<hbm>> -> memref<128x128xf32, #tpu.memory_space<hbm>>
      tpu.wait_dma2 semaphore(%run_scoped3A : memref<!tpu.dma_semaphore, #tpu.memory_space<semaphore_mem>>) src(%arg9 : memref<128x128xf32, #tpu.memory_space<vmem>>) dst(%dma_wait3A_37 : memref<128x128xf32, #tpu.memory_space<hbm>>)
      tpu.yield
    }) : () -> ()
    %add3A_20 = arith.constant 128 : i32
    %add3A_21 = arith.addi %mul3A_2, %add3A_20 : i32
    "tpu.region"() ({
      %run_scoped3A = tpu.sem_alloc : memref<!tpu.dma_semaphore, #tpu.memory_space<semaphore_mem>>
      %dma_start3A = arith.constant 0 : i32
      %dma_start3A_28 = tpu.memref_slice %arg10[%add3A_21, %dma_start3A] : memref<10112x128xf32, #tpu.memory_space<vmem_shared>> -> memref<128x128xf32, #tpu.memory_space<vmem_shared>>
      %dma_start3A_29 = arith.constant 0 : i32
      %dma_start3A_30 = tpu.memref_slice %arg10[%add3A_21, %dma_start3A_29] : memref<10112x128xf32, #tpu.memory_space<vmem_shared>> -> memref<128x128xf32, #tpu.memory_space<vmem_shared>>
      tpu.enqueue_dma source(%dma_start3A_30 : memref<128x128xf32, #tpu.memory_space<vmem_shared>>) target(%arg9 : memref<128x128xf32, #tpu.memory_space<vmem>>) target_semaphore(%run_scoped3A : memref<!tpu.dma_semaphore, #tpu.memory_space<semaphore_mem>>)
      %dma_wait3A = arith.constant 0 : i32
      %dma_wait3A_31 = tpu.memref_slice %arg10[%add3A_21, %dma_wait3A] : memref<10112x128xf32, #tpu.memory_space<vmem_shared>> -> memref<128x128xf32, #tpu.memory_space<vmem_shared>>
      %dma_wait3A_32 = arith.constant 0 : i32
      %dma_wait3A_33 = tpu.memref_slice %arg10[%add3A_21, %dma_wait3A_32] : memref<10112x128xf32, #tpu.memory_space<vmem_shared>> -> memref<128x128xf32, #tpu.memory_space<vmem_shared>>
      tpu.wait_dma2 semaphore(%run_scoped3A : memref<!tpu.dma_semaphore, #tpu.memory_space<semaphore_mem>>) src(%dma_wait3A_33 : memref<128x128xf32, #tpu.memory_space<vmem_shared>>) dst(%arg9 : memref<128x128xf32, #tpu.memory_space<vmem>>)
      tpu.yield
    }) : () -> ()
    "tpu.region"() ({
      %run_scoped3A = tpu.sem_alloc : memref<!tpu.dma_semaphore, #tpu.memory_space<semaphore_mem>>
      %dma_start3A = arith.constant 0 : i32
      %dma_start3A_28 = tpu.memref_slice %arg6[%arg0, %add3A_21, %dma_start3A] : memref<2x10112x128xf32, #tpu.memory_space<hbm>> -> memref<1x128x128xf32, #tpu.memory_space<hbm>>
      %dma_start3A_29 = tpu.memref_squeeze %dma_start3A_28 : memref<1x128x128xf32, #tpu.memory_space<hbm>> -> memref<128x128xf32, #tpu.memory_space<hbm>>
      %dma_start3A_30 = arith.constant 0 : i32
      %dma_start3A_31 = tpu.memref_slice %arg6[%arg0, %add3A_21, %dma_start3A_30] : memref<2x10112x128xf32, #tpu.memory_space<hbm>> -> memref<1x128x128xf32, #tpu.memory_space<hbm>>
      %dma_start3A_32 = tpu.memref_squeeze %dma_start3A_31 : memref<1x128x128xf32, #tpu.memory_space<hbm>> -> memref<128x128xf32, #tpu.memory_space<hbm>>
      tpu.enqueue_dma source(%arg9 : memref<128x128xf32, #tpu.memory_space<vmem>>) target(%dma_start3A_32 : memref<128x128xf32, #tpu.memory_space<hbm>>) target_semaphore(%run_scoped3A : memref<!tpu.dma_semaphore, #tpu.memory_space<semaphore_mem>>)
      %dma_wait3A = arith.constant 0 : i32
      %dma_wait3A_33 = tpu.memref_slice %arg6[%arg0, %add3A_21, %dma_wait3A] : memref<2x10112x128xf32, #tpu.memory_space<hbm>> -> memref<1x128x128xf32, #tpu.memory_space<hbm>>
      %dma_wait3A_34 = tpu.memref_squeeze %dma_wait3A_33 : memref<1x128x128xf32, #tpu.memory_space<hbm>> -> memref<128x128xf32, #tpu.memory_space<hbm>>
      %dma_wait3A_35 = arith.constant 0 : i32
      %dma_wait3A_36 = tpu.memref_slice %arg6[%arg0, %add3A_21, %dma_wait3A_35] : memref<2x10112x128xf32, #tpu.memory_space<hbm>> -> memref<1x128x128xf32, #tpu.memory_space<hbm>>
      %dma_wait3A_37 = tpu.memref_squeeze %dma_wait3A_36 : memref<1x128x128xf32, #tpu.memory_space<hbm>> -> memref<128x128xf32, #tpu.memory_space<hbm>>
      tpu.wait_dma2 semaphore(%run_scoped3A : memref<!tpu.dma_semaphore, #tpu.memory_space<semaphore_mem>>) src(%arg9 : memref<128x128xf32, #tpu.memory_space<vmem>>) dst(%dma_wait3A_37 : memref<128x128xf32, #tpu.memory_space<hbm>>)
      tpu.yield
    }) : () -> ()
    %add3A_22 = arith.constant 256 : i32
    %add3A_23 = arith.addi %mul3A_2, %add3A_22 : i32
    "tpu.region"() ({
      %run_scoped3A = tpu.sem_alloc : memref<!tpu.dma_semaphore, #tpu.memory_space<semaphore_mem>>
      %dma_start3A = arith.constant 0 : i32
      %dma_start3A_28 = tpu.memref_slice %arg10[%add3A_23, %dma_start3A] : memref<10112x128xf32, #tpu.memory_space<vmem_shared>> -> memref<128x128xf32, #tpu.memory_space<vmem_shared>>
      %dma_start3A_29 = arith.constant 0 : i32
      %dma_start3A_30 = tpu.memref_slice %arg10[%add3A_23, %dma_start3A_29] : memref<10112x128xf32, #tpu.memory_space<vmem_shared>> -> memref<128x128xf32, #tpu.memory_space<vmem_shared>>
      tpu.enqueue_dma source(%dma_start3A_30 : memref<128x128xf32, #tpu.memory_space<vmem_shared>>) target(%arg9 : memref<128x128xf32, #tpu.memory_space<vmem>>) target_semaphore(%run_scoped3A : memref<!tpu.dma_semaphore, #tpu.memory_space<semaphore_mem>>)
      %dma_wait3A = arith.constant 0 : i32
      %dma_wait3A_31 = tpu.memref_slice %arg10[%add3A_23, %dma_wait3A] : memref<10112x128xf32, #tpu.memory_space<vmem_shared>> -> memref<128x128xf32, #tpu.memory_space<vmem_shared>>
      %dma_wait3A_32 = arith.constant 0 : i32
      %dma_wait3A_33 = tpu.memref_slice %arg10[%add3A_23, %dma_wait3A_32] : memref<10112x128xf32, #tpu.memory_space<vmem_shared>> -> memref<128x128xf32, #tpu.memory_space<vmem_shared>>
      tpu.wait_dma2 semaphore(%run_scoped3A : memref<!tpu.dma_semaphore, #tpu.memory_space<semaphore_mem>>) src(%dma_wait3A_33 : memref<128x128xf32, #tpu.memory_space<vmem_shared>>) dst(%arg9 : memref<128x128xf32, #tpu.memory_space<vmem>>)
      tpu.yield
    }) : () -> ()
    "tpu.region"() ({
      %run_scoped3A = tpu.sem_alloc : memref<!tpu.dma_semaphore, #tpu.memory_space<semaphore_mem>>
      %dma_start3A = arith.constant 0 : i32
      %dma_start3A_28 = tpu.memref_slice %arg6[%arg0, %add3A_23, %dma_start3A] : memref<2x10112x128xf32, #tpu.memory_space<hbm>> -> memref<1x128x128xf32, #tpu.memory_space<hbm>>
      %dma_start3A_29 = tpu.memref_squeeze %dma_start3A_28 : memref<1x128x128xf32, #tpu.memory_space<hbm>> -> memref<128x128xf32, #tpu.memory_space<hbm>>
      %dma_start3A_30 = arith.constant 0 : i32
      %dma_start3A_31 = tpu.memref_slice %arg6[%arg0, %add3A_23, %dma_start3A_30] : memref<2x10112x128xf32, #tpu.memory_space<hbm>> -> memref<1x128x128xf32, #tpu.memory_space<hbm>>
      %dma_start3A_32 = tpu.memref_squeeze %dma_start3A_31 : memref<1x128x128xf32, #tpu.memory_space<hbm>> -> memref<128x128xf32, #tpu.memory_space<hbm>>
      tpu.enqueue_dma source(%arg9 : memref<128x128xf32, #tpu.memory_space<vmem>>) target(%dma_start3A_32 : memref<128x128xf32, #tpu.memory_space<hbm>>) target_semaphore(%run_scoped3A : memref<!tpu.dma_semaphore, #tpu.memory_space<semaphore_mem>>)
      %dma_wait3A = arith.constant 0 : i32
      %dma_wait3A_33 = tpu.memref_slice %arg6[%arg0, %add3A_23, %dma_wait3A] : memref<2x10112x128xf32, #tpu.memory_space<hbm>> -> memref<1x128x128xf32, #tpu.memory_space<hbm>>
      %dma_wait3A_34 = tpu.memref_squeeze %dma_wait3A_33 : memref<1x128x128xf32, #tpu.memory_space<hbm>> -> memref<128x128xf32, #tpu.memory_space<hbm>>
      %dma_wait3A_35 = arith.constant 0 : i32
      %dma_wait3A_36 = tpu.memref_slice %arg6[%arg0, %add3A_23, %dma_wait3A_35] : memref<2x10112x128xf32, #tpu.memory_space<hbm>> -> memref<1x128x128xf32, #tpu.memory_space<hbm>>
      %dma_wait3A_37 = tpu.memref_squeeze %dma_wait3A_36 : memref<1x128x128xf32, #tpu.memory_space<hbm>> -> memref<128x128xf32, #tpu.memory_space<hbm>>
      tpu.wait_dma2 semaphore(%run_scoped3A : memref<!tpu.dma_semaphore, #tpu.memory_space<semaphore_mem>>) src(%arg9 : memref<128x128xf32, #tpu.memory_space<vmem>>) dst(%dma_wait3A_37 : memref<128x128xf32, #tpu.memory_space<hbm>>)
      tpu.yield
    }) : () -> ()
    %add3A_24 = arith.constant 384 : i32
    %add3A_25 = arith.addi %mul3A_2, %add3A_24 : i32
    "tpu.region"() ({
      %run_scoped3A = tpu.sem_alloc : memref<!tpu.dma_semaphore, #tpu.memory_space<semaphore_mem>>
      %dma_start3A = arith.constant 0 : i32
      %dma_start3A_28 = tpu.memref_slice %arg10[%add3A_25, %dma_start3A] : memref<10112x128xf32, #tpu.memory_space<vmem_shared>> -> memref<128x128xf32, #tpu.memory_space<vmem_shared>>
      %dma_start3A_29 = arith.constant 0 : i32
      %dma_start3A_30 = tpu.memref_slice %arg10[%add3A_25, %dma_start3A_29] : memref<10112x128xf32, #tpu.memory_space<vmem_shared>> -> memref<128x128xf32, #tpu.memory_space<vmem_shared>>
      tpu.enqueue_dma source(%dma_start3A_30 : memref<128x128xf32, #tpu.memory_space<vmem_shared>>) target(%arg9 : memref<128x128xf32, #tpu.memory_space<vmem>>) target_semaphore(%run_scoped3A : memref<!tpu.dma_semaphore, #tpu.memory_space<semaphore_mem>>)
      %dma_wait3A = arith.constant 0 : i32
      %dma_wait3A_31 = tpu.memref_slice %arg10[%add3A_25, %dma_wait3A] : memref<10112x128xf32, #tpu.memory_space<vmem_shared>> -> memref<128x128xf32, #tpu.memory_space<vmem_shared>>
      %dma_wait3A_32 = arith.constant 0 : i32
      %dma_wait3A_33 = tpu.memref_slice %arg10[%add3A_25, %dma_wait3A_32] : memref<10112x128xf32, #tpu.memory_space<vmem_shared>> -> memref<128x128xf32, #tpu.memory_space<vmem_shared>>
      tpu.wait_dma2 semaphore(%run_scoped3A : memref<!tpu.dma_semaphore, #tpu.memory_space<semaphore_mem>>) src(%dma_wait3A_33 : memref<128x128xf32, #tpu.memory_space<vmem_shared>>) dst(%arg9 : memref<128x128xf32, #tpu.memory_space<vmem>>)
      tpu.yield
    }) : () -> ()
    "tpu.region"() ({
      %run_scoped3A = tpu.sem_alloc : memref<!tpu.dma_semaphore, #tpu.memory_space<semaphore_mem>>
      %dma_start3A = arith.constant 0 : i32
      %dma_start3A_28 = tpu.memref_slice %arg6[%arg0, %add3A_25, %dma_start3A] : memref<2x10112x128xf32, #tpu.memory_space<hbm>> -> memref<1x128x128xf32, #tpu.memory_space<hbm>>
      %dma_start3A_29 = tpu.memref_squeeze %dma_start3A_28 : memref<1x128x128xf32, #tpu.memory_space<hbm>> -> memref<128x128xf32, #tpu.memory_space<hbm>>
      %dma_start3A_30 = arith.constant 0 : i32
      %dma_start3A_31 = tpu.memref_slice %arg6[%arg0, %add3A_25, %dma_start3A_30] : memref<2x10112x128xf32, #tpu.memory_space<hbm>> -> memref<1x128x128xf32, #tpu.memory_space<hbm>>
      %dma_start3A_32 = tpu.memref_squeeze %dma_start3A_31 : memref<1x128x128xf32, #tpu.memory_space<hbm>> -> memref<128x128xf32, #tpu.memory_space<hbm>>
      tpu.enqueue_dma source(%arg9 : memref<128x128xf32, #tpu.memory_space<vmem>>) target(%dma_start3A_32 : memref<128x128xf32, #tpu.memory_space<hbm>>) target_semaphore(%run_scoped3A : memref<!tpu.dma_semaphore, #tpu.memory_space<semaphore_mem>>)
      %dma_wait3A = arith.constant 0 : i32
      %dma_wait3A_33 = tpu.memref_slice %arg6[%arg0, %add3A_25, %dma_wait3A] : memref<2x10112x128xf32, #tpu.memory_space<hbm>> -> memref<1x128x128xf32, #tpu.memory_space<hbm>>
      %dma_wait3A_34 = tpu.memref_squeeze %dma_wait3A_33 : memref<1x128x128xf32, #tpu.memory_space<hbm>> -> memref<128x128xf32, #tpu.memory_space<hbm>>
      %dma_wait3A_35 = arith.constant 0 : i32
      %dma_wait3A_36 = tpu.memref_slice %arg6[%arg0, %add3A_25, %dma_wait3A_35] : memref<2x10112x128xf32, #tpu.memory_space<hbm>> -> memref<1x128x128xf32, #tpu.memory_space<hbm>>
      %dma_wait3A_37 = tpu.memref_squeeze %dma_wait3A_36 : memref<1x128x128xf32, #tpu.memory_space<hbm>> -> memref<128x128xf32, #tpu.memory_space<hbm>>
      tpu.wait_dma2 semaphore(%run_scoped3A : memref<!tpu.dma_semaphore, #tpu.memory_space<semaphore_mem>>) src(%arg9 : memref<128x128xf32, #tpu.memory_space<vmem>>) dst(%dma_wait3A_37 : memref<128x128xf32, #tpu.memory_space<hbm>>)
      tpu.yield
    }) : () -> ()
    %add3A_26 = arith.constant 512 : i32
    %add3A_27 = arith.addi %mul3A_2, %add3A_26 : i32
    "tpu.region"() ({
      %run_scoped3A = tpu.sem_alloc : memref<!tpu.dma_semaphore, #tpu.memory_space<semaphore_mem>>
      %dma_start3A = arith.constant 0 : i32
      %dma_start3A_28 = arith.constant 0 : i32
      %dma_start3A_29 = tpu.memref_slice %arg9[%dma_start3A, %dma_start3A_28] : memref<128x128xf32, #tpu.memory_space<vmem>> -> memref<120x128xf32, #tpu.memory_space<vmem>>
      %dma_start3A_30 = arith.constant 0 : i32
      %dma_start3A_31 = tpu.memref_slice %arg10[%add3A_27, %dma_start3A_30] : memref<10112x128xf32, #tpu.memory_space<vmem_shared>> -> memref<120x128xf32, #tpu.memory_space<vmem_shared>>
      %dma_start3A_32 = arith.constant 0 : i32
      %dma_start3A_33 = arith.constant 0 : i32
      %dma_start3A_34 = tpu.memref_slice %arg9[%dma_start3A_32, %dma_start3A_33] : memref<128x128xf32, #tpu.memory_space<vmem>> -> memref<120x128xf32, #tpu.memory_space<vmem>>
      %dma_start3A_35 = arith.constant 0 : i32
      %dma_start3A_36 = tpu.memref_slice %arg10[%add3A_27, %dma_start3A_35] : memref<10112x128xf32, #tpu.memory_space<vmem_shared>> -> memref<120x128xf32, #tpu.memory_space<vmem_shared>>
      tpu.enqueue_dma source(%dma_start3A_36 : memref<120x128xf32, #tpu.memory_space<vmem_shared>>) target(%dma_start3A_34 : memref<120x128xf32, #tpu.memory_space<vmem>>) target_semaphore(%run_scoped3A : memref<!tpu.dma_semaphore, #tpu.memory_space<semaphore_mem>>)
      %dma_wait3A = arith.constant 0 : i32
      %dma_wait3A_37 = arith.constant 0 : i32
      %dma_wait3A_38 = tpu.memref_slice %arg9[%dma_wait3A, %dma_wait3A_37] : memref<128x128xf32, #tpu.memory_space<vmem>> -> memref<120x128xf32, #tpu.memory_space<vmem>>
      %dma_wait3A_39 = arith.constant 0 : i32
      %dma_wait3A_40 = tpu.memref_slice %arg10[%add3A_27, %dma_wait3A_39] : memref<10112x128xf32, #tpu.memory_space<vmem_shared>> -> memref<120x128xf32, #tpu.memory_space<vmem_shared>>
      %dma_wait3A_41 = arith.constant 0 : i32
      %dma_wait3A_42 = arith.constant 0 : i32
      %dma_wait3A_43 = tpu.memref_slice %arg9[%dma_wait3A_41, %dma_wait3A_42] : memref<128x128xf32, #tpu.memory_space<vmem>> -> memref<120x128xf32, #tpu.memory_space<vmem>>
      %dma_wait3A_44 = arith.constant 0 : i32
      %dma_wait3A_45 = tpu.memref_slice %arg10[%add3A_27, %dma_wait3A_44] : memref<10112x128xf32, #tpu.memory_space<vmem_shared>> -> memref<120x128xf32, #tpu.memory_space<vmem_shared>>
      tpu.wait_dma2 semaphore(%run_scoped3A : memref<!tpu.dma_semaphore, #tpu.memory_space<semaphore_mem>>) src(%dma_wait3A_45 : memref<120x128xf32, #tpu.memory_space<vmem_shared>>) dst(%dma_wait3A_43 : memref<120x128xf32, #tpu.memory_space<vmem>>)
      tpu.yield
    }) : () -> ()
    "tpu.region"() ({
      %run_scoped3A = tpu.sem_alloc : memref<!tpu.dma_semaphore, #tpu.memory_space<semaphore_mem>>
      %dma_start3A = arith.constant 0 : i32
      %dma_start3A_28 = arith.constant 0 : i32
      %dma_start3A_29 = tpu.memref_slice %arg9[%dma_start3A, %dma_start3A_28] : memref<128x128xf32, #tpu.memory_space<vmem>> -> memref<120x128xf32, #tpu.memory_space<vmem>>
      %dma_start3A_30 = arith.constant 0 : i32
      %dma_start3A_31 = tpu.memref_slice %arg6[%arg0, %add3A_27, %dma_start3A_30] : memref<2x10112x128xf32, #tpu.memory_space<hbm>> -> memref<1x120x128xf32, #tpu.memory_space<hbm>>
      %dma_start3A_32 = tpu.memref_squeeze %dma_start3A_31 : memref<1x120x128xf32, #tpu.memory_space<hbm>> -> memref<120x128xf32, #tpu.memory_space<hbm>>
      %dma_start3A_33 = arith.constant 0 : i32
      %dma_start3A_34 = tpu.memref_slice %arg6[%arg0, %add3A_27, %dma_start3A_33] : memref<2x10112x128xf32, #tpu.memory_space<hbm>> -> memref<1x120x128xf32, #tpu.memory_space<hbm>>
      %dma_start3A_35 = tpu.memref_squeeze %dma_start3A_34 : memref<1x120x128xf32, #tpu.memory_space<hbm>> -> memref<120x128xf32, #tpu.memory_space<hbm>>
      %dma_start3A_36 = arith.constant 0 : i32
      %dma_start3A_37 = arith.constant 0 : i32
      %dma_start3A_38 = tpu.memref_slice %arg9[%dma_start3A_36, %dma_start3A_37] : memref<128x128xf32, #tpu.memory_space<vmem>> -> memref<120x128xf32, #tpu.memory_space<vmem>>
      tpu.enqueue_dma source(%dma_start3A_38 : memref<120x128xf32, #tpu.memory_space<vmem>>) target(%dma_start3A_35 : memref<120x128xf32, #tpu.memory_space<hbm>>) target_semaphore(%run_scoped3A : memref<!tpu.dma_semaphore, #tpu.memory_space<semaphore_mem>>)
      %dma_wait3A = arith.constant 0 : i32
      %dma_wait3A_39 = arith.constant 0 : i32
      %dma_wait3A_40 = tpu.memref_slice %arg9[%dma_wait3A, %dma_wait3A_39] : memref<128x128xf32, #tpu.memory_space<vmem>> -> memref<120x128xf32, #tpu.memory_space<vmem>>
      %dma_wait3A_41 = arith.constant 0 : i32
      %dma_wait3A_42 = tpu.memref_slice %arg6[%arg0, %add3A_27, %dma_wait3A_41] : memref<2x10112x128xf32, #tpu.memory_space<hbm>> -> memref<1x120x128xf32, #tpu.memory_space<hbm>>
      %dma_wait3A_43 = tpu.memref_squeeze %dma_wait3A_42 : memref<1x120x128xf32, #tpu.memory_space<hbm>> -> memref<120x128xf32, #tpu.memory_space<hbm>>
      %dma_wait3A_44 = arith.constant 0 : i32
      %dma_wait3A_45 = tpu.memref_slice %arg6[%arg0, %add3A_27, %dma_wait3A_44] : memref<2x10112x128xf32, #tpu.memory_space<hbm>> -> memref<1x120x128xf32, #tpu.memory_space<hbm>>
      %dma_wait3A_46 = tpu.memref_squeeze %dma_wait3A_45 : memref<1x120x128xf32, #tpu.memory_space<hbm>> -> memref<120x128xf32, #tpu.memory_space<hbm>>
      %dma_wait3A_47 = arith.constant 0 : i32
      %dma_wait3A_48 = arith.constant 0 : i32
      %dma_wait3A_49 = tpu.memref_slice %arg9[%dma_wait3A_47, %dma_wait3A_48] : memref<128x128xf32, #tpu.memory_space<vmem>> -> memref<120x128xf32, #tpu.memory_space<vmem>>
      tpu.wait_dma2 semaphore(%run_scoped3A : memref<!tpu.dma_semaphore, #tpu.memory_space<semaphore_mem>>) src(%dma_wait3A_49 : memref<120x128xf32, #tpu.memory_space<vmem>>) dst(%dma_wait3A_46 : memref<120x128xf32, #tpu.memory_space<hbm>>)
      tpu.yield
    }) : () -> ()
    return
  }
}

#map = affine_map<(d0, d1) -> (0, 0)>
#map1 = affine_map<(d0, d1) -> (0, 0, 0)>
module attributes {stable_mosaic.version = 14 : i64} {
  func.func @k(%arg0: i32, %arg1: i32, %arg2: memref<10000x128xf32, #tpu.memory_space<hbm>>, %arg3: memref<32x79x128xi32, #tpu.memory_space<hbm>>, %arg4: memref<32x79x128xi32, #tpu.memory_space<hbm>>, %arg5: memref<128x128xf32, #tpu.memory_space<hbm>>, %arg6: memref<2x10112x128xf32, #tpu.memory_space<hbm>>, %arg7: memref<79x128xi32, #tpu.memory_space<vmem>>, %arg8: memref<79x128xi32, #tpu.memory_space<vmem>>, %arg9: memref<128x128xf32, #tpu.memory_space<vmem>>, %arg10: memref<10112x128xf32, #tpu.memory_space<vmem_shared>>) attributes {dimension_semantics = [#tpu.dimension_semantics<core_parallel>, #tpu.dimension_semantics<subcore_parallel>], iteration_bounds = array<i64: 2, 16>, scalar_prefetch = 0 : i64, scratch_operands = 4 : i64, tpu.core_type = #tpu.core_type<sc_vector_subcore>, window_params = [{transform_indices = #map}, {transform_indices = #map1}, {transform_indices = #map1}, {transform_indices = #map}, {transform_indices = #map1}]} {
    %mul3A = arith.constant 16 : i32
    %mul3A_0 = arith.muli %arg0, %mul3A : i32
    %add3A = arith.addi %mul3A_0, %arg1 : i32
    "tpu.region"() ({
      %run_scoped3A = tpu.sem_alloc : memref<!tpu.dma_semaphore, #tpu.memory_space<semaphore_mem>>
      %dma_start3A = arith.constant 0 : i32
      %dma_start3A_28 = arith.constant 0 : i32
      %dma_start3A_29 = tpu.memref_slice %arg3[%add3A, %dma_start3A, %dma_start3A_28] : memref<32x79x128xi32, #tpu.memory_space<hbm>> -> memref<1x79x128xi32, #tpu.memory_space<hbm>>
      %dma_start3A_30 = tpu.memref_squeeze %dma_start3A_29 : memref<1x79x128xi32, #tpu.memory_space<hbm>> -> memref<79x128xi32, #tpu.memory_space<hbm>>
      %dma_start3A_31 = arith.constant 0 : i32
      %dma_start3A_32 = arith.constant 0 : i32
      %dma_start3A_33 = tpu.memref_slice %arg3[%add3A, %dma_start3A_31, %dma_start3A_32] : memref<32x79x128xi32, #tpu.memory_space<hbm>> -> memref<1x79x128xi32, #tpu.memory_space<hbm>>
      %dma_start3A_34 = tpu.memref_squeeze %dma_start3A_33 : memref<1x79x128xi32, #tpu.memory_space<hbm>> -> memref<79x128xi32, #tpu.memory_space<hbm>>
      tpu.enqueue_dma source(%dma_start3A_34 : memref<79x128xi32, #tpu.memory_space<hbm>>) target(%arg7 : memref<79x128xi32, #tpu.memory_space<vmem>>) target_semaphore(%run_scoped3A : memref<!tpu.dma_semaphore, #tpu.memory_space<semaphore_mem>>)
      %dma_wait3A = arith.constant 0 : i32
      %dma_wait3A_35 = arith.constant 0 : i32
      %dma_wait3A_36 = tpu.memref_slice %arg3[%add3A, %dma_wait3A, %dma_wait3A_35] : memref<32x79x128xi32, #tpu.memory_space<hbm>> -> memref<1x79x128xi32, #tpu.memory_space<hbm>>
      %dma_wait3A_37 = tpu.memref_squeeze %dma_wait3A_36 : memref<1x79x128xi32, #tpu.memory_space<hbm>> -> memref<79x128xi32, #tpu.memory_space<hbm>>
      %dma_wait3A_38 = arith.constant 0 : i32
      %dma_wait3A_39 = arith.constant 0 : i32
      %dma_wait3A_40 = tpu.memref_slice %arg3[%add3A, %dma_wait3A_38, %dma_wait3A_39] : memref<32x79x128xi32, #tpu.memory_space<hbm>> -> memref<1x79x128xi32, #tpu.memory_space<hbm>>
      %dma_wait3A_41 = tpu.memref_squeeze %dma_wait3A_40 : memref<1x79x128xi32, #tpu.memory_space<hbm>> -> memref<79x128xi32, #tpu.memory_space<hbm>>
      tpu.wait_dma2 semaphore(%run_scoped3A : memref<!tpu.dma_semaphore, #tpu.memory_space<semaphore_mem>>) src(%dma_wait3A_41 : memref<79x128xi32, #tpu.memory_space<hbm>>) dst(%arg7 : memref<79x128xi32, #tpu.memory_space<vmem>>)
      tpu.yield
    }) : () -> ()
    "tpu.region"() ({
      %run_scoped3A = tpu.sem_alloc : memref<!tpu.dma_semaphore, #tpu.memory_space<semaphore_mem>>
      %dma_start3A = arith.constant 0 : i32
      %dma_start3A_28 = arith.constant 0 : i32
      %dma_start3A_29 = tpu.memref_slice %arg4[%add3A, %dma_start3A, %dma_start3A_28] : memref<32x79x128xi32, #tpu.memory_space<hbm>> -> memref<1x79x128xi32, #tpu.memory_space<hbm>>
      %dma_start3A_30 = tpu.memref_squeeze %dma_start3A_29 : memref<1x79x128xi32, #tpu.memory_space<hbm>> -> memref<79x128xi32, #tpu.memory_space<hbm>>
      %dma_start3A_31 = arith.constant 0 : i32
      %dma_start3A_32 = arith.constant 0 : i32
      %dma_start3A_33 = tpu.memref_slice %arg4[%add3A, %dma_start3A_31, %dma_start3A_32] : memref<32x79x128xi32, #tpu.memory_space<hbm>> -> memref<1x79x128xi32, #tpu.memory_space<hbm>>
      %dma_start3A_34 = tpu.memref_squeeze %dma_start3A_33 : memref<1x79x128xi32, #tpu.memory_space<hbm>> -> memref<79x128xi32, #tpu.memory_space<hbm>>
      tpu.enqueue_dma source(%dma_start3A_34 : memref<79x128xi32, #tpu.memory_space<hbm>>) target(%arg8 : memref<79x128xi32, #tpu.memory_space<vmem>>) target_semaphore(%run_scoped3A : memref<!tpu.dma_semaphore, #tpu.memory_space<semaphore_mem>>)
      %dma_wait3A = arith.constant 0 : i32
      %dma_wait3A_35 = arith.constant 0 : i32
      %dma_wait3A_36 = tpu.memref_slice %arg4[%add3A, %dma_wait3A, %dma_wait3A_35] : memref<32x79x128xi32, #tpu.memory_space<hbm>> -> memref<1x79x128xi32, #tpu.memory_space<hbm>>
      %dma_wait3A_37 = tpu.memref_squeeze %dma_wait3A_36 : memref<1x79x128xi32, #tpu.memory_space<hbm>> -> memref<79x128xi32, #tpu.memory_space<hbm>>
      %dma_wait3A_38 = arith.constant 0 : i32
      %dma_wait3A_39 = arith.constant 0 : i32
      %dma_wait3A_40 = tpu.memref_slice %arg4[%add3A, %dma_wait3A_38, %dma_wait3A_39] : memref<32x79x128xi32, #tpu.memory_space<hbm>> -> memref<1x79x128xi32, #tpu.memory_space<hbm>>
      %dma_wait3A_41 = tpu.memref_squeeze %dma_wait3A_40 : memref<1x79x128xi32, #tpu.memory_space<hbm>> -> memref<79x128xi32, #tpu.memory_space<hbm>>
      tpu.wait_dma2 semaphore(%run_scoped3A : memref<!tpu.dma_semaphore, #tpu.memory_space<semaphore_mem>>) src(%dma_wait3A_41 : memref<79x128xi32, #tpu.memory_space<hbm>>) dst(%arg8 : memref<79x128xi32, #tpu.memory_space<vmem>>)
      tpu.yield
    }) : () -> ()
    %mul3A_1 = arith.constant 632 : i32
    %mul3A_2 = arith.muli %arg1, %mul3A_1 : i32
    "tpu.region"() ({
      %run_scoped3A = tpu.sem_alloc : memref<!tpu.dma_semaphore, #tpu.memory_space<semaphore_mem>>
      tpu.enqueue_dma source(%arg5 : memref<128x128xf32, #tpu.memory_space<hbm>>) target(%arg9 : memref<128x128xf32, #tpu.memory_space<vmem>>) target_semaphore(%run_scoped3A : memref<!tpu.dma_semaphore, #tpu.memory_space<semaphore_mem>>)
      tpu.wait_dma2 semaphore(%run_scoped3A : memref<!tpu.dma_semaphore, #tpu.memory_space<semaphore_mem>>) src(%arg5 : memref<128x128xf32, #tpu.memory_space<hbm>>) dst(%arg9 : memref<128x128xf32, #tpu.memory_space<vmem>>)
      tpu.yield
    }) : () -> ()
    %add3A_3 = arith.constant 0 : i32
    %add3A_4 = arith.addi %mul3A_2, %add3A_3 : i32
    "tpu.region"() ({
      %run_scoped3A = tpu.sem_alloc : memref<!tpu.dma_semaphore, #tpu.memory_space<semaphore_mem>>
      %dma_start3A = arith.constant 0 : i32
      %dma_start3A_28 = tpu.memref_slice %arg10[%add3A_4, %dma_start3A] : memref<10112x128xf32, #tpu.memory_space<vmem_shared>> -> memref<128x128xf32, #tpu.memory_space<vmem_shared>>
      %dma_start3A_29 = arith.constant 0 : i32
      %dma_start3A_30 = tpu.memref_slice %arg10[%add3A_4, %dma_start3A_29] : memref<10112x128xf32, #tpu.memory_space<vmem_shared>> -> memref<128x128xf32, #tpu.memory_space<vmem_shared>>
      tpu.enqueue_dma source(%arg9 : memref<128x128xf32, #tpu.memory_space<vmem>>) target(%dma_start3A_30 : memref<128x128xf32, #tpu.memory_space<vmem_shared>>) target_semaphore(%run_scoped3A : memref<!tpu.dma_semaphore, #tpu.memory_space<semaphore_mem>>)
      %dma_wait3A = arith.constant 0 : i32
      %dma_wait3A_31 = tpu.memref_slice %arg10[%add3A_4, %dma_wait3A] : memref<10112x128xf32, #tpu.memory_space<vmem_shared>> -> memref<128x128xf32, #tpu.memory_space<vmem_shared>>
      %dma_wait3A_32 = arith.constant 0 : i32
      %dma_wait3A_33 = tpu.memref_slice %arg10[%add3A_4, %dma_wait3A_32] : memref<10112x128xf32, #tpu.memory_space<vmem_shared>> -> memref<128x128xf32, #tpu.memory_space<vmem_shared>>
      tpu.wait_dma2 semaphore(%run_scoped3A : memref<!tpu.dma_semaphore, #tpu.memory_space<semaphore_mem>>) src(%arg9 : memref<128x128xf32, #tpu.memory_space<vmem>>) dst(%dma_wait3A_33 : memref<128x128xf32, #tpu.memory_space<vmem_shared>>)
      tpu.yield
    }) : () -> ()
    %add3A_5 = arith.constant 128 : i32
    %add3A_6 = arith.addi %mul3A_2, %add3A_5 : i32
    "tpu.region"() ({
      %run_scoped3A = tpu.sem_alloc : memref<!tpu.dma_semaphore, #tpu.memory_space<semaphore_mem>>
      %dma_start3A = arith.constant 0 : i32
      %dma_start3A_28 = tpu.memref_slice %arg10[%add3A_6, %dma_start3A] : memref<10112x128xf32, #tpu.memory_space<vmem_shared>> -> memref<128x128xf32, #tpu.memory_space<vmem_shared>>
      %dma_start3A_29 = arith.constant 0 : i32
      %dma_start3A_30 = tpu.memref_slice %arg10[%add3A_6, %dma_start3A_29] : memref<10112x128xf32, #tpu.memory_space<vmem_shared>> -> memref<128x128xf32, #tpu.memory_space<vmem_shared>>
      tpu.enqueue_dma source(%arg9 : memref<128x128xf32, #tpu.memory_space<vmem>>) target(%dma_start3A_30 : memref<128x128xf32, #tpu.memory_space<vmem_shared>>) target_semaphore(%run_scoped3A : memref<!tpu.dma_semaphore, #tpu.memory_space<semaphore_mem>>)
      %dma_wait3A = arith.constant 0 : i32
      %dma_wait3A_31 = tpu.memref_slice %arg10[%add3A_6, %dma_wait3A] : memref<10112x128xf32, #tpu.memory_space<vmem_shared>> -> memref<128x128xf32, #tpu.memory_space<vmem_shared>>
      %dma_wait3A_32 = arith.constant 0 : i32
      %dma_wait3A_33 = tpu.memref_slice %arg10[%add3A_6, %dma_wait3A_32] : memref<10112x128xf32, #tpu.memory_space<vmem_shared>> -> memref<128x128xf32, #tpu.memory_space<vmem_shared>>
      tpu.wait_dma2 semaphore(%run_scoped3A : memref<!tpu.dma_semaphore, #tpu.memory_space<semaphore_mem>>) src(%arg9 : memref<128x128xf32, #tpu.memory_space<vmem>>) dst(%dma_wait3A_33 : memref<128x128xf32, #tpu.memory_space<vmem_shared>>)
      tpu.yield
    }) : () -> ()
    %add3A_7 = arith.constant 256 : i32
    %add3A_8 = arith.addi %mul3A_2, %add3A_7 : i32
    "tpu.region"() ({
      %run_scoped3A = tpu.sem_alloc : memref<!tpu.dma_semaphore, #tpu.memory_space<semaphore_mem>>
      %dma_start3A = arith.constant 0 : i32
      %dma_start3A_28 = tpu.memref_slice %arg10[%add3A_8, %dma_start3A] : memref<10112x128xf32, #tpu.memory_space<vmem_shared>> -> memref<128x128xf32, #tpu.memory_space<vmem_shared>>
      %dma_start3A_29 = arith.constant 0 : i32
      %dma_start3A_30 = tpu.memref_slice %arg10[%add3A_8, %dma_start3A_29] : memref<10112x128xf32, #tpu.memory_space<vmem_shared>> -> memref<128x128xf32, #tpu.memory_space<vmem_shared>>
      tpu.enqueue_dma source(%arg9 : memref<128x128xf32, #tpu.memory_space<vmem>>) target(%dma_start3A_30 : memref<128x128xf32, #tpu.memory_space<vmem_shared>>) target_semaphore(%run_scoped3A : memref<!tpu.dma_semaphore, #tpu.memory_space<semaphore_mem>>)
      %dma_wait3A = arith.constant 0 : i32
      %dma_wait3A_31 = tpu.memref_slice %arg10[%add3A_8, %dma_wait3A] : memref<10112x128xf32, #tpu.memory_space<vmem_shared>> -> memref<128x128xf32, #tpu.memory_space<vmem_shared>>
      %dma_wait3A_32 = arith.constant 0 : i32
      %dma_wait3A_33 = tpu.memref_slice %arg10[%add3A_8, %dma_wait3A_32] : memref<10112x128xf32, #tpu.memory_space<vmem_shared>> -> memref<128x128xf32, #tpu.memory_space<vmem_shared>>
      tpu.wait_dma2 semaphore(%run_scoped3A : memref<!tpu.dma_semaphore, #tpu.memory_space<semaphore_mem>>) src(%arg9 : memref<128x128xf32, #tpu.memory_space<vmem>>) dst(%dma_wait3A_33 : memref<128x128xf32, #tpu.memory_space<vmem_shared>>)
      tpu.yield
    }) : () -> ()
    %add3A_9 = arith.constant 384 : i32
    %add3A_10 = arith.addi %mul3A_2, %add3A_9 : i32
    "tpu.region"() ({
      %run_scoped3A = tpu.sem_alloc : memref<!tpu.dma_semaphore, #tpu.memory_space<semaphore_mem>>
      %dma_start3A = arith.constant 0 : i32
      %dma_start3A_28 = tpu.memref_slice %arg10[%add3A_10, %dma_start3A] : memref<10112x128xf32, #tpu.memory_space<vmem_shared>> -> memref<128x128xf32, #tpu.memory_space<vmem_shared>>
      %dma_start3A_29 = arith.constant 0 : i32
      %dma_start3A_30 = tpu.memref_slice %arg10[%add3A_10, %dma_start3A_29] : memref<10112x128xf32, #tpu.memory_space<vmem_shared>> -> memref<128x128xf32, #tpu.memory_space<vmem_shared>>
      tpu.enqueue_dma source(%arg9 : memref<128x128xf32, #tpu.memory_space<vmem>>) target(%dma_start3A_30 : memref<128x128xf32, #tpu.memory_space<vmem_shared>>) target_semaphore(%run_scoped3A : memref<!tpu.dma_semaphore, #tpu.memory_space<semaphore_mem>>)
      %dma_wait3A = arith.constant 0 : i32
      %dma_wait3A_31 = tpu.memref_slice %arg10[%add3A_10, %dma_wait3A] : memref<10112x128xf32, #tpu.memory_space<vmem_shared>> -> memref<128x128xf32, #tpu.memory_space<vmem_shared>>
      %dma_wait3A_32 = arith.constant 0 : i32
      %dma_wait3A_33 = tpu.memref_slice %arg10[%add3A_10, %dma_wait3A_32] : memref<10112x128xf32, #tpu.memory_space<vmem_shared>> -> memref<128x128xf32, #tpu.memory_space<vmem_shared>>
      tpu.wait_dma2 semaphore(%run_scoped3A : memref<!tpu.dma_semaphore, #tpu.memory_space<semaphore_mem>>) src(%arg9 : memref<128x128xf32, #tpu.memory_space<vmem>>) dst(%dma_wait3A_33 : memref<128x128xf32, #tpu.memory_space<vmem_shared>>)
      tpu.yield
    }) : () -> ()
    %add3A_11 = arith.constant 512 : i32
    %add3A_12 = arith.addi %mul3A_2, %add3A_11 : i32
    "tpu.region"() ({
      %run_scoped3A = tpu.sem_alloc : memref<!tpu.dma_semaphore, #tpu.memory_space<semaphore_mem>>
      %dma_start3A = arith.constant 0 : i32
      %dma_start3A_28 = arith.constant 0 : i32
      %dma_start3A_29 = tpu.memref_slice %arg9[%dma_start3A, %dma_start3A_28] : memref<128x128xf32, #tpu.memory_space<vmem>> -> memref<120x128xf32, #tpu.memory_space<vmem>>
      %dma_start3A_30 = arith.constant 0 : i32
      %dma_start3A_31 = tpu.memref_slice %arg10[%add3A_12, %dma_start3A_30] : memref<10112x128xf32, #tpu.memory_space<vmem_shared>> -> memref<120x128xf32, #tpu.memory_space<vmem_shared>>
      %dma_start3A_32 = arith.constant 0 : i32
      %dma_start3A_33 = tpu.memref_slice %arg10[%add3A_12, %dma_start3A_32] : memref<10112x128xf32, #tpu.memory_space<vmem_shared>> -> memref<120x128xf32, #tpu.memory_space<vmem_shared>>
      %dma_start3A_34 = arith.constant 0 : i32
      %dma_start3A_35 = arith.constant 0 : i32
      %dma_start3A_36 = tpu.memref_slice %arg9[%dma_start3A_34, %dma_start3A_35] : memref<128x128xf32, #tpu.memory_space<vmem>> -> memref<120x128xf32, #tpu.memory_space<vmem>>
      tpu.enqueue_dma source(%dma_start3A_36 : memref<120x128xf32, #tpu.memory_space<vmem>>) target(%dma_start3A_33 : memref<120x128xf32, #tpu.memory_space<vmem_shared>>) target_semaphore(%run_scoped3A : memref<!tpu.dma_semaphore, #tpu.memory_space<semaphore_mem>>)
      %dma_wait3A = arith.constant 0 : i32
      %dma_wait3A_37 = arith.constant 0 : i32
      %dma_wait3A_38 = tpu.memref_slice %arg9[%dma_wait3A, %dma_wait3A_37] : memref<128x128xf32, #tpu.memory_space<vmem>> -> memref<120x128xf32, #tpu.memory_space<vmem>>
      %dma_wait3A_39 = arith.constant 0 : i32
      %dma_wait3A_40 = tpu.memref_slice %arg10[%add3A_12, %dma_wait3A_39] : memref<10112x128xf32, #tpu.memory_space<vmem_shared>> -> memref<120x128xf32, #tpu.memory_space<vmem_shared>>
      %dma_wait3A_41 = arith.constant 0 : i32
      %dma_wait3A_42 = tpu.memref_slice %arg10[%add3A_12, %dma_wait3A_41] : memref<10112x128xf32, #tpu.memory_space<vmem_shared>> -> memref<120x128xf32, #tpu.memory_space<vmem_shared>>
      %dma_wait3A_43 = arith.constant 0 : i32
      %dma_wait3A_44 = arith.constant 0 : i32
      %dma_wait3A_45 = tpu.memref_slice %arg9[%dma_wait3A_43, %dma_wait3A_44] : memref<128x128xf32, #tpu.memory_space<vmem>> -> memref<120x128xf32, #tpu.memory_space<vmem>>
      tpu.wait_dma2 semaphore(%run_scoped3A : memref<!tpu.dma_semaphore, #tpu.memory_space<semaphore_mem>>) src(%dma_wait3A_45 : memref<120x128xf32, #tpu.memory_space<vmem>>) dst(%dma_wait3A_42 : memref<120x128xf32, #tpu.memory_space<vmem_shared>>)
      tpu.yield
    }) : () -> ()
    %barrier3A = arith.constant 0 : index
    tpu.barrier barrier_id(%barrier3A)
    %scan3A = arith.constant 0 : i32
    %scan3A_13 = arith.constant 79 : i32
    %scan3A_14 = arith.addi %scan3A, %scan3A_13 : i32
    %scan3A_15 = arith.constant 1 : i32
    scf.for %scan3A_28 = %scan3A to %scan3A_14 step %scan3A_15  : i32 {
      %mul3A_29 = arith.constant 1 : i32
      %mul3A_30 = arith.muli %scan3A_28, %mul3A_29 : i32
      %add3A_31 = arith.constant 0 : i32
      %add3A_32 = arith.addi %add3A_31, %mul3A_30 : i32
      "tpu.region"() ({
        %run_scoped3A = tpu.sem_alloc : memref<!tpu.dma_semaphore, #tpu.memory_space<semaphore_mem>>
        %dma_start3A = arith.constant 0 : i32
        %dma_start3A_33 = tpu.memref_slice %arg7[%add3A_32, %dma_start3A] : memref<79x128xi32, #tpu.memory_space<vmem>> -> memref<1x128xi32, #tpu.memory_space<vmem>>
        %dma_start3A_34 = tpu.memref_squeeze %dma_start3A_33 : memref<1x128xi32, #tpu.memory_space<vmem>> -> memref<128xi32, #tpu.memory_space<vmem>>
        %dma_start3A_35 = arith.constant 0 : i32
        %dma_start3A_36 = arith.constant 0 : i32
        %dma_start3A_37 = tpu.memref_slice %arg2[%dma_start3A_35, %dma_start3A_36] : memref<10000x128xf32, #tpu.memory_space<hbm>> -> memref<10000x128xf32, #tpu.memory_space<hbm>>
        tpu.enqueue_indirect_dma source(%dma_start3A_37 : memref<10000x128xf32, #tpu.memory_space<hbm>>) target(%arg9 : memref<128x128xf32, #tpu.memory_space<vmem>>) offsets(%dma_start3A_34 : memref<128xi32, #tpu.memory_space<vmem>>) semaphore(%run_scoped3A : memref<!tpu.dma_semaphore, #tpu.memory_space<semaphore_mem>>)
        %dma_wait3A = arith.constant 0 : i32
        %dma_wait3A_38 = tpu.memref_slice %arg7[%add3A_32, %dma_wait3A] : memref<79x128xi32, #tpu.memory_space<vmem>> -> memref<1x128xi32, #tpu.memory_space<vmem>>
        %dma_wait3A_39 = tpu.memref_squeeze %dma_wait3A_38 : memref<1x128xi32, #tpu.memory_space<vmem>> -> memref<128xi32, #tpu.memory_space<vmem>>
        %dma_wait3A_40 = arith.constant 0 : i32
        %dma_wait3A_41 = arith.constant 0 : i32
        %dma_wait3A_42 = tpu.memref_slice %arg2[%dma_wait3A_40, %dma_wait3A_41] : memref<10000x128xf32, #tpu.memory_space<hbm>> -> memref<10000x128xf32, #tpu.memory_space<hbm>>
        tpu.wait_indirect_dma semaphore(%run_scoped3A : memref<!tpu.dma_semaphore, #tpu.memory_space<semaphore_mem>>) src(%dma_wait3A_42 : memref<10000x128xf32, #tpu.memory_space<hbm>>) dst(%arg9 : memref<128x128xf32, #tpu.memory_space<vmem>>)
        tpu.yield
      }) : () -> ()
      "tpu.region"() ({
        %run_scoped3A = tpu.sem_alloc : memref<!tpu.dma_semaphore, #tpu.memory_space<semaphore_mem>>
        %dma_start3A = arith.constant 0 : i32
        %dma_start3A_33 = tpu.memref_slice %arg8[%add3A_32, %dma_start3A] : memref<79x128xi32, #tpu.memory_space<vmem>> -> memref<1x128xi32, #tpu.memory_space<vmem>>
        %dma_start3A_34 = tpu.memref_squeeze %dma_start3A_33 : memref<1x128xi32, #tpu.memory_space<vmem>> -> memref<128xi32, #tpu.memory_space<vmem>>
        %dma_start3A_35 = arith.constant 0 : i32
        %dma_start3A_36 = arith.constant 0 : i32
        %dma_start3A_37 = tpu.memref_slice %arg10[%dma_start3A_35, %dma_start3A_36] : memref<10112x128xf32, #tpu.memory_space<vmem_shared>> -> memref<10112x128xf32, #tpu.memory_space<vmem_shared>>
        tpu.enqueue_indirect_dma source(%arg9 : memref<128x128xf32, #tpu.memory_space<vmem>>) target(%dma_start3A_37 : memref<10112x128xf32, #tpu.memory_space<vmem_shared>>) offsets(%dma_start3A_34 : memref<128xi32, #tpu.memory_space<vmem>>) semaphore(%run_scoped3A : memref<!tpu.dma_semaphore, #tpu.memory_space<semaphore_mem>>) {add = true}
        %dma_wait3A = arith.constant 0 : i32
        %dma_wait3A_38 = tpu.memref_slice %arg8[%add3A_32, %dma_wait3A] : memref<79x128xi32, #tpu.memory_space<vmem>> -> memref<1x128xi32, #tpu.memory_space<vmem>>
        %dma_wait3A_39 = tpu.memref_squeeze %dma_wait3A_38 : memref<1x128xi32, #tpu.memory_space<vmem>> -> memref<128xi32, #tpu.memory_space<vmem>>
        %dma_wait3A_40 = arith.constant 0 : i32
        %dma_wait3A_41 = arith.constant 0 : i32
        %dma_wait3A_42 = tpu.memref_slice %arg10[%dma_wait3A_40, %dma_wait3A_41] : memref<10112x128xf32, #tpu.memory_space<vmem_shared>> -> memref<10112x128xf32, #tpu.memory_space<vmem_shared>>
        tpu.wait_indirect_dma semaphore(%run_scoped3A : memref<!tpu.dma_semaphore, #tpu.memory_space<semaphore_mem>>) src(%arg9 : memref<128x128xf32, #tpu.memory_space<vmem>>) dst(%dma_wait3A_42 : memref<10112x128xf32, #tpu.memory_space<vmem_shared>>)
        tpu.yield
      }) : () -> ()
    }
    %scan3A_16 = arith.constant 79 : i32
    %barrier3A_17 = arith.constant 0 : index
    tpu.barrier barrier_id(%barrier3A_17)
    %add3A_18 = arith.constant 0 : i32
    %add3A_19 = arith.addi %mul3A_2, %add3A_18 : i32
    "tpu.region"() ({
      %run_scoped3A = tpu.sem_alloc : memref<!tpu.dma_semaphore, #tpu.memory_space<semaphore_mem>>
      %dma_start3A = arith.constant 0 : i32
      %dma_start3A_28 = tpu.memref_slice %arg10[%add3A_19, %dma_start3A] : memref<10112x128xf32, #tpu.memory_space<vmem_shared>> -> memref<128x128xf32, #tpu.memory_space<vmem_shared>>
      %dma_start3A_29 = arith.constant 0 : i32
      %dma_start3A_30 = tpu.memref_slice %arg10[%add3A_19, %dma_start3A_29] : memref<10112x128xf32, #tpu.memory_space<vmem_shared>> -> memref<128x128xf32, #tpu.memory_space<vmem_shared>>
      tpu.enqueue_dma source(%dma_start3A_30 : memref<128x128xf32, #tpu.memory_space<vmem_shared>>) target(%arg9 : memref<128x128xf32, #tpu.memory_space<vmem>>) target_semaphore(%run_scoped3A : memref<!tpu.dma_semaphore, #tpu.memory_space<semaphore_mem>>)
      %dma_wait3A = arith.constant 0 : i32
      %dma_wait3A_31 = tpu.memref_slice %arg10[%add3A_19, %dma_wait3A] : memref<10112x128xf32, #tpu.memory_space<vmem_shared>> -> memref<128x128xf32, #tpu.memory_space<vmem_shared>>
      %dma_wait3A_32 = arith.constant 0 : i32
      %dma_wait3A_33 = tpu.memref_slice %arg10[%add3A_19, %dma_wait3A_32] : memref<10112x128xf32, #tpu.memory_space<vmem_shared>> -> memref<128x128xf32, #tpu.memory_space<vmem_shared>>
      tpu.wait_dma2 semaphore(%run_scoped3A : memref<!tpu.dma_semaphore, #tpu.memory_space<semaphore_mem>>) src(%dma_wait3A_33 : memref<128x128xf32, #tpu.memory_space<vmem_shared>>) dst(%arg9 : memref<128x128xf32, #tpu.memory_space<vmem>>)
      tpu.yield
    }) : () -> ()
    "tpu.region"() ({
      %run_scoped3A = tpu.sem_alloc : memref<!tpu.dma_semaphore, #tpu.memory_space<semaphore_mem>>
      %dma_start3A = arith.constant 0 : i32
      %dma_start3A_28 = tpu.memref_slice %arg6[%arg0, %add3A_19, %dma_start3A] : memref<2x10112x128xf32, #tpu.memory_space<hbm>> -> memref<1x128x128xf32, #tpu.memory_space<hbm>>
      %dma_start3A_29 = tpu.memref_squeeze %dma_start3A_28 : memref<1x128x128xf32, #tpu.memory_space<hbm>> -> memref<128x128xf32, #tpu.memory_space<hbm>>
      %dma_start3A_30 = arith.constant 0 : i32
      %dma_start3A_31 = tpu.memref_slice %arg6[%arg0, %add3A_19, %dma_start3A_30] : memref<2x10112x128xf32, #tpu.memory_space<hbm>> -> memref<1x128x128xf32, #tpu.memory_space<hbm>>
      %dma_start3A_32 = tpu.memref_squeeze %dma_start3A_31 : memref<1x128x128xf32, #tpu.memory_space<hbm>> -> memref<128x128xf32, #tpu.memory_space<hbm>>
      tpu.enqueue_dma source(%arg9 : memref<128x128xf32, #tpu.memory_space<vmem>>) target(%dma_start3A_32 : memref<128x128xf32, #tpu.memory_space<hbm>>) target_semaphore(%run_scoped3A : memref<!tpu.dma_semaphore, #tpu.memory_space<semaphore_mem>>)
      %dma_wait3A = arith.constant 0 : i32
      %dma_wait3A_33 = tpu.memref_slice %arg6[%arg0, %add3A_19, %dma_wait3A] : memref<2x10112x128xf32, #tpu.memory_space<hbm>> -> memref<1x128x128xf32, #tpu.memory_space<hbm>>
      %dma_wait3A_34 = tpu.memref_squeeze %dma_wait3A_33 : memref<1x128x128xf32, #tpu.memory_space<hbm>> -> memref<128x128xf32, #tpu.memory_space<hbm>>
      %dma_wait3A_35 = arith.constant 0 : i32
      %dma_wait3A_36 = tpu.memref_slice %arg6[%arg0, %add3A_19, %dma_wait3A_35] : memref<2x10112x128xf32, #tpu.memory_space<hbm>> -> memref<1x128x128xf32, #tpu.memory_space<hbm>>
      %dma_wait3A_37 = tpu.memref_squeeze %dma_wait3A_36 : memref<1x128x128xf32, #tpu.memory_space<hbm>> -> memref<128x128xf32, #tpu.memory_space<hbm>>
      tpu.wait_dma2 semaphore(%run_scoped3A : memref<!tpu.dma_semaphore, #tpu.memory_space<semaphore_mem>>) src(%arg9 : memref<128x128xf32, #tpu.memory_space<vmem>>) dst(%dma_wait3A_37 : memref<128x128xf32, #tpu.memory_space<hbm>>)
      tpu.yield
    }) : () -> ()
    %add3A_20 = arith.constant 128 : i32
    %add3A_21 = arith.addi %mul3A_2, %add3A_20 : i32
    "tpu.region"() ({
      %run_scoped3A = tpu.sem_alloc : memref<!tpu.dma_semaphore, #tpu.memory_space<semaphore_mem>>
      %dma_start3A = arith.constant 0 : i32
      %dma_start3A_28 = tpu.memref_slice %arg10[%add3A_21, %dma_start3A] : memref<10112x128xf32, #tpu.memory_space<vmem_shared>> -> memref<128x128xf32, #tpu.memory_space<vmem_shared>>
      %dma_start3A_29 = arith.constant 0 : i32
      %dma_start3A_30 = tpu.memref_slice %arg10[%add3A_21, %dma_start3A_29] : memref<10112x128xf32, #tpu.memory_space<vmem_shared>> -> memref<128x128xf32, #tpu.memory_space<vmem_shared>>
      tpu.enqueue_dma source(%dma_start3A_30 : memref<128x128xf32, #tpu.memory_space<vmem_shared>>) target(%arg9 : memref<128x128xf32, #tpu.memory_space<vmem>>) target_semaphore(%run_scoped3A : memref<!tpu.dma_semaphore, #tpu.memory_space<semaphore_mem>>)
      %dma_wait3A = arith.constant 0 : i32
      %dma_wait3A_31 = tpu.memref_slice %arg10[%add3A_21, %dma_wait3A] : memref<10112x128xf32, #tpu.memory_space<vmem_shared>> -> memref<128x128xf32, #tpu.memory_space<vmem_shared>>
      %dma_wait3A_32 = arith.constant 0 : i32
      %dma_wait3A_33 = tpu.memref_slice %arg10[%add3A_21, %dma_wait3A_32] : memref<10112x128xf32, #tpu.memory_space<vmem_shared>> -> memref<128x128xf32, #tpu.memory_space<vmem_shared>>
      tpu.wait_dma2 semaphore(%run_scoped3A : memref<!tpu.dma_semaphore, #tpu.memory_space<semaphore_mem>>) src(%dma_wait3A_33 : memref<128x128xf32, #tpu.memory_space<vmem_shared>>) dst(%arg9 : memref<128x128xf32, #tpu.memory_space<vmem>>)
      tpu.yield
    }) : () -> ()
    "tpu.region"() ({
      %run_scoped3A = tpu.sem_alloc : memref<!tpu.dma_semaphore, #tpu.memory_space<semaphore_mem>>
      %dma_start3A = arith.constant 0 : i32
      %dma_start3A_28 = tpu.memref_slice %arg6[%arg0, %add3A_21, %dma_start3A] : memref<2x10112x128xf32, #tpu.memory_space<hbm>> -> memref<1x128x128xf32, #tpu.memory_space<hbm>>
      %dma_start3A_29 = tpu.memref_squeeze %dma_start3A_28 : memref<1x128x128xf32, #tpu.memory_space<hbm>> -> memref<128x128xf32, #tpu.memory_space<hbm>>
      %dma_start3A_30 = arith.constant 0 : i32
      %dma_start3A_31 = tpu.memref_slice %arg6[%arg0, %add3A_21, %dma_start3A_30] : memref<2x10112x128xf32, #tpu.memory_space<hbm>> -> memref<1x128x128xf32, #tpu.memory_space<hbm>>
      %dma_start3A_32 = tpu.memref_squeeze %dma_start3A_31 : memref<1x128x128xf32, #tpu.memory_space<hbm>> -> memref<128x128xf32, #tpu.memory_space<hbm>>
      tpu.enqueue_dma source(%arg9 : memref<128x128xf32, #tpu.memory_space<vmem>>) target(%dma_start3A_32 : memref<128x128xf32, #tpu.memory_space<hbm>>) target_semaphore(%run_scoped3A : memref<!tpu.dma_semaphore, #tpu.memory_space<semaphore_mem>>)
      %dma_wait3A = arith.constant 0 : i32
      %dma_wait3A_33 = tpu.memref_slice %arg6[%arg0, %add3A_21, %dma_wait3A] : memref<2x10112x128xf32, #tpu.memory_space<hbm>> -> memref<1x128x128xf32, #tpu.memory_space<hbm>>
      %dma_wait3A_34 = tpu.memref_squeeze %dma_wait3A_33 : memref<1x128x128xf32, #tpu.memory_space<hbm>> -> memref<128x128xf32, #tpu.memory_space<hbm>>
      %dma_wait3A_35 = arith.constant 0 : i32
      %dma_wait3A_36 = tpu.memref_slice %arg6[%arg0, %add3A_21, %dma_wait3A_35] : memref<2x10112x128xf32, #tpu.memory_space<hbm>> -> memref<1x128x128xf32, #tpu.memory_space<hbm>>
      %dma_wait3A_37 = tpu.memref_squeeze %dma_wait3A_36 : memref<1x128x128xf32, #tpu.memory_space<hbm>> -> memref<128x128xf32, #tpu.memory_space<hbm>>
      tpu.wait_dma2 semaphore(%run_scoped3A : memref<!tpu.dma_semaphore, #tpu.memory_space<semaphore_mem>>) src(%arg9 : memref<128x128xf32, #tpu.memory_space<vmem>>) dst(%dma_wait3A_37 : memref<128x128xf32, #tpu.memory_space<hbm>>)
      tpu.yield
    }) : () -> ()
    %add3A_22 = arith.constant 256 : i32
    %add3A_23 = arith.addi %mul3A_2, %add3A_22 : i32
    "tpu.region"() ({
      %run_scoped3A = tpu.sem_alloc : memref<!tpu.dma_semaphore, #tpu.memory_space<semaphore_mem>>
      %dma_start3A = arith.constant 0 : i32
      %dma_start3A_28 = tpu.memref_slice %arg10[%add3A_23, %dma_start3A] : memref<10112x128xf32, #tpu.memory_space<vmem_shared>> -> memref<128x128xf32, #tpu.memory_space<vmem_shared>>
      %dma_start3A_29 = arith.constant 0 : i32
      %dma_start3A_30 = tpu.memref_slice %arg10[%add3A_23, %dma_start3A_29] : memref<10112x128xf32, #tpu.memory_space<vmem_shared>> -> memref<128x128xf32, #tpu.memory_space<vmem_shared>>
      tpu.enqueue_dma source(%dma_start3A_30 : memref<128x128xf32, #tpu.memory_space<vmem_shared>>) target(%arg9 : memref<128x128xf32, #tpu.memory_space<vmem>>) target_semaphore(%run_scoped3A : memref<!tpu.dma_semaphore, #tpu.memory_space<semaphore_mem>>)
      %dma_wait3A = arith.constant 0 : i32
      %dma_wait3A_31 = tpu.memref_slice %arg10[%add3A_23, %dma_wait3A] : memref<10112x128xf32, #tpu.memory_space<vmem_shared>> -> memref<128x128xf32, #tpu.memory_space<vmem_shared>>
      %dma_wait3A_32 = arith.constant 0 : i32
      %dma_wait3A_33 = tpu.memref_slice %arg10[%add3A_23, %dma_wait3A_32] : memref<10112x128xf32, #tpu.memory_space<vmem_shared>> -> memref<128x128xf32, #tpu.memory_space<vmem_shared>>
      tpu.wait_dma2 semaphore(%run_scoped3A : memref<!tpu.dma_semaphore, #tpu.memory_space<semaphore_mem>>) src(%dma_wait3A_33 : memref<128x128xf32, #tpu.memory_space<vmem_shared>>) dst(%arg9 : memref<128x128xf32, #tpu.memory_space<vmem>>)
      tpu.yield
    }) : () -> ()
    "tpu.region"() ({
      %run_scoped3A = tpu.sem_alloc : memref<!tpu.dma_semaphore, #tpu.memory_space<semaphore_mem>>
      %dma_start3A = arith.constant 0 : i32
      %dma_start3A_28 = tpu.memref_slice %arg6[%arg0, %add3A_23, %dma_start3A] : memref<2x10112x128xf32, #tpu.memory_space<hbm>> -> memref<1x128x128xf32, #tpu.memory_space<hbm>>
      %dma_start3A_29 = tpu.memref_squeeze %dma_start3A_28 : memref<1x128x128xf32, #tpu.memory_space<hbm>> -> memref<128x128xf32, #tpu.memory_space<hbm>>
      %dma_start3A_30 = arith.constant 0 : i32
      %dma_start3A_31 = tpu.memref_slice %arg6[%arg0, %add3A_23, %dma_start3A_30] : memref<2x10112x128xf32, #tpu.memory_space<hbm>> -> memref<1x128x128xf32, #tpu.memory_space<hbm>>
      %dma_start3A_32 = tpu.memref_squeeze %dma_start3A_31 : memref<1x128x128xf32, #tpu.memory_space<hbm>> -> memref<128x128xf32, #tpu.memory_space<hbm>>
      tpu.enqueue_dma source(%arg9 : memref<128x128xf32, #tpu.memory_space<vmem>>) target(%dma_start3A_32 : memref<128x128xf32, #tpu.memory_space<hbm>>) target_semaphore(%run_scoped3A : memref<!tpu.dma_semaphore, #tpu.memory_space<semaphore_mem>>)
      %dma_wait3A = arith.constant 0 : i32
      %dma_wait3A_33 = tpu.memref_slice %arg6[%arg0, %add3A_23, %dma_wait3A] : memref<2x10112x128xf32, #tpu.memory_space<hbm>> -> memref<1x128x128xf32, #tpu.memory_space<hbm>>
      %dma_wait3A_34 = tpu.memref_squeeze %dma_wait3A_33 : memref<1x128x128xf32, #tpu.memory_space<hbm>> -> memref<128x128xf32, #tpu.memory_space<hbm>>
      %dma_wait3A_35 = arith.constant 0 : i32
      %dma_wait3A_36 = tpu.memref_slice %arg6[%arg0, %add3A_23, %dma_wait3A_35] : memref<2x10112x128xf32, #tpu.memory_space<hbm>> -> memref<1x128x128xf32, #tpu.memory_space<hbm>>
      %dma_wait3A_37 = tpu.memref_squeeze %dma_wait3A_36 : memref<1x128x128xf32, #tpu.memory_space<hbm>> -> memref<128x128xf32, #tpu.memory_space<hbm>>
      tpu.wait_dma2 semaphore(%run_scoped3A : memref<!tpu.dma_semaphore, #tpu.memory_space<semaphore_mem>>) src(%arg9 : memref<128x128xf32, #tpu.memory_space<vmem>>) dst(%dma_wait3A_37 : memref<128x128xf32, #tpu.memory_space<hbm>>)
      tpu.yield
    }) : () -> ()
    %add3A_24 = arith.constant 384 : i32
    %add3A_25 = arith.addi %mul3A_2, %add3A_24 : i32
    "tpu.region"() ({
      %run_scoped3A = tpu.sem_alloc : memref<!tpu.dma_semaphore, #tpu.memory_space<semaphore_mem>>
      %dma_start3A = arith.constant 0 : i32
      %dma_start3A_28 = tpu.memref_slice %arg10[%add3A_25, %dma_start3A] : memref<10112x128xf32, #tpu.memory_space<vmem_shared>> -> memref<128x128xf32, #tpu.memory_space<vmem_shared>>
      %dma_start3A_29 = arith.constant 0 : i32
      %dma_start3A_30 = tpu.memref_slice %arg10[%add3A_25, %dma_start3A_29] : memref<10112x128xf32, #tpu.memory_space<vmem_shared>> -> memref<128x128xf32, #tpu.memory_space<vmem_shared>>
      tpu.enqueue_dma source(%dma_start3A_30 : memref<128x128xf32, #tpu.memory_space<vmem_shared>>) target(%arg9 : memref<128x128xf32, #tpu.memory_space<vmem>>) target_semaphore(%run_scoped3A : memref<!tpu.dma_semaphore, #tpu.memory_space<semaphore_mem>>)
      %dma_wait3A = arith.constant 0 : i32
      %dma_wait3A_31 = tpu.memref_slice %arg10[%add3A_25, %dma_wait3A] : memref<10112x128xf32, #tpu.memory_space<vmem_shared>> -> memref<128x128xf32, #tpu.memory_space<vmem_shared>>
      %dma_wait3A_32 = arith.constant 0 : i32
      %dma_wait3A_33 = tpu.memref_slice %arg10[%add3A_25, %dma_wait3A_32] : memref<10112x128xf32, #tpu.memory_space<vmem_shared>> -> memref<128x128xf32, #tpu.memory_space<vmem_shared>>
      tpu.wait_dma2 semaphore(%run_scoped3A : memref<!tpu.dma_semaphore, #tpu.memory_space<semaphore_mem>>) src(%dma_wait3A_33 : memref<128x128xf32, #tpu.memory_space<vmem_shared>>) dst(%arg9 : memref<128x128xf32, #tpu.memory_space<vmem>>)
      tpu.yield
    }) : () -> ()
    "tpu.region"() ({
      %run_scoped3A = tpu.sem_alloc : memref<!tpu.dma_semaphore, #tpu.memory_space<semaphore_mem>>
      %dma_start3A = arith.constant 0 : i32
      %dma_start3A_28 = tpu.memref_slice %arg6[%arg0, %add3A_25, %dma_start3A] : memref<2x10112x128xf32, #tpu.memory_space<hbm>> -> memref<1x128x128xf32, #tpu.memory_space<hbm>>
      %dma_start3A_29 = tpu.memref_squeeze %dma_start3A_28 : memref<1x128x128xf32, #tpu.memory_space<hbm>> -> memref<128x128xf32, #tpu.memory_space<hbm>>
      %dma_start3A_30 = arith.constant 0 : i32
      %dma_start3A_31 = tpu.memref_slice %arg6[%arg0, %add3A_25, %dma_start3A_30] : memref<2x10112x128xf32, #tpu.memory_space<hbm>> -> memref<1x128x128xf32, #tpu.memory_space<hbm>>
      %dma_start3A_32 = tpu.memref_squeeze %dma_start3A_31 : memref<1x128x128xf32, #tpu.memory_space<hbm>> -> memref<128x128xf32, #tpu.memory_space<hbm>>
      tpu.enqueue_dma source(%arg9 : memref<128x128xf32, #tpu.memory_space<vmem>>) target(%dma_start3A_32 : memref<128x128xf32, #tpu.memory_space<hbm>>) target_semaphore(%run_scoped3A : memref<!tpu.dma_semaphore, #tpu.memory_space<semaphore_mem>>)
      %dma_wait3A = arith.constant 0 : i32
      %dma_wait3A_33 = tpu.memref_slice %arg6[%arg0, %add3A_25, %dma_wait3A] : memref<2x10112x128xf32, #tpu.memory_space<hbm>> -> memref<1x128x128xf32, #tpu.memory_space<hbm>>
      %dma_wait3A_34 = tpu.memref_squeeze %dma_wait3A_33 : memref<1x128x128xf32, #tpu.memory_space<hbm>> -> memref<128x128xf32, #tpu.memory_space<hbm>>
      %dma_wait3A_35 = arith.constant 0 : i32
      %dma_wait3A_36 = tpu.memref_slice %arg6[%arg0, %add3A_25, %dma_wait3A_35] : memref<2x10112x128xf32, #tpu.memory_space<hbm>> -> memref<1x128x128xf32, #tpu.memory_space<hbm>>
      %dma_wait3A_37 = tpu.memref_squeeze %dma_wait3A_36 : memref<1x128x128xf32, #tpu.memory_space<hbm>> -> memref<128x128xf32, #tpu.memory_space<hbm>>
      tpu.wait_dma2 semaphore(%run_scoped3A : memref<!tpu.dma_semaphore, #tpu.memory_space<semaphore_mem>>) src(%arg9 : memref<128x128xf32, #tpu.memory_space<vmem>>) dst(%dma_wait3A_37 : memref<128x128xf32, #tpu.memory_space<hbm>>)
      tpu.yield
    }) : () -> ()
    %add3A_26 = arith.constant 512 : i32
    %add3A_27 = arith.addi %mul3A_2, %add3A_26 : i32
    "tpu.region"() ({
      %run_scoped3A = tpu.sem_alloc : memref<!tpu.dma_semaphore, #tpu.memory_space<semaphore_mem>>
      %dma_start3A = arith.constant 0 : i32
      %dma_start3A_28 = arith.constant 0 : i32
      %dma_start3A_29 = tpu.memref_slice %arg9[%dma_start3A, %dma_start3A_28] : memref<128x128xf32, #tpu.memory_space<vmem>> -> memref<120x128xf32, #tpu.memory_space<vmem>>
      %dma_start3A_30 = arith.constant 0 : i32
      %dma_start3A_31 = tpu.memref_slice %arg10[%add3A_27, %dma_start3A_30] : memref<10112x128xf32, #tpu.memory_space<vmem_shared>> -> memref<120x128xf32, #tpu.memory_space<vmem_shared>>
      %dma_start3A_32 = arith.constant 0 : i32
      %dma_start3A_33 = arith.constant 0 : i32
      %dma_start3A_34 = tpu.memref_slice %arg9[%dma_start3A_32, %dma_start3A_33] : memref<128x128xf32, #tpu.memory_space<vmem>> -> memref<120x128xf32, #tpu.memory_space<vmem>>
      %dma_start3A_35 = arith.constant 0 : i32
      %dma_start3A_36 = tpu.memref_slice %arg10[%add3A_27, %dma_start3A_35] : memref<10112x128xf32, #tpu.memory_space<vmem_shared>> -> memref<120x128xf32, #tpu.memory_space<vmem_shared>>
      tpu.enqueue_dma source(%dma_start3A_36 : memref<120x128xf32, #tpu.memory_space<vmem_shared>>) target(%dma_start3A_34 : memref<120x128xf32, #tpu.memory_space<vmem>>) target_semaphore(%run_scoped3A : memref<!tpu.dma_semaphore, #tpu.memory_space<semaphore_mem>>)
      %dma_wait3A = arith.constant 0 : i32
      %dma_wait3A_37 = arith.constant 0 : i32
      %dma_wait3A_38 = tpu.memref_slice %arg9[%dma_wait3A, %dma_wait3A_37] : memref<128x128xf32, #tpu.memory_space<vmem>> -> memref<120x128xf32, #tpu.memory_space<vmem>>
      %dma_wait3A_39 = arith.constant 0 : i32
      %dma_wait3A_40 = tpu.memref_slice %arg10[%add3A_27, %dma_wait3A_39] : memref<10112x128xf32, #tpu.memory_space<vmem_shared>> -> memref<120x128xf32, #tpu.memory_space<vmem_shared>>
      %dma_wait3A_41 = arith.constant 0 : i32
      %dma_wait3A_42 = arith.constant 0 : i32
      %dma_wait3A_43 = tpu.memref_slice %arg9[%dma_wait3A_41, %dma_wait3A_42] : memref<128x128xf32, #tpu.memory_space<vmem>> -> memref<120x128xf32, #tpu.memory_space<vmem>>
      %dma_wait3A_44 = arith.constant 0 : i32
      %dma_wait3A_45 = tpu.memref_slice %arg10[%add3A_27, %dma_wait3A_44] : memref<10112x128xf32, #tpu.memory_space<vmem_shared>> -> memref<120x128xf32, #tpu.memory_space<vmem_shared>>
      tpu.wait_dma2 semaphore(%run_scoped3A : memref<!tpu.dma_semaphore, #tpu.memory_space<semaphore_mem>>) src(%dma_wait3A_45 : memref<120x128xf32, #tpu.memory_space<vmem_shared>>) dst(%dma_wait3A_43 : memref<120x128xf32, #tpu.memory_space<vmem>>)
      tpu.yield
    }) : () -> ()
    "tpu.region"() ({
      %run_scoped3A = tpu.sem_alloc : memref<!tpu.dma_semaphore, #tpu.memory_space<semaphore_mem>>
      %dma_start3A = arith.constant 0 : i32
      %dma_start3A_28 = arith.constant 0 : i32
      %dma_start3A_29 = tpu.memref_slice %arg9[%dma_start3A, %dma_start3A_28] : memref<128x128xf32, #tpu.memory_space<vmem>> -> memref<120x128xf32, #tpu.memory_space<vmem>>
      %dma_start3A_30 = arith.constant 0 : i32
      %dma_start3A_31 = tpu.memref_slice %arg6[%arg0, %add3A_27, %dma_start3A_30] : memref<2x10112x128xf32, #tpu.memory_space<hbm>> -> memref<1x120x128xf32, #tpu.memory_space<hbm>>
      %dma_start3A_32 = tpu.memref_squeeze %dma_start3A_31 : memref<1x120x128xf32, #tpu.memory_space<hbm>> -> memref<120x128xf32, #tpu.memory_space<hbm>>
      %dma_start3A_33 = arith.constant 0 : i32
      %dma_start3A_34 = tpu.memref_slice %arg6[%arg0, %add3A_27, %dma_start3A_33] : memref<2x10112x128xf32, #tpu.memory_space<hbm>> -> memref<1x120x128xf32, #tpu.memory_space<hbm>>
      %dma_start3A_35 = tpu.memref_squeeze %dma_start3A_34 : memref<1x120x128xf32, #tpu.memory_space<hbm>> -> memref<120x128xf32, #tpu.memory_space<hbm>>
      %dma_start3A_36 = arith.constant 0 : i32
      %dma_start3A_37 = arith.constant 0 : i32
      %dma_start3A_38 = tpu.memref_slice %arg9[%dma_start3A_36, %dma_start3A_37] : memref<128x128xf32, #tpu.memory_space<vmem>> -> memref<120x128xf32, #tpu.memory_space<vmem>>
      tpu.enqueue_dma source(%dma_start3A_38 : memref<120x128xf32, #tpu.memory_space<vmem>>) target(%dma_start3A_35 : memref<120x128xf32, #tpu.memory_space<hbm>>) target_semaphore(%run_scoped3A : memref<!tpu.dma_semaphore, #tpu.memory_space<semaphore_mem>>)
      %dma_wait3A = arith.constant 0 : i32
      %dma_wait3A_39 = arith.constant 0 : i32
      %dma_wait3A_40 = tpu.memref_slice %arg9[%dma_wait3A, %dma_wait3A_39] : memref<128x128xf32, #tpu.memory_space<vmem>> -> memref<120x128xf32, #tpu.memory_space<vmem>>
      %dma_wait3A_41 = arith.constant 0 : i32
      %dma_wait3A_42 = tpu.memref_slice %arg6[%arg0, %add3A_27, %dma_wait3A_41] : memref<2x10112x128xf32, #tpu.memory_space<hbm>> -> memref<1x120x128xf32, #tpu.memory_space<hbm>>
      %dma_wait3A_43 = tpu.memref_squeeze %dma_wait3A_42 : memref<1x120x128xf32, #tpu.memory_space<hbm>> -> memref<120x128xf32, #tpu.memory_space<hbm>>
      %dma_wait3A_44 = arith.constant 0 : i32
      %dma_wait3A_45 = tpu.memref_slice %arg6[%arg0, %add3A_27, %dma_wait3A_44] : memref<2x10112x128xf32, #tpu.memory_space<hbm>> -> memref<1x120x128xf32, #tpu.memory_space<hbm>>
      %dma_wait3A_46 = tpu.memref_squeeze %dma_wait3A_45 : memref<1x120x128xf32, #tpu.memory_space<hbm>> -> memref<120x128xf32, #tpu.memory_space<hbm>>
      %dma_wait3A_47 = arith.constant 0 : i32
      %dma_wait3A_48 = arith.constant 0 : i32
      %dma_wait3A_49 = tpu.memref_slice %arg9[%dma_wait3A_47, %dma_wait3A_48] : memref<128x128xf32, #tpu.memory_space<vmem>> -> memref<120x128xf32, #tpu.memory_space<vmem>>
      tpu.wait_dma2 semaphore(%run_scoped3A : memref<!tpu.dma_semaphore, #tpu.memory_space<semaphore_mem>>) src(%dma_wait3A_49 : memref<120x128xf32, #tpu.memory_space<vmem>>) dst(%dma_wait3A_46 : memref<120x128xf32, #tpu.memory_space<hbm>>)
      tpu.yield
    }) : () -> ()
    return
  }
}

#map = affine_map<(d0, d1) -> (0, 0)>
#map1 = affine_map<(d0, d1) -> (0, 0, 0)>
module attributes {stable_mosaic.version = 14 : i64} {
  func.func @k(%arg0: i32, %arg1: i32, %arg2: memref<10000x128xf32, #tpu.memory_space<hbm>>, %arg3: memref<32x79x128xi32, #tpu.memory_space<hbm>>, %arg4: memref<32x79x128xi32, #tpu.memory_space<hbm>>, %arg5: memref<128x128xf32, #tpu.memory_space<hbm>>, %arg6: memref<2x10112x128xf32, #tpu.memory_space<hbm>>, %arg7: memref<79x128xi32, #tpu.memory_space<vmem>>, %arg8: memref<79x128xi32, #tpu.memory_space<vmem>>, %arg9: memref<128x128xf32, #tpu.memory_space<vmem>>, %arg10: memref<10112x128xf32, #tpu.memory_space<vmem_shared>>) attributes {dimension_semantics = [#tpu.dimension_semantics<core_parallel>, #tpu.dimension_semantics<subcore_parallel>], iteration_bounds = array<i64: 2, 16>, scalar_prefetch = 0 : i64, scratch_operands = 4 : i64, tpu.core_type = #tpu.core_type<sc_vector_subcore>, window_params = [{transform_indices = #map}, {transform_indices = #map1}, {transform_indices = #map1}, {transform_indices = #map}, {transform_indices = #map1}]} {
    %mul3A = arith.constant 16 : i32
    %mul3A_0 = arith.muli %arg0, %mul3A : i32
    %add3A = arith.addi %mul3A_0, %arg1 : i32
    "tpu.region"() ({
      %run_scoped3A = tpu.sem_alloc : memref<!tpu.dma_semaphore, #tpu.memory_space<semaphore_mem>>
      %dma_start3A = arith.constant 0 : i32
      %dma_start3A_28 = arith.constant 0 : i32
      %dma_start3A_29 = tpu.memref_slice %arg3[%add3A, %dma_start3A, %dma_start3A_28] : memref<32x79x128xi32, #tpu.memory_space<hbm>> -> memref<1x79x128xi32, #tpu.memory_space<hbm>>
      %dma_start3A_30 = tpu.memref_squeeze %dma_start3A_29 : memref<1x79x128xi32, #tpu.memory_space<hbm>> -> memref<79x128xi32, #tpu.memory_space<hbm>>
      %dma_start3A_31 = arith.constant 0 : i32
      %dma_start3A_32 = arith.constant 0 : i32
      %dma_start3A_33 = tpu.memref_slice %arg3[%add3A, %dma_start3A_31, %dma_start3A_32] : memref<32x79x128xi32, #tpu.memory_space<hbm>> -> memref<1x79x128xi32, #tpu.memory_space<hbm>>
      %dma_start3A_34 = tpu.memref_squeeze %dma_start3A_33 : memref<1x79x128xi32, #tpu.memory_space<hbm>> -> memref<79x128xi32, #tpu.memory_space<hbm>>
      tpu.enqueue_dma source(%dma_start3A_34 : memref<79x128xi32, #tpu.memory_space<hbm>>) target(%arg7 : memref<79x128xi32, #tpu.memory_space<vmem>>) target_semaphore(%run_scoped3A : memref<!tpu.dma_semaphore, #tpu.memory_space<semaphore_mem>>)
      %dma_wait3A = arith.constant 0 : i32
      %dma_wait3A_35 = arith.constant 0 : i32
      %dma_wait3A_36 = tpu.memref_slice %arg3[%add3A, %dma_wait3A, %dma_wait3A_35] : memref<32x79x128xi32, #tpu.memory_space<hbm>> -> memref<1x79x128xi32, #tpu.memory_space<hbm>>
      %dma_wait3A_37 = tpu.memref_squeeze %dma_wait3A_36 : memref<1x79x128xi32, #tpu.memory_space<hbm>> -> memref<79x128xi32, #tpu.memory_space<hbm>>
      %dma_wait3A_38 = arith.constant 0 : i32
      %dma_wait3A_39 = arith.constant 0 : i32
      %dma_wait3A_40 = tpu.memref_slice %arg3[%add3A, %dma_wait3A_38, %dma_wait3A_39] : memref<32x79x128xi32, #tpu.memory_space<hbm>> -> memref<1x79x128xi32, #tpu.memory_space<hbm>>
      %dma_wait3A_41 = tpu.memref_squeeze %dma_wait3A_40 : memref<1x79x128xi32, #tpu.memory_space<hbm>> -> memref<79x128xi32, #tpu.memory_space<hbm>>
      tpu.wait_dma2 semaphore(%run_scoped3A : memref<!tpu.dma_semaphore, #tpu.memory_space<semaphore_mem>>) src(%dma_wait3A_41 : memref<79x128xi32, #tpu.memory_space<hbm>>) dst(%arg7 : memref<79x128xi32, #tpu.memory_space<vmem>>)
      tpu.yield
    }) : () -> ()
    "tpu.region"() ({
      %run_scoped3A = tpu.sem_alloc : memref<!tpu.dma_semaphore, #tpu.memory_space<semaphore_mem>>
      %dma_start3A = arith.constant 0 : i32
      %dma_start3A_28 = arith.constant 0 : i32
      %dma_start3A_29 = tpu.memref_slice %arg4[%add3A, %dma_start3A, %dma_start3A_28] : memref<32x79x128xi32, #tpu.memory_space<hbm>> -> memref<1x79x128xi32, #tpu.memory_space<hbm>>
      %dma_start3A_30 = tpu.memref_squeeze %dma_start3A_29 : memref<1x79x128xi32, #tpu.memory_space<hbm>> -> memref<79x128xi32, #tpu.memory_space<hbm>>
      %dma_start3A_31 = arith.constant 0 : i32
      %dma_start3A_32 = arith.constant 0 : i32
      %dma_start3A_33 = tpu.memref_slice %arg4[%add3A, %dma_start3A_31, %dma_start3A_32] : memref<32x79x128xi32, #tpu.memory_space<hbm>> -> memref<1x79x128xi32, #tpu.memory_space<hbm>>
      %dma_start3A_34 = tpu.memref_squeeze %dma_start3A_33 : memref<1x79x128xi32, #tpu.memory_space<hbm>> -> memref<79x128xi32, #tpu.memory_space<hbm>>
      tpu.enqueue_dma source(%dma_start3A_34 : memref<79x128xi32, #tpu.memory_space<hbm>>) target(%arg8 : memref<79x128xi32, #tpu.memory_space<vmem>>) target_semaphore(%run_scoped3A : memref<!tpu.dma_semaphore, #tpu.memory_space<semaphore_mem>>)
      %dma_wait3A = arith.constant 0 : i32
      %dma_wait3A_35 = arith.constant 0 : i32
      %dma_wait3A_36 = tpu.memref_slice %arg4[%add3A, %dma_wait3A, %dma_wait3A_35] : memref<32x79x128xi32, #tpu.memory_space<hbm>> -> memref<1x79x128xi32, #tpu.memory_space<hbm>>
      %dma_wait3A_37 = tpu.memref_squeeze %dma_wait3A_36 : memref<1x79x128xi32, #tpu.memory_space<hbm>> -> memref<79x128xi32, #tpu.memory_space<hbm>>
      %dma_wait3A_38 = arith.constant 0 : i32
      %dma_wait3A_39 = arith.constant 0 : i32
      %dma_wait3A_40 = tpu.memref_slice %arg4[%add3A, %dma_wait3A_38, %dma_wait3A_39] : memref<32x79x128xi32, #tpu.memory_space<hbm>> -> memref<1x79x128xi32, #tpu.memory_space<hbm>>
      %dma_wait3A_41 = tpu.memref_squeeze %dma_wait3A_40 : memref<1x79x128xi32, #tpu.memory_space<hbm>> -> memref<79x128xi32, #tpu.memory_space<hbm>>
      tpu.wait_dma2 semaphore(%run_scoped3A : memref<!tpu.dma_semaphore, #tpu.memory_space<semaphore_mem>>) src(%dma_wait3A_41 : memref<79x128xi32, #tpu.memory_space<hbm>>) dst(%arg8 : memref<79x128xi32, #tpu.memory_space<vmem>>)
      tpu.yield
    }) : () -> ()
    %mul3A_1 = arith.constant 632 : i32
    %mul3A_2 = arith.muli %arg1, %mul3A_1 : i32
    "tpu.region"() ({
      %run_scoped3A = tpu.sem_alloc : memref<!tpu.dma_semaphore, #tpu.memory_space<semaphore_mem>>
      tpu.enqueue_dma source(%arg5 : memref<128x128xf32, #tpu.memory_space<hbm>>) target(%arg9 : memref<128x128xf32, #tpu.memory_space<vmem>>) target_semaphore(%run_scoped3A : memref<!tpu.dma_semaphore, #tpu.memory_space<semaphore_mem>>)
      tpu.wait_dma2 semaphore(%run_scoped3A : memref<!tpu.dma_semaphore, #tpu.memory_space<semaphore_mem>>) src(%arg5 : memref<128x128xf32, #tpu.memory_space<hbm>>) dst(%arg9 : memref<128x128xf32, #tpu.memory_space<vmem>>)
      tpu.yield
    }) : () -> ()
    %add3A_3 = arith.constant 0 : i32
    %add3A_4 = arith.addi %mul3A_2, %add3A_3 : i32
    "tpu.region"() ({
      %run_scoped3A = tpu.sem_alloc : memref<!tpu.dma_semaphore, #tpu.memory_space<semaphore_mem>>
      %dma_start3A = arith.constant 0 : i32
      %dma_start3A_28 = tpu.memref_slice %arg10[%add3A_4, %dma_start3A] : memref<10112x128xf32, #tpu.memory_space<vmem_shared>> -> memref<128x128xf32, #tpu.memory_space<vmem_shared>>
      %dma_start3A_29 = arith.constant 0 : i32
      %dma_start3A_30 = tpu.memref_slice %arg10[%add3A_4, %dma_start3A_29] : memref<10112x128xf32, #tpu.memory_space<vmem_shared>> -> memref<128x128xf32, #tpu.memory_space<vmem_shared>>
      tpu.enqueue_dma source(%arg9 : memref<128x128xf32, #tpu.memory_space<vmem>>) target(%dma_start3A_30 : memref<128x128xf32, #tpu.memory_space<vmem_shared>>) target_semaphore(%run_scoped3A : memref<!tpu.dma_semaphore, #tpu.memory_space<semaphore_mem>>)
      %dma_wait3A = arith.constant 0 : i32
      %dma_wait3A_31 = tpu.memref_slice %arg10[%add3A_4, %dma_wait3A] : memref<10112x128xf32, #tpu.memory_space<vmem_shared>> -> memref<128x128xf32, #tpu.memory_space<vmem_shared>>
      %dma_wait3A_32 = arith.constant 0 : i32
      %dma_wait3A_33 = tpu.memref_slice %arg10[%add3A_4, %dma_wait3A_32] : memref<10112x128xf32, #tpu.memory_space<vmem_shared>> -> memref<128x128xf32, #tpu.memory_space<vmem_shared>>
      tpu.wait_dma2 semaphore(%run_scoped3A : memref<!tpu.dma_semaphore, #tpu.memory_space<semaphore_mem>>) src(%arg9 : memref<128x128xf32, #tpu.memory_space<vmem>>) dst(%dma_wait3A_33 : memref<128x128xf32, #tpu.memory_space<vmem_shared>>)
      tpu.yield
    }) : () -> ()
    %add3A_5 = arith.constant 128 : i32
    %add3A_6 = arith.addi %mul3A_2, %add3A_5 : i32
    "tpu.region"() ({
      %run_scoped3A = tpu.sem_alloc : memref<!tpu.dma_semaphore, #tpu.memory_space<semaphore_mem>>
      %dma_start3A = arith.constant 0 : i32
      %dma_start3A_28 = tpu.memref_slice %arg10[%add3A_6, %dma_start3A] : memref<10112x128xf32, #tpu.memory_space<vmem_shared>> -> memref<128x128xf32, #tpu.memory_space<vmem_shared>>
      %dma_start3A_29 = arith.constant 0 : i32
      %dma_start3A_30 = tpu.memref_slice %arg10[%add3A_6, %dma_start3A_29] : memref<10112x128xf32, #tpu.memory_space<vmem_shared>> -> memref<128x128xf32, #tpu.memory_space<vmem_shared>>
      tpu.enqueue_dma source(%arg9 : memref<128x128xf32, #tpu.memory_space<vmem>>) target(%dma_start3A_30 : memref<128x128xf32, #tpu.memory_space<vmem_shared>>) target_semaphore(%run_scoped3A : memref<!tpu.dma_semaphore, #tpu.memory_space<semaphore_mem>>)
      %dma_wait3A = arith.constant 0 : i32
      %dma_wait3A_31 = tpu.memref_slice %arg10[%add3A_6, %dma_wait3A] : memref<10112x128xf32, #tpu.memory_space<vmem_shared>> -> memref<128x128xf32, #tpu.memory_space<vmem_shared>>
      %dma_wait3A_32 = arith.constant 0 : i32
      %dma_wait3A_33 = tpu.memref_slice %arg10[%add3A_6, %dma_wait3A_32] : memref<10112x128xf32, #tpu.memory_space<vmem_shared>> -> memref<128x128xf32, #tpu.memory_space<vmem_shared>>
      tpu.wait_dma2 semaphore(%run_scoped3A : memref<!tpu.dma_semaphore, #tpu.memory_space<semaphore_mem>>) src(%arg9 : memref<128x128xf32, #tpu.memory_space<vmem>>) dst(%dma_wait3A_33 : memref<128x128xf32, #tpu.memory_space<vmem_shared>>)
      tpu.yield
    }) : () -> ()
    %add3A_7 = arith.constant 256 : i32
    %add3A_8 = arith.addi %mul3A_2, %add3A_7 : i32
    "tpu.region"() ({
      %run_scoped3A = tpu.sem_alloc : memref<!tpu.dma_semaphore, #tpu.memory_space<semaphore_mem>>
      %dma_start3A = arith.constant 0 : i32
      %dma_start3A_28 = tpu.memref_slice %arg10[%add3A_8, %dma_start3A] : memref<10112x128xf32, #tpu.memory_space<vmem_shared>> -> memref<128x128xf32, #tpu.memory_space<vmem_shared>>
      %dma_start3A_29 = arith.constant 0 : i32
      %dma_start3A_30 = tpu.memref_slice %arg10[%add3A_8, %dma_start3A_29] : memref<10112x128xf32, #tpu.memory_space<vmem_shared>> -> memref<128x128xf32, #tpu.memory_space<vmem_shared>>
      tpu.enqueue_dma source(%arg9 : memref<128x128xf32, #tpu.memory_space<vmem>>) target(%dma_start3A_30 : memref<128x128xf32, #tpu.memory_space<vmem_shared>>) target_semaphore(%run_scoped3A : memref<!tpu.dma_semaphore, #tpu.memory_space<semaphore_mem>>)
      %dma_wait3A = arith.constant 0 : i32
      %dma_wait3A_31 = tpu.memref_slice %arg10[%add3A_8, %dma_wait3A] : memref<10112x128xf32, #tpu.memory_space<vmem_shared>> -> memref<128x128xf32, #tpu.memory_space<vmem_shared>>
      %dma_wait3A_32 = arith.constant 0 : i32
      %dma_wait3A_33 = tpu.memref_slice %arg10[%add3A_8, %dma_wait3A_32] : memref<10112x128xf32, #tpu.memory_space<vmem_shared>> -> memref<128x128xf32, #tpu.memory_space<vmem_shared>>
      tpu.wait_dma2 semaphore(%run_scoped3A : memref<!tpu.dma_semaphore, #tpu.memory_space<semaphore_mem>>) src(%arg9 : memref<128x128xf32, #tpu.memory_space<vmem>>) dst(%dma_wait3A_33 : memref<128x128xf32, #tpu.memory_space<vmem_shared>>)
      tpu.yield
    }) : () -> ()
    %add3A_9 = arith.constant 384 : i32
    %add3A_10 = arith.addi %mul3A_2, %add3A_9 : i32
    "tpu.region"() ({
      %run_scoped3A = tpu.sem_alloc : memref<!tpu.dma_semaphore, #tpu.memory_space<semaphore_mem>>
      %dma_start3A = arith.constant 0 : i32
      %dma_start3A_28 = tpu.memref_slice %arg10[%add3A_10, %dma_start3A] : memref<10112x128xf32, #tpu.memory_space<vmem_shared>> -> memref<128x128xf32, #tpu.memory_space<vmem_shared>>
      %dma_start3A_29 = arith.constant 0 : i32
      %dma_start3A_30 = tpu.memref_slice %arg10[%add3A_10, %dma_start3A_29] : memref<10112x128xf32, #tpu.memory_space<vmem_shared>> -> memref<128x128xf32, #tpu.memory_space<vmem_shared>>
      tpu.enqueue_dma source(%arg9 : memref<128x128xf32, #tpu.memory_space<vmem>>) target(%dma_start3A_30 : memref<128x128xf32, #tpu.memory_space<vmem_shared>>) target_semaphore(%run_scoped3A : memref<!tpu.dma_semaphore, #tpu.memory_space<semaphore_mem>>)
      %dma_wait3A = arith.constant 0 : i32
      %dma_wait3A_31 = tpu.memref_slice %arg10[%add3A_10, %dma_wait3A] : memref<10112x128xf32, #tpu.memory_space<vmem_shared>> -> memref<128x128xf32, #tpu.memory_space<vmem_shared>>
      %dma_wait3A_32 = arith.constant 0 : i32
      %dma_wait3A_33 = tpu.memref_slice %arg10[%add3A_10, %dma_wait3A_32] : memref<10112x128xf32, #tpu.memory_space<vmem_shared>> -> memref<128x128xf32, #tpu.memory_space<vmem_shared>>
      tpu.wait_dma2 semaphore(%run_scoped3A : memref<!tpu.dma_semaphore, #tpu.memory_space<semaphore_mem>>) src(%arg9 : memref<128x128xf32, #tpu.memory_space<vmem>>) dst(%dma_wait3A_33 : memref<128x128xf32, #tpu.memory_space<vmem_shared>>)
      tpu.yield
    }) : () -> ()
    %add3A_11 = arith.constant 512 : i32
    %add3A_12 = arith.addi %mul3A_2, %add3A_11 : i32
    "tpu.region"() ({
      %run_scoped3A = tpu.sem_alloc : memref<!tpu.dma_semaphore, #tpu.memory_space<semaphore_mem>>
      %dma_start3A = arith.constant 0 : i32
      %dma_start3A_28 = arith.constant 0 : i32
      %dma_start3A_29 = tpu.memref_slice %arg9[%dma_start3A, %dma_start3A_28] : memref<128x128xf32, #tpu.memory_space<vmem>> -> memref<120x128xf32, #tpu.memory_space<vmem>>
      %dma_start3A_30 = arith.constant 0 : i32
      %dma_start3A_31 = tpu.memref_slice %arg10[%add3A_12, %dma_start3A_30] : memref<10112x128xf32, #tpu.memory_space<vmem_shared>> -> memref<120x128xf32, #tpu.memory_space<vmem_shared>>
      %dma_start3A_32 = arith.constant 0 : i32
      %dma_start3A_33 = tpu.memref_slice %arg10[%add3A_12, %dma_start3A_32] : memref<10112x128xf32, #tpu.memory_space<vmem_shared>> -> memref<120x128xf32, #tpu.memory_space<vmem_shared>>
      %dma_start3A_34 = arith.constant 0 : i32
      %dma_start3A_35 = arith.constant 0 : i32
      %dma_start3A_36 = tpu.memref_slice %arg9[%dma_start3A_34, %dma_start3A_35] : memref<128x128xf32, #tpu.memory_space<vmem>> -> memref<120x128xf32, #tpu.memory_space<vmem>>
      tpu.enqueue_dma source(%dma_start3A_36 : memref<120x128xf32, #tpu.memory_space<vmem>>) target(%dma_start3A_33 : memref<120x128xf32, #tpu.memory_space<vmem_shared>>) target_semaphore(%run_scoped3A : memref<!tpu.dma_semaphore, #tpu.memory_space<semaphore_mem>>)
      %dma_wait3A = arith.constant 0 : i32
      %dma_wait3A_37 = arith.constant 0 : i32
      %dma_wait3A_38 = tpu.memref_slice %arg9[%dma_wait3A, %dma_wait3A_37] : memref<128x128xf32, #tpu.memory_space<vmem>> -> memref<120x128xf32, #tpu.memory_space<vmem>>
      %dma_wait3A_39 = arith.constant 0 : i32
      %dma_wait3A_40 = tpu.memref_slice %arg10[%add3A_12, %dma_wait3A_39] : memref<10112x128xf32, #tpu.memory_space<vmem_shared>> -> memref<120x128xf32, #tpu.memory_space<vmem_shared>>
      %dma_wait3A_41 = arith.constant 0 : i32
      %dma_wait3A_42 = tpu.memref_slice %arg10[%add3A_12, %dma_wait3A_41] : memref<10112x128xf32, #tpu.memory_space<vmem_shared>> -> memref<120x128xf32, #tpu.memory_space<vmem_shared>>
      %dma_wait3A_43 = arith.constant 0 : i32
      %dma_wait3A_44 = arith.constant 0 : i32
      %dma_wait3A_45 = tpu.memref_slice %arg9[%dma_wait3A_43, %dma_wait3A_44] : memref<128x128xf32, #tpu.memory_space<vmem>> -> memref<120x128xf32, #tpu.memory_space<vmem>>
      tpu.wait_dma2 semaphore(%run_scoped3A : memref<!tpu.dma_semaphore, #tpu.memory_space<semaphore_mem>>) src(%dma_wait3A_45 : memref<120x128xf32, #tpu.memory_space<vmem>>) dst(%dma_wait3A_42 : memref<120x128xf32, #tpu.memory_space<vmem_shared>>)
      tpu.yield
    }) : () -> ()
    %barrier3A = arith.constant 0 : index
    tpu.barrier barrier_id(%barrier3A)
    %scan3A = arith.constant 0 : i32
    %scan3A_13 = arith.constant 79 : i32
    %scan3A_14 = arith.addi %scan3A, %scan3A_13 : i32
    %scan3A_15 = arith.constant 1 : i32
    scf.for %scan3A_28 = %scan3A to %scan3A_14 step %scan3A_15  : i32 {
      %mul3A_29 = arith.constant 1 : i32
      %mul3A_30 = arith.muli %scan3A_28, %mul3A_29 : i32
      %add3A_31 = arith.constant 0 : i32
      %add3A_32 = arith.addi %add3A_31, %mul3A_30 : i32
      "tpu.region"() ({
        %run_scoped3A = tpu.sem_alloc : memref<!tpu.dma_semaphore, #tpu.memory_space<semaphore_mem>>
        %dma_start3A = arith.constant 0 : i32
        %dma_start3A_33 = tpu.memref_slice %arg7[%add3A_32, %dma_start3A] : memref<79x128xi32, #tpu.memory_space<vmem>> -> memref<1x128xi32, #tpu.memory_space<vmem>>
        %dma_start3A_34 = tpu.memref_squeeze %dma_start3A_33 : memref<1x128xi32, #tpu.memory_space<vmem>> -> memref<128xi32, #tpu.memory_space<vmem>>
        %dma_start3A_35 = arith.constant 0 : i32
        %dma_start3A_36 = arith.constant 0 : i32
        %dma_start3A_37 = tpu.memref_slice %arg2[%dma_start3A_35, %dma_start3A_36] : memref<10000x128xf32, #tpu.memory_space<hbm>> -> memref<10000x128xf32, #tpu.memory_space<hbm>>
        tpu.enqueue_indirect_dma source(%dma_start3A_37 : memref<10000x128xf32, #tpu.memory_space<hbm>>) target(%arg9 : memref<128x128xf32, #tpu.memory_space<vmem>>) offsets(%dma_start3A_34 : memref<128xi32, #tpu.memory_space<vmem>>) semaphore(%run_scoped3A : memref<!tpu.dma_semaphore, #tpu.memory_space<semaphore_mem>>)
        %dma_wait3A = arith.constant 0 : i32
        %dma_wait3A_38 = tpu.memref_slice %arg7[%add3A_32, %dma_wait3A] : memref<79x128xi32, #tpu.memory_space<vmem>> -> memref<1x128xi32, #tpu.memory_space<vmem>>
        %dma_wait3A_39 = tpu.memref_squeeze %dma_wait3A_38 : memref<1x128xi32, #tpu.memory_space<vmem>> -> memref<128xi32, #tpu.memory_space<vmem>>
        %dma_wait3A_40 = arith.constant 0 : i32
        %dma_wait3A_41 = arith.constant 0 : i32
        %dma_wait3A_42 = tpu.memref_slice %arg2[%dma_wait3A_40, %dma_wait3A_41] : memref<10000x128xf32, #tpu.memory_space<hbm>> -> memref<10000x128xf32, #tpu.memory_space<hbm>>
        tpu.wait_indirect_dma semaphore(%run_scoped3A : memref<!tpu.dma_semaphore, #tpu.memory_space<semaphore_mem>>) src(%dma_wait3A_42 : memref<10000x128xf32, #tpu.memory_space<hbm>>) dst(%arg9 : memref<128x128xf32, #tpu.memory_space<vmem>>)
        tpu.yield
      }) : () -> ()
      "tpu.region"() ({
        %run_scoped3A = tpu.sem_alloc : memref<!tpu.dma_semaphore, #tpu.memory_space<semaphore_mem>>
        %dma_start3A = arith.constant 0 : i32
        %dma_start3A_33 = tpu.memref_slice %arg8[%add3A_32, %dma_start3A] : memref<79x128xi32, #tpu.memory_space<vmem>> -> memref<1x128xi32, #tpu.memory_space<vmem>>
        %dma_start3A_34 = tpu.memref_squeeze %dma_start3A_33 : memref<1x128xi32, #tpu.memory_space<vmem>> -> memref<128xi32, #tpu.memory_space<vmem>>
        %dma_start3A_35 = arith.constant 0 : i32
        %dma_start3A_36 = arith.constant 0 : i32
        %dma_start3A_37 = tpu.memref_slice %arg10[%dma_start3A_35, %dma_start3A_36] : memref<10112x128xf32, #tpu.memory_space<vmem_shared>> -> memref<10112x128xf32, #tpu.memory_space<vmem_shared>>
        tpu.enqueue_indirect_dma source(%arg9 : memref<128x128xf32, #tpu.memory_space<vmem>>) target(%dma_start3A_37 : memref<10112x128xf32, #tpu.memory_space<vmem_shared>>) offsets(%dma_start3A_34 : memref<128xi32, #tpu.memory_space<vmem>>) semaphore(%run_scoped3A : memref<!tpu.dma_semaphore, #tpu.memory_space<semaphore_mem>>) {add = true}
        %dma_wait3A = arith.constant 0 : i32
        %dma_wait3A_38 = tpu.memref_slice %arg8[%add3A_32, %dma_wait3A] : memref<79x128xi32, #tpu.memory_space<vmem>> -> memref<1x128xi32, #tpu.memory_space<vmem>>
        %dma_wait3A_39 = tpu.memref_squeeze %dma_wait3A_38 : memref<1x128xi32, #tpu.memory_space<vmem>> -> memref<128xi32, #tpu.memory_space<vmem>>
        %dma_wait3A_40 = arith.constant 0 : i32
        %dma_wait3A_41 = arith.constant 0 : i32
        %dma_wait3A_42 = tpu.memref_slice %arg10[%dma_wait3A_40, %dma_wait3A_41] : memref<10112x128xf32, #tpu.memory_space<vmem_shared>> -> memref<10112x128xf32, #tpu.memory_space<vmem_shared>>
        tpu.wait_indirect_dma semaphore(%run_scoped3A : memref<!tpu.dma_semaphore, #tpu.memory_space<semaphore_mem>>) src(%arg9 : memref<128x128xf32, #tpu.memory_space<vmem>>) dst(%dma_wait3A_42 : memref<10112x128xf32, #tpu.memory_space<vmem_shared>>)
        tpu.yield
      }) : () -> ()
    }
    %scan3A_16 = arith.constant 79 : i32
    %barrier3A_17 = arith.constant 0 : index
    tpu.barrier barrier_id(%barrier3A_17)
    %add3A_18 = arith.constant 0 : i32
    %add3A_19 = arith.addi %mul3A_2, %add3A_18 : i32
    "tpu.region"() ({
      %run_scoped3A = tpu.sem_alloc : memref<!tpu.dma_semaphore, #tpu.memory_space<semaphore_mem>>
      %dma_start3A = arith.constant 0 : i32
      %dma_start3A_28 = tpu.memref_slice %arg10[%add3A_19, %dma_start3A] : memref<10112x128xf32, #tpu.memory_space<vmem_shared>> -> memref<128x128xf32, #tpu.memory_space<vmem_shared>>
      %dma_start3A_29 = arith.constant 0 : i32
      %dma_start3A_30 = tpu.memref_slice %arg10[%add3A_19, %dma_start3A_29] : memref<10112x128xf32, #tpu.memory_space<vmem_shared>> -> memref<128x128xf32, #tpu.memory_space<vmem_shared>>
      tpu.enqueue_dma source(%dma_start3A_30 : memref<128x128xf32, #tpu.memory_space<vmem_shared>>) target(%arg9 : memref<128x128xf32, #tpu.memory_space<vmem>>) target_semaphore(%run_scoped3A : memref<!tpu.dma_semaphore, #tpu.memory_space<semaphore_mem>>)
      %dma_wait3A = arith.constant 0 : i32
      %dma_wait3A_31 = tpu.memref_slice %arg10[%add3A_19, %dma_wait3A] : memref<10112x128xf32, #tpu.memory_space<vmem_shared>> -> memref<128x128xf32, #tpu.memory_space<vmem_shared>>
      %dma_wait3A_32 = arith.constant 0 : i32
      %dma_wait3A_33 = tpu.memref_slice %arg10[%add3A_19, %dma_wait3A_32] : memref<10112x128xf32, #tpu.memory_space<vmem_shared>> -> memref<128x128xf32, #tpu.memory_space<vmem_shared>>
      tpu.wait_dma2 semaphore(%run_scoped3A : memref<!tpu.dma_semaphore, #tpu.memory_space<semaphore_mem>>) src(%dma_wait3A_33 : memref<128x128xf32, #tpu.memory_space<vmem_shared>>) dst(%arg9 : memref<128x128xf32, #tpu.memory_space<vmem>>)
      tpu.yield
    }) : () -> ()
    "tpu.region"() ({
      %run_scoped3A = tpu.sem_alloc : memref<!tpu.dma_semaphore, #tpu.memory_space<semaphore_mem>>
      %dma_start3A = arith.constant 0 : i32
      %dma_start3A_28 = tpu.memref_slice %arg6[%arg0, %add3A_19, %dma_start3A] : memref<2x10112x128xf32, #tpu.memory_space<hbm>> -> memref<1x128x128xf32, #tpu.memory_space<hbm>>
      %dma_start3A_29 = tpu.memref_squeeze %dma_start3A_28 : memref<1x128x128xf32, #tpu.memory_space<hbm>> -> memref<128x128xf32, #tpu.memory_space<hbm>>
      %dma_start3A_30 = arith.constant 0 : i32
      %dma_start3A_31 = tpu.memref_slice %arg6[%arg0, %add3A_19, %dma_start3A_30] : memref<2x10112x128xf32, #tpu.memory_space<hbm>> -> memref<1x128x128xf32, #tpu.memory_space<hbm>>
      %dma_start3A_32 = tpu.memref_squeeze %dma_start3A_31 : memref<1x128x128xf32, #tpu.memory_space<hbm>> -> memref<128x128xf32, #tpu.memory_space<hbm>>
      tpu.enqueue_dma source(%arg9 : memref<128x128xf32, #tpu.memory_space<vmem>>) target(%dma_start3A_32 : memref<128x128xf32, #tpu.memory_space<hbm>>) target_semaphore(%run_scoped3A : memref<!tpu.dma_semaphore, #tpu.memory_space<semaphore_mem>>)
      %dma_wait3A = arith.constant 0 : i32
      %dma_wait3A_33 = tpu.memref_slice %arg6[%arg0, %add3A_19, %dma_wait3A] : memref<2x10112x128xf32, #tpu.memory_space<hbm>> -> memref<1x128x128xf32, #tpu.memory_space<hbm>>
      %dma_wait3A_34 = tpu.memref_squeeze %dma_wait3A_33 : memref<1x128x128xf32, #tpu.memory_space<hbm>> -> memref<128x128xf32, #tpu.memory_space<hbm>>
      %dma_wait3A_35 = arith.constant 0 : i32
      %dma_wait3A_36 = tpu.memref_slice %arg6[%arg0, %add3A_19, %dma_wait3A_35] : memref<2x10112x128xf32, #tpu.memory_space<hbm>> -> memref<1x128x128xf32, #tpu.memory_space<hbm>>
      %dma_wait3A_37 = tpu.memref_squeeze %dma_wait3A_36 : memref<1x128x128xf32, #tpu.memory_space<hbm>> -> memref<128x128xf32, #tpu.memory_space<hbm>>
      tpu.wait_dma2 semaphore(%run_scoped3A : memref<!tpu.dma_semaphore, #tpu.memory_space<semaphore_mem>>) src(%arg9 : memref<128x128xf32, #tpu.memory_space<vmem>>) dst(%dma_wait3A_37 : memref<128x128xf32, #tpu.memory_space<hbm>>)
      tpu.yield
    }) : () -> ()
    %add3A_20 = arith.constant 128 : i32
    %add3A_21 = arith.addi %mul3A_2, %add3A_20 : i32
    "tpu.region"() ({
      %run_scoped3A = tpu.sem_alloc : memref<!tpu.dma_semaphore, #tpu.memory_space<semaphore_mem>>
      %dma_start3A = arith.constant 0 : i32
      %dma_start3A_28 = tpu.memref_slice %arg10[%add3A_21, %dma_start3A] : memref<10112x128xf32, #tpu.memory_space<vmem_shared>> -> memref<128x128xf32, #tpu.memory_space<vmem_shared>>
      %dma_start3A_29 = arith.constant 0 : i32
      %dma_start3A_30 = tpu.memref_slice %arg10[%add3A_21, %dma_start3A_29] : memref<10112x128xf32, #tpu.memory_space<vmem_shared>> -> memref<128x128xf32, #tpu.memory_space<vmem_shared>>
      tpu.enqueue_dma source(%dma_start3A_30 : memref<128x128xf32, #tpu.memory_space<vmem_shared>>) target(%arg9 : memref<128x128xf32, #tpu.memory_space<vmem>>) target_semaphore(%run_scoped3A : memref<!tpu.dma_semaphore, #tpu.memory_space<semaphore_mem>>)
      %dma_wait3A = arith.constant 0 : i32
      %dma_wait3A_31 = tpu.memref_slice %arg10[%add3A_21, %dma_wait3A] : memref<10112x128xf32, #tpu.memory_space<vmem_shared>> -> memref<128x128xf32, #tpu.memory_space<vmem_shared>>
      %dma_wait3A_32 = arith.constant 0 : i32
      %dma_wait3A_33 = tpu.memref_slice %arg10[%add3A_21, %dma_wait3A_32] : memref<10112x128xf32, #tpu.memory_space<vmem_shared>> -> memref<128x128xf32, #tpu.memory_space<vmem_shared>>
      tpu.wait_dma2 semaphore(%run_scoped3A : memref<!tpu.dma_semaphore, #tpu.memory_space<semaphore_mem>>) src(%dma_wait3A_33 : memref<128x128xf32, #tpu.memory_space<vmem_shared>>) dst(%arg9 : memref<128x128xf32, #tpu.memory_space<vmem>>)
      tpu.yield
    }) : () -> ()
    "tpu.region"() ({
      %run_scoped3A = tpu.sem_alloc : memref<!tpu.dma_semaphore, #tpu.memory_space<semaphore_mem>>
      %dma_start3A = arith.constant 0 : i32
      %dma_start3A_28 = tpu.memref_slice %arg6[%arg0, %add3A_21, %dma_start3A] : memref<2x10112x128xf32, #tpu.memory_space<hbm>> -> memref<1x128x128xf32, #tpu.memory_space<hbm>>
      %dma_start3A_29 = tpu.memref_squeeze %dma_start3A_28 : memref<1x128x128xf32, #tpu.memory_space<hbm>> -> memref<128x128xf32, #tpu.memory_space<hbm>>
      %dma_start3A_30 = arith.constant 0 : i32
      %dma_start3A_31 = tpu.memref_slice %arg6[%arg0, %add3A_21, %dma_start3A_30] : memref<2x10112x128xf32, #tpu.memory_space<hbm>> -> memref<1x128x128xf32, #tpu.memory_space<hbm>>
      %dma_start3A_32 = tpu.memref_squeeze %dma_start3A_31 : memref<1x128x128xf32, #tpu.memory_space<hbm>> -> memref<128x128xf32, #tpu.memory_space<hbm>>
      tpu.enqueue_dma source(%arg9 : memref<128x128xf32, #tpu.memory_space<vmem>>) target(%dma_start3A_32 : memref<128x128xf32, #tpu.memory_space<hbm>>) target_semaphore(%run_scoped3A : memref<!tpu.dma_semaphore, #tpu.memory_space<semaphore_mem>>)
      %dma_wait3A = arith.constant 0 : i32
      %dma_wait3A_33 = tpu.memref_slice %arg6[%arg0, %add3A_21, %dma_wait3A] : memref<2x10112x128xf32, #tpu.memory_space<hbm>> -> memref<1x128x128xf32, #tpu.memory_space<hbm>>
      %dma_wait3A_34 = tpu.memref_squeeze %dma_wait3A_33 : memref<1x128x128xf32, #tpu.memory_space<hbm>> -> memref<128x128xf32, #tpu.memory_space<hbm>>
      %dma_wait3A_35 = arith.constant 0 : i32
      %dma_wait3A_36 = tpu.memref_slice %arg6[%arg0, %add3A_21, %dma_wait3A_35] : memref<2x10112x128xf32, #tpu.memory_space<hbm>> -> memref<1x128x128xf32, #tpu.memory_space<hbm>>
      %dma_wait3A_37 = tpu.memref_squeeze %dma_wait3A_36 : memref<1x128x128xf32, #tpu.memory_space<hbm>> -> memref<128x128xf32, #tpu.memory_space<hbm>>
      tpu.wait_dma2 semaphore(%run_scoped3A : memref<!tpu.dma_semaphore, #tpu.memory_space<semaphore_mem>>) src(%arg9 : memref<128x128xf32, #tpu.memory_space<vmem>>) dst(%dma_wait3A_37 : memref<128x128xf32, #tpu.memory_space<hbm>>)
      tpu.yield
    }) : () -> ()
    %add3A_22 = arith.constant 256 : i32
    %add3A_23 = arith.addi %mul3A_2, %add3A_22 : i32
    "tpu.region"() ({
      %run_scoped3A = tpu.sem_alloc : memref<!tpu.dma_semaphore, #tpu.memory_space<semaphore_mem>>
      %dma_start3A = arith.constant 0 : i32
      %dma_start3A_28 = tpu.memref_slice %arg10[%add3A_23, %dma_start3A] : memref<10112x128xf32, #tpu.memory_space<vmem_shared>> -> memref<128x128xf32, #tpu.memory_space<vmem_shared>>
      %dma_start3A_29 = arith.constant 0 : i32
      %dma_start3A_30 = tpu.memref_slice %arg10[%add3A_23, %dma_start3A_29] : memref<10112x128xf32, #tpu.memory_space<vmem_shared>> -> memref<128x128xf32, #tpu.memory_space<vmem_shared>>
      tpu.enqueue_dma source(%dma_start3A_30 : memref<128x128xf32, #tpu.memory_space<vmem_shared>>) target(%arg9 : memref<128x128xf32, #tpu.memory_space<vmem>>) target_semaphore(%run_scoped3A : memref<!tpu.dma_semaphore, #tpu.memory_space<semaphore_mem>>)
      %dma_wait3A = arith.constant 0 : i32
      %dma_wait3A_31 = tpu.memref_slice %arg10[%add3A_23, %dma_wait3A] : memref<10112x128xf32, #tpu.memory_space<vmem_shared>> -> memref<128x128xf32, #tpu.memory_space<vmem_shared>>
      %dma_wait3A_32 = arith.constant 0 : i32
      %dma_wait3A_33 = tpu.memref_slice %arg10[%add3A_23, %dma_wait3A_32] : memref<10112x128xf32, #tpu.memory_space<vmem_shared>> -> memref<128x128xf32, #tpu.memory_space<vmem_shared>>
      tpu.wait_dma2 semaphore(%run_scoped3A : memref<!tpu.dma_semaphore, #tpu.memory_space<semaphore_mem>>) src(%dma_wait3A_33 : memref<128x128xf32, #tpu.memory_space<vmem_shared>>) dst(%arg9 : memref<128x128xf32, #tpu.memory_space<vmem>>)
      tpu.yield
    }) : () -> ()
    "tpu.region"() ({
      %run_scoped3A = tpu.sem_alloc : memref<!tpu.dma_semaphore, #tpu.memory_space<semaphore_mem>>
      %dma_start3A = arith.constant 0 : i32
      %dma_start3A_28 = tpu.memref_slice %arg6[%arg0, %add3A_23, %dma_start3A] : memref<2x10112x128xf32, #tpu.memory_space<hbm>> -> memref<1x128x128xf32, #tpu.memory_space<hbm>>
      %dma_start3A_29 = tpu.memref_squeeze %dma_start3A_28 : memref<1x128x128xf32, #tpu.memory_space<hbm>> -> memref<128x128xf32, #tpu.memory_space<hbm>>
      %dma_start3A_30 = arith.constant 0 : i32
      %dma_start3A_31 = tpu.memref_slice %arg6[%arg0, %add3A_23, %dma_start3A_30] : memref<2x10112x128xf32, #tpu.memory_space<hbm>> -> memref<1x128x128xf32, #tpu.memory_space<hbm>>
      %dma_start3A_32 = tpu.memref_squeeze %dma_start3A_31 : memref<1x128x128xf32, #tpu.memory_space<hbm>> -> memref<128x128xf32, #tpu.memory_space<hbm>>
      tpu.enqueue_dma source(%arg9 : memref<128x128xf32, #tpu.memory_space<vmem>>) target(%dma_start3A_32 : memref<128x128xf32, #tpu.memory_space<hbm>>) target_semaphore(%run_scoped3A : memref<!tpu.dma_semaphore, #tpu.memory_space<semaphore_mem>>)
      %dma_wait3A = arith.constant 0 : i32
      %dma_wait3A_33 = tpu.memref_slice %arg6[%arg0, %add3A_23, %dma_wait3A] : memref<2x10112x128xf32, #tpu.memory_space<hbm>> -> memref<1x128x128xf32, #tpu.memory_space<hbm>>
      %dma_wait3A_34 = tpu.memref_squeeze %dma_wait3A_33 : memref<1x128x128xf32, #tpu.memory_space<hbm>> -> memref<128x128xf32, #tpu.memory_space<hbm>>
      %dma_wait3A_35 = arith.constant 0 : i32
      %dma_wait3A_36 = tpu.memref_slice %arg6[%arg0, %add3A_23, %dma_wait3A_35] : memref<2x10112x128xf32, #tpu.memory_space<hbm>> -> memref<1x128x128xf32, #tpu.memory_space<hbm>>
      %dma_wait3A_37 = tpu.memref_squeeze %dma_wait3A_36 : memref<1x128x128xf32, #tpu.memory_space<hbm>> -> memref<128x128xf32, #tpu.memory_space<hbm>>
      tpu.wait_dma2 semaphore(%run_scoped3A : memref<!tpu.dma_semaphore, #tpu.memory_space<semaphore_mem>>) src(%arg9 : memref<128x128xf32, #tpu.memory_space<vmem>>) dst(%dma_wait3A_37 : memref<128x128xf32, #tpu.memory_space<hbm>>)
      tpu.yield
    }) : () -> ()
    %add3A_24 = arith.constant 384 : i32
    %add3A_25 = arith.addi %mul3A_2, %add3A_24 : i32
    "tpu.region"() ({
      %run_scoped3A = tpu.sem_alloc : memref<!tpu.dma_semaphore, #tpu.memory_space<semaphore_mem>>
      %dma_start3A = arith.constant 0 : i32
      %dma_start3A_28 = tpu.memref_slice %arg10[%add3A_25, %dma_start3A] : memref<10112x128xf32, #tpu.memory_space<vmem_shared>> -> memref<128x128xf32, #tpu.memory_space<vmem_shared>>
      %dma_start3A_29 = arith.constant 0 : i32
      %dma_start3A_30 = tpu.memref_slice %arg10[%add3A_25, %dma_start3A_29] : memref<10112x128xf32, #tpu.memory_space<vmem_shared>> -> memref<128x128xf32, #tpu.memory_space<vmem_shared>>
      tpu.enqueue_dma source(%dma_start3A_30 : memref<128x128xf32, #tpu.memory_space<vmem_shared>>) target(%arg9 : memref<128x128xf32, #tpu.memory_space<vmem>>) target_semaphore(%run_scoped3A : memref<!tpu.dma_semaphore, #tpu.memory_space<semaphore_mem>>)
      %dma_wait3A = arith.constant 0 : i32
      %dma_wait3A_31 = tpu.memref_slice %arg10[%add3A_25, %dma_wait3A] : memref<10112x128xf32, #tpu.memory_space<vmem_shared>> -> memref<128x128xf32, #tpu.memory_space<vmem_shared>>
      %dma_wait3A_32 = arith.constant 0 : i32
      %dma_wait3A_33 = tpu.memref_slice %arg10[%add3A_25, %dma_wait3A_32] : memref<10112x128xf32, #tpu.memory_space<vmem_shared>> -> memref<128x128xf32, #tpu.memory_space<vmem_shared>>
      tpu.wait_dma2 semaphore(%run_scoped3A : memref<!tpu.dma_semaphore, #tpu.memory_space<semaphore_mem>>) src(%dma_wait3A_33 : memref<128x128xf32, #tpu.memory_space<vmem_shared>>) dst(%arg9 : memref<128x128xf32, #tpu.memory_space<vmem>>)
      tpu.yield
    }) : () -> ()
    "tpu.region"() ({
      %run_scoped3A = tpu.sem_alloc : memref<!tpu.dma_semaphore, #tpu.memory_space<semaphore_mem>>
      %dma_start3A = arith.constant 0 : i32
      %dma_start3A_28 = tpu.memref_slice %arg6[%arg0, %add3A_25, %dma_start3A] : memref<2x10112x128xf32, #tpu.memory_space<hbm>> -> memref<1x128x128xf32, #tpu.memory_space<hbm>>
      %dma_start3A_29 = tpu.memref_squeeze %dma_start3A_28 : memref<1x128x128xf32, #tpu.memory_space<hbm>> -> memref<128x128xf32, #tpu.memory_space<hbm>>
      %dma_start3A_30 = arith.constant 0 : i32
      %dma_start3A_31 = tpu.memref_slice %arg6[%arg0, %add3A_25, %dma_start3A_30] : memref<2x10112x128xf32, #tpu.memory_space<hbm>> -> memref<1x128x128xf32, #tpu.memory_space<hbm>>
      %dma_start3A_32 = tpu.memref_squeeze %dma_start3A_31 : memref<1x128x128xf32, #tpu.memory_space<hbm>> -> memref<128x128xf32, #tpu.memory_space<hbm>>
      tpu.enqueue_dma source(%arg9 : memref<128x128xf32, #tpu.memory_space<vmem>>) target(%dma_start3A_32 : memref<128x128xf32, #tpu.memory_space<hbm>>) target_semaphore(%run_scoped3A : memref<!tpu.dma_semaphore, #tpu.memory_space<semaphore_mem>>)
      %dma_wait3A = arith.constant 0 : i32
      %dma_wait3A_33 = tpu.memref_slice %arg6[%arg0, %add3A_25, %dma_wait3A] : memref<2x10112x128xf32, #tpu.memory_space<hbm>> -> memref<1x128x128xf32, #tpu.memory_space<hbm>>
      %dma_wait3A_34 = tpu.memref_squeeze %dma_wait3A_33 : memref<1x128x128xf32, #tpu.memory_space<hbm>> -> memref<128x128xf32, #tpu.memory_space<hbm>>
      %dma_wait3A_35 = arith.constant 0 : i32
      %dma_wait3A_36 = tpu.memref_slice %arg6[%arg0, %add3A_25, %dma_wait3A_35] : memref<2x10112x128xf32, #tpu.memory_space<hbm>> -> memref<1x128x128xf32, #tpu.memory_space<hbm>>
      %dma_wait3A_37 = tpu.memref_squeeze %dma_wait3A_36 : memref<1x128x128xf32, #tpu.memory_space<hbm>> -> memref<128x128xf32, #tpu.memory_space<hbm>>
      tpu.wait_dma2 semaphore(%run_scoped3A : memref<!tpu.dma_semaphore, #tpu.memory_space<semaphore_mem>>) src(%arg9 : memref<128x128xf32, #tpu.memory_space<vmem>>) dst(%dma_wait3A_37 : memref<128x128xf32, #tpu.memory_space<hbm>>)
      tpu.yield
    }) : () -> ()
    %add3A_26 = arith.constant 512 : i32
    %add3A_27 = arith.addi %mul3A_2, %add3A_26 : i32
    "tpu.region"() ({
      %run_scoped3A = tpu.sem_alloc : memref<!tpu.dma_semaphore, #tpu.memory_space<semaphore_mem>>
      %dma_start3A = arith.constant 0 : i32
      %dma_start3A_28 = arith.constant 0 : i32
      %dma_start3A_29 = tpu.memref_slice %arg9[%dma_start3A, %dma_start3A_28] : memref<128x128xf32, #tpu.memory_space<vmem>> -> memref<120x128xf32, #tpu.memory_space<vmem>>
      %dma_start3A_30 = arith.constant 0 : i32
      %dma_start3A_31 = tpu.memref_slice %arg10[%add3A_27, %dma_start3A_30] : memref<10112x128xf32, #tpu.memory_space<vmem_shared>> -> memref<120x128xf32, #tpu.memory_space<vmem_shared>>
      %dma_start3A_32 = arith.constant 0 : i32
      %dma_start3A_33 = arith.constant 0 : i32
      %dma_start3A_34 = tpu.memref_slice %arg9[%dma_start3A_32, %dma_start3A_33] : memref<128x128xf32, #tpu.memory_space<vmem>> -> memref<120x128xf32, #tpu.memory_space<vmem>>
      %dma_start3A_35 = arith.constant 0 : i32
      %dma_start3A_36 = tpu.memref_slice %arg10[%add3A_27, %dma_start3A_35] : memref<10112x128xf32, #tpu.memory_space<vmem_shared>> -> memref<120x128xf32, #tpu.memory_space<vmem_shared>>
      tpu.enqueue_dma source(%dma_start3A_36 : memref<120x128xf32, #tpu.memory_space<vmem_shared>>) target(%dma_start3A_34 : memref<120x128xf32, #tpu.memory_space<vmem>>) target_semaphore(%run_scoped3A : memref<!tpu.dma_semaphore, #tpu.memory_space<semaphore_mem>>)
      %dma_wait3A = arith.constant 0 : i32
      %dma_wait3A_37 = arith.constant 0 : i32
      %dma_wait3A_38 = tpu.memref_slice %arg9[%dma_wait3A, %dma_wait3A_37] : memref<128x128xf32, #tpu.memory_space<vmem>> -> memref<120x128xf32, #tpu.memory_space<vmem>>
      %dma_wait3A_39 = arith.constant 0 : i32
      %dma_wait3A_40 = tpu.memref_slice %arg10[%add3A_27, %dma_wait3A_39] : memref<10112x128xf32, #tpu.memory_space<vmem_shared>> -> memref<120x128xf32, #tpu.memory_space<vmem_shared>>
      %dma_wait3A_41 = arith.constant 0 : i32
      %dma_wait3A_42 = arith.constant 0 : i32
      %dma_wait3A_43 = tpu.memref_slice %arg9[%dma_wait3A_41, %dma_wait3A_42] : memref<128x128xf32, #tpu.memory_space<vmem>> -> memref<120x128xf32, #tpu.memory_space<vmem>>
      %dma_wait3A_44 = arith.constant 0 : i32
      %dma_wait3A_45 = tpu.memref_slice %arg10[%add3A_27, %dma_wait3A_44] : memref<10112x128xf32, #tpu.memory_space<vmem_shared>> -> memref<120x128xf32, #tpu.memory_space<vmem_shared>>
      tpu.wait_dma2 semaphore(%run_scoped3A : memref<!tpu.dma_semaphore, #tpu.memory_space<semaphore_mem>>) src(%dma_wait3A_45 : memref<120x128xf32, #tpu.memory_space<vmem_shared>>) dst(%dma_wait3A_43 : memref<120x128xf32, #tpu.memory_space<vmem>>)
      tpu.yield
    }) : () -> ()
    "tpu.region"() ({
      %run_scoped3A = tpu.sem_alloc : memref<!tpu.dma_semaphore, #tpu.memory_space<semaphore_mem>>
      %dma_start3A = arith.constant 0 : i32
      %dma_start3A_28 = arith.constant 0 : i32
      %dma_start3A_29 = tpu.memref_slice %arg9[%dma_start3A, %dma_start3A_28] : memref<128x128xf32, #tpu.memory_space<vmem>> -> memref<120x128xf32, #tpu.memory_space<vmem>>
      %dma_start3A_30 = arith.constant 0 : i32
      %dma_start3A_31 = tpu.memref_slice %arg6[%arg0, %add3A_27, %dma_start3A_30] : memref<2x10112x128xf32, #tpu.memory_space<hbm>> -> memref<1x120x128xf32, #tpu.memory_space<hbm>>
      %dma_start3A_32 = tpu.memref_squeeze %dma_start3A_31 : memref<1x120x128xf32, #tpu.memory_space<hbm>> -> memref<120x128xf32, #tpu.memory_space<hbm>>
      %dma_start3A_33 = arith.constant 0 : i32
      %dma_start3A_34 = tpu.memref_slice %arg6[%arg0, %add3A_27, %dma_start3A_33] : memref<2x10112x128xf32, #tpu.memory_space<hbm>> -> memref<1x120x128xf32, #tpu.memory_space<hbm>>
      %dma_start3A_35 = tpu.memref_squeeze %dma_start3A_34 : memref<1x120x128xf32, #tpu.memory_space<hbm>> -> memref<120x128xf32, #tpu.memory_space<hbm>>
      %dma_start3A_36 = arith.constant 0 : i32
      %dma_start3A_37 = arith.constant 0 : i32
      %dma_start3A_38 = tpu.memref_slice %arg9[%dma_start3A_36, %dma_start3A_37] : memref<128x128xf32, #tpu.memory_space<vmem>> -> memref<120x128xf32, #tpu.memory_space<vmem>>
      tpu.enqueue_dma source(%dma_start3A_38 : memref<120x128xf32, #tpu.memory_space<vmem>>) target(%dma_start3A_35 : memref<120x128xf32, #tpu.memory_space<hbm>>) target_semaphore(%run_scoped3A : memref<!tpu.dma_semaphore, #tpu.memory_space<semaphore_mem>>)
      %dma_wait3A = arith.constant 0 : i32
      %dma_wait3A_39 = arith.constant 0 : i32
      %dma_wait3A_40 = tpu.memref_slice %arg9[%dma_wait3A, %dma_wait3A_39] : memref<128x128xf32, #tpu.memory_space<vmem>> -> memref<120x128xf32, #tpu.memory_space<vmem>>
      %dma_wait3A_41 = arith.constant 0 : i32
      %dma_wait3A_42 = tpu.memref_slice %arg6[%arg0, %add3A_27, %dma_wait3A_41] : memref<2x10112x128xf32, #tpu.memory_space<hbm>> -> memref<1x120x128xf32, #tpu.memory_space<hbm>>
      %dma_wait3A_43 = tpu.memref_squeeze %dma_wait3A_42 : memref<1x120x128xf32, #tpu.memory_space<hbm>> -> memref<120x128xf32, #tpu.memory_space<hbm>>
      %dma_wait3A_44 = arith.constant 0 : i32
      %dma_wait3A_45 = tpu.memref_slice %arg6[%arg0, %add3A_27, %dma_wait3A_44] : memref<2x10112x128xf32, #tpu.memory_space<hbm>> -> memref<1x120x128xf32, #tpu.memory_space<hbm>>
      %dma_wait3A_46 = tpu.memref_squeeze %dma_wait3A_45 : memref<1x120x128xf32, #tpu.memory_space<hbm>> -> memref<120x128xf32, #tpu.memory_space<hbm>>
      %dma_wait3A_47 = arith.constant 0 : i32
      %dma_wait3A_48 = arith.constant 0 : i32
      %dma_wait3A_49 = tpu.memref_slice %arg9[%dma_wait3A_47, %dma_wait3A_48] : memref<128x128xf32, #tpu.memory_space<vmem>> -> memref<120x128xf32, #tpu.memory_space<vmem>>
      tpu.wait_dma2 semaphore(%run_scoped3A : memref<!tpu.dma_semaphore, #tpu.memory_space<semaphore_mem>>) src(%dma_wait3A_49 : memref<120x128xf32, #tpu.memory_space<vmem>>) dst(%dma_wait3A_46 : memref<120x128xf32, #tpu.memory_space<hbm>>)
      tpu.yield
    }) : () -> ()
    return
  }
}

module attributes {stable_mosaic.version = 14 : i64} {
  func.func @body(%arg0: i32, %arg1: memref<1000x128xf32, #tpu.memory_space<vmem>>, %arg2: memref<128x64xf32, #tpu.memory_space<vmem>>, %arg3: memref<1000x64xf32, #tpu.memory_space<vmem>>) attributes {dimension_semantics = [#tpu.dimension_semantics<arbitrary>], iteration_bounds = array<i64: 10>, scalar_prefetch = 0 : i64, scratch_operands = 0 : i64, tpu.core_type = #tpu.core_type<tc>, window_params = [{transform_indices = @transform_0, window_bounds = array<i64: 1000, 128>}, {pipeline_mode = #tpu.pipeline_mode<synchronous>, transform_indices = @transform_1, window_bounds = array<i64: 128, 64>}, {transform_indices = @transform_2, window_bounds = array<i64: 1000, 64>}]} {
    %get3A = arith.constant 0 : index
    %get3A_0 = arith.constant 0 : index
    %get3A_1 = vector.load %arg1[%get3A, %get3A_0] : memref<1000x128xf32, #tpu.memory_space<vmem>>, vector<1000x128xf32>
    %get3A_2 = arith.constant 0 : index
    %get3A_3 = arith.constant 0 : index
    %get3A_4 = vector.load %arg2[%get3A_2, %get3A_3] : memref<128x64xf32, #tpu.memory_space<vmem>>, vector<128x64xf32>
    %dot_general3A = arith.constant dense<0.000000e+00> : vector<1000x64xf32>
    %dot_general3A_5 = tpu.matmul %get3A_1, %get3A_4, %dot_general3A {dimension_numbers = #tpu.dot_dimension_numbers<[1], [0], [0], [1], [0, 0, 1, 1], [], []>, precision = #tpu.contract_precision<fp32>, transpose_lhs_hint = false} : vector<1000x128xf32>, vector<128x64xf32>, vector<1000x64xf32> -> vector<1000x64xf32>
    %swap3A = arith.constant 0 : index
    %swap3A_6 = arith.constant 0 : index
    %swap3A_7 = vector.load %arg3[%swap3A, %swap3A_6] : memref<1000x64xf32, #tpu.memory_space<vmem>>, vector<1000x64xf32>
    tpu.vector_store %arg3[%swap3A, %swap3A_6], %dot_general3A_5 {strides = array<i32>} : memref<1000x64xf32, #tpu.memory_space<vmem>>, vector<1000x64xf32>,
    return
  }
  func.func @transform_0(%arg0: i32) -> (i32, i32) {
    %c0_i32 = arith.constant 0 : i32
    %c0_i32_0 = arith.constant 0 : i32
    return %arg0, %c0_i32 : i32, i32
  }
  func.func @transform_1(%arg0: i32) -> (i32, i32) {
    %c0_i32 = arith.constant 0 : i32
    %c0_i32_0 = arith.constant 0 : i32
    %c0_i32_1 = arith.constant 0 : i32
    return %c0_i32, %c0_i32_0 : i32, i32
  }
  func.func @transform_2(%arg0: i32) -> (i32, i32) {
    %c0_i32 = arith.constant 0 : i32
    %c0_i32_0 = arith.constant 0 : i32
    return %arg0, %c0_i32 : i32, i32
  }
}

module attributes {stable_mosaic.version = 14 : i64} {
  func.func @body(%arg0: i32, %arg1: memref<2x1000x16xf32, #tpu.memory_space<vmem>>, %arg2: memref<1000x64xf32, #tpu.memory_space<vmem>>, %arg3: memref<1000x1xf32, #tpu.memory_space<vmem>>, %arg4: memref<1000x128xf32, #tpu.memory_space<vmem>>, %arg5: memref<1000x64xf32, #tpu.memory_space<vmem>>) attributes {dimension_semantics = [#tpu.dimension_semantics<arbitrary>], iteration_bounds = array<i64: 10>, scalar_prefetch = 0 : i64, scratch_operands = 0 : i64, tpu.core_type = #tpu.core_type<tc>, window_params = [{transform_indices = @transform_0, window_bounds = array<i64: 2, 1000, 16>}, {transform_indices = @transform_1, window_bounds = array<i64: 1000, 64>}, {transform_indices = @transform_2, window_bounds = array<i64: 1000, 1>}, {transform_indices = @transform_3, window_bounds = array<i64: 1000, 128>}, {transform_indices = @transform_4, window_bounds = array<i64: 1000, 64>}]} {
    %get3A = arith.constant 0 : index
    %get3A_0 = arith.constant 0 : index
    %get3A_1 = arith.constant 0 : index
    %get3A_2 = vector.load %arg1[%get3A, %get3A_0, %get3A_1] : memref<2x1000x16xf32, #tpu.memory_space<vmem>>, vector<1x1000x16xf32>
    %get3A_3 = vector.shape_cast %get3A_2 : vector<1x1000x16xf32> to vector<1000x16xf32>
    %slice3A = vector.extract_strided_slice %get3A_3 {offsets = [0, 0], sizes = [1000, 1], strides = [1, 1]} : vector<1000x16xf32> to vector<1000x1xf32>
    %get3A_4 = arith.constant 1 : index
    %get3A_5 = arith.constant 0 : index
    %get3A_6 = arith.constant 0 : index
    %get3A_7 = vector.load %arg1[%get3A_4, %get3A_5, %get3A_6] : memref<2x1000x16xf32, #tpu.memory_space<vmem>>, vector<1x1000x16xf32>
    %get3A_8 = vector.shape_cast %get3A_7 : vector<1x1000x16xf32> to vector<1000x16xf32>
    %slice3A_9 = vector.extract_strided_slice %get3A_8 {offsets = [0, 0], sizes = [1000, 1], strides = [1, 1]} : vector<1000x16xf32> to vector<1000x1xf32>
    %add3A = arith.addf %slice3A, %slice3A_9 : vector<1000x1xf32>
    %add3A_10 = arith.constant 1.000000e+00 : f32
    %add3A_11 = vector.broadcast %add3A_10 : f32 to vector<1000x1xf32>
    %add3A_12 = arith.addf %add3A, %add3A_11 : vector<1000x1xf32>
    %rsqrt3A = math.rsqrt %add3A_12 : vector<1000x1xf32>
    %get3A_13 = arith.constant 0 : index
    %get3A_14 = arith.constant 0 : index
    %get3A_15 = vector.load %arg2[%get3A_13, %get3A_14] : memref<1000x64xf32, #tpu.memory_space<vmem>>, vector<1000x64xf32>
    %mul3A = vector.broadcast %rsqrt3A : vector<1000x1xf32> to vector<1000x64xf32>
    %mul3A_16 = arith.mulf %get3A_15, %mul3A : vector<1000x64xf32>
    %swap3A = arith.constant 0 : index
    %swap3A_17 = arith.constant 0 : index
    %swap3A_18 = vector.load %arg3[%swap3A, %swap3A_17] : memref<1000x1xf32, #tpu.memory_space<vmem>>, vector<1000x1xf32>
    tpu.vector_store %arg3[%swap3A, %swap3A_17], %rsqrt3A {strides = array<i32>} : memref<1000x1xf32, #tpu.memory_space<vmem>>, vector<1000x1xf32>,
    %broadcast_in_dim3A = arith.constant 0.000000e+00 : f32
    %broadcast_in_dim3A_19 = vector.broadcast %broadcast_in_dim3A : f32 to vector<1000x64xf32>
    %concatenate3A = tpu.concatenate %mul3A_16, %broadcast_in_dim3A_19 in 1 : vector<1000x64xf32>, vector<1000x64xf32> -> vector<1000x128xf32>
    %swap3A_20 = arith.constant 0 : index
    %swap3A_21 = arith.constant 0 : index
    %swap3A_22 = vector.load %arg4[%swap3A_20, %swap3A_21] : memref<1000x128xf32, #tpu.memory_space<vmem>>, vector<1000x128xf32>
    tpu.vector_store %arg4[%swap3A_20, %swap3A_21], %concatenate3A {strides = array<i32>} : memref<1000x128xf32, #tpu.memory_space<vmem>>, vector<1000x128xf32>,
    %mul3A_23 = vector.broadcast %rsqrt3A : vector<1000x1xf32> to vector<1000x64xf32>
    %mul3A_24 = arith.mulf %mul3A_16, %mul3A_23 : vector<1000x64xf32>
    %swap3A_25 = arith.constant 0 : index
    %swap3A_26 = arith.constant 0 : index
    %swap3A_27 = vector.load %arg5[%swap3A_25, %swap3A_26] : memref<1000x64xf32, #tpu.memory_space<vmem>>, vector<1000x64xf32>
    tpu.vector_store %arg5[%swap3A_25, %swap3A_26], %mul3A_24 {strides = array<i32>} : memref<1000x64xf32, #tpu.memory_space<vmem>>, vector<1000x64xf32>,
    return
  }
  func.func @transform_0(%arg0: i32) -> (i32, i32, i32) {
    %c0_i32 = arith.constant 0 : i32
    %c0_i32_0 = arith.constant 0 : i32
    %c0_i32_1 = arith.constant 0 : i32
    return %c0_i32, %arg0, %c0_i32_0 : i32, i32, i32
  }
  func.func @transform_1(%arg0: i32) -> (i32, i32) {
    %c0_i32 = arith.constant 0 : i32
    %c0_i32_0 = arith.constant 0 : i32
    return %arg0, %c0_i32 : i32, i32
  }
  func.func @transform_2(%arg0: i32) -> (i32, i32) {
    %c0_i32 = arith.constant 0 : i32
    %c0_i32_0 = arith.constant 0 : i32
    return %arg0, %c0_i32 : i32, i32
  }
  func.func @transform_3(%arg0: i32) -> (i32, i32) {
    %c0_i32 = arith.constant 0 : i32
    %c0_i32_0 = arith.constant 0 : i32
    return %arg0, %c0_i32 : i32, i32
  }
  func.func @transform_4(%arg0: i32) -> (i32, i32) {
    %c0_i32 = arith.constant 0 : i32
    %c0_i32_0 = arith.constant 0 : i32
    return %arg0, %c0_i32 : i32, i32
  }
}

module attributes {stable_mosaic.version = 14 : i64} {
  func.func @body(%arg0: i32, %arg1: memref<2x1000x128xf32, #tpu.memory_space<vmem>>, %arg2: memref<1000x64xf32, #tpu.memory_space<vmem>>, %arg3: memref<1000x1xf32, #tpu.memory_space<vmem>>, %arg4: memref<1x64xf32, #tpu.memory_space<vmem>>, %arg5: memref<1x64xf32, #tpu.memory_space<vmem>>, %arg6: memref<1x64xf32, #tpu.memory_space<vmem>>, %arg7: memref<64x64xf32, #tpu.memory_space<vmem>>, %arg8: memref<1000x128xf32, #tpu.memory_space<vmem>>, %arg9: memref<1000x64xf32, #tpu.memory_space<vmem>>) attributes {dimension_semantics = [#tpu.dimension_semantics<arbitrary>], iteration_bounds = array<i64: 10>, scalar_prefetch = 0 : i64, scratch_operands = 0 : i64, tpu.core_type = #tpu.core_type<tc>, window_params = [{transform_indices = @transform_0, window_bounds = array<i64: 2, 1000, 128>}, {transform_indices = @transform_1, window_bounds = array<i64: 1000, 64>}, {transform_indices = @transform_2, window_bounds = array<i64: 1000, 1>}, {pipeline_mode = #tpu.pipeline_mode<synchronous>, transform_indices = @transform_3, window_bounds = array<i64: 1, 64>}, {pipeline_mode = #tpu.pipeline_mode<synchronous>, transform_indices = @transform_4, window_bounds = array<i64: 1, 64>}, {pipeline_mode = #tpu.pipeline_mode<synchronous>, transform_indices = @transform_5, window_bounds = array<i64: 1, 64>}, {pipeline_mode = #tpu.pipeline_mode<synchronous>, transform_indices = @transform_6, window_bounds = array<i64: 64, 64>}, {transform_indices = @transform_7, window_bounds = array<i64: 1000, 128>}, {transform_indices = @transform_8, window_bounds = array<i64: 1000, 64>}]} {
    %get3A = arith.constant 0 : index
    %get3A_0 = arith.constant 0 : index
    %get3A_1 = vector.load %arg3[%get3A, %get3A_0] : memref<1000x1xf32, #tpu.memory_space<vmem>>, vector<1000x1xf32>
    %get3A_2 = arith.constant 0 : index
    %get3A_3 = arith.constant 0 : index
    %get3A_4 = arith.constant 0 : index
    %get3A_5 = vector.load %arg1[%get3A_2, %get3A_3, %get3A_4] : memref<2x1000x128xf32, #tpu.memory_space<vmem>>, vector<1x1000x128xf32>
    %get3A_6 = vector.shape_cast %get3A_5 : vector<1x1000x128xf32> to vector<1000x128xf32>
    %slice3A = vector.extract_strided_slice %get3A_6 {offsets = [0, 0], sizes = [1000, 64], strides = [1, 1]} : vector<1000x128xf32> to vector<1000x64xf32>
    %get3A_7 = arith.constant 1 : index
    %get3A_8 = arith.constant 0 : index
    %get3A_9 = arith.constant 0 : index
    %get3A_10 = vector.load %arg1[%get3A_7, %get3A_8, %get3A_9] : memref<2x1000x128xf32, #tpu.memory_space<vmem>>, vector<1x1000x128xf32>
    %get3A_11 = vector.shape_cast %get3A_10 : vector<1x1000x128xf32> to vector<1000x128xf32>
    %slice3A_12 = vector.extract_strided_slice %get3A_11 {offsets = [0, 0], sizes = [1000, 64], strides = [1, 1]} : vector<1000x128xf32> to vector<1000x64xf32>
    %add3A = arith.addf %slice3A, %slice3A_12 : vector<1000x64xf32>
    %mul3A = vector.broadcast %get3A_1 : vector<1000x1xf32> to vector<1000x64xf32>
    %mul3A_13 = arith.mulf %mul3A, %add3A : vector<1000x64xf32>
    %get3A_14 = arith.constant 0 : index
    %get3A_15 = arith.constant 0 : index
    %get3A_16 = vector.load %arg2[%get3A_14, %get3A_15] : memref<1000x64xf32, #tpu.memory_space<vmem>>, vector<1000x64xf32>
    %add3A_17 = arith.addf %mul3A_13, %get3A_16 : vector<1000x64xf32>
    %get3A_18 = arith.constant 0 : index
    %get3A_19 = arith.constant 0 : index
    %get3A_20 = vector.load %arg4[%get3A_18, %get3A_19] : memref<1x64xf32, #tpu.memory_space<vmem>>, vector<1x64xf32>
    %add3A_21 = vector.broadcast %get3A_20 : vector<1x64xf32> to vector<1000x64xf32>
    %add3A_22 = arith.addf %add3A_17, %add3A_21 : vector<1000x64xf32>
    %get3A_23 = arith.constant 0 : index
    %get3A_24 = arith.constant 0 : index
    %get3A_25 = vector.load %arg5[%get3A_23, %get3A_24] : memref<1x64xf32, #tpu.memory_space<vmem>>, vector<1x64xf32>
    %mul3A_26 = arith.constant 0.999994993 : f32
    %mul3A_27 = vector.broadcast %mul3A_26 : f32 to vector<1x64xf32>
    %mul3A_28 = arith.mulf %get3A_25, %mul3A_27 : vector<1x64xf32>
    %mul3A_29 = vector.broadcast %mul3A_28 : vector<1x64xf32> to vector<1000x64xf32>
    %mul3A_30 = arith.mulf %add3A_22, %mul3A_29 : vector<1000x64xf32>
    %get3A_31 = arith.constant 0 : index
    %get3A_32 = arith.constant 0 : index
    %get3A_33 = vector.load %arg6[%get3A_31, %get3A_32] : memref<1x64xf32, #tpu.memory_space<vmem>>, vector<1x64xf32>
    %add3A_34 = vector.broadcast %get3A_33 : vector<1x64xf32> to vector<1000x64xf32>
    %add3A_35 = arith.addf %mul3A_30, %add3A_34 : vector<1000x64xf32>
    %max3A = arith.constant 0.000000e+00 : f32
    %max3A_36 = vector.broadcast %max3A : f32 to vector<1000x64xf32>
    %max3A_37 = arith.maximumf %add3A_35, %max3A_36 : vector<1000x64xf32>
    %get3A_38 = arith.constant 0 : index
    %get3A_39 = arith.constant 0 : index
    %get3A_40 = vector.load %arg7[%get3A_38, %get3A_39] : memref<64x64xf32, #tpu.memory_space<vmem>>, vector<64x64xf32>
    %dot_general3A = arith.constant dense<0.000000e+00> : vector<1000x64xf32>
    %dot_general3A_41 = tpu.matmul %max3A_37, %get3A_40, %dot_general3A {dimension_numbers = #tpu.dot_dimension_numbers<[1], [0], [0], [1], [0, 0, 1, 1], [], []>, precision = #tpu.contract_precision<fp32>, transpose_lhs_hint = false} : vector<1000x64xf32>, vector<64x64xf32>, vector<1000x64xf32> -> vector<1000x64xf32>
    %mul3A_42 = vector.broadcast %get3A_1 : vector<1000x1xf32> to vector<1000x64xf32>
    %mul3A_43 = arith.mulf %dot_general3A_41, %mul3A_42 : vector<1000x64xf32>
    %broadcast_in_dim3A = arith.constant 0.000000e+00 : f32
    %broadcast_in_dim3A_44 = vector.broadcast %broadcast_in_dim3A : f32 to vector<1000x64xf32>
    %concatenate3A = tpu.concatenate %mul3A_43, %broadcast_in_dim3A_44 in 1 : vector<1000x64xf32>, vector<1000x64xf32> -> vector<1000x128xf32>
    %swap3A = arith.constant 0 : index
    %swap3A_45 = arith.constant 0 : index
    %swap3A_46 = vector.load %arg8[%swap3A, %swap3A_45] : memref<1000x128xf32, #tpu.memory_space<vmem>>, vector<1000x128xf32>
    tpu.vector_store %arg8[%swap3A, %swap3A_45], %concatenate3A {strides = array<i32>} : memref<1000x128xf32, #tpu.memory_space<vmem>>, vector<1000x128xf32>,
    %mul3A_47 = vector.broadcast %get3A_1 : vector<1000x1xf32> to vector<1000x64xf32>
    %mul3A_48 = arith.mulf %mul3A_43, %mul3A_47 : vector<1000x64xf32>
    %swap3A_49 = arith.constant 0 : index
    %swap3A_50 = arith.constant 0 : index
    %swap3A_51 = vector.load %arg9[%swap3A_49, %swap3A_50] : memref<1000x64xf32, #tpu.memory_space<vmem>>, vector<1000x64xf32>
    tpu.vector_store %arg9[%swap3A_49, %swap3A_50], %mul3A_48 {strides = array<i32>} : memref<1000x64xf32, #tpu.memory_space<vmem>>, vector<1000x64xf32>,
    return
  }
  func.func @transform_0(%arg0: i32) -> (i32, i32, i32) {
    %c0_i32 = arith.constant 0 : i32
    %c0_i32_0 = arith.constant 0 : i32
    %c0_i32_1 = arith.constant 0 : i32
    return %c0_i32, %arg0, %c0_i32_0 : i32, i32, i32
  }
  func.func @transform_1(%arg0: i32) -> (i32, i32) {
    %c0_i32 = arith.constant 0 : i32
    %c0_i32_0 = arith.constant 0 : i32
    return %arg0, %c0_i32 : i32, i32
  }
  func.func @transform_2(%arg0: i32) -> (i32, i32) {
    %c0_i32 = arith.constant 0 : i32
    %c0_i32_0 = arith.constant 0 : i32
    return %arg0, %c0_i32 : i32, i32
  }
  func.func @transform_3(%arg0: i32) -> (i32, i32) {
    %c0_i32 = arith.constant 0 : i32
    %c0_i32_0 = arith.constant 0 : i32
    %c0_i32_1 = arith.constant 0 : i32
    return %c0_i32, %c0_i32_0 : i32, i32
  }
  func.func @transform_4(%arg0: i32) -> (i32, i32) {
    %c0_i32 = arith.constant 0 : i32
    %c0_i32_0 = arith.constant 0 : i32
    %c0_i32_1 = arith.constant 0 : i32
    return %c0_i32, %c0_i32_0 : i32, i32
  }
  func.func @transform_5(%arg0: i32) -> (i32, i32) {
    %c0_i32 = arith.constant 0 : i32
    %c0_i32_0 = arith.constant 0 : i32
    %c0_i32_1 = arith.constant 0 : i32
    return %c0_i32, %c0_i32_0 : i32, i32
  }
  func.func @transform_6(%arg0: i32) -> (i32, i32) {
    %c0_i32 = arith.constant 0 : i32
    %c0_i32_0 = arith.constant 0 : i32
    %c0_i32_1 = arith.constant 0 : i32
    return %c0_i32, %c0_i32_0 : i32, i32
  }
  func.func @transform_7(%arg0: i32) -> (i32, i32) {
    %c0_i32 = arith.constant 0 : i32
    %c0_i32_0 = arith.constant 0 : i32
    return %arg0, %c0_i32 : i32, i32
  }
  func.func @transform_8(%arg0: i32) -> (i32, i32) {
    %c0_i32 = arith.constant 0 : i32
    %c0_i32_0 = arith.constant 0 : i32
    return %arg0, %c0_i32 : i32, i32
  }
}

module attributes {stable_mosaic.version = 14 : i64} {
  func.func @body(%arg0: i32, %arg1: memref<2x1000x128xf32, #tpu.memory_space<vmem>>, %arg2: memref<1000x64xf32, #tpu.memory_space<vmem>>, %arg3: memref<1000x1xf32, #tpu.memory_space<vmem>>, %arg4: memref<1x64xf32, #tpu.memory_space<vmem>>, %arg5: memref<1x64xf32, #tpu.memory_space<vmem>>, %arg6: memref<1x64xf32, #tpu.memory_space<vmem>>, %arg7: memref<64x32xf32, #tpu.memory_space<vmem>>, %arg8: memref<1000x128xf32, #tpu.memory_space<vmem>>, %arg9: memref<1000x32xf32, #tpu.memory_space<vmem>>) attributes {dimension_semantics = [#tpu.dimension_semantics<arbitrary>], iteration_bounds = array<i64: 10>, scalar_prefetch = 0 : i64, scratch_operands = 0 : i64, tpu.core_type = #tpu.core_type<tc>, window_params = [{transform_indices = @transform_0, window_bounds = array<i64: 2, 1000, 128>}, {transform_indices = @transform_1, window_bounds = array<i64: 1000, 64>}, {transform_indices = @transform_2, window_bounds = array<i64: 1000, 1>}, {pipeline_mode = #tpu.pipeline_mode<synchronous>, transform_indices = @transform_3, window_bounds = array<i64: 1, 64>}, {pipeline_mode = #tpu.pipeline_mode<synchronous>, transform_indices = @transform_4, window_bounds = array<i64: 1, 64>}, {pipeline_mode = #tpu.pipeline_mode<synchronous>, transform_indices = @transform_5, window_bounds = array<i64: 1, 64>}, {pipeline_mode = #tpu.pipeline_mode<synchronous>, transform_indices = @transform_6, window_bounds = array<i64: 64, 32>}, {transform_indices = @transform_7, window_bounds = array<i64: 1000, 128>}, {transform_indices = @transform_8, window_bounds = array<i64: 1000, 32>}]} {
    %get3A = arith.constant 0 : index
    %get3A_0 = arith.constant 0 : index
    %get3A_1 = vector.load %arg3[%get3A, %get3A_0] : memref<1000x1xf32, #tpu.memory_space<vmem>>, vector<1000x1xf32>
    %get3A_2 = arith.constant 0 : index
    %get3A_3 = arith.constant 0 : index
    %get3A_4 = arith.constant 0 : index
    %get3A_5 = vector.load %arg1[%get3A_2, %get3A_3, %get3A_4] : memref<2x1000x128xf32, #tpu.memory_space<vmem>>, vector<1x1000x128xf32>
    %get3A_6 = vector.shape_cast %get3A_5 : vector<1x1000x128xf32> to vector<1000x128xf32>
    %slice3A = vector.extract_strided_slice %get3A_6 {offsets = [0, 0], sizes = [1000, 64], strides = [1, 1]} : vector<1000x128xf32> to vector<1000x64xf32>
    %get3A_7 = arith.constant 1 : index
    %get3A_8 = arith.constant 0 : index
    %get3A_9 = arith.constant 0 : index
    %get3A_10 = vector.load %arg1[%get3A_7, %get3A_8, %get3A_9] : memref<2x1000x128xf32, #tpu.memory_space<vmem>>, vector<1x1000x128xf32>
    %get3A_11 = vector.shape_cast %get3A_10 : vector<1x1000x128xf32> to vector<1000x128xf32>
    %slice3A_12 = vector.extract_strided_slice %get3A_11 {offsets = [0, 0], sizes = [1000, 64], strides = [1, 1]} : vector<1000x128xf32> to vector<1000x64xf32>
    %add3A = arith.addf %slice3A, %slice3A_12 : vector<1000x64xf32>
    %mul3A = vector.broadcast %get3A_1 : vector<1000x1xf32> to vector<1000x64xf32>
    %mul3A_13 = arith.mulf %mul3A, %add3A : vector<1000x64xf32>
    %get3A_14 = arith.constant 0 : index
    %get3A_15 = arith.constant 0 : index
    %get3A_16 = vector.load %arg2[%get3A_14, %get3A_15] : memref<1000x64xf32, #tpu.memory_space<vmem>>, vector<1000x64xf32>
    %add3A_17 = arith.addf %mul3A_13, %get3A_16 : vector<1000x64xf32>
    %get3A_18 = arith.constant 0 : index
    %get3A_19 = arith.constant 0 : index
    %get3A_20 = vector.load %arg4[%get3A_18, %get3A_19] : memref<1x64xf32, #tpu.memory_space<vmem>>, vector<1x64xf32>
    %add3A_21 = vector.broadcast %get3A_20 : vector<1x64xf32> to vector<1000x64xf32>
    %add3A_22 = arith.addf %add3A_17, %add3A_21 : vector<1000x64xf32>
    %get3A_23 = arith.constant 0 : index
    %get3A_24 = arith.constant 0 : index
    %get3A_25 = vector.load %arg5[%get3A_23, %get3A_24] : memref<1x64xf32, #tpu.memory_space<vmem>>, vector<1x64xf32>
    %mul3A_26 = arith.constant 0.999994993 : f32
    %mul3A_27 = vector.broadcast %mul3A_26 : f32 to vector<1x64xf32>
    %mul3A_28 = arith.mulf %get3A_25, %mul3A_27 : vector<1x64xf32>
    %mul3A_29 = vector.broadcast %mul3A_28 : vector<1x64xf32> to vector<1000x64xf32>
    %mul3A_30 = arith.mulf %add3A_22, %mul3A_29 : vector<1000x64xf32>
    %get3A_31 = arith.constant 0 : index
    %get3A_32 = arith.constant 0 : index
    %get3A_33 = vector.load %arg6[%get3A_31, %get3A_32] : memref<1x64xf32, #tpu.memory_space<vmem>>, vector<1x64xf32>
    %add3A_34 = vector.broadcast %get3A_33 : vector<1x64xf32> to vector<1000x64xf32>
    %add3A_35 = arith.addf %mul3A_30, %add3A_34 : vector<1000x64xf32>
    %max3A = arith.constant 0.000000e+00 : f32
    %max3A_36 = vector.broadcast %max3A : f32 to vector<1000x64xf32>
    %max3A_37 = arith.maximumf %add3A_35, %max3A_36 : vector<1000x64xf32>
    %get3A_38 = arith.constant 0 : index
    %get3A_39 = arith.constant 0 : index
    %get3A_40 = vector.load %arg7[%get3A_38, %get3A_39] : memref<64x32xf32, #tpu.memory_space<vmem>>, vector<64x32xf32>
    %dot_general3A = arith.constant dense<0.000000e+00> : vector<1000x32xf32>
    %dot_general3A_41 = tpu.matmul %max3A_37, %get3A_40, %dot_general3A {dimension_numbers = #tpu.dot_dimension_numbers<[1], [0], [0], [1], [0, 0, 1, 1], [], []>, precision = #tpu.contract_precision<fp32>, transpose_lhs_hint = false} : vector<1000x64xf32>, vector<64x32xf32>, vector<1000x32xf32> -> vector<1000x32xf32>
    %mul3A_42 = vector.broadcast %get3A_1 : vector<1000x1xf32> to vector<1000x32xf32>
    %mul3A_43 = arith.mulf %dot_general3A_41, %mul3A_42 : vector<1000x32xf32>
    %broadcast_in_dim3A = arith.constant 0.000000e+00 : f32
    %broadcast_in_dim3A_44 = vector.broadcast %broadcast_in_dim3A : f32 to vector<1000x96xf32>
    %concatenate3A = tpu.concatenate %mul3A_43, %broadcast_in_dim3A_44 in 1 : vector<1000x32xf32>, vector<1000x96xf32> -> vector<1000x128xf32>
    %swap3A = arith.constant 0 : index
    %swap3A_45 = arith.constant 0 : index
    %swap3A_46 = vector.load %arg8[%swap3A, %swap3A_45] : memref<1000x128xf32, #tpu.memory_space<vmem>>, vector<1000x128xf32>
    tpu.vector_store %arg8[%swap3A, %swap3A_45], %concatenate3A {strides = array<i32>} : memref<1000x128xf32, #tpu.memory_space<vmem>>, vector<1000x128xf32>,
    %mul3A_47 = vector.broadcast %get3A_1 : vector<1000x1xf32> to vector<1000x32xf32>
    %mul3A_48 = arith.mulf %mul3A_43, %mul3A_47 : vector<1000x32xf32>
    %swap3A_49 = arith.constant 0 : index
    %swap3A_50 = arith.constant 0 : index
    %swap3A_51 = vector.load %arg9[%swap3A_49, %swap3A_50] : memref<1000x32xf32, #tpu.memory_space<vmem>>, vector<1000x32xf32>
    tpu.vector_store %arg9[%swap3A_49, %swap3A_50], %mul3A_48 {strides = array<i32>} : memref<1000x32xf32, #tpu.memory_space<vmem>>, vector<1000x32xf32>,
    return
  }
  func.func @transform_0(%arg0: i32) -> (i32, i32, i32) {
    %c0_i32 = arith.constant 0 : i32
    %c0_i32_0 = arith.constant 0 : i32
    %c0_i32_1 = arith.constant 0 : i32
    return %c0_i32, %arg0, %c0_i32_0 : i32, i32, i32
  }
  func.func @transform_1(%arg0: i32) -> (i32, i32) {
    %c0_i32 = arith.constant 0 : i32
    %c0_i32_0 = arith.constant 0 : i32
    return %arg0, %c0_i32 : i32, i32
  }
  func.func @transform_2(%arg0: i32) -> (i32, i32) {
    %c0_i32 = arith.constant 0 : i32
    %c0_i32_0 = arith.constant 0 : i32
    return %arg0, %c0_i32 : i32, i32
  }
  func.func @transform_3(%arg0: i32) -> (i32, i32) {
    %c0_i32 = arith.constant 0 : i32
    %c0_i32_0 = arith.constant 0 : i32
    %c0_i32_1 = arith.constant 0 : i32
    return %c0_i32, %c0_i32_0 : i32, i32
  }
  func.func @transform_4(%arg0: i32) -> (i32, i32) {
    %c0_i32 = arith.constant 0 : i32
    %c0_i32_0 = arith.constant 0 : i32
    %c0_i32_1 = arith.constant 0 : i32
    return %c0_i32, %c0_i32_0 : i32, i32
  }
  func.func @transform_5(%arg0: i32) -> (i32, i32) {
    %c0_i32 = arith.constant 0 : i32
    %c0_i32_0 = arith.constant 0 : i32
    %c0_i32_1 = arith.constant 0 : i32
    return %c0_i32, %c0_i32_0 : i32, i32
  }
  func.func @transform_6(%arg0: i32) -> (i32, i32) {
    %c0_i32 = arith.constant 0 : i32
    %c0_i32_0 = arith.constant 0 : i32
    %c0_i32_1 = arith.constant 0 : i32
    return %c0_i32, %c0_i32_0 : i32, i32
  }
  func.func @transform_7(%arg0: i32) -> (i32, i32) {
    %c0_i32 = arith.constant 0 : i32
    %c0_i32_0 = arith.constant 0 : i32
    return %arg0, %c0_i32 : i32, i32
  }
  func.func @transform_8(%arg0: i32) -> (i32, i32) {
    %c0_i32 = arith.constant 0 : i32
    %c0_i32_0 = arith.constant 0 : i32
    return %arg0, %c0_i32 : i32, i32
  }
}

module attributes {stable_mosaic.version = 14 : i64} {
  func.func @body(%arg0: i32, %arg1: memref<2x10000x128xf32, #tpu.memory_space<vmem>>, %arg2: memref<10000x32xf32, #tpu.memory_space<vmem>>, %arg3: memref<10000x1xf32, #tpu.memory_space<vmem>>, %arg4: memref<1x32xf32, #tpu.memory_space<vmem>>, %arg5: memref<10000x1xi32, #tpu.memory_space<vmem>>, %arg6: memref<64x32xf32, #tpu.memory_space<vmem>>, %arg7: memref<1x32xf32, #tpu.memory_space<vmem>>, %arg8: memref<10000x32xf32, #tpu.memory_space<vmem>>, %arg9: memref<16x32xf32, #tpu.memory_space<vmem>>) attributes {dimension_semantics = [#tpu.dimension_semantics<arbitrary>], iteration_bounds = array<i64: 1>, scalar_prefetch = 0 : i64, scratch_operands = 0 : i64, tpu.core_type = #tpu.core_type<tc>, window_params = [{pipeline_mode = #tpu.pipeline_mode<synchronous>, transform_indices = @transform_0, window_bounds = array<i64: 2, 10000, 128>}, {pipeline_mode = #tpu.pipeline_mode<synchronous>, transform_indices = @transform_1, window_bounds = array<i64: 10000, 32>}, {pipeline_mode = #tpu.pipeline_mode<synchronous>, transform_indices = @transform_2, window_bounds = array<i64: 10000, 1>}, {pipeline_mode = #tpu.pipeline_mode<synchronous>, transform_indices = @transform_3, window_bounds = array<i64: 1, 32>}, {pipeline_mode = #tpu.pipeline_mode<synchronous>, transform_indices = @transform_4, window_bounds = array<i64: 10000, 1>}, {pipeline_mode = #tpu.pipeline_mode<synchronous>, transform_indices = @transform_5, window_bounds = array<i64: 64, 32>}, {pipeline_mode = #tpu.pipeline_mode<synchronous>, transform_indices = @transform_6, window_bounds = array<i64: 1, 32>}, {pipeline_mode = #tpu.pipeline_mode<synchronous>, transform_indices = @transform_7, window_bounds = array<i64: 10000, 32>}, {pipeline_mode = #tpu.pipeline_mode<synchronous>, transform_indices = @transform_8, window_bounds = array<i64: 16, 32>}]} {
    %get3A = arith.constant 0 : index
    %get3A_0 = arith.constant 0 : index
    %get3A_1 = vector.load %arg3[%get3A, %get3A_0] : memref<10000x1xf32, #tpu.memory_space<vmem>>, vector<10000x1xf32>
    %get3A_2 = arith.constant 0 : index
    %get3A_3 = arith.constant 0 : index
    %get3A_4 = arith.constant 0 : index
    %get3A_5 = vector.load %arg1[%get3A_2, %get3A_3, %get3A_4] : memref<2x10000x128xf32, #tpu.memory_space<vmem>>, vector<1x10000x128xf32>
    %get3A_6 = vector.shape_cast %get3A_5 : vector<1x10000x128xf32> to vector<10000x128xf32>
    %slice3A = vector.extract_strided_slice %get3A_6 {offsets = [0, 0], sizes = [10000, 32], strides = [1, 1]} : vector<10000x128xf32> to vector<10000x32xf32>
    %get3A_7 = arith.constant 1 : index
    %get3A_8 = arith.constant 0 : index
    %get3A_9 = arith.constant 0 : index
    %get3A_10 = vector.load %arg1[%get3A_7, %get3A_8, %get3A_9] : memref<2x10000x128xf32, #tpu.memory_space<vmem>>, vector<1x10000x128xf32>
    %get3A_11 = vector.shape_cast %get3A_10 : vector<1x10000x128xf32> to vector<10000x128xf32>
    %slice3A_12 = vector.extract_strided_slice %get3A_11 {offsets = [0, 0], sizes = [10000, 32], strides = [1, 1]} : vector<10000x128xf32> to vector<10000x32xf32>
    %add3A = arith.addf %slice3A, %slice3A_12 : vector<10000x32xf32>
    %mul3A = vector.broadcast %get3A_1 : vector<10000x1xf32> to vector<10000x32xf32>
    %mul3A_13 = arith.mulf %mul3A, %add3A : vector<10000x32xf32>
    %get3A_14 = arith.constant 0 : index
    %get3A_15 = arith.constant 0 : index
    %get3A_16 = vector.load %arg2[%get3A_14, %get3A_15] : memref<10000x32xf32, #tpu.memory_space<vmem>>, vector<10000x32xf32>
    %add3A_17 = arith.addf %mul3A_13, %get3A_16 : vector<10000x32xf32>
    %get3A_18 = arith.constant 0 : index
    %get3A_19 = arith.constant 0 : index
    %get3A_20 = vector.load %arg4[%get3A_18, %get3A_19] : memref<1x32xf32, #tpu.memory_space<vmem>>, vector<1x32xf32>
    %add3A_21 = vector.broadcast %get3A_20 : vector<1x32xf32> to vector<10000x32xf32>
    %add3A_22 = arith.addf %add3A_17, %add3A_21 : vector<10000x32xf32>
    %max3A = arith.constant 0.000000e+00 : f32
    %max3A_23 = vector.broadcast %max3A : f32 to vector<10000x32xf32>
    %max3A_24 = arith.maximumf %add3A_22, %max3A_23 : vector<10000x32xf32>
    %swap3A = arith.constant 0 : index
    %swap3A_25 = arith.constant 0 : index
    %swap3A_26 = vector.load %arg8[%swap3A, %swap3A_25] : memref<10000x32xf32, #tpu.memory_space<vmem>>, vector<10000x32xf32>
    tpu.vector_store %arg8[%swap3A, %swap3A_25], %max3A_24 {strides = array<i32>} : memref<10000x32xf32, #tpu.memory_space<vmem>>, vector<10000x32xf32>,
    %get3A_27 = arith.constant 0 : index
    %get3A_28 = arith.constant 0 : index
    %get3A_29 = vector.load %arg5[%get3A_27, %get3A_28] : memref<10000x1xi32, #tpu.memory_space<vmem>>, vector<10000x1xi32>
    %eq3A = arith.constant 0 : i32
    %eq3A_30 = vector.broadcast %eq3A : i32 to vector<10000x1xi32>
    %eq3A_31 = arith.cmpi eq, %get3A_29, %eq3A_30 : vector<10000x1xi32>
    %jit3A = arith.constant 0.000000e+00 : f32
    %broadcast_in_dim3A = vector.shape_cast %eq3A_31 : vector<10000x1xi1> to vector<10000x1xi1>
    %broadcast_in_dim3A_32 = vector.broadcast %broadcast_in_dim3A : vector<10000x1xi1> to vector<10000x32xi1>
    %broadcast_in_dim3A_33 = vector.broadcast %jit3A : f32 to vector<10000x32xf32>
    %select_n3A = arith.select %broadcast_in_dim3A_32, %max3A_24, %broadcast_in_dim3A_33 : vector<10000x32xi1>, vector<10000x32xf32>
    %reduce_sum3A = arith.constant dense<0.000000e+00> : vector<32xf32>
    %reduce_sum3A_34 = vector.multi_reduction <add>, %select_n3A, %reduce_sum3A [0] : vector<10000x32xf32> to vector<32xf32>
    %broadcast_in_dim3A_35 = vector.shape_cast %reduce_sum3A_34 : vector<32xf32> to vector<1x32xf32>
    %jit3A_36 = arith.constant 0xFF800000 : f32
    %broadcast_in_dim3A_37 = vector.shape_cast %eq3A_31 : vector<10000x1xi1> to vector<10000x1xi1>
    %broadcast_in_dim3A_38 = vector.broadcast %broadcast_in_dim3A_37 : vector<10000x1xi1> to vector<10000x32xi1>
    %broadcast_in_dim3A_39 = vector.broadcast %jit3A_36 : f32 to vector<10000x32xf32>
    %select_n3A_40 = arith.select %broadcast_in_dim3A_38, %max3A_24, %broadcast_in_dim3A_39 : vector<10000x32xi1>, vector<10000x32xf32>
    %reduce_max3A = arith.constant dense<0xFF800000> : vector<32xf32>
    %reduce_max3A_41 = vector.multi_reduction <maximumf>, %select_n3A_40, %reduce_max3A [0] : vector<10000x32xf32> to vector<32xf32>
    %broadcast_in_dim3A_42 = vector.shape_cast %reduce_max3A_41 : vector<32xf32> to vector<1x32xf32>
    %jit3A_43 = arith.constant 1.000000e+00 : f32
    %jit3A_44 = arith.constant 0.000000e+00 : f32
    %broadcast_in_dim3A_45 = vector.broadcast %jit3A_43 : f32 to vector<10000x1xf32>
    %broadcast_in_dim3A_46 = vector.broadcast %jit3A_44 : f32 to vector<10000x1xf32>
    %select_n3A_47 = arith.select %eq3A_31, %broadcast_in_dim3A_45, %broadcast_in_dim3A_46 : vector<10000x1xi1>, vector<10000x1xf32>
    %reduce_sum3A_48 = arith.constant dense<0.000000e+00> : vector<1xf32>
    %reduce_sum3A_49 = vector.multi_reduction <add>, %select_n3A_47, %reduce_sum3A_48 [0] : vector<10000x1xf32> to vector<1xf32>
    %broadcast_in_dim3A_50 = vector.shape_cast %reduce_sum3A_49 : vector<1xf32> to vector<1x1xf32>
    %eq3A_51 = arith.constant 1 : i32
    %eq3A_52 = vector.broadcast %eq3A_51 : i32 to vector<10000x1xi32>
    %eq3A_53 = arith.cmpi eq, %get3A_29, %eq3A_52 : vector<10000x1xi32>
    %jit3A_54 = arith.constant 0.000000e+00 : f32
    %broadcast_in_dim3A_55 = vector.shape_cast %eq3A_53 : vector<10000x1xi1> to vector<10000x1xi1>
    %broadcast_in_dim3A_56 = vector.broadcast %broadcast_in_dim3A_55 : vector<10000x1xi1> to vector<10000x32xi1>
    %broadcast_in_dim3A_57 = vector.broadcast %jit3A_54 : f32 to vector<10000x32xf32>
    %select_n3A_58 = arith.select %broadcast_in_dim3A_56, %max3A_24, %broadcast_in_dim3A_57 : vector<10000x32xi1>, vector<10000x32xf32>
    %reduce_sum3A_59 = arith.constant dense<0.000000e+00> : vector<32xf32>
    %reduce_sum3A_60 = vector.multi_reduction <add>, %select_n3A_58, %reduce_sum3A_59 [0] : vector<10000x32xf32> to vector<32xf32>
    %broadcast_in_dim3A_61 = vector.shape_cast %reduce_sum3A_60 : vector<32xf32> to vector<1x32xf32>
    %jit3A_62 = arith.constant 0xFF800000 : f32
    %broadcast_in_dim3A_63 = vector.shape_cast %eq3A_53 : vector<10000x1xi1> to vector<10000x1xi1>
    %broadcast_in_dim3A_64 = vector.broadcast %broadcast_in_dim3A_63 : vector<10000x1xi1> to vector<10000x32xi1>
    %broadcast_in_dim3A_65 = vector.broadcast %jit3A_62 : f32 to vector<10000x32xf32>
    %select_n3A_66 = arith.select %broadcast_in_dim3A_64, %max3A_24, %broadcast_in_dim3A_65 : vector<10000x32xi1>, vector<10000x32xf32>
    %reduce_max3A_67 = arith.constant dense<0xFF800000> : vector<32xf32>
    %reduce_max3A_68 = vector.multi_reduction <maximumf>, %select_n3A_66, %reduce_max3A_67 [0] : vector<10000x32xf32> to vector<32xf32>
    %broadcast_in_dim3A_69 = vector.shape_cast %reduce_max3A_68 : vector<32xf32> to vector<1x32xf32>
    %jit3A_70 = arith.constant 1.000000e+00 : f32
    %jit3A_71 = arith.constant 0.000000e+00 : f32
    %broadcast_in_dim3A_72 = vector.broadcast %jit3A_70 : f32 to vector<10000x1xf32>
    %broadcast_in_dim3A_73 = vector.broadcast %jit3A_71 : f32 to vector<10000x1xf32>
    %select_n3A_74 = arith.select %eq3A_53, %broadcast_in_dim3A_72, %broadcast_in_dim3A_73 : vector<10000x1xi1>, vector<10000x1xf32>
    %reduce_sum3A_75 = arith.constant dense<0.000000e+00> : vector<1xf32>
    %reduce_sum3A_76 = vector.multi_reduction <add>, %select_n3A_74, %reduce_sum3A_75 [0] : vector<10000x1xf32> to vector<1xf32>
    %broadcast_in_dim3A_77 = vector.shape_cast %reduce_sum3A_76 : vector<1xf32> to vector<1x1xf32>
    %eq3A_78 = arith.constant 2 : i32
    %eq3A_79 = vector.broadcast %eq3A_78 : i32 to vector<10000x1xi32>
    %eq3A_80 = arith.cmpi eq, %get3A_29, %eq3A_79 : vector<10000x1xi32>
    %jit3A_81 = arith.constant 0.000000e+00 : f32
    %broadcast_in_dim3A_82 = vector.shape_cast %eq3A_80 : vector<10000x1xi1> to vector<10000x1xi1>
    %broadcast_in_dim3A_83 = vector.broadcast %broadcast_in_dim3A_82 : vector<10000x1xi1> to vector<10000x32xi1>
    %broadcast_in_dim3A_84 = vector.broadcast %jit3A_81 : f32 to vector<10000x32xf32>
    %select_n3A_85 = arith.select %broadcast_in_dim3A_83, %max3A_24, %broadcast_in_dim3A_84 : vector<10000x32xi1>, vector<10000x32xf32>
    %reduce_sum3A_86 = arith.constant dense<0.000000e+00> : vector<32xf32>
    %reduce_sum3A_87 = vector.multi_reduction <add>, %select_n3A_85, %reduce_sum3A_86 [0] : vector<10000x32xf32> to vector<32xf32>
    %broadcast_in_dim3A_88 = vector.shape_cast %reduce_sum3A_87 : vector<32xf32> to vector<1x32xf32>
    %jit3A_89 = arith.constant 0xFF800000 : f32
    %broadcast_in_dim3A_90 = vector.shape_cast %eq3A_80 : vector<10000x1xi1> to vector<10000x1xi1>
    %broadcast_in_dim3A_91 = vector.broadcast %broadcast_in_dim3A_90 : vector<10000x1xi1> to vector<10000x32xi1>
    %broadcast_in_dim3A_92 = vector.broadcast %jit3A_89 : f32 to vector<10000x32xf32>
    %select_n3A_93 = arith.select %broadcast_in_dim3A_91, %max3A_24, %broadcast_in_dim3A_92 : vector<10000x32xi1>, vector<10000x32xf32>
    %reduce_max3A_94 = arith.constant dense<0xFF800000> : vector<32xf32>
    %reduce_max3A_95 = vector.multi_reduction <maximumf>, %select_n3A_93, %reduce_max3A_94 [0] : vector<10000x32xf32> to vector<32xf32>
    %broadcast_in_dim3A_96 = vector.shape_cast %reduce_max3A_95 : vector<32xf32> to vector<1x32xf32>
    %jit3A_97 = arith.constant 1.000000e+00 : f32
    %jit3A_98 = arith.constant 0.000000e+00 : f32
    %broadcast_in_dim3A_99 = vector.broadcast %jit3A_97 : f32 to vector<10000x1xf32>
    %broadcast_in_dim3A_100 = vector.broadcast %jit3A_98 : f32 to vector<10000x1xf32>
    %select_n3A_101 = arith.select %eq3A_80, %broadcast_in_dim3A_99, %broadcast_in_dim3A_100 : vector<10000x1xi1>, vector<10000x1xf32>
    %reduce_sum3A_102 = arith.constant dense<0.000000e+00> : vector<1xf32>
    %reduce_sum3A_103 = vector.multi_reduction <add>, %select_n3A_101, %reduce_sum3A_102 [0] : vector<10000x1xf32> to vector<1xf32>
    %broadcast_in_dim3A_104 = vector.shape_cast %reduce_sum3A_103 : vector<1xf32> to vector<1x1xf32>
    %eq3A_105 = arith.constant 3 : i32
    %eq3A_106 = vector.broadcast %eq3A_105 : i32 to vector<10000x1xi32>
    %eq3A_107 = arith.cmpi eq, %get3A_29, %eq3A_106 : vector<10000x1xi32>
    %jit3A_108 = arith.constant 0.000000e+00 : f32
    %broadcast_in_dim3A_109 = vector.shape_cast %eq3A_107 : vector<10000x1xi1> to vector<10000x1xi1>
    %broadcast_in_dim3A_110 = vector.broadcast %broadcast_in_dim3A_109 : vector<10000x1xi1> to vector<10000x32xi1>
    %broadcast_in_dim3A_111 = vector.broadcast %jit3A_108 : f32 to vector<10000x32xf32>
    %select_n3A_112 = arith.select %broadcast_in_dim3A_110, %max3A_24, %broadcast_in_dim3A_111 : vector<10000x32xi1>, vector<10000x32xf32>
    %reduce_sum3A_113 = arith.constant dense<0.000000e+00> : vector<32xf32>
    %reduce_sum3A_114 = vector.multi_reduction <add>, %select_n3A_112, %reduce_sum3A_113 [0] : vector<10000x32xf32> to vector<32xf32>
    %broadcast_in_dim3A_115 = vector.shape_cast %reduce_sum3A_114 : vector<32xf32> to vector<1x32xf32>
    %jit3A_116 = arith.constant 0xFF800000 : f32
    %broadcast_in_dim3A_117 = vector.shape_cast %eq3A_107 : vector<10000x1xi1> to vector<10000x1xi1>
    %broadcast_in_dim3A_118 = vector.broadcast %broadcast_in_dim3A_117 : vector<10000x1xi1> to vector<10000x32xi1>
    %broadcast_in_dim3A_119 = vector.broadcast %jit3A_116 : f32 to vector<10000x32xf32>
    %select_n3A_120 = arith.select %broadcast_in_dim3A_118, %max3A_24, %broadcast_in_dim3A_119 : vector<10000x32xi1>, vector<10000x32xf32>
    %reduce_max3A_121 = arith.constant dense<0xFF800000> : vector<32xf32>
    %reduce_max3A_122 = vector.multi_reduction <maximumf>, %select_n3A_120, %reduce_max3A_121 [0] : vector<10000x32xf32> to vector<32xf32>
    %broadcast_in_dim3A_123 = vector.shape_cast %reduce_max3A_122 : vector<32xf32> to vector<1x32xf32>
    %jit3A_124 = arith.constant 1.000000e+00 : f32
    %jit3A_125 = arith.constant 0.000000e+00 : f32
    %broadcast_in_dim3A_126 = vector.broadcast %jit3A_124 : f32 to vector<10000x1xf32>
    %broadcast_in_dim3A_127 = vector.broadcast %jit3A_125 : f32 to vector<10000x1xf32>
    %select_n3A_128 = arith.select %eq3A_107, %broadcast_in_dim3A_126, %broadcast_in_dim3A_127 : vector<10000x1xi1>, vector<10000x1xf32>
    %reduce_sum3A_129 = arith.constant dense<0.000000e+00> : vector<1xf32>
    %reduce_sum3A_130 = vector.multi_reduction <add>, %select_n3A_128, %reduce_sum3A_129 [0] : vector<10000x1xf32> to vector<1xf32>
    %broadcast_in_dim3A_131 = vector.shape_cast %reduce_sum3A_130 : vector<1xf32> to vector<1x1xf32>
    %eq3A_132 = arith.constant 4 : i32
    %eq3A_133 = vector.broadcast %eq3A_132 : i32 to vector<10000x1xi32>
    %eq3A_134 = arith.cmpi eq, %get3A_29, %eq3A_133 : vector<10000x1xi32>
    %jit3A_135 = arith.constant 0.000000e+00 : f32
    %broadcast_in_dim3A_136 = vector.shape_cast %eq3A_134 : vector<10000x1xi1> to vector<10000x1xi1>
    %broadcast_in_dim3A_137 = vector.broadcast %broadcast_in_dim3A_136 : vector<10000x1xi1> to vector<10000x32xi1>
    %broadcast_in_dim3A_138 = vector.broadcast %jit3A_135 : f32 to vector<10000x32xf32>
    %select_n3A_139 = arith.select %broadcast_in_dim3A_137, %max3A_24, %broadcast_in_dim3A_138 : vector<10000x32xi1>, vector<10000x32xf32>
    %reduce_sum3A_140 = arith.constant dense<0.000000e+00> : vector<32xf32>
    %reduce_sum3A_141 = vector.multi_reduction <add>, %select_n3A_139, %reduce_sum3A_140 [0] : vector<10000x32xf32> to vector<32xf32>
    %broadcast_in_dim3A_142 = vector.shape_cast %reduce_sum3A_141 : vector<32xf32> to vector<1x32xf32>
    %jit3A_143 = arith.constant 0xFF800000 : f32
    %broadcast_in_dim3A_144 = vector.shape_cast %eq3A_134 : vector<10000x1xi1> to vector<10000x1xi1>
    %broadcast_in_dim3A_145 = vector.broadcast %broadcast_in_dim3A_144 : vector<10000x1xi1> to vector<10000x32xi1>
    %broadcast_in_dim3A_146 = vector.broadcast %jit3A_143 : f32 to vector<10000x32xf32>
    %select_n3A_147 = arith.select %broadcast_in_dim3A_145, %max3A_24, %broadcast_in_dim3A_146 : vector<10000x32xi1>, vector<10000x32xf32>
    %reduce_max3A_148 = arith.constant dense<0xFF800000> : vector<32xf32>
    %reduce_max3A_149 = vector.multi_reduction <maximumf>, %select_n3A_147, %reduce_max3A_148 [0] : vector<10000x32xf32> to vector<32xf32>
    %broadcast_in_dim3A_150 = vector.shape_cast %reduce_max3A_149 : vector<32xf32> to vector<1x32xf32>
    %jit3A_151 = arith.constant 1.000000e+00 : f32
    %jit3A_152 = arith.constant 0.000000e+00 : f32
    %broadcast_in_dim3A_153 = vector.broadcast %jit3A_151 : f32 to vector<10000x1xf32>
    %broadcast_in_dim3A_154 = vector.broadcast %jit3A_152 : f32 to vector<10000x1xf32>
    %select_n3A_155 = arith.select %eq3A_134, %broadcast_in_dim3A_153, %broadcast_in_dim3A_154 : vector<10000x1xi1>, vector<10000x1xf32>
    %reduce_sum3A_156 = arith.constant dense<0.000000e+00> : vector<1xf32>
    %reduce_sum3A_157 = vector.multi_reduction <add>, %select_n3A_155, %reduce_sum3A_156 [0] : vector<10000x1xf32> to vector<1xf32>
    %broadcast_in_dim3A_158 = vector.shape_cast %reduce_sum3A_157 : vector<1xf32> to vector<1x1xf32>
    %eq3A_159 = arith.constant 5 : i32
    %eq3A_160 = vector.broadcast %eq3A_159 : i32 to vector<10000x1xi32>
    %eq3A_161 = arith.cmpi eq, %get3A_29, %eq3A_160 : vector<10000x1xi32>
    %jit3A_162 = arith.constant 0.000000e+00 : f32
    %broadcast_in_dim3A_163 = vector.shape_cast %eq3A_161 : vector<10000x1xi1> to vector<10000x1xi1>
    %broadcast_in_dim3A_164 = vector.broadcast %broadcast_in_dim3A_163 : vector<10000x1xi1> to vector<10000x32xi1>
    %broadcast_in_dim3A_165 = vector.broadcast %jit3A_162 : f32 to vector<10000x32xf32>
    %select_n3A_166 = arith.select %broadcast_in_dim3A_164, %max3A_24, %broadcast_in_dim3A_165 : vector<10000x32xi1>, vector<10000x32xf32>
    %reduce_sum3A_167 = arith.constant dense<0.000000e+00> : vector<32xf32>
    %reduce_sum3A_168 = vector.multi_reduction <add>, %select_n3A_166, %reduce_sum3A_167 [0] : vector<10000x32xf32> to vector<32xf32>
    %broadcast_in_dim3A_169 = vector.shape_cast %reduce_sum3A_168 : vector<32xf32> to vector<1x32xf32>
    %jit3A_170 = arith.constant 0xFF800000 : f32
    %broadcast_in_dim3A_171 = vector.shape_cast %eq3A_161 : vector<10000x1xi1> to vector<10000x1xi1>
    %broadcast_in_dim3A_172 = vector.broadcast %broadcast_in_dim3A_171 : vector<10000x1xi1> to vector<10000x32xi1>
    %broadcast_in_dim3A_173 = vector.broadcast %jit3A_170 : f32 to vector<10000x32xf32>
    %select_n3A_174 = arith.select %broadcast_in_dim3A_172, %max3A_24, %broadcast_in_dim3A_173 : vector<10000x32xi1>, vector<10000x32xf32>
    %reduce_max3A_175 = arith.constant dense<0xFF800000> : vector<32xf32>
    %reduce_max3A_176 = vector.multi_reduction <maximumf>, %select_n3A_174, %reduce_max3A_175 [0] : vector<10000x32xf32> to vector<32xf32>
    %broadcast_in_dim3A_177 = vector.shape_cast %reduce_max3A_176 : vector<32xf32> to vector<1x32xf32>
    %jit3A_178 = arith.constant 1.000000e+00 : f32
    %jit3A_179 = arith.constant 0.000000e+00 : f32
    %broadcast_in_dim3A_180 = vector.broadcast %jit3A_178 : f32 to vector<10000x1xf32>
    %broadcast_in_dim3A_181 = vector.broadcast %jit3A_179 : f32 to vector<10000x1xf32>
    %select_n3A_182 = arith.select %eq3A_161, %broadcast_in_dim3A_180, %broadcast_in_dim3A_181 : vector<10000x1xi1>, vector<10000x1xf32>
    %reduce_sum3A_183 = arith.constant dense<0.000000e+00> : vector<1xf32>
    %reduce_sum3A_184 = vector.multi_reduction <add>, %select_n3A_182, %reduce_sum3A_183 [0] : vector<10000x1xf32> to vector<1xf32>
    %broadcast_in_dim3A_185 = vector.shape_cast %reduce_sum3A_184 : vector<1xf32> to vector<1x1xf32>
    %eq3A_186 = arith.constant 6 : i32
    %eq3A_187 = vector.broadcast %eq3A_186 : i32 to vector<10000x1xi32>
    %eq3A_188 = arith.cmpi eq, %get3A_29, %eq3A_187 : vector<10000x1xi32>
    %jit3A_189 = arith.constant 0.000000e+00 : f32
    %broadcast_in_dim3A_190 = vector.shape_cast %eq3A_188 : vector<10000x1xi1> to vector<10000x1xi1>
    %broadcast_in_dim3A_191 = vector.broadcast %broadcast_in_dim3A_190 : vector<10000x1xi1> to vector<10000x32xi1>
    %broadcast_in_dim3A_192 = vector.broadcast %jit3A_189 : f32 to vector<10000x32xf32>
    %select_n3A_193 = arith.select %broadcast_in_dim3A_191, %max3A_24, %broadcast_in_dim3A_192 : vector<10000x32xi1>, vector<10000x32xf32>
    %reduce_sum3A_194 = arith.constant dense<0.000000e+00> : vector<32xf32>
    %reduce_sum3A_195 = vector.multi_reduction <add>, %select_n3A_193, %reduce_sum3A_194 [0] : vector<10000x32xf32> to vector<32xf32>
    %broadcast_in_dim3A_196 = vector.shape_cast %reduce_sum3A_195 : vector<32xf32> to vector<1x32xf32>
    %jit3A_197 = arith.constant 0xFF800000 : f32
    %broadcast_in_dim3A_198 = vector.shape_cast %eq3A_188 : vector<10000x1xi1> to vector<10000x1xi1>
    %broadcast_in_dim3A_199 = vector.broadcast %broadcast_in_dim3A_198 : vector<10000x1xi1> to vector<10000x32xi1>
    %broadcast_in_dim3A_200 = vector.broadcast %jit3A_197 : f32 to vector<10000x32xf32>
    %select_n3A_201 = arith.select %broadcast_in_dim3A_199, %max3A_24, %broadcast_in_dim3A_200 : vector<10000x32xi1>, vector<10000x32xf32>
    %reduce_max3A_202 = arith.constant dense<0xFF800000> : vector<32xf32>
    %reduce_max3A_203 = vector.multi_reduction <maximumf>, %select_n3A_201, %reduce_max3A_202 [0] : vector<10000x32xf32> to vector<32xf32>
    %broadcast_in_dim3A_204 = vector.shape_cast %reduce_max3A_203 : vector<32xf32> to vector<1x32xf32>
    %jit3A_205 = arith.constant 1.000000e+00 : f32
    %jit3A_206 = arith.constant 0.000000e+00 : f32
    %broadcast_in_dim3A_207 = vector.broadcast %jit3A_205 : f32 to vector<10000x1xf32>
    %broadcast_in_dim3A_208 = vector.broadcast %jit3A_206 : f32 to vector<10000x1xf32>
    %select_n3A_209 = arith.select %eq3A_188, %broadcast_in_dim3A_207, %broadcast_in_dim3A_208 : vector<10000x1xi1>, vector<10000x1xf32>
    %reduce_sum3A_210 = arith.constant dense<0.000000e+00> : vector<1xf32>
    %reduce_sum3A_211 = vector.multi_reduction <add>, %select_n3A_209, %reduce_sum3A_210 [0] : vector<10000x1xf32> to vector<1xf32>
    %broadcast_in_dim3A_212 = vector.shape_cast %reduce_sum3A_211 : vector<1xf32> to vector<1x1xf32>
    %eq3A_213 = arith.constant 7 : i32
    %eq3A_214 = vector.broadcast %eq3A_213 : i32 to vector<10000x1xi32>
    %eq3A_215 = arith.cmpi eq, %get3A_29, %eq3A_214 : vector<10000x1xi32>
    %jit3A_216 = arith.constant 0.000000e+00 : f32
    %broadcast_in_dim3A_217 = vector.shape_cast %eq3A_215 : vector<10000x1xi1> to vector<10000x1xi1>
    %broadcast_in_dim3A_218 = vector.broadcast %broadcast_in_dim3A_217 : vector<10000x1xi1> to vector<10000x32xi1>
    %broadcast_in_dim3A_219 = vector.broadcast %jit3A_216 : f32 to vector<10000x32xf32>
    %select_n3A_220 = arith.select %broadcast_in_dim3A_218, %max3A_24, %broadcast_in_dim3A_219 : vector<10000x32xi1>, vector<10000x32xf32>
    %reduce_sum3A_221 = arith.constant dense<0.000000e+00> : vector<32xf32>
    %reduce_sum3A_222 = vector.multi_reduction <add>, %select_n3A_220, %reduce_sum3A_221 [0] : vector<10000x32xf32> to vector<32xf32>
    %broadcast_in_dim3A_223 = vector.shape_cast %reduce_sum3A_222 : vector<32xf32> to vector<1x32xf32>
    %jit3A_224 = arith.constant 0xFF800000 : f32
    %broadcast_in_dim3A_225 = vector.shape_cast %eq3A_215 : vector<10000x1xi1> to vector<10000x1xi1>
    %broadcast_in_dim3A_226 = vector.broadcast %broadcast_in_dim3A_225 : vector<10000x1xi1> to vector<10000x32xi1>
    %broadcast_in_dim3A_227 = vector.broadcast %jit3A_224 : f32 to vector<10000x32xf32>
    %select_n3A_228 = arith.select %broadcast_in_dim3A_226, %max3A_24, %broadcast_in_dim3A_227 : vector<10000x32xi1>, vector<10000x32xf32>
    %reduce_max3A_229 = arith.constant dense<0xFF800000> : vector<32xf32>
    %reduce_max3A_230 = vector.multi_reduction <maximumf>, %select_n3A_228, %reduce_max3A_229 [0] : vector<10000x32xf32> to vector<32xf32>
    %broadcast_in_dim3A_231 = vector.shape_cast %reduce_max3A_230 : vector<32xf32> to vector<1x32xf32>
    %jit3A_232 = arith.constant 1.000000e+00 : f32
    %jit3A_233 = arith.constant 0.000000e+00 : f32
    %broadcast_in_dim3A_234 = vector.broadcast %jit3A_232 : f32 to vector<10000x1xf32>
    %broadcast_in_dim3A_235 = vector.broadcast %jit3A_233 : f32 to vector<10000x1xf32>
    %select_n3A_236 = arith.select %eq3A_215, %broadcast_in_dim3A_234, %broadcast_in_dim3A_235 : vector<10000x1xi1>, vector<10000x1xf32>
    %reduce_sum3A_237 = arith.constant dense<0.000000e+00> : vector<1xf32>
    %reduce_sum3A_238 = vector.multi_reduction <add>, %select_n3A_236, %reduce_sum3A_237 [0] : vector<10000x1xf32> to vector<1xf32>
    %broadcast_in_dim3A_239 = vector.shape_cast %reduce_sum3A_238 : vector<1xf32> to vector<1x1xf32>
    %eq3A_240 = arith.constant 8 : i32
    %eq3A_241 = vector.broadcast %eq3A_240 : i32 to vector<10000x1xi32>
    %eq3A_242 = arith.cmpi eq, %get3A_29, %eq3A_241 : vector<10000x1xi32>
    %jit3A_243 = arith.constant 0.000000e+00 : f32
    %broadcast_in_dim3A_244 = vector.shape_cast %eq3A_242 : vector<10000x1xi1> to vector<10000x1xi1>
    %broadcast_in_dim3A_245 = vector.broadcast %broadcast_in_dim3A_244 : vector<10000x1xi1> to vector<10000x32xi1>
    %broadcast_in_dim3A_246 = vector.broadcast %jit3A_243 : f32 to vector<10000x32xf32>
    %select_n3A_247 = arith.select %broadcast_in_dim3A_245, %max3A_24, %broadcast_in_dim3A_246 : vector<10000x32xi1>, vector<10000x32xf32>
    %reduce_sum3A_248 = arith.constant dense<0.000000e+00> : vector<32xf32>
    %reduce_sum3A_249 = vector.multi_reduction <add>, %select_n3A_247, %reduce_sum3A_248 [0] : vector<10000x32xf32> to vector<32xf32>
    %broadcast_in_dim3A_250 = vector.shape_cast %reduce_sum3A_249 : vector<32xf32> to vector<1x32xf32>
    %jit3A_251 = arith.constant 0xFF800000 : f32
    %broadcast_in_dim3A_252 = vector.shape_cast %eq3A_242 : vector<10000x1xi1> to vector<10000x1xi1>
    %broadcast_in_dim3A_253 = vector.broadcast %broadcast_in_dim3A_252 : vector<10000x1xi1> to vector<10000x32xi1>
    %broadcast_in_dim3A_254 = vector.broadcast %jit3A_251 : f32 to vector<10000x32xf32>
    %select_n3A_255 = arith.select %broadcast_in_dim3A_253, %max3A_24, %broadcast_in_dim3A_254 : vector<10000x32xi1>, vector<10000x32xf32>
    %reduce_max3A_256 = arith.constant dense<0xFF800000> : vector<32xf32>
    %reduce_max3A_257 = vector.multi_reduction <maximumf>, %select_n3A_255, %reduce_max3A_256 [0] : vector<10000x32xf32> to vector<32xf32>
    %broadcast_in_dim3A_258 = vector.shape_cast %reduce_max3A_257 : vector<32xf32> to vector<1x32xf32>
    %jit3A_259 = arith.constant 1.000000e+00 : f32
    %jit3A_260 = arith.constant 0.000000e+00 : f32
    %broadcast_in_dim3A_261 = vector.broadcast %jit3A_259 : f32 to vector<10000x1xf32>
    %broadcast_in_dim3A_262 = vector.broadcast %jit3A_260 : f32 to vector<10000x1xf32>
    %select_n3A_263 = arith.select %eq3A_242, %broadcast_in_dim3A_261, %broadcast_in_dim3A_262 : vector<10000x1xi1>, vector<10000x1xf32>
    %reduce_sum3A_264 = arith.constant dense<0.000000e+00> : vector<1xf32>
    %reduce_sum3A_265 = vector.multi_reduction <add>, %select_n3A_263, %reduce_sum3A_264 [0] : vector<10000x1xf32> to vector<1xf32>
    %broadcast_in_dim3A_266 = vector.shape_cast %reduce_sum3A_265 : vector<1xf32> to vector<1x1xf32>
    %eq3A_267 = arith.constant 9 : i32
    %eq3A_268 = vector.broadcast %eq3A_267 : i32 to vector<10000x1xi32>
    %eq3A_269 = arith.cmpi eq, %get3A_29, %eq3A_268 : vector<10000x1xi32>
    %jit3A_270 = arith.constant 0.000000e+00 : f32
    %broadcast_in_dim3A_271 = vector.shape_cast %eq3A_269 : vector<10000x1xi1> to vector<10000x1xi1>
    %broadcast_in_dim3A_272 = vector.broadcast %broadcast_in_dim3A_271 : vector<10000x1xi1> to vector<10000x32xi1>
    %broadcast_in_dim3A_273 = vector.broadcast %jit3A_270 : f32 to vector<10000x32xf32>
    %select_n3A_274 = arith.select %broadcast_in_dim3A_272, %max3A_24, %broadcast_in_dim3A_273 : vector<10000x32xi1>, vector<10000x32xf32>
    %reduce_sum3A_275 = arith.constant dense<0.000000e+00> : vector<32xf32>
    %reduce_sum3A_276 = vector.multi_reduction <add>, %select_n3A_274, %reduce_sum3A_275 [0] : vector<10000x32xf32> to vector<32xf32>
    %broadcast_in_dim3A_277 = vector.shape_cast %reduce_sum3A_276 : vector<32xf32> to vector<1x32xf32>
    %jit3A_278 = arith.constant 0xFF800000 : f32
    %broadcast_in_dim3A_279 = vector.shape_cast %eq3A_269 : vector<10000x1xi1> to vector<10000x1xi1>
    %broadcast_in_dim3A_280 = vector.broadcast %broadcast_in_dim3A_279 : vector<10000x1xi1> to vector<10000x32xi1>
    %broadcast_in_dim3A_281 = vector.broadcast %jit3A_278 : f32 to vector<10000x32xf32>
    %select_n3A_282 = arith.select %broadcast_in_dim3A_280, %max3A_24, %broadcast_in_dim3A_281 : vector<10000x32xi1>, vector<10000x32xf32>
    %reduce_max3A_283 = arith.constant dense<0xFF800000> : vector<32xf32>
    %reduce_max3A_284 = vector.multi_reduction <maximumf>, %select_n3A_282, %reduce_max3A_283 [0] : vector<10000x32xf32> to vector<32xf32>
    %broadcast_in_dim3A_285 = vector.shape_cast %reduce_max3A_284 : vector<32xf32> to vector<1x32xf32>
    %jit3A_286 = arith.constant 1.000000e+00 : f32
    %jit3A_287 = arith.constant 0.000000e+00 : f32
    %broadcast_in_dim3A_288 = vector.broadcast %jit3A_286 : f32 to vector<10000x1xf32>
    %broadcast_in_dim3A_289 = vector.broadcast %jit3A_287 : f32 to vector<10000x1xf32>
    %select_n3A_290 = arith.select %eq3A_269, %broadcast_in_dim3A_288, %broadcast_in_dim3A_289 : vector<10000x1xi1>, vector<10000x1xf32>
    %reduce_sum3A_291 = arith.constant dense<0.000000e+00> : vector<1xf32>
    %reduce_sum3A_292 = vector.multi_reduction <add>, %select_n3A_290, %reduce_sum3A_291 [0] : vector<10000x1xf32> to vector<1xf32>
    %broadcast_in_dim3A_293 = vector.shape_cast %reduce_sum3A_292 : vector<1xf32> to vector<1x1xf32>
    %eq3A_294 = arith.constant 10 : i32
    %eq3A_295 = vector.broadcast %eq3A_294 : i32 to vector<10000x1xi32>
    %eq3A_296 = arith.cmpi eq, %get3A_29, %eq3A_295 : vector<10000x1xi32>
    %jit3A_297 = arith.constant 0.000000e+00 : f32
    %broadcast_in_dim3A_298 = vector.shape_cast %eq3A_296 : vector<10000x1xi1> to vector<10000x1xi1>
    %broadcast_in_dim3A_299 = vector.broadcast %broadcast_in_dim3A_298 : vector<10000x1xi1> to vector<10000x32xi1>
    %broadcast_in_dim3A_300 = vector.broadcast %jit3A_297 : f32 to vector<10000x32xf32>
    %select_n3A_301 = arith.select %broadcast_in_dim3A_299, %max3A_24, %broadcast_in_dim3A_300 : vector<10000x32xi1>, vector<10000x32xf32>
    %reduce_sum3A_302 = arith.constant dense<0.000000e+00> : vector<32xf32>
    %reduce_sum3A_303 = vector.multi_reduction <add>, %select_n3A_301, %reduce_sum3A_302 [0] : vector<10000x32xf32> to vector<32xf32>
    %broadcast_in_dim3A_304 = vector.shape_cast %reduce_sum3A_303 : vector<32xf32> to vector<1x32xf32>
    %jit3A_305 = arith.constant 0xFF800000 : f32
    %broadcast_in_dim3A_306 = vector.shape_cast %eq3A_296 : vector<10000x1xi1> to vector<10000x1xi1>
    %broadcast_in_dim3A_307 = vector.broadcast %broadcast_in_dim3A_306 : vector<10000x1xi1> to vector<10000x32xi1>
    %broadcast_in_dim3A_308 = vector.broadcast %jit3A_305 : f32 to vector<10000x32xf32>
    %select_n3A_309 = arith.select %broadcast_in_dim3A_307, %max3A_24, %broadcast_in_dim3A_308 : vector<10000x32xi1>, vector<10000x32xf32>
    %reduce_max3A_310 = arith.constant dense<0xFF800000> : vector<32xf32>
    %reduce_max3A_311 = vector.multi_reduction <maximumf>, %select_n3A_309, %reduce_max3A_310 [0] : vector<10000x32xf32> to vector<32xf32>
    %broadcast_in_dim3A_312 = vector.shape_cast %reduce_max3A_311 : vector<32xf32> to vector<1x32xf32>
    %jit3A_313 = arith.constant 1.000000e+00 : f32
    %jit3A_314 = arith.constant 0.000000e+00 : f32
    %broadcast_in_dim3A_315 = vector.broadcast %jit3A_313 : f32 to vector<10000x1xf32>
    %broadcast_in_dim3A_316 = vector.broadcast %jit3A_314 : f32 to vector<10000x1xf32>
    %select_n3A_317 = arith.select %eq3A_296, %broadcast_in_dim3A_315, %broadcast_in_dim3A_316 : vector<10000x1xi1>, vector<10000x1xf32>
    %reduce_sum3A_318 = arith.constant dense<0.000000e+00> : vector<1xf32>
    %reduce_sum3A_319 = vector.multi_reduction <add>, %select_n3A_317, %reduce_sum3A_318 [0] : vector<10000x1xf32> to vector<1xf32>
    %broadcast_in_dim3A_320 = vector.shape_cast %reduce_sum3A_319 : vector<1xf32> to vector<1x1xf32>
    %eq3A_321 = arith.constant 11 : i32
    %eq3A_322 = vector.broadcast %eq3A_321 : i32 to vector<10000x1xi32>
    %eq3A_323 = arith.cmpi eq, %get3A_29, %eq3A_322 : vector<10000x1xi32>
    %jit3A_324 = arith.constant 0.000000e+00 : f32
    %broadcast_in_dim3A_325 = vector.shape_cast %eq3A_323 : vector<10000x1xi1> to vector<10000x1xi1>
    %broadcast_in_dim3A_326 = vector.broadcast %broadcast_in_dim3A_325 : vector<10000x1xi1> to vector<10000x32xi1>
    %broadcast_in_dim3A_327 = vector.broadcast %jit3A_324 : f32 to vector<10000x32xf32>
    %select_n3A_328 = arith.select %broadcast_in_dim3A_326, %max3A_24, %broadcast_in_dim3A_327 : vector<10000x32xi1>, vector<10000x32xf32>
    %reduce_sum3A_329 = arith.constant dense<0.000000e+00> : vector<32xf32>
    %reduce_sum3A_330 = vector.multi_reduction <add>, %select_n3A_328, %reduce_sum3A_329 [0] : vector<10000x32xf32> to vector<32xf32>
    %broadcast_in_dim3A_331 = vector.shape_cast %reduce_sum3A_330 : vector<32xf32> to vector<1x32xf32>
    %jit3A_332 = arith.constant 0xFF800000 : f32
    %broadcast_in_dim3A_333 = vector.shape_cast %eq3A_323 : vector<10000x1xi1> to vector<10000x1xi1>
    %broadcast_in_dim3A_334 = vector.broadcast %broadcast_in_dim3A_333 : vector<10000x1xi1> to vector<10000x32xi1>
    %broadcast_in_dim3A_335 = vector.broadcast %jit3A_332 : f32 to vector<10000x32xf32>
    %select_n3A_336 = arith.select %broadcast_in_dim3A_334, %max3A_24, %broadcast_in_dim3A_335 : vector<10000x32xi1>, vector<10000x32xf32>
    %reduce_max3A_337 = arith.constant dense<0xFF800000> : vector<32xf32>
    %reduce_max3A_338 = vector.multi_reduction <maximumf>, %select_n3A_336, %reduce_max3A_337 [0] : vector<10000x32xf32> to vector<32xf32>
    %broadcast_in_dim3A_339 = vector.shape_cast %reduce_max3A_338 : vector<32xf32> to vector<1x32xf32>
    %jit3A_340 = arith.constant 1.000000e+00 : f32
    %jit3A_341 = arith.constant 0.000000e+00 : f32
    %broadcast_in_dim3A_342 = vector.broadcast %jit3A_340 : f32 to vector<10000x1xf32>
    %broadcast_in_dim3A_343 = vector.broadcast %jit3A_341 : f32 to vector<10000x1xf32>
    %select_n3A_344 = arith.select %eq3A_323, %broadcast_in_dim3A_342, %broadcast_in_dim3A_343 : vector<10000x1xi1>, vector<10000x1xf32>
    %reduce_sum3A_345 = arith.constant dense<0.000000e+00> : vector<1xf32>
    %reduce_sum3A_346 = vector.multi_reduction <add>, %select_n3A_344, %reduce_sum3A_345 [0] : vector<10000x1xf32> to vector<1xf32>
    %broadcast_in_dim3A_347 = vector.shape_cast %reduce_sum3A_346 : vector<1xf32> to vector<1x1xf32>
    %eq3A_348 = arith.constant 12 : i32
    %eq3A_349 = vector.broadcast %eq3A_348 : i32 to vector<10000x1xi32>
    %eq3A_350 = arith.cmpi eq, %get3A_29, %eq3A_349 : vector<10000x1xi32>
    %jit3A_351 = arith.constant 0.000000e+00 : f32
    %broadcast_in_dim3A_352 = vector.shape_cast %eq3A_350 : vector<10000x1xi1> to vector<10000x1xi1>
    %broadcast_in_dim3A_353 = vector.broadcast %broadcast_in_dim3A_352 : vector<10000x1xi1> to vector<10000x32xi1>
    %broadcast_in_dim3A_354 = vector.broadcast %jit3A_351 : f32 to vector<10000x32xf32>
    %select_n3A_355 = arith.select %broadcast_in_dim3A_353, %max3A_24, %broadcast_in_dim3A_354 : vector<10000x32xi1>, vector<10000x32xf32>
    %reduce_sum3A_356 = arith.constant dense<0.000000e+00> : vector<32xf32>
    %reduce_sum3A_357 = vector.multi_reduction <add>, %select_n3A_355, %reduce_sum3A_356 [0] : vector<10000x32xf32> to vector<32xf32>
    %broadcast_in_dim3A_358 = vector.shape_cast %reduce_sum3A_357 : vector<32xf32> to vector<1x32xf32>
    %jit3A_359 = arith.constant 0xFF800000 : f32
    %broadcast_in_dim3A_360 = vector.shape_cast %eq3A_350 : vector<10000x1xi1> to vector<10000x1xi1>
    %broadcast_in_dim3A_361 = vector.broadcast %broadcast_in_dim3A_360 : vector<10000x1xi1> to vector<10000x32xi1>
    %broadcast_in_dim3A_362 = vector.broadcast %jit3A_359 : f32 to vector<10000x32xf32>
    %select_n3A_363 = arith.select %broadcast_in_dim3A_361, %max3A_24, %broadcast_in_dim3A_362 : vector<10000x32xi1>, vector<10000x32xf32>
    %reduce_max3A_364 = arith.constant dense<0xFF800000> : vector<32xf32>
    %reduce_max3A_365 = vector.multi_reduction <maximumf>, %select_n3A_363, %reduce_max3A_364 [0] : vector<10000x32xf32> to vector<32xf32>
    %broadcast_in_dim3A_366 = vector.shape_cast %reduce_max3A_365 : vector<32xf32> to vector<1x32xf32>
    %jit3A_367 = arith.constant 1.000000e+00 : f32
    %jit3A_368 = arith.constant 0.000000e+00 : f32
    %broadcast_in_dim3A_369 = vector.broadcast %jit3A_367 : f32 to vector<10000x1xf32>
    %broadcast_in_dim3A_370 = vector.broadcast %jit3A_368 : f32 to vector<10000x1xf32>
    %select_n3A_371 = arith.select %eq3A_350, %broadcast_in_dim3A_369, %broadcast_in_dim3A_370 : vector<10000x1xi1>, vector<10000x1xf32>
    %reduce_sum3A_372 = arith.constant dense<0.000000e+00> : vector<1xf32>
    %reduce_sum3A_373 = vector.multi_reduction <add>, %select_n3A_371, %reduce_sum3A_372 [0] : vector<10000x1xf32> to vector<1xf32>
    %broadcast_in_dim3A_374 = vector.shape_cast %reduce_sum3A_373 : vector<1xf32> to vector<1x1xf32>
    %eq3A_375 = arith.constant 13 : i32
    %eq3A_376 = vector.broadcast %eq3A_375 : i32 to vector<10000x1xi32>
    %eq3A_377 = arith.cmpi eq, %get3A_29, %eq3A_376 : vector<10000x1xi32>
    %jit3A_378 = arith.constant 0.000000e+00 : f32
    %broadcast_in_dim3A_379 = vector.shape_cast %eq3A_377 : vector<10000x1xi1> to vector<10000x1xi1>
    %broadcast_in_dim3A_380 = vector.broadcast %broadcast_in_dim3A_379 : vector<10000x1xi1> to vector<10000x32xi1>
    %broadcast_in_dim3A_381 = vector.broadcast %jit3A_378 : f32 to vector<10000x32xf32>
    %select_n3A_382 = arith.select %broadcast_in_dim3A_380, %max3A_24, %broadcast_in_dim3A_381 : vector<10000x32xi1>, vector<10000x32xf32>
    %reduce_sum3A_383 = arith.constant dense<0.000000e+00> : vector<32xf32>
    %reduce_sum3A_384 = vector.multi_reduction <add>, %select_n3A_382, %reduce_sum3A_383 [0] : vector<10000x32xf32> to vector<32xf32>
    %broadcast_in_dim3A_385 = vector.shape_cast %reduce_sum3A_384 : vector<32xf32> to vector<1x32xf32>
    %jit3A_386 = arith.constant 0xFF800000 : f32
    %broadcast_in_dim3A_387 = vector.shape_cast %eq3A_377 : vector<10000x1xi1> to vector<10000x1xi1>
    %broadcast_in_dim3A_388 = vector.broadcast %broadcast_in_dim3A_387 : vector<10000x1xi1> to vector<10000x32xi1>
    %broadcast_in_dim3A_389 = vector.broadcast %jit3A_386 : f32 to vector<10000x32xf32>
    %select_n3A_390 = arith.select %broadcast_in_dim3A_388, %max3A_24, %broadcast_in_dim3A_389 : vector<10000x32xi1>, vector<10000x32xf32>
    %reduce_max3A_391 = arith.constant dense<0xFF800000> : vector<32xf32>
    %reduce_max3A_392 = vector.multi_reduction <maximumf>, %select_n3A_390, %reduce_max3A_391 [0] : vector<10000x32xf32> to vector<32xf32>
    %broadcast_in_dim3A_393 = vector.shape_cast %reduce_max3A_392 : vector<32xf32> to vector<1x32xf32>
    %jit3A_394 = arith.constant 1.000000e+00 : f32
    %jit3A_395 = arith.constant 0.000000e+00 : f32
    %broadcast_in_dim3A_396 = vector.broadcast %jit3A_394 : f32 to vector<10000x1xf32>
    %broadcast_in_dim3A_397 = vector.broadcast %jit3A_395 : f32 to vector<10000x1xf32>
    %select_n3A_398 = arith.select %eq3A_377, %broadcast_in_dim3A_396, %broadcast_in_dim3A_397 : vector<10000x1xi1>, vector<10000x1xf32>
    %reduce_sum3A_399 = arith.constant dense<0.000000e+00> : vector<1xf32>
    %reduce_sum3A_400 = vector.multi_reduction <add>, %select_n3A_398, %reduce_sum3A_399 [0] : vector<10000x1xf32> to vector<1xf32>
    %broadcast_in_dim3A_401 = vector.shape_cast %reduce_sum3A_400 : vector<1xf32> to vector<1x1xf32>
    %eq3A_402 = arith.constant 14 : i32
    %eq3A_403 = vector.broadcast %eq3A_402 : i32 to vector<10000x1xi32>
    %eq3A_404 = arith.cmpi eq, %get3A_29, %eq3A_403 : vector<10000x1xi32>
    %jit3A_405 = arith.constant 0.000000e+00 : f32
    %broadcast_in_dim3A_406 = vector.shape_cast %eq3A_404 : vector<10000x1xi1> to vector<10000x1xi1>
    %broadcast_in_dim3A_407 = vector.broadcast %broadcast_in_dim3A_406 : vector<10000x1xi1> to vector<10000x32xi1>
    %broadcast_in_dim3A_408 = vector.broadcast %jit3A_405 : f32 to vector<10000x32xf32>
    %select_n3A_409 = arith.select %broadcast_in_dim3A_407, %max3A_24, %broadcast_in_dim3A_408 : vector<10000x32xi1>, vector<10000x32xf32>
    %reduce_sum3A_410 = arith.constant dense<0.000000e+00> : vector<32xf32>
    %reduce_sum3A_411 = vector.multi_reduction <add>, %select_n3A_409, %reduce_sum3A_410 [0] : vector<10000x32xf32> to vector<32xf32>
    %broadcast_in_dim3A_412 = vector.shape_cast %reduce_sum3A_411 : vector<32xf32> to vector<1x32xf32>
    %jit3A_413 = arith.constant 0xFF800000 : f32
    %broadcast_in_dim3A_414 = vector.shape_cast %eq3A_404 : vector<10000x1xi1> to vector<10000x1xi1>
    %broadcast_in_dim3A_415 = vector.broadcast %broadcast_in_dim3A_414 : vector<10000x1xi1> to vector<10000x32xi1>
    %broadcast_in_dim3A_416 = vector.broadcast %jit3A_413 : f32 to vector<10000x32xf32>
    %select_n3A_417 = arith.select %broadcast_in_dim3A_415, %max3A_24, %broadcast_in_dim3A_416 : vector<10000x32xi1>, vector<10000x32xf32>
    %reduce_max3A_418 = arith.constant dense<0xFF800000> : vector<32xf32>
    %reduce_max3A_419 = vector.multi_reduction <maximumf>, %select_n3A_417, %reduce_max3A_418 [0] : vector<10000x32xf32> to vector<32xf32>
    %broadcast_in_dim3A_420 = vector.shape_cast %reduce_max3A_419 : vector<32xf32> to vector<1x32xf32>
    %jit3A_421 = arith.constant 1.000000e+00 : f32
    %jit3A_422 = arith.constant 0.000000e+00 : f32
    %broadcast_in_dim3A_423 = vector.broadcast %jit3A_421 : f32 to vector<10000x1xf32>
    %broadcast_in_dim3A_424 = vector.broadcast %jit3A_422 : f32 to vector<10000x1xf32>
    %select_n3A_425 = arith.select %eq3A_404, %broadcast_in_dim3A_423, %broadcast_in_dim3A_424 : vector<10000x1xi1>, vector<10000x1xf32>
    %reduce_sum3A_426 = arith.constant dense<0.000000e+00> : vector<1xf32>
    %reduce_sum3A_427 = vector.multi_reduction <add>, %select_n3A_425, %reduce_sum3A_426 [0] : vector<10000x1xf32> to vector<1xf32>
    %broadcast_in_dim3A_428 = vector.shape_cast %reduce_sum3A_427 : vector<1xf32> to vector<1x1xf32>
    %eq3A_429 = arith.constant 15 : i32
    %eq3A_430 = vector.broadcast %eq3A_429 : i32 to vector<10000x1xi32>
    %eq3A_431 = arith.cmpi eq, %get3A_29, %eq3A_430 : vector<10000x1xi32>
    %jit3A_432 = arith.constant 0.000000e+00 : f32
    %broadcast_in_dim3A_433 = vector.shape_cast %eq3A_431 : vector<10000x1xi1> to vector<10000x1xi1>
    %broadcast_in_dim3A_434 = vector.broadcast %broadcast_in_dim3A_433 : vector<10000x1xi1> to vector<10000x32xi1>
    %broadcast_in_dim3A_435 = vector.broadcast %jit3A_432 : f32 to vector<10000x32xf32>
    %select_n3A_436 = arith.select %broadcast_in_dim3A_434, %max3A_24, %broadcast_in_dim3A_435 : vector<10000x32xi1>, vector<10000x32xf32>
    %reduce_sum3A_437 = arith.constant dense<0.000000e+00> : vector<32xf32>
    %reduce_sum3A_438 = vector.multi_reduction <add>, %select_n3A_436, %reduce_sum3A_437 [0] : vector<10000x32xf32> to vector<32xf32>
    %broadcast_in_dim3A_439 = vector.shape_cast %reduce_sum3A_438 : vector<32xf32> to vector<1x32xf32>
    %jit3A_440 = arith.constant 0xFF800000 : f32
    %broadcast_in_dim3A_441 = vector.shape_cast %eq3A_431 : vector<10000x1xi1> to vector<10000x1xi1>
    %broadcast_in_dim3A_442 = vector.broadcast %broadcast_in_dim3A_441 : vector<10000x1xi1> to vector<10000x32xi1>
    %broadcast_in_dim3A_443 = vector.broadcast %jit3A_440 : f32 to vector<10000x32xf32>
    %select_n3A_444 = arith.select %broadcast_in_dim3A_442, %max3A_24, %broadcast_in_dim3A_443 : vector<10000x32xi1>, vector<10000x32xf32>
    %reduce_max3A_445 = arith.constant dense<0xFF800000> : vector<32xf32>
    %reduce_max3A_446 = vector.multi_reduction <maximumf>, %select_n3A_444, %reduce_max3A_445 [0] : vector<10000x32xf32> to vector<32xf32>
    %broadcast_in_dim3A_447 = vector.shape_cast %reduce_max3A_446 : vector<32xf32> to vector<1x32xf32>
    %jit3A_448 = arith.constant 1.000000e+00 : f32
    %jit3A_449 = arith.constant 0.000000e+00 : f32
    %broadcast_in_dim3A_450 = vector.broadcast %jit3A_448 : f32 to vector<10000x1xf32>
    %broadcast_in_dim3A_451 = vector.broadcast %jit3A_449 : f32 to vector<10000x1xf32>
    %select_n3A_452 = arith.select %eq3A_431, %broadcast_in_dim3A_450, %broadcast_in_dim3A_451 : vector<10000x1xi1>, vector<10000x1xf32>
    %reduce_sum3A_453 = arith.constant dense<0.000000e+00> : vector<1xf32>
    %reduce_sum3A_454 = vector.multi_reduction <add>, %select_n3A_452, %reduce_sum3A_453 [0] : vector<10000x1xf32> to vector<1xf32>
    %broadcast_in_dim3A_455 = vector.shape_cast %reduce_sum3A_454 : vector<1xf32> to vector<1x1xf32>
    %concatenate3A = tpu.concatenate %broadcast_in_dim3A_35, %broadcast_in_dim3A_61, %broadcast_in_dim3A_88, %broadcast_in_dim3A_115, %broadcast_in_dim3A_142, %broadcast_in_dim3A_169, %broadcast_in_dim3A_196, %broadcast_in_dim3A_223, %broadcast_in_dim3A_250, %broadcast_in_dim3A_277, %broadcast_in_dim3A_304, %broadcast_in_dim3A_331, %broadcast_in_dim3A_358, %broadcast_in_dim3A_385, %broadcast_in_dim3A_412, %broadcast_in_dim3A_439 in 0 : vector<1x32xf32>, vector<1x32xf32>, vector<1x32xf32>, vector<1x32xf32>, vector<1x32xf32>, vector<1x32xf32>, vector<1x32xf32>, vector<1x32xf32>, vector<1x32xf32>, vector<1x32xf32>, vector<1x32xf32>, vector<1x32xf32>, vector<1x32xf32>, vector<1x32xf32>, vector<1x32xf32>, vector<1x32xf32> -> vector<16x32xf32>
    %concatenate3A_456 = tpu.concatenate %broadcast_in_dim3A_42, %broadcast_in_dim3A_69, %broadcast_in_dim3A_96, %broadcast_in_dim3A_123, %broadcast_in_dim3A_150, %broadcast_in_dim3A_177, %broadcast_in_dim3A_204, %broadcast_in_dim3A_231, %broadcast_in_dim3A_258, %broadcast_in_dim3A_285, %broadcast_in_dim3A_312, %broadcast_in_dim3A_339, %broadcast_in_dim3A_366, %broadcast_in_dim3A_393, %broadcast_in_dim3A_420, %broadcast_in_dim3A_447 in 0 : vector<1x32xf32>, vector<1x32xf32>, vector<1x32xf32>, vector<1x32xf32>, vector<1x32xf32>, vector<1x32xf32>, vector<1x32xf32>, vector<1x32xf32>, vector<1x32xf32>, vector<1x32xf32>, vector<1x32xf32>, vector<1x32xf32>, vector<1x32xf32>, vector<1x32xf32>, vector<1x32xf32>, vector<1x32xf32> -> vector<16x32xf32>
    %concatenate3A_457 = tpu.concatenate %broadcast_in_dim3A_50, %broadcast_in_dim3A_77, %broadcast_in_dim3A_104, %broadcast_in_dim3A_131, %broadcast_in_dim3A_158, %broadcast_in_dim3A_185, %broadcast_in_dim3A_212, %broadcast_in_dim3A_239, %broadcast_in_dim3A_266, %broadcast_in_dim3A_293, %broadcast_in_dim3A_320, %broadcast_in_dim3A_347, %broadcast_in_dim3A_374, %broadcast_in_dim3A_401, %broadcast_in_dim3A_428, %broadcast_in_dim3A_455 in 0 : vector<1x1xf32>, vector<1x1xf32>, vector<1x1xf32>, vector<1x1xf32>, vector<1x1xf32>, vector<1x1xf32>, vector<1x1xf32>, vector<1x1xf32>, vector<1x1xf32>, vector<1x1xf32>, vector<1x1xf32>, vector<1x1xf32>, vector<1x1xf32>, vector<1x1xf32>, vector<1x1xf32>, vector<1x1xf32> -> vector<16x1xf32>
    %max3A_458 = arith.constant 1.000000e+00 : f32
    %max3A_459 = vector.broadcast %max3A_458 : f32 to vector<16x1xf32>
    %max3A_460 = arith.maximumf %concatenate3A_457, %max3A_459 : vector<16x1xf32>
    %div3A = vector.broadcast %max3A_460 : vector<16x1xf32> to vector<16x32xf32>
    %div3A_461 = arith.divf %concatenate3A, %div3A : vector<16x32xf32>
    %concatenate3A_462 = tpu.concatenate %div3A_461, %concatenate3A_456 in 1 : vector<16x32xf32>, vector<16x32xf32> -> vector<16x64xf32>
    %get3A_463 = arith.constant 0 : index
    %get3A_464 = arith.constant 0 : index
    %get3A_465 = vector.load %arg6[%get3A_463, %get3A_464] : memref<64x32xf32, #tpu.memory_space<vmem>>, vector<64x32xf32>
    %dot_general3A = arith.constant dense<0.000000e+00> : vector<16x32xf32>
    %dot_general3A_466 = tpu.matmul %concatenate3A_462, %get3A_465, %dot_general3A {dimension_numbers = #tpu.dot_dimension_numbers<[1], [0], [0], [1], [0, 0, 1, 1], [], []>, precision = #tpu.contract_precision<fp32>, transpose_lhs_hint = false} : vector<16x64xf32>, vector<64x32xf32>, vector<16x32xf32> -> vector<16x32xf32>
    %get3A_467 = arith.constant 0 : index
    %get3A_468 = arith.constant 0 : index
    %get3A_469 = vector.load %arg7[%get3A_467, %get3A_468] : memref<1x32xf32, #tpu.memory_space<vmem>>, vector<1x32xf32>
    %add3A_470 = vector.broadcast %get3A_469 : vector<1x32xf32> to vector<16x32xf32>
    %add3A_471 = arith.addf %dot_general3A_466, %add3A_470 : vector<16x32xf32>
    %swap3A_472 = arith.constant 0 : index
    %swap3A_473 = arith.constant 0 : index
    %swap3A_474 = vector.load %arg9[%swap3A_472, %swap3A_473] : memref<16x32xf32, #tpu.memory_space<vmem>>, vector<16x32xf32>
    tpu.vector_store %arg9[%swap3A_472, %swap3A_473], %add3A_471 {strides = array<i32>} : memref<16x32xf32, #tpu.memory_space<vmem>>, vector<16x32xf32>,
    return
  }
  func.func @transform_0(%arg0: i32) -> (i32, i32, i32) {
    %c0_i32 = arith.constant 0 : i32
    %c0_i32_0 = arith.constant 0 : i32
    %c0_i32_1 = arith.constant 0 : i32
    %c0_i32_2 = arith.constant 0 : i32
    return %c0_i32, %c0_i32_0, %c0_i32_1 : i32, i32, i32
  }
  func.func @transform_1(%arg0: i32) -> (i32, i32) {
    %c0_i32 = arith.constant 0 : i32
    %c0_i32_0 = arith.constant 0 : i32
    %c0_i32_1 = arith.constant 0 : i32
    return %c0_i32, %c0_i32_0 : i32, i32
  }
  func.func @transform_2(%arg0: i32) -> (i32, i32) {
    %c0_i32 = arith.constant 0 : i32
    %c0_i32_0 = arith.constant 0 : i32
    %c0_i32_1 = arith.constant 0 : i32
    return %c0_i32, %c0_i32_0 : i32, i32
  }
  func.func @transform_3(%arg0: i32) -> (i32, i32) {
    %c0_i32 = arith.constant 0 : i32
    %c0_i32_0 = arith.constant 0 : i32
    %c0_i32_1 = arith.constant 0 : i32
    return %c0_i32, %c0_i32_0 : i32, i32
  }
  func.func @transform_4(%arg0: i32) -> (i32, i32) {
    %c0_i32 = arith.constant 0 : i32
    %c0_i32_0 = arith.constant 0 : i32
    %c0_i32_1 = arith.constant 0 : i32
    return %c0_i32, %c0_i32_0 : i32, i32
  }
  func.func @transform_5(%arg0: i32) -> (i32, i32) {
    %c0_i32 = arith.constant 0 : i32
    %c0_i32_0 = arith.constant 0 : i32
    %c0_i32_1 = arith.constant 0 : i32
    return %c0_i32, %c0_i32_0 : i32, i32
  }
  func.func @transform_6(%arg0: i32) -> (i32, i32) {
    %c0_i32 = arith.constant 0 : i32
    %c0_i32_0 = arith.constant 0 : i32
    %c0_i32_1 = arith.constant 0 : i32
    return %c0_i32, %c0_i32_0 : i32, i32
  }
  func.func @transform_7(%arg0: i32) -> (i32, i32) {
    %c0_i32 = arith.constant 0 : i32
    %c0_i32_0 = arith.constant 0 : i32
    %c0_i32_1 = arith.constant 0 : i32
    return %c0_i32, %c0_i32_0 : i32, i32
  }
  func.func @transform_8(%arg0: i32) -> (i32, i32) {
    %c0_i32 = arith.constant 0 : i32
    %c0_i32_0 = arith.constant 0 : i32
    %c0_i32_1 = arith.constant 0 : i32
    return %c0_i32, %c0_i32_0 : i32, i32
  }
}

</mosaic_0001>

<sc_bundles>
// kernel: kernel.11.cloned.1.call-start
scs
__scs_entry_jumppad:
0x0: {  	(pc) =	sbr.rel $0x88, $3  }
0x1: {  	(tag) =	ssettag $0x0;
	lr =	simm.s32 $0x1  }
0x2: {  	[smem:$0x3F92] =	sst lr;
	_ =	strace $0xD0000000  }
0x3: {  	_ = 	snop  }
0x4: {  	_ = 	snop  }
0x5: {  	_ = 	snop  }
0x6: {  	_ = 	snop  }
0x7: {  	_ = 	snop  }
__scs_overlays_trampoline_lowered:
0x8: {  	[smem:$0x3FA1] =	sst s0  }
0x9: {  	[smem:$0x3FA2] =	sst s1  }
0xa: {  	[smem:$0x3FA3] =	sst s2  }
0xb: {  	[smem:$0x3FA4] =	sst s3  }
0xc: {  	[smem:$0x3FA5] =	sst s4  }
0xd: {  	[smem:$0x3FA6] =	sst s5  }
0xe: {  	[smem:$0x3FA7] =	sst s6  }
0xf: {  	[smem:$0x3FA8] =	sst s7  }
0x10: {  	[smem:$0x3FA9] =	sst s8  }
0x11: {  	[smem:$0x3FAA] =	sst s9;
	s0 =	simm.s32 @!p0 $0x0  }
0x12: {  	s1 =	sld [smem:$0x3F90];
	s0 =	simm.s32 @p0 $0x1  }
0x13: {  	[smem:$0x3FAB] =	sst s0;
	s0 =	simm.s32 @!p1 $0x0  }
0x14: {  	s2 =	sld [smem:$0x3F8F];
	s0 =	simm.s32 @p1 $0x1  }
0x15: {  	[smem:$0x3FAC] =	sst s0;
	s0 =	simm.s32 @!p2 $0x0  }
0x16: {  	s3 =	sld [smem:$0x3FDB];
	s0 =	simm.s32 @p2 $0x1  }
0x17: {  	s4 =	simm.s32 $0x1BF5;
	[smem:$0x3FAE] =	sst s0  }
0x18: {  	s0 =	sld [smem:$0x3F91];
	_ =	swait.ge [sflag:s4], $0x0  }
0x19: {  	s7 =	sld [smem:$0x3F92]  }
0x1a: {  	s8 =	sadd.s32 $0xFFFFE003, lr  }
0x1b: {  	s9 =	sadd.s32 $0xFFFFFEF7, lr;
	s5 =	simm.s32 $0xFFFFFFFF;
	p2 =	slt.u32 s8, $0xFFFFF086  }
0x1c: {  	p1 =	slt.u32 s9, $0xF7A;
	s5 =	simm.s32 @!p2 $0x0  }
0x1d: {  	s5 =	simm.s32 @p1 $0x1;
	p0 =	seq.s32 s7, s2  }
0x1e: {  	s7 =	smul.u32 @!p0 $0xF7A, s2;
	p2 =	seq.s32 @!p0 s5, $0x0  }
0x1f: {  	s9 =	smul.u32 $0xF7A, s1;
	s8 =	simm.s32 @!p0 $0x1BF5;
	p2 =	por !p2, p0  }
0x20: {  	[sflag:s8] =	ssyncset.s32 @!p0 $0xFFFFF086;
	s6 =	sadd.s32 @!p0 s3, s7;
	s7 =	simm.s32 @!p0 $0x108  }
0x21: {  	s3 =	sadd.s32 s3, s9;
	s6 =	sadd.s32 @!p0 $0x88, s6;
	s7 =	simm.s32 @p2 $0x1082  }
0x22: {  	[simem:s7], [sflag:s8] =	dma.local @!p0 [hbm:s6], $0xF7A  }
0x23: {  	s9 =	sor.u32 $0xD0000000, s2;
	s6 =	simm.s32 $0x108;
	_ =	swait.ge @!p0 [sflag:s8], $0x0  }
0x24: {  	s3 =	sadd.s32 $0x88, s3;
	s6 =	simm.s32 @!p1 $0x1082;
	[sflag:s4] =	ssyncset.s32 $0xFFFFF086  }
0x25: {  	[simem:s6], [sflag:s4] =	dma.local [hbm:s3], $0xF7A  }
0x26: {  	[smem:$0x3F92] =	sst s1;
	(tag) =	ssettag s2;
	_ =	strace s9  }
0x27: {  	s1 =	sld [smem:$0x3FA2]  }
0x28: {  	s2 =	sld [smem:$0x3FA3]  }
0x29: {  	s4 =	sld [smem:$0x3FA5]  }
0x2a: {  	p0 =	seq.s32 s5, $0x0;
	s5 =	sld [smem:$0x3FA6]  }
0x2b: {  	s6 =	sld [smem:$0x3FA7]  }
0x2c: {  	s7 =	sld [smem:$0x3FA8]  }
0x2d: {  	s3 =	simm.s32 $0x108;
	s8 =	sld [smem:$0x3FA9]  }
0x2e: {  	s3 =	simm.s32 @!p0 $0x1082;
	s9 =	sld [smem:$0x3FAA]  }
0x2f: {  	lr =	sadd.s32 s0, s3;
	s0 =	sld [smem:$0x3FA1]  }
0x30: {  	s3 =	sld [smem:$0x3FA4]  }
0x31: {  	[smem:$0x3FAD] =	sst s10  }
0x32: {  	s10 =	sld [smem:$0x3FAB];
	_ =	sdelay $0x3  }
0x33: {  	p0 =	seq.s32 s10, $0x1;
	s10 =	sld [smem:$0x3FAD];
	_ =	sdelay $0x3  }
0x34: {  	[smem:$0x3FAD] =	sst s10  }
0x35: {  	s10 =	sld [smem:$0x3FAC];
	_ =	sdelay $0x3  }
0x36: {  	p1 =	seq.s32 s10, $0x1;
	s10 =	sld [smem:$0x3FAD];
	_ =	sdelay $0x3  }
0x37: {  	[smem:$0x3FAD] =	sst s10  }
0x38: {  	s10 =	sld [smem:$0x3FAE]  }
0x39: {  	_ = 	snop;
	(pc) =	sbr.ind lr, $3  }
0x3a: {  	_ = 	snop  }
0x3b: {  	_ = 	snop  }
0x3c: {  	p2 =	seq.s32 s10, $0x1;
	s10 =	sld [smem:$0x3FAD]  }
0x3d: {  	_ =	shalt  }
0x3e: {  	_ =	shalt  }
0x3f: {  	_ =	shalt  }
0x40: {  	_ =	shalt  }
0x41: {  	_ =	shalt  }
0x42: {  	_ =	shalt  }
0x43: {  	_ =	shalt  }
0x44: {  	_ =	shalt  }
0x45: {  	_ =	shalt  }
0x46: {  	_ =	shalt  }
0x47: {  	_ =	shalt  }
0x48: {  	_ =	shalt  }
0x49: {  	_ =	shalt  }
0x4a: {  	_ =	shalt  }
0x4b: {  	_ =	shalt  }
0x4c: {  	_ =	shalt  }
0x4d: {  	_ =	shalt  }
0x4e: {  	_ =	shalt  }
0x4f: {  	_ =	shalt  }
0x50: {  	_ =	shalt  }
0x51: {  	_ =	shalt  }
0x52: {  	_ =	shalt  }
0x53: {  	_ =	shalt  }
0x54: {  	_ =	shalt  }
0x55: {  	_ =	shalt  }
0x56: {  	_ =	shalt  }
0x57: {  	_ =	shalt  }
0x58: {  	_ =	shalt  }
0x59: {  	_ =	shalt  }
0x5a: {  	_ =	shalt  }
0x5b: {  	_ =	shalt  }
0x5c: {  	_ =	shalt  }
0x5d: {  	_ =	shalt  }
0x5e: {  	_ =	shalt  }
0x5f: {  	_ =	shalt  }
0x60: {  	_ =	shalt  }
0x61: {  	_ =	shalt  }
0x62: {  	_ =	shalt  }
0x63: {  	_ =	shalt  }
0x64: {  	_ =	shalt  }
0x65: {  	_ =	shalt  }
0x66: {  	_ =	shalt  }
0x67: {  	_ =	shalt  }
0x68: {  	_ =	shalt  }
0x69: {  	_ =	shalt  }
0x6a: {  	_ =	shalt  }
0x6b: {  	_ =	shalt  }
0x6c: {  	_ =	shalt  }
0x6d: {  	_ =	shalt  }
0x6e: {  	_ =	shalt  }
0x6f: {  	_ =	shalt  }
0x70: {  	_ =	shalt  }
0x71: {  	_ =	shalt  }
0x72: {  	_ =	shalt  }
0x73: {  	_ =	shalt  }
0x74: {  	_ =	shalt  }
0x75: {  	_ =	shalt  }
0x76: {  	_ =	shalt  }
0x77: {  	_ =	shalt  }
0x78: {  	_ =	shalt  }
0x79: {  	_ =	shalt  }
0x7a: {  	_ =	shalt  }
0x7b: {  	_ =	shalt  }
0x7c: {  	_ =	shalt  }
0x7d: {  	_ =	shalt  }
0x7e: {  	_ =	shalt  }
0x7f: {  	_ =	shalt  }
0x80: {  	_ =	shalt  }
0x81: {  	_ =	shalt  }
0x82: {  	_ =	shalt  }
0x83: {  	_ =	shalt  }
0x84: {  	_ =	shalt  }
0x85: {  	_ =	shalt  }
0x86: {  	_ =	shalt  }
0x87: {  	_ =	shalt  }
.Lfunc_end0:
.L_simem_size_0:
called_computation_lowered:
.L_overlay_start_0:
0x88: {  	s2 =	sld [smem:$0x3FD9]  }
0x89: {  	s3 =	sld [smem:$0x3FFE];
	_ =	sdelay $0x1  }
0x8a: {  	s1 =	srdreg.scid  }
0x8b: {  	s0 =	sand.u32 $0x1, s1  }
0x8c: {  	s14 =	sshll.u32 s0, $0xA;
	s2 =	sadd.s32 s3, s2  }
0x8d: {  	s2 =	sadd.s32 s2, s14  }
0x8e: {  	[smem:$0x3FB9] =	sst s2  }
0x8f: {  	_ = 	snop  }
0x90: {  	s2 =	sld [smem:$0x3FD0];
	_ =	sdelay $0x2  }
0x91: {  	s15 =	simm.s32 $0xA;
	s4 =	simm.s32 $0x10  }
0x92: {  	[smem:s4], [sflag:s15] =	dma.local [hbm:s2], $0x1  }
0x93: {  	_ =	swait.eq [sflag:s15], $0x1  }
0x94: {  	[sflag:s15] =	ssyncset.done $0x0  }
0x95: {  	[sflag:s15] =	ssyncadd.s32 $0xFFFFFFFF  }
0x96: {  	s16 =	sld [smem:$0x10];
	(tm) =	ssettm $0x1  }
0x97: {  	s17 =	sld [smem:$0x3FFB];
	_ =	sdelay $0x3  }
0x98: {  	_ =	strace s17  }
0x99: {  	s3 =	sld [smem:$0x3FFC];
	_ =	sdelay $0x3  }
0x9a: {  	_ =	strace s3  }
0x9b: {  	s3 =	sld [smem:$0x3FFD];
	_ =	sdelay $0x3  }
0x9c: {  	_ =	strace s3  }
0x9d: {  	_ =	strace $0x8FFFFFFF  }
0x9e: {  	s18 =	sld [smem:$0x3FDB];
	_ =	sdelay $0x1  }
0x9f: {  	s19 =	simm.s32 $_scs_section_size  }
0xa0: {  	s5 =	simm.s32 $_size__tile_overlayer_lowered;
	s6 =	simm.s32 $_tile_overlayer_lowered  }
0xa1: {  	s22 =	simm.s32 $0x1BFF;
	s21 =	sshll.u32 s6, $0x1;
	s3 =	sadd.s32 s19, s18  }
0xa2: {  	s7 =	simm.s32 $0x0;
	s20 =	sshll.u32 s5, $0x1;
	s5 =	sadd.s32 s21, s3  }
0xa3: {  	[timem:s7], [sflag:s22] =	dma.local [hbm:s5], s20  }
0xa4: {  	_ =	swait.ge [sflag:s22], s20  }
0xa5: {  	s4 =	ssub.s32 $0x0, s20;
	[sflag:s22] =	ssyncset.done $0x0  }
0xa6: {  	[sflag:s22] =	ssyncadd.s32 s4;
	_ =	sdelay $0x1  }
0xa7: {  	s23 =	simm.s32 $0x1B8B  }
0xa8: {  	_ =	swait.ge [sflag:s23], $0x1  }
0xa9: {  	[sflag:s23] =	ssyncset.done $0x0  }
0xaa: {  	s25 =	simm.s32 $0x1B8E;
	s24 =	sld [smem:$0x3FFE];
	[sflag:s23] =	ssyncadd.s32 $0xFFFFFFFF  }
0xab: {  	s26 =	simm.s32 $execute0_lowered;
	[smem:$0x3FD2] =	sst s25  }
0xac: {  	s5 =	sshll.u32 s26, $0x1;
	_ =	strace $0x80000046;
	[dreg:$0x1] =	wrdreg $0xFFFFFFFF  }
0xad: {  	s28 =	simm.s32 $_size_execute0_lowered;
	s3 =	sadd.s32 s3, s5;
	[dreg:$0x0] =	wrdreg $0x0  }
0xae: {  	s5 =	sshll.u32 s28, $0x1;
	[dreg:$0x2] =	wrdreg s3  }
0xaf: {  	[dreg:$0x3] =	wrdreg s5  }
0xb0: {  	[dreg:$0x4] =	wrdreg $0xC0  }
0xb1: {  	_ =	task [dreg:s7], $0x5FFFF  }
0xb2: {  	[dreg:$0x1] =	wrdreg $0xFFFFFFFF  }
0xb3: {  	[dreg:$0x0] =	wrdreg $0x60  }
0xb4: {  	[dreg:$0x2] =	wrdreg s24  }
0xb5: {  	[dreg:$0x3] =	wrdreg s16  }
0xb6: {  	[dreg:$0x4] =	wrdreg $0xA8000  }
0xb7: {  	[dreg:$0x5] =	wrdreg $0x9  }
0xb8: {  	_ =	task.clear_ibuf [dreg:s7], $0x6FFFF;
	_ =	strace $0x90000046  }
0xb9: {  	s29 =	simm.s32 $0x9;
	_ =	strace $0x80000048  }
0xba: {  	_ =	swait.ge [sflag:s29], $0x1  }
0xbb: {  	[sflag:s29] =	ssyncadd.s32 $0xFFFFFFFF  }
0xbc: {  	_ =	strace $0x90000048  }
0xbd: {  	_ =	sfence  }
0xbe: {  	s30 =	sld [smem:$0x0];
	_ =	sdelay $0x2  }
0xbf: {  	s31 =	sshll.u32 s1, $0xD;
	s1 =	sshrl.u32 s1, $0x2  }
0xc0: {  	s3 =	sand.u32 $0x4000, s31;
	s1 =	sadd.s32 s1, s30  }
0xc1: {  	s0 =	sor.u32 s3, s0;
	s1 =	sshll.u32 s1, $0x11  }
0xc2: {  	s0 =	sor.u32 s1, s0  }
0xc3: {  	s0 =	sadd.s32 $0x8F2B, s0  }
0xc4: {  	[sflag:s0] =	ssyncadd.remote.s32 $0x1  }
0xc5: {  	_ =	sfence.sel $0xFFFF  }
0xc6: {  	[dreg:$0x0] =	wrdreg $0xFFFFFFFF;
	(pc) =	sbr.abs _section_cstart, $3  }
0xc7: {  	[dreg:$0x1] =	wrdreg $0xFFFFFFFF  }
0xc8: {  	_ =	task.clear_ibuf [dreg:s7], $0x2FFFF;
	_ =	strace $0x9FFFFFFF  }
0xc9: {  	(tm) =	ssettm $0x7FFFFFFF  }
tec
execute0_lowered:
.L_overlay_start_1:
0x0: {  	(tag) =	ssettag $0x1  }
0x1: {  	s6 =	rddreg [dreg:$0x0]  }
0x2: {  	s0 =	srdreg.scid;
	s2 =	rddreg [dreg:$0x1]  }
0x3: {  	s3 =	rddreg [dreg:$0x2];
	s4 =	simm.s32 $0x0;
	s21 =	simm.s32 $0x80  }
0x4: {  	s22 =	simm.s32 $0x0;
	s8 =	sand.u32 $0x1, s0;
	s0 =	stileid.u32  }
0x5: {  	[smem:$0x7FF] =	sst s4;
	s16 =	sadd.s32 $0xE000, s6;
	s9 =	smul.u32 $0x4F000, s0  }
0x6: {  	s1 =	sshll.u32 s8, $0x4;
	s31 =	ssub.s32 $0x2, s8;
	s11 =	smul.u32 $0x13C00, s0  }
0x7: {  	s15 =	smul.u32 $0x13C000, s8;
	s5 =	sor.u32 s0, s1;
	s1 =	rddreg [dreg:$0x3]  }
0x8: {  	_ =	strace $0x80000047;
	s10 =	sshrl.u32 s31, $0x1;
	s5 =	smul.u32 $0x500, s5  }
0x9: {  	s9 =	sshrl.u32 s9, $0x2;
	s17 =	ssub.s32 s31, s10;
	s12 =	sadd.s32 $0x4000, s11  }
0xa: {  	s14 =	sadd.s32 $0x8000, s11;
	s18 =	sadd.s32 $0xC000, s11;
	s13 =	sadd.s32 s11, s15  }
0xb: {  	s19 =	sadd.s32 $0x10000, s11;
	s8 =	sadd.s32 s12, s3;
	s10 =	sadd.s32 s18, s3  }
0xc: {  	s12 =	sadd.s32 s15, s12;
	s13 =	sshrl.u32 s13, $0x3;
	s11 =	sadd.s32 s19, s3  }
0xd: {  	s18 =	sadd.s32 s15, s18;
	s17 =	smax.u32 s17, $0x1;
	s7 =	sadd.s32 s5, s6  }
0xe: {  	s5 =	sadd.s32 $0xD800, s6;
	s20 =	sshrl.u32 s12, $0x3;
	s12 =	sadd.s32 s16, s13  }
0xf: {  	s18 =	sshrl.u32 s18, $0x3;
	s6 =	sadd.s32 $0x3800, s7;
	s7 =	sadd.s32 s9, s3  }
0x10: {  	s9 =	sadd.s32 s14, s3;
	s13 =	sadd.s32 s16, s20;
	s14 =	sadd.s32 s15, s14  }
0x11: {  	s15 =	sadd.s32 s15, s19;
	s20 =	simm.s32 $0x6800;
	s14 =	sshrl.u32 s14, $0x3  }
0x12: {  	s19 =	sshrl.u32 s15, $0x3;
	s15 =	sadd.s32 s16, s18;
	s18 =	simm.s32 $0x1  }
0x13: {  	s14 =	sadd.s32 s16, s14;
	s16 =	sadd.s32 s16, s19;
	s19 =	simm.s32 $0x2800  }
.LBB2_1:
0x14: {  	[tilespmem:s4], [sflag:$0x1] =	stream.linear.gather [hbm4b:s6+s4], $0x2780, $0x38;
	[tilespmem:$0xCF80] =	vst v63  }
0x15: {  	_ =	swait.ge [sflag:s18], $0x2780  }
0x16: {  	[sflag:s18] =	ssyncset.done $0x0  }
0x17: {  	[sflag:s18] =	ssyncadd.s32 $0xFFFFD880  }
0x18: {  	[tilespmem:s19], [sflag:$0x1] =	stream.linear.gather [hbm4b:s2+s4], $0x4000, $0x38;
	[tilespmem:$0xCF80] =	vst v63  }
0x19: {  	_ =	swait.ge [sflag:s18], $0x4000  }
0x1a: {  	[sflag:s18] =	ssyncset.done $0x0  }
0x1b: {  	[sflag:s18] =	ssyncadd.s32 $0xFFFFC000  }
0x1c: {  	[tilespmem:s20], [sflag:$0x1] =	stream.linear.gather [hbm4b:s5+s4], $0x4000, $0x38;
	[tilespmem:$0xCF80] =	vst v63  }
0x1d: {  	_ =	swait.ge [sflag:s18], $0x4000  }
0x1e: {  	[sflag:s18] =	ssyncset.done $0x0  }
0x1f: {  	[sflag:s18] =	ssyncadd.s32 $0xFFFFC000  }
0x20: {  	[spmem:s7] =	stream.linear.scatter [tilespmem:s20], [sflag:$0x1], $0x4000, $0x38;
	[tilespmem:$0xCF80] =	vst v63  }
0x21: {  	_ =	swait.ge [sflag:s18], $0x4000  }
0x22: {  	[sflag:s18] =	ssyncset.done $0x0  }
0x23: {  	[sflag:s18] =	ssyncadd.s32 $0xFFFFC000  }
0x24: {  	[spmem:s8] =	stream.linear.scatter [tilespmem:s20], [sflag:$0x1], $0x4000, $0x38;
	[tilespmem:$0xCF80] =	vst v63  }
0x25: {  	_ =	swait.ge [sflag:s18], $0x4000  }
0x26: {  	[sflag:s18] =	ssyncset.done $0x0  }
0x27: {  	[sflag:s18] =	ssyncadd.s32 $0xFFFFC000  }
0x28: {  	[spmem:s9] =	stream.linear.scatter [tilespmem:s20], [sflag:$0x1], $0x4000, $0x38;
	[tilespmem:$0xCF80] =	vst v63  }
0x29: {  	_ =	swait.ge [sflag:s18], $0x4000  }
0x2a: {  	[sflag:s18] =	ssyncset.done $0x0  }
0x2b: {  	[sflag:s18] =	ssyncadd.s32 $0xFFFFC000  }
0x2c: {  	[spmem:s10] =	stream.linear.scatter [tilespmem:s20], [sflag:$0x1], $0x4000, $0x38;
	[tilespmem:$0xCF80] =	vst v63  }
0x2d: {  	_ =	swait.ge [sflag:s18], $0x4000  }
0x2e: {  	[sflag:s18] =	ssyncset.done $0x0  }
0x2f: {  	[sflag:s18] =	ssyncadd.s32 $0xFFFFC000  }
0x30: {  	[spmem:s11] =	stream.linear.scatter [tilespmem:s20], [sflag:$0x1], $0x3C00, $0x38;
	[tilespmem:$0xCF80] =	vst v63  }
0x31: {  	_ =	swait.ge [sflag:s18], $0x3C00  }
0x32: {  	[sflag:s18] =	ssyncset.done $0x0  }
0x33: {  	[sflag:s18] =	ssyncadd.s32 $0xFFFFC400  }
0x34: {  	s23 =	simm.s32 $0x0;
	[bflag:$0x0] =	sbarrier.arrive $0xFFFF  }
0x35: {  	[spmem:s3] =	stream.indirect.scatter.add.f32 [tilespmem:s19], [sflag:$0x1], $0x10, s23, s21, $0xb8;
	[tilespmem:$0xCF80] =	vst v63  }
0x36: {  	_ =	swait.ge [sflag:s18], $0x800  }
0x37: {  	s23 =	simm.s32 $0x200;
	[sflag:s18] =	ssyncset.done $0x0  }
.LBB2_2:
0x38: {  	s24 =	sshra.s32 s23, $0x2;
	[sflag:s18] =	ssyncadd.s32 $0xFFFFF800;
	p0 =	sne.s32 s23, $0x9C00  }
0x39: {  	[spmem:s3] =	stream.indirect.scatter.add.f32 [tilespmem:s19], [sflag:$0x1], $0x10, s24, s21, $0xb8;
	[tilespmem:$0xCF80] =	vst v63  }
.Ltmp0:
0x3a: {  	_ = 	snop;
	(pc) =	sbr.rel @p0 .LBB2_2-.Ltmp0, $4  }
0x3b: {  	_ = 	snop  }
0x3c: {  	s23 =	sadd.s32 $0x200, s23  }
0x3d: {  	_ =	swait.ge [sflag:s18], $0x800  }
0x3e: {  	[sflag:s18] =	ssyncset.done $0x0  }
0x3f: {  	[sflag:s18] =	ssyncadd.s32 $0xFFFFF800  }
0x40: {  	[bflag:$0x0] =	sbarrier.arrive $0xFFFF  }
0x41: {  	[tilespmem:s20], [sflag:$0x1] =	stream.linear.gather [spmem:s7], $0x4000, $0x38;
	[tilespmem:$0xCF80] =	vst v63  }
0x42: {  	_ =	swait.ge [sflag:s18], $0x4000  }
0x43: {  	[sflag:s18] =	ssyncset.done $0x0  }
0x44: {  	[sflag:s18] =	ssyncadd.s32 $0xFFFFC000  }
0x45: {  	[hbm4b:s12+s4] =	stream.linear.scatter [tilespmem:s20], [sflag:$0x1], $0x4000, $0x38;
	[tilespmem:$0xCF80] =	vst v63  }
0x46: {  	_ =	swait.ge [sflag:s18], $0x4000  }
0x47: {  	[sflag:s18] =	ssyncset.done $0x0  }
0x48: {  	[sflag:s18] =	ssyncadd.s32 $0xFFFFC000  }
0x49: {  	[tilespmem:s20], [sflag:$0x1] =	stream.linear.gather [spmem:s8], $0x4000, $0x38;
	[tilespmem:$0xCF80] =	vst v63  }
0x4a: {  	_ =	swait.ge [sflag:s18], $0x4000  }
0x4b: {  	[sflag:s18] =	ssyncset.done $0x0  }
0x4c: {  	[sflag:s18] =	ssyncadd.s32 $0xFFFFC000  }
0x4d: {  	[hbm4b:s13+s4] =	stream.linear.scatter [tilespmem:s20], [sflag:$0x1], $0x4000, $0x38;
	[tilespmem:$0xCF80] =	vst v63  }
0x4e: {  	_ =	swait.ge [sflag:s18], $0x4000  }
0x4f: {  	[sflag:s18] =	ssyncset.done $0x0  }
0x50: {  	[sflag:s18] =	ssyncadd.s32 $0xFFFFC000  }
0x51: {  	[tilespmem:s20], [sflag:$0x1] =	stream.linear.gather [spmem:s9], $0x4000, $0x38;
	[tilespmem:$0xCF80] =	vst v63  }
0x52: {  	_ =	swait.ge [sflag:s18], $0x4000  }
0x53: {  	[sflag:s18] =	ssyncset.done $0x0  }
0x54: {  	[sflag:s18] =	ssyncadd.s32 $0xFFFFC000  }
0x55: {  	[hbm4b:s14+s4] =	stream.linear.scatter [tilespmem:s20], [sflag:$0x1], $0x4000, $0x38;
	[tilespmem:$0xCF80] =	vst v63  }
0x56: {  	_ =	swait.ge [sflag:s18], $0x4000  }
0x57: {  	[sflag:s18] =	ssyncset.done $0x0  }
0x58: {  	[sflag:s18] =	ssyncadd.s32 $0xFFFFC000  }
0x59: {  	[tilespmem:s20], [sflag:$0x1] =	stream.linear.gather [spmem:s10], $0x4000, $0x38;
	[tilespmem:$0xCF80] =	vst v63  }
0x5a: {  	_ =	swait.ge [sflag:s18], $0x4000  }
0x5b: {  	[sflag:s18] =	ssyncset.done $0x0  }
0x5c: {  	[sflag:s18] =	ssyncadd.s32 $0xFFFFC000  }
0x5d: {  	[hbm4b:s15+s4] =	stream.linear.scatter [tilespmem:s20], [sflag:$0x1], $0x4000, $0x38;
	[tilespmem:$0xCF80] =	vst v63  }
0x5e: {  	_ =	swait.ge [sflag:s18], $0x4000  }
0x5f: {  	[sflag:s18] =	ssyncset.done $0x0  }
0x60: {  	[sflag:s18] =	ssyncadd.s32 $0xFFFFC000  }
0x61: {  	[tilespmem:s20], [sflag:$0x1] =	stream.linear.gather [spmem:s11], $0x3C00, $0x38;
	[tilespmem:$0xCF80] =	vst v63  }
0x62: {  	s22 =	sadd.s32 $0x1, s22;
	_ =	swait.ge [sflag:s18], $0x3C00  }
0x63: {  	p0 =	sne.s32 s22, s17;
	[sflag:s18] =	ssyncset.done $0x0  }
.Ltmp1:
0x64: {  	[sflag:s18] =	ssyncadd.s32 $0xFFFFC400;
	(pc) =	sbr.rel @p0 .LBB2_1-.Ltmp1, $4  }
0x65: {  	[hbm4b:s16+s4] =	stream.linear.scatter [tilespmem:s20], [sflag:$0x1], $0x3C00, $0x38;
	[tilespmem:$0xCF80] =	vst v63  }
0x66: {  	_ =	swait.ge [sflag:s18], $0x3C00  }
0x67: {  	[sflag:s18] =	ssyncset.done $0x0  }
0x68: {  	[sflag:s18] =	ssyncadd.s32 $0xFFFFC400  }
0x69: {  	_ =	sfence.sel $0x180000  }
0x6a: {  	[bflag:$0x0] =	sbarrier.arrive $0xFFFF  }
0x6b: {  	p0 =	sne.s32 s0, $0x0;
	_ =	strace $0x90000047  }
0x6c: {  	s0 =	sadd.s32 @!p0 $0x100000, s1;
	[bflag:$0x2] =	sbarrier.arrive $0xFFFF  }
0x6d: {  	[sflag:s0] =	ssyncadd.tile.s32 @!p0 $0x1;
	_ =	shalt  }
.Lfunc_end2:
_tile_overlayer_lowered:
.L_overlay_start_2:
0x6e: {  	(tag) =	ssettag $0x2  }
0x6f: {  	s0 =	rddreg [dreg:$0x0];
	s2 =	stileid.u32  }
0x70: {  	s1 =	rddreg [dreg:$0x1];
	p0 =	sne.s32 s2, $0x0  }
0x71: {  	s3 =	rddreg [dreg:$0x2];
	[bflag:$0x3] =	sbarrier.arrive $0xFFFF;
	s2 =	simm.s32 @!p0 $0x1C01  }
0x72: {  	[timem:s3], [sflag:s2] =	dma.local @!p0 [hbm:s0], s1  }
0x73: {  	s0 =	simm.s32 @!p0 $0x1  }
0x74: {  	_ =	swait.ge @!p0 [sflag:s0], s1  }
0x75: {  	s1 =	ssub.s32 @!p0 $0x0, s1;
	[sflag:s0] =	ssyncset.done @!p0 $0x0  }
0x76: {  	[sflag:s0] =	ssyncadd.s32 @!p0 s1  }
0x77: {  	[bflag:$0x3] =	sbarrier.arrive $0xFFFF  }
0x78: {  	_ =	shalt  }

// kernel: kernel.14.cloned.1.call-start
scs
__scs_entry_jumppad:
0x0: {  	(pc) =	sbr.rel $0x88, $3  }
0x1: {  	(tag) =	ssettag $0x0;
	lr =	simm.s32 $0x1  }
0x2: {  	[smem:$0x3F92] =	sst lr;
	_ =	strace $0xD0000000  }
0x3: {  	_ = 	snop  }
0x4: {  	_ = 	snop  }
0x5: {  	_ = 	snop  }
0x6: {  	_ = 	snop  }
0x7: {  	_ = 	snop  }
__scs_overlays_trampoline_lowered:
0x8: {  	[smem:$0x3FA1] =	sst s0  }
0x9: {  	[smem:$0x3FA2] =	sst s1  }
0xa: {  	[smem:$0x3FA3] =	sst s2  }
0xb: {  	[smem:$0x3FA4] =	sst s3  }
0xc: {  	[smem:$0x3FA5] =	sst s4  }
0xd: {  	[smem:$0x3FA6] =	sst s5  }
0xe: {  	[smem:$0x3FA7] =	sst s6  }
0xf: {  	[smem:$0x3FA8] =	sst s7  }
0x10: {  	[smem:$0x3FA9] =	sst s8  }
0x11: {  	[smem:$0x3FAA] =	sst s9;
	s0 =	simm.s32 @!p0 $0x0  }
0x12: {  	s1 =	sld [smem:$0x3F90];
	s0 =	simm.s32 @p0 $0x1  }
0x13: {  	[smem:$0x3FAB] =	sst s0;
	s0 =	simm.s32 @!p1 $0x0  }
0x14: {  	s2 =	sld [smem:$0x3F8F];
	s0 =	simm.s32 @p1 $0x1  }
0x15: {  	[smem:$0x3FAC] =	sst s0;
	s0 =	simm.s32 @!p2 $0x0  }
0x16: {  	s3 =	sld [smem:$0x3FDB];
	s0 =	simm.s32 @p2 $0x1  }
0x17: {  	s4 =	simm.s32 $0x1BF5;
	[smem:$0x3FAE] =	sst s0  }
0x18: {  	s0 =	sld [smem:$0x3F91];
	_ =	swait.ge [sflag:s4], $0x0  }
0x19: {  	s7 =	sld [smem:$0x3F92]  }
0x1a: {  	s8 =	sadd.s32 $0xFFFFE003, lr  }
0x1b: {  	s9 =	sadd.s32 $0xFFFFFEF7, lr;
	s5 =	simm.s32 $0xFFFFFFFF;
	p2 =	slt.u32 s8, $0xFFFFF086  }
0x1c: {  	p1 =	slt.u32 s9, $0xF7A;
	s5 =	simm.s32 @!p2 $0x0  }
0x1d: {  	s5 =	simm.s32 @p1 $0x1;
	p0 =	seq.s32 s7, s2  }
0x1e: {  	s7 =	smul.u32 @!p0 $0xF7A, s2;
	p2 =	seq.s32 @!p0 s5, $0x0  }
0x1f: {  	s9 =	smul.u32 $0xF7A, s1;
	s8 =	simm.s32 @!p0 $0x1BF5;
	p2 =	por !p2, p0  }
0x20: {  	[sflag:s8] =	ssyncset.s32 @!p0 $0xFFFFF086;
	s6 =	sadd.s32 @!p0 s3, s7;
	s7 =	simm.s32 @!p0 $0x108  }
0x21: {  	s3 =	sadd.s32 s3, s9;
	s6 =	sadd.s32 @!p0 $0x88, s6;
	s7 =	simm.s32 @p2 $0x1082  }
0x22: {  	[simem:s7], [sflag:s8] =	dma.local @!p0 [hbm:s6], $0xF7A  }
0x23: {  	s9 =	sor.u32 $0xD0000000, s2;
	s6 =	simm.s32 $0x108;
	_ =	swait.ge @!p0 [sflag:s8], $0x0  }
0x24: {  	s3 =	sadd.s32 $0x88, s3;
	s6 =	simm.s32 @!p1 $0x1082;
	[sflag:s4] =	ssyncset.s32 $0xFFFFF086  }
0x25: {  	[simem:s6], [sflag:s4] =	dma.local [hbm:s3], $0xF7A  }
0x26: {  	[smem:$0x3F92] =	sst s1;
	(tag) =	ssettag s2;
	_ =	strace s9  }
0x27: {  	s1 =	sld [smem:$0x3FA2]  }
0x28: {  	s2 =	sld [smem:$0x3FA3]  }
0x29: {  	s4 =	sld [smem:$0x3FA5]  }
0x2a: {  	p0 =	seq.s32 s5, $0x0;
	s5 =	sld [smem:$0x3FA6]  }
0x2b: {  	s6 =	sld [smem:$0x3FA7]  }
0x2c: {  	s7 =	sld [smem:$0x3FA8]  }
0x2d: {  	s3 =	simm.s32 $0x108;
	s8 =	sld [smem:$0x3FA9]  }
0x2e: {  	s3 =	simm.s32 @!p0 $0x1082;
	s9 =	sld [smem:$0x3FAA]  }
0x2f: {  	lr =	sadd.s32 s0, s3;
	s0 =	sld [smem:$0x3FA1]  }
0x30: {  	s3 =	sld [smem:$0x3FA4]  }
0x31: {  	[smem:$0x3FAD] =	sst s10  }
0x32: {  	s10 =	sld [smem:$0x3FAB];
	_ =	sdelay $0x3  }
0x33: {  	p0 =	seq.s32 s10, $0x1;
	s10 =	sld [smem:$0x3FAD];
	_ =	sdelay $0x3  }
0x34: {  	[smem:$0x3FAD] =	sst s10  }
0x35: {  	s10 =	sld [smem:$0x3FAC];
	_ =	sdelay $0x3  }
0x36: {  	p1 =	seq.s32 s10, $0x1;
	s10 =	sld [smem:$0x3FAD];
	_ =	sdelay $0x3  }
0x37: {  	[smem:$0x3FAD] =	sst s10  }
0x38: {  	s10 =	sld [smem:$0x3FAE]  }
0x39: {  	_ = 	snop;
	(pc) =	sbr.ind lr, $3  }
0x3a: {  	_ = 	snop  }
0x3b: {  	_ = 	snop  }
0x3c: {  	p2 =	seq.s32 s10, $0x1;
	s10 =	sld [smem:$0x3FAD]  }
0x3d: {  	_ =	shalt  }
0x3e: {  	_ =	shalt  }
0x3f: {  	_ =	shalt  }
0x40: {  	_ =	shalt  }
0x41: {  	_ =	shalt  }
0x42: {  	_ =	shalt  }
0x43: {  	_ =	shalt  }
0x44: {  	_ =	shalt  }
0x45: {  	_ =	shalt  }
0x46: {  	_ =	shalt  }
0x47: {  	_ =	shalt  }
0x48: {  	_ =	shalt  }
0x49: {  	_ =	shalt  }
0x4a: {  	_ =	shalt  }
0x4b: {  	_ =	shalt  }
0x4c: {  	_ =	shalt  }
0x4d: {  	_ =	shalt  }
0x4e: {  	_ =	shalt  }
0x4f: {  	_ =	shalt  }
0x50: {  	_ =	shalt  }
0x51: {  	_ =	shalt  }
0x52: {  	_ =	shalt  }
0x53: {  	_ =	shalt  }
0x54: {  	_ =	shalt  }
0x55: {  	_ =	shalt  }
0x56: {  	_ =	shalt  }
0x57: {  	_ =	shalt  }
0x58: {  	_ =	shalt  }
0x59: {  	_ =	shalt  }
0x5a: {  	_ =	shalt  }
0x5b: {  	_ =	shalt  }
0x5c: {  	_ =	shalt  }
0x5d: {  	_ =	shalt  }
0x5e: {  	_ =	shalt  }
0x5f: {  	_ =	shalt  }
0x60: {  	_ =	shalt  }
0x61: {  	_ =	shalt  }
0x62: {  	_ =	shalt  }
0x63: {  	_ =	shalt  }
0x64: {  	_ =	shalt  }
0x65: {  	_ =	shalt  }
0x66: {  	_ =	shalt  }
0x67: {  	_ =	shalt  }
0x68: {  	_ =	shalt  }
0x69: {  	_ =	shalt  }
0x6a: {  	_ =	shalt  }
0x6b: {  	_ =	shalt  }
0x6c: {  	_ =	shalt  }
0x6d: {  	_ =	shalt  }
0x6e: {  	_ =	shalt  }
0x6f: {  	_ =	shalt  }
0x70: {  	_ =	shalt  }
0x71: {  	_ =	shalt  }
0x72: {  	_ =	shalt  }
0x73: {  	_ =	shalt  }
0x74: {  	_ =	shalt  }
0x75: {  	_ =	shalt  }
0x76: {  	_ =	shalt  }
0x77: {  	_ =	shalt  }
0x78: {  	_ =	shalt  }
0x79: {  	_ =	shalt  }
0x7a: {  	_ =	shalt  }
0x7b: {  	_ =	shalt  }
0x7c: {  	_ =	shalt  }
0x7d: {  	_ =	shalt  }
0x7e: {  	_ =	shalt  }
0x7f: {  	_ =	shalt  }
0x80: {  	_ =	shalt  }
0x81: {  	_ =	shalt  }
0x82: {  	_ =	shalt  }
0x83: {  	_ =	shalt  }
0x84: {  	_ =	shalt  }
0x85: {  	_ =	shalt  }
0x86: {  	_ =	shalt  }
0x87: {  	_ =	shalt  }
.Lfunc_end0:
.L_simem_size_0:
called_computation.1_lowered:
.L_overlay_start_0:
0x88: {  	s2 =	sld [smem:$0x3FD9]  }
0x89: {  	s3 =	sld [smem:$0x3FFE];
	_ =	sdelay $0x1  }
0x8a: {  	s1 =	srdreg.scid  }
0x8b: {  	s0 =	sand.u32 $0x1, s1  }
0x8c: {  	s14 =	sshll.u32 s0, $0xA;
	s2 =	sadd.s32 s3, s2  }
0x8d: {  	s2 =	sadd.s32 s2, s14  }
0x8e: {  	[smem:$0x3FB9] =	sst s2  }
0x8f: {  	_ = 	snop  }
0x90: {  	s2 =	sld [smem:$0x3FD0];
	_ =	sdelay $0x2  }
0x91: {  	s15 =	simm.s32 $0xA;
	s4 =	simm.s32 $0x10  }
0x92: {  	[smem:s4], [sflag:s15] =	dma.local [hbm:s2], $0x1  }
0x93: {  	_ =	swait.eq [sflag:s15], $0x1  }
0x94: {  	[sflag:s15] =	ssyncset.done $0x0  }
0x95: {  	[sflag:s15] =	ssyncadd.s32 $0xFFFFFFFF  }
0x96: {  	s16 =	sld [smem:$0x10];
	(tm) =	ssettm $0x1  }
0x97: {  	s17 =	sld [smem:$0x3FFB];
	_ =	sdelay $0x3  }
0x98: {  	_ =	strace s17  }
0x99: {  	s3 =	sld [smem:$0x3FFC];
	_ =	sdelay $0x3  }
0x9a: {  	_ =	strace s3  }
0x9b: {  	s3 =	sld [smem:$0x3FFD];
	_ =	sdelay $0x3  }
0x9c: {  	_ =	strace s3  }
0x9d: {  	_ =	strace $0x8FFFFFFF  }
0x9e: {  	s18 =	sld [smem:$0x3FDB];
	_ =	sdelay $0x1  }
0x9f: {  	s19 =	simm.s32 $_scs_section_size  }
0xa0: {  	s5 =	simm.s32 $_size__tile_overlayer_lowered;
	s6 =	simm.s32 $_tile_overlayer_lowered  }
0xa1: {  	s22 =	simm.s32 $0x1BFF;
	s21 =	sshll.u32 s6, $0x1;
	s3 =	sadd.s32 s19, s18  }
0xa2: {  	s7 =	simm.s32 $0x0;
	s20 =	sshll.u32 s5, $0x1;
	s5 =	sadd.s32 s21, s3  }
0xa3: {  	[timem:s7], [sflag:s22] =	dma.local [hbm:s5], s20  }
0xa4: {  	_ =	swait.ge [sflag:s22], s20  }
0xa5: {  	s4 =	ssub.s32 $0x0, s20;
	[sflag:s22] =	ssyncset.done $0x0  }
0xa6: {  	[sflag:s22] =	ssyncadd.s32 s4;
	_ =	sdelay $0x1  }
0xa7: {  	s23 =	simm.s32 $0x1B8B  }
0xa8: {  	_ =	swait.ge [sflag:s23], $0x1  }
0xa9: {  	[sflag:s23] =	ssyncset.done $0x0  }
0xaa: {  	s25 =	simm.s32 $0x1B8E;
	s24 =	sld [smem:$0x3FFE];
	[sflag:s23] =	ssyncadd.s32 $0xFFFFFFFF  }
0xab: {  	s26 =	simm.s32 $execute0_lowered;
	[smem:$0x3FD2] =	sst s25  }
0xac: {  	s5 =	sshll.u32 s26, $0x1;
	_ =	strace $0x80000049;
	[dreg:$0x1] =	wrdreg $0xFFFFFFFF  }
0xad: {  	s28 =	simm.s32 $_size_execute0_lowered;
	s3 =	sadd.s32 s3, s5;
	[dreg:$0x0] =	wrdreg $0x0  }
0xae: {  	s5 =	sshll.u32 s28, $0x1;
	[dreg:$0x2] =	wrdreg s3  }
0xaf: {  	[dreg:$0x3] =	wrdreg s5  }
0xb0: {  	[dreg:$0x4] =	wrdreg $0xC0  }
0xb1: {  	_ =	task [dreg:s7], $0x5FFFF  }
0xb2: {  	[dreg:$0x1] =	wrdreg $0xFFFFFFFF  }
0xb3: {  	[dreg:$0x0] =	wrdreg $0x60  }
0xb4: {  	[dreg:$0x2] =	wrdreg s24  }
0xb5: {  	[dreg:$0x3] =	wrdreg s16  }
0xb6: {  	[dreg:$0x4] =	wrdreg $0x90000  }
0xb7: {  	[dreg:$0x5] =	wrdreg $0x9  }
0xb8: {  	_ =	task.clear_ibuf [dreg:s7], $0x6FFFF;
	_ =	strace $0x90000049  }
0xb9: {  	s29 =	simm.s32 $0x9;
	_ =	strace $0x8000004B  }
0xba: {  	_ =	swait.ge [sflag:s29], $0x1  }
0xbb: {  	[sflag:s29] =	ssyncadd.s32 $0xFFFFFFFF  }
0xbc: {  	_ =	strace $0x9000004B  }
0xbd: {  	_ =	sfence  }
0xbe: {  	s30 =	sld [smem:$0x0];
	_ =	sdelay $0x2  }
0xbf: {  	s31 =	sshll.u32 s1, $0xD;
	s1 =	sshrl.u32 s1, $0x2  }
0xc0: {  	s3 =	sand.u32 $0x4000, s31;
	s1 =	sadd.s32 s1, s30  }
0xc1: {  	s0 =	sor.u32 s3, s0;
	s1 =	sshll.u32 s1, $0x11  }
0xc2: {  	s0 =	sor.u32 s1, s0  }
0xc3: {  	s0 =	sadd.s32 $0x8F2B, s0  }
0xc4: {  	[sflag:s0] =	ssyncadd.remote.s32 $0x1  }
0xc5: {  	_ =	sfence.sel $0xFFFF  }
0xc6: {  	[dreg:$0x0] =	wrdreg $0xFFFFFFFF;
	(pc) =	sbr.abs _section_cstart, $3  }
0xc7: {  	[dreg:$0x1] =	wrdreg $0xFFFFFFFF  }
0xc8: {  	_ =	task.clear_ibuf [dreg:s7], $0x2FFFF;
	_ =	strace $0x9FFFFFFF  }
0xc9: {  	(tm) =	ssettm $0x7FFFFFFF  }
tec
execute0_lowered:
.L_overlay_start_1:
0x0: {  	(tag) =	ssettag $0x1  }
0x1: {  	s6 =	rddreg [dreg:$0x0]  }
0x2: {  	s1 =	rddreg [dreg:$0x1]  }
0x3: {  	s2 =	rddreg [dreg:$0x2];
	s3 =	srdreg.scid  }
0x4: {  	s0 =	rddreg [dreg:$0x3];
	s4 =	simm.s32 $0x0;
	s22 =	simm.s32 $0x80  }
0x5: {  	s23 =	simm.s32 $0x0;
	s9 =	sand.u32 $0x1, s3;
	s3 =	stileid.u32  }
0x6: {  	[smem:$0x7FF] =	sst s4;
	s17 =	sadd.s32 $0x67000, s6;
	s10 =	smul.u32 $0x4F000, s3  }
0x7: {  	s5 =	sshll.u32 s9, $0x4;
	_ =	strace $0x8000004A;
	s12 =	smul.u32 $0x13C00, s3  }
0x8: {  	s8 =	ssub.s32 $0x2, s9;
	s16 =	smul.u32 $0x13C000, s9;
	s5 =	sor.u32 s3, s5  }
0x9: {  	s30 =	sshrl.u32 s8, $0x1;
	s7 =	smul.u32 $0x500, s5;
	s5 =	sadd.s32 $0xD800, s6  }
0xa: {  	s18 =	ssub.s32 s8, s30;
	s31 =	sshrl.u32 s10, $0x2;
	s13 =	sadd.s32 $0x4000, s12  }
0xb: {  	s15 =	sadd.s32 $0x8000, s12;
	s19 =	sadd.s32 $0xC000, s12;
	s14 =	sadd.s32 s12, s16  }
0xc: {  	s20 =	sadd.s32 $0x10000, s12;
	s8 =	sadd.s32 s31, s2;
	s9 =	sadd.s32 s13, s2  }
0xd: {  	s10 =	sadd.s32 s15, s2;
	s11 =	sadd.s32 s19, s2;
	s13 =	sadd.s32 s16, s13  }
0xe: {  	s14 =	sshrl.u32 s14, $0x3;
	s12 =	sadd.s32 s20, s2;
	s15 =	sadd.s32 s16, s15  }
0xf: {  	s19 =	sadd.s32 s16, s19;
	s16 =	sadd.s32 s16, s20;
	s18 =	smax.u32 s18, $0x1  }
0x10: {  	s7 =	sadd.s32 s7, s6;
	s21 =	sshrl.u32 s13, $0x3;
	s13 =	sadd.s32 s17, s14  }
0x11: {  	s15 =	sshrl.u32 s15, $0x3;
	s19 =	sshrl.u32 s19, $0x3;
	s20 =	sshrl.u32 s16, $0x3  }
0x12: {  	s6 =	sadd.s32 $0x5D000, s7;
	s7 =	sadd.s32 $0x3800, s7;
	s14 =	sadd.s32 s17, s21  }
0x13: {  	s15 =	sadd.s32 s17, s15;
	s16 =	sadd.s32 s17, s19;
	s17 =	sadd.s32 s17, s20  }
0x14: {  	s19 =	simm.s32 $0x1;
	s20 =	simm.s32 $0x2800;
	s21 =	simm.s32 $0x5000  }
.LBB2_1:
0x15: {  	[tilespmem:s4], [sflag:$0x1] =	stream.linear.gather [hbm4b:s6+s4], $0x2780, $0x38;
	[tilespmem:$0x1CC00] =	vst v63  }
0x16: {  	_ =	swait.ge [sflag:s19], $0x2780  }
0x17: {  	[sflag:s19] =	ssyncset.done $0x0  }
0x18: {  	[sflag:s19] =	ssyncadd.s32 $0xFFFFD880  }
0x19: {  	[tilespmem:s20], [sflag:$0x1] =	stream.linear.gather [hbm4b:s7+s4], $0x2780, $0x38;
	[tilespmem:$0x1CC00] =	vst v63  }
0x1a: {  	_ =	swait.ge [sflag:s19], $0x2780  }
0x1b: {  	[sflag:s19] =	ssyncset.done $0x0  }
0x1c: {  	[sflag:s19] =	ssyncadd.s32 $0xFFFFD880  }
0x1d: {  	[tilespmem:s21], [sflag:$0x1] =	stream.linear.gather [hbm4b:s1+s4], $0x4000, $0x38;
	[tilespmem:$0x1CC00] =	vst v63  }
0x1e: {  	_ =	swait.ge [sflag:s19], $0x4000  }
0x1f: {  	[sflag:s19] =	ssyncset.done $0x0  }
0x20: {  	[sflag:s19] =	ssyncadd.s32 $0xFFFFC000  }
0x21: {  	[spmem:s8] =	stream.linear.scatter [tilespmem:s21], [sflag:$0x1], $0x4000, $0x38;
	[tilespmem:$0x1CC00] =	vst v63  }
0x22: {  	_ =	swait.ge [sflag:s19], $0x4000  }
0x23: {  	[sflag:s19] =	ssyncset.done $0x0  }
0x24: {  	[sflag:s19] =	ssyncadd.s32 $0xFFFFC000  }
0x25: {  	[spmem:s9] =	stream.linear.scatter [tilespmem:s21], [sflag:$0x1], $0x4000, $0x38;
	[tilespmem:$0x1CC00] =	vst v63  }
0x26: {  	_ =	swait.ge [sflag:s19], $0x4000  }
0x27: {  	[sflag:s19] =	ssyncset.done $0x0  }
0x28: {  	[sflag:s19] =	ssyncadd.s32 $0xFFFFC000  }
0x29: {  	[spmem:s10] =	stream.linear.scatter [tilespmem:s21], [sflag:$0x1], $0x4000, $0x38;
	[tilespmem:$0x1CC00] =	vst v63  }
0x2a: {  	_ =	swait.ge [sflag:s19], $0x4000  }
0x2b: {  	[sflag:s19] =	ssyncset.done $0x0  }
0x2c: {  	[sflag:s19] =	ssyncadd.s32 $0xFFFFC000  }
0x2d: {  	[spmem:s11] =	stream.linear.scatter [tilespmem:s21], [sflag:$0x1], $0x4000, $0x38;
	[tilespmem:$0x1CC00] =	vst v63  }
0x2e: {  	_ =	swait.ge [sflag:s19], $0x4000  }
0x2f: {  	[sflag:s19] =	ssyncset.done $0x0  }
0x30: {  	[sflag:s19] =	ssyncadd.s32 $0xFFFFC000  }
0x31: {  	[spmem:s12] =	stream.linear.scatter [tilespmem:s21], [sflag:$0x1], $0x3C00, $0x38;
	[tilespmem:$0x1CC00] =	vst v63  }
0x32: {  	_ =	swait.ge [sflag:s19], $0x3C00  }
0x33: {  	[sflag:s19] =	ssyncset.done $0x0  }
0x34: {  	[sflag:s19] =	ssyncadd.s32 $0xFFFFC400  }
0x35: {  	s24 =	simm.s32 $0x0;
	[bflag:$0x0] =	sbarrier.arrive $0xFFFF  }
0x36: {  	[tilespmem:s21], [sflag:$0x1] =	stream.indirect.gather [hbm4b:s5+s22], $0x80, s24, s22, $0xb8;
	[tilespmem:$0x1CC00] =	vst v63  }
0x37: {  	_ =	swait.ge [sflag:s19], $0x4000  }
0x38: {  	[sflag:s19] =	ssyncset.done $0x0  }
0x39: {  	s31 =	simm.s32 $0x2800;
	[sflag:s19] =	ssyncadd.s32 $0xFFFFC000  }
0x3a: {  	[spmem:s2] =	stream.indirect.scatter.add.f32 [tilespmem:s21], [sflag:$0x1], $0x80, s31, s22, $0xb8;
	[tilespmem:$0x1CC00] =	vst v63  }
0x3b: {  	_ =	swait.ge [sflag:s19], $0x4000  }
0x3c: {  	s25 =	simm.s32 $0x400;
	s24 =	simm.s32 $0x200;
	[sflag:s19] =	ssyncset.done $0x0  }
.LBB2_2:
0x3d: {  	s26 =	sshra.s32 s24, $0x2  }
0x3e: {  	[sflag:s19] =	ssyncadd.s32 $0xFFFFC000;
	s24 =	smov.u32 s25;
	s28 =	sadd.s32 $0x200, s25  }
0x3f: {  	[tilespmem:s21], [sflag:$0x1] =	stream.indirect.gather [hbm4b:s5+s22], $0x80, s26, s22, $0xb8;
	[tilespmem:$0x1CC00] =	vst v63  }
0x40: {  	p0 =	sne.s32 s25, $0x9C00;
	_ =	swait.ge [sflag:s19], $0x4000  }
.Ltmp0:
0x41: {  	[sflag:s19] =	ssyncset.done $0x0;
	(pc) =	sbr.rel @p0 .LBB2_2-.Ltmp0, $4  }
0x42: {  	s25 =	sadd.s32 $0x2800, s26;
	[sflag:s19] =	ssyncadd.s32 $0xFFFFC000  }
0x43: {  	[spmem:s2] =	stream.indirect.scatter.add.f32 [tilespmem:s21], [sflag:$0x1], $0x80, s25, s22, $0xb8;
	[tilespmem:$0x1CC00] =	vst v63  }
0x44: {  	_ =	swait.ge [sflag:s19], $0x4000  }
0x45: {  	s25 =	smov.u32 s28;
	[sflag:s19] =	ssyncset.done $0x0  }
0x46: {  	s24 =	sshra.s32 s24, $0x2;
	[sflag:s19] =	ssyncadd.s32 $0xFFFFC000  }
0x47: {  	[tilespmem:s21], [sflag:$0x1] =	stream.indirect.gather [hbm4b:s5+s22], $0x80, s24, s22, $0xb8;
	[tilespmem:$0x1CC00] =	vst v63  }
0x48: {  	_ =	swait.ge [sflag:s19], $0x4000  }
0x49: {  	[sflag:s19] =	ssyncset.done $0x0  }
0x4a: {  	s24 =	sadd.s32 $0x2800, s24;
	[sflag:s19] =	ssyncadd.s32 $0xFFFFC000  }
0x4b: {  	[spmem:s2] =	stream.indirect.scatter.add.f32 [tilespmem:s21], [sflag:$0x1], $0x80, s24, s22, $0xb8;
	[tilespmem:$0x1CC00] =	vst v63  }
0x4c: {  	_ =	swait.ge [sflag:s19], $0x4000  }
0x4d: {  	[sflag:s19] =	ssyncset.done $0x0  }
0x4e: {  	[sflag:s19] =	ssyncadd.s32 $0xFFFFC000  }
0x4f: {  	[bflag:$0x0] =	sbarrier.arrive $0xFFFF  }
0x50: {  	[tilespmem:s21], [sflag:$0x1] =	stream.linear.gather [spmem:s8], $0x4000, $0x38;
	[tilespmem:$0x1CC00] =	vst v63  }
0x51: {  	_ =	swait.ge [sflag:s19], $0x4000  }
0x52: {  	[sflag:s19] =	ssyncset.done $0x0  }
0x53: {  	[sflag:s19] =	ssyncadd.s32 $0xFFFFC000  }
0x54: {  	[hbm4b:s13+s4] =	stream.linear.scatter [tilespmem:s21], [sflag:$0x1], $0x4000, $0x38;
	[tilespmem:$0x1CC00] =	vst v63  }
0x55: {  	_ =	swait.ge [sflag:s19], $0x4000  }
0x56: {  	[sflag:s19] =	ssyncset.done $0x0  }
0x57: {  	[sflag:s19] =	ssyncadd.s32 $0xFFFFC000  }
0x58: {  	[tilespmem:s21], [sflag:$0x1] =	stream.linear.gather [spmem:s9], $0x4000, $0x38;
	[tilespmem:$0x1CC00] =	vst v63  }
0x59: {  	_ =	swait.ge [sflag:s19], $0x4000  }
0x5a: {  	[sflag:s19] =	ssyncset.done $0x0  }
0x5b: {  	[sflag:s19] =	ssyncadd.s32 $0xFFFFC000  }
0x5c: {  	[hbm4b:s14+s4] =	stream.linear.scatter [tilespmem:s21], [sflag:$0x1], $0x4000, $0x38;
	[tilespmem:$0x1CC00] =	vst v63  }
0x5d: {  	_ =	swait.ge [sflag:s19], $0x4000  }
0x5e: {  	[sflag:s19] =	ssyncset.done $0x0  }
0x5f: {  	[sflag:s19] =	ssyncadd.s32 $0xFFFFC000  }
0x60: {  	[tilespmem:s21], [sflag:$0x1] =	stream.linear.gather [spmem:s10], $0x4000, $0x38;
	[tilespmem:$0x1CC00] =	vst v63  }
0x61: {  	_ =	swait.ge [sflag:s19], $0x4000  }
0x62: {  	[sflag:s19] =	ssyncset.done $0x0  }
0x63: {  	[sflag:s19] =	ssyncadd.s32 $0xFFFFC000  }
0x64: {  	[hbm4b:s15+s4] =	stream.linear.scatter [tilespmem:s21], [sflag:$0x1], $0x4000, $0x38;
	[tilespmem:$0x1CC00] =	vst v63  }
0x65: {  	_ =	swait.ge [sflag:s19], $0x4000  }
0x66: {  	[sflag:s19] =	ssyncset.done $0x0  }
0x67: {  	[sflag:s19] =	ssyncadd.s32 $0xFFFFC000  }
0x68: {  	[tilespmem:s21], [sflag:$0x1] =	stream.linear.gather [spmem:s11], $0x4000, $0x38;
	[tilespmem:$0x1CC00] =	vst v63  }
0x69: {  	_ =	swait.ge [sflag:s19], $0x4000  }
0x6a: {  	[sflag:s19] =	ssyncset.done $0x0  }
0x6b: {  	[sflag:s19] =	ssyncadd.s32 $0xFFFFC000  }
0x6c: {  	[hbm4b:s16+s4] =	stream.linear.scatter [tilespmem:s21], [sflag:$0x1], $0x4000, $0x38;
	[tilespmem:$0x1CC00] =	vst v63  }
0x6d: {  	_ =	swait.ge [sflag:s19], $0x4000  }
0x6e: {  	[sflag:s19] =	ssyncset.done $0x0  }
0x6f: {  	[sflag:s19] =	ssyncadd.s32 $0xFFFFC000  }
0x70: {  	[tilespmem:s21], [sflag:$0x1] =	stream.linear.gather [spmem:s12], $0x3C00, $0x38;
	[tilespmem:$0x1CC00] =	vst v63  }
0x71: {  	s23 =	sadd.s32 $0x1, s23;
	_ =	swait.ge [sflag:s19], $0x3C00  }
0x72: {  	p0 =	sne.s32 s23, s18;
	[sflag:s19] =	ssyncset.done $0x0  }
.Ltmp1:
0x73: {  	[sflag:s19] =	ssyncadd.s32 $0xFFFFC400;
	(pc) =	sbr.rel @p0 .LBB2_1-.Ltmp1, $4  }
0x74: {  	[hbm4b:s17+s4] =	stream.linear.scatter [tilespmem:s21], [sflag:$0x1], $0x3C00, $0x38;
	[tilespmem:$0x1CC00] =	vst v63  }
0x75: {  	_ =	swait.ge [sflag:s19], $0x3C00  }
0x76: {  	[sflag:s19] =	ssyncset.done $0x0  }
0x77: {  	[sflag:s19] =	ssyncadd.s32 $0xFFFFC400  }
0x78: {  	_ =	sfence.sel $0x180000  }
0x79: {  	[bflag:$0x0] =	sbarrier.arrive $0xFFFF  }
0x7a: {  	p0 =	sne.s32 s3, $0x0;
	_ =	strace $0x9000004A  }
0x7b: {  	s0 =	sadd.s32 @!p0 $0x100000, s0;
	[bflag:$0x2] =	sbarrier.arrive $0xFFFF  }
0x7c: {  	[sflag:s0] =	ssyncadd.tile.s32 @!p0 $0x1;
	_ =	shalt  }
.Lfunc_end2:
_tile_overlayer_lowered:
.L_overlay_start_2:
0x7d: {  	(tag) =	ssettag $0x2  }
0x7e: {  	s0 =	rddreg [dreg:$0x0];
	s2 =	stileid.u32  }
0x7f: {  	s1 =	rddreg [dreg:$0x1];
	p0 =	sne.s32 s2, $0x0  }
0x80: {  	s3 =	rddreg [dreg:$0x2];
	[bflag:$0x3] =	sbarrier.arrive $0xFFFF;
	s2 =	simm.s32 @!p0 $0x1C01  }
0x81: {  	[timem:s3], [sflag:s2] =	dma.local @!p0 [hbm:s0], s1  }
0x82: {  	s0 =	simm.s32 @!p0 $0x1  }
0x83: {  	_ =	swait.ge @!p0 [sflag:s0], s1  }
0x84: {  	s1 =	ssub.s32 @!p0 $0x0, s1;
	[sflag:s0] =	ssyncset.done @!p0 $0x0  }
0x85: {  	[sflag:s0] =	ssyncadd.s32 @!p0 s1  }
0x86: {  	[bflag:$0x3] =	sbarrier.arrive $0xFFFF  }
0x87: {  	_ =	shalt  }

// kernel: kernel.17.cloned.1.call-start
scs
__scs_entry_jumppad:
0x0: {  	(pc) =	sbr.rel $0x88, $3  }
0x1: {  	(tag) =	ssettag $0x0;
	lr =	simm.s32 $0x1  }
0x2: {  	[smem:$0x3F92] =	sst lr;
	_ =	strace $0xD0000000  }
0x3: {  	_ = 	snop  }
0x4: {  	_ = 	snop  }
0x5: {  	_ = 	snop  }
0x6: {  	_ = 	snop  }
0x7: {  	_ = 	snop  }
__scs_overlays_trampoline_lowered:
0x8: {  	[smem:$0x3FA1] =	sst s0  }
0x9: {  	[smem:$0x3FA2] =	sst s1  }
0xa: {  	[smem:$0x3FA3] =	sst s2  }
0xb: {  	[smem:$0x3FA4] =	sst s3  }
0xc: {  	[smem:$0x3FA5] =	sst s4  }
0xd: {  	[smem:$0x3FA6] =	sst s5  }
0xe: {  	[smem:$0x3FA7] =	sst s6  }
0xf: {  	[smem:$0x3FA8] =	sst s7  }
0x10: {  	[smem:$0x3FA9] =	sst s8  }
0x11: {  	[smem:$0x3FAA] =	sst s9;
	s0 =	simm.s32 @!p0 $0x0  }
0x12: {  	s1 =	sld [smem:$0x3F90];
	s0 =	simm.s32 @p0 $0x1  }
0x13: {  	[smem:$0x3FAB] =	sst s0;
	s0 =	simm.s32 @!p1 $0x0  }
0x14: {  	s2 =	sld [smem:$0x3F8F];
	s0 =	simm.s32 @p1 $0x1  }
0x15: {  	[smem:$0x3FAC] =	sst s0;
	s0 =	simm.s32 @!p2 $0x0  }
0x16: {  	s3 =	sld [smem:$0x3FDB];
	s0 =	simm.s32 @p2 $0x1  }
0x17: {  	s4 =	simm.s32 $0x1BF5;
	[smem:$0x3FAE] =	sst s0  }
0x18: {  	s0 =	sld [smem:$0x3F91];
	_ =	swait.ge [sflag:s4], $0x0  }
0x19: {  	s7 =	sld [smem:$0x3F92]  }
0x1a: {  	s8 =	sadd.s32 $0xFFFFE003, lr  }
0x1b: {  	s9 =	sadd.s32 $0xFFFFFEF7, lr;
	s5 =	simm.s32 $0xFFFFFFFF;
	p2 =	slt.u32 s8, $0xFFFFF086  }
0x1c: {  	p1 =	slt.u32 s9, $0xF7A;
	s5 =	simm.s32 @!p2 $0x0  }
0x1d: {  	s5 =	simm.s32 @p1 $0x1;
	p0 =	seq.s32 s7, s2  }
0x1e: {  	s7 =	smul.u32 @!p0 $0xF7A, s2;
	p2 =	seq.s32 @!p0 s5, $0x0  }
0x1f: {  	s9 =	smul.u32 $0xF7A, s1;
	s8 =	simm.s32 @!p0 $0x1BF5;
	p2 =	por !p2, p0  }
0x20: {  	[sflag:s8] =	ssyncset.s32 @!p0 $0xFFFFF086;
	s6 =	sadd.s32 @!p0 s3, s7;
	s7 =	simm.s32 @!p0 $0x108  }
0x21: {  	s3 =	sadd.s32 s3, s9;
	s6 =	sadd.s32 @!p0 $0x88, s6;
	s7 =	simm.s32 @p2 $0x1082  }
0x22: {  	[simem:s7], [sflag:s8] =	dma.local @!p0 [hbm:s6], $0xF7A  }
0x23: {  	s9 =	sor.u32 $0xD0000000, s2;
	s6 =	simm.s32 $0x108;
	_ =	swait.ge @!p0 [sflag:s8], $0x0  }
0x24: {  	s3 =	sadd.s32 $0x88, s3;
	s6 =	simm.s32 @!p1 $0x1082;
	[sflag:s4] =	ssyncset.s32 $0xFFFFF086  }
0x25: {  	[simem:s6], [sflag:s4] =	dma.local [hbm:s3], $0xF7A  }
0x26: {  	[smem:$0x3F92] =	sst s1;
	(tag) =	ssettag s2;
	_ =	strace s9  }
0x27: {  	s1 =	sld [smem:$0x3FA2]  }
0x28: {  	s2 =	sld [smem:$0x3FA3]  }
0x29: {  	s4 =	sld [smem:$0x3FA5]  }
0x2a: {  	p0 =	seq.s32 s5, $0x0;
	s5 =	sld [smem:$0x3FA6]  }
0x2b: {  	s6 =	sld [smem:$0x3FA7]  }
0x2c: {  	s7 =	sld [smem:$0x3FA8]  }
0x2d: {  	s3 =	simm.s32 $0x108;
	s8 =	sld [smem:$0x3FA9]  }
0x2e: {  	s3 =	simm.s32 @!p0 $0x1082;
	s9 =	sld [smem:$0x3FAA]  }
0x2f: {  	lr =	sadd.s32 s0, s3;
	s0 =	sld [smem:$0x3FA1]  }
0x30: {  	s3 =	sld [smem:$0x3FA4]  }
0x31: {  	[smem:$0x3FAD] =	sst s10  }
0x32: {  	s10 =	sld [smem:$0x3FAB];
	_ =	sdelay $0x3  }
0x33: {  	p0 =	seq.s32 s10, $0x1;
	s10 =	sld [smem:$0x3FAD];
	_ =	sdelay $0x3  }
0x34: {  	[smem:$0x3FAD] =	sst s10  }
0x35: {  	s10 =	sld [smem:$0x3FAC];
	_ =	sdelay $0x3  }
0x36: {  	p1 =	seq.s32 s10, $0x1;
	s10 =	sld [smem:$0x3FAD];
	_ =	sdelay $0x3  }
0x37: {  	[smem:$0x3FAD] =	sst s10  }
0x38: {  	s10 =	sld [smem:$0x3FAE]  }
0x39: {  	_ = 	snop;
	(pc) =	sbr.ind lr, $3  }
0x3a: {  	_ = 	snop  }
0x3b: {  	_ = 	snop  }
0x3c: {  	p2 =	seq.s32 s10, $0x1;
	s10 =	sld [smem:$0x3FAD]  }
0x3d: {  	_ =	shalt  }
0x3e: {  	_ =	shalt  }
0x3f: {  	_ =	shalt  }
0x40: {  	_ =	shalt  }
0x41: {  	_ =	shalt  }
0x42: {  	_ =	shalt  }
0x43: {  	_ =	shalt  }
0x44: {  	_ =	shalt  }
0x45: {  	_ =	shalt  }
0x46: {  	_ =	shalt  }
0x47: {  	_ =	shalt  }
0x48: {  	_ =	shalt  }
0x49: {  	_ =	shalt  }
0x4a: {  	_ =	shalt  }
0x4b: {  	_ =	shalt  }
0x4c: {  	_ =	shalt  }
0x4d: {  	_ =	shalt  }
0x4e: {  	_ =	shalt  }
0x4f: {  	_ =	shalt  }
0x50: {  	_ =	shalt  }
0x51: {  	_ =	shalt  }
0x52: {  	_ =	shalt  }
0x53: {  	_ =	shalt  }
0x54: {  	_ =	shalt  }
0x55: {  	_ =	shalt  }
0x56: {  	_ =	shalt  }
0x57: {  	_ =	shalt  }
0x58: {  	_ =	shalt  }
0x59: {  	_ =	shalt  }
0x5a: {  	_ =	shalt  }
0x5b: {  	_ =	shalt  }
0x5c: {  	_ =	shalt  }
0x5d: {  	_ =	shalt  }
0x5e: {  	_ =	shalt  }
0x5f: {  	_ =	shalt  }
0x60: {  	_ =	shalt  }
0x61: {  	_ =	shalt  }
0x62: {  	_ =	shalt  }
0x63: {  	_ =	shalt  }
0x64: {  	_ =	shalt  }
0x65: {  	_ =	shalt  }
0x66: {  	_ =	shalt  }
0x67: {  	_ =	shalt  }
0x68: {  	_ =	shalt  }
0x69: {  	_ =	shalt  }
0x6a: {  	_ =	shalt  }
0x6b: {  	_ =	shalt  }
0x6c: {  	_ =	shalt  }
0x6d: {  	_ =	shalt  }
0x6e: {  	_ =	shalt  }
0x6f: {  	_ =	shalt  }
0x70: {  	_ =	shalt  }
0x71: {  	_ =	shalt  }
0x72: {  	_ =	shalt  }
0x73: {  	_ =	shalt  }
0x74: {  	_ =	shalt  }
0x75: {  	_ =	shalt  }
0x76: {  	_ =	shalt  }
0x77: {  	_ =	shalt  }
0x78: {  	_ =	shalt  }
0x79: {  	_ =	shalt  }
0x7a: {  	_ =	shalt  }
0x7b: {  	_ =	shalt  }
0x7c: {  	_ =	shalt  }
0x7d: {  	_ =	shalt  }
0x7e: {  	_ =	shalt  }
0x7f: {  	_ =	shalt  }
0x80: {  	_ =	shalt  }
0x81: {  	_ =	shalt  }
0x82: {  	_ =	shalt  }
0x83: {  	_ =	shalt  }
0x84: {  	_ =	shalt  }
0x85: {  	_ =	shalt  }
0x86: {  	_ =	shalt  }
0x87: {  	_ =	shalt  }
.Lfunc_end0:
.L_simem_size_0:
called_computation.2_lowered:
.L_overlay_start_0:
0x88: {  	s2 =	sld [smem:$0x3FD9]  }
0x89: {  	s3 =	sld [smem:$0x3FFE];
	_ =	sdelay $0x1  }
0x8a: {  	s1 =	srdreg.scid  }
0x8b: {  	s0 =	sand.u32 $0x1, s1  }
0x8c: {  	s14 =	sshll.u32 s0, $0xA;
	s2 =	sadd.s32 s3, s2  }
0x8d: {  	s2 =	sadd.s32 s2, s14  }
0x8e: {  	[smem:$0x3FB9] =	sst s2  }
0x8f: {  	_ = 	snop  }
0x90: {  	s2 =	sld [smem:$0x3FD0];
	_ =	sdelay $0x2  }
0x91: {  	s15 =	simm.s32 $0xA;
	s4 =	simm.s32 $0x10  }
0x92: {  	[smem:s4], [sflag:s15] =	dma.local [hbm:s2], $0x1  }
0x93: {  	_ =	swait.eq [sflag:s15], $0x1  }
0x94: {  	[sflag:s15] =	ssyncset.done $0x0  }
0x95: {  	[sflag:s15] =	ssyncadd.s32 $0xFFFFFFFF  }
0x96: {  	s16 =	sld [smem:$0x10];
	(tm) =	ssettm $0x1  }
0x97: {  	s17 =	sld [smem:$0x3FFB];
	_ =	sdelay $0x3  }
0x98: {  	_ =	strace s17  }
0x99: {  	s3 =	sld [smem:$0x3FFC];
	_ =	sdelay $0x3  }
0x9a: {  	_ =	strace s3  }
0x9b: {  	s3 =	sld [smem:$0x3FFD];
	_ =	sdelay $0x3  }
0x9c: {  	_ =	strace s3  }
0x9d: {  	_ =	strace $0x8FFFFFFF  }
0x9e: {  	s18 =	sld [smem:$0x3FDB];
	_ =	sdelay $0x1  }
0x9f: {  	s19 =	simm.s32 $_scs_section_size  }
0xa0: {  	s5 =	simm.s32 $_size__tile_overlayer_lowered;
	s6 =	simm.s32 $_tile_overlayer_lowered  }
0xa1: {  	s22 =	simm.s32 $0x1BFF;
	s21 =	sshll.u32 s6, $0x1;
	s3 =	sadd.s32 s19, s18  }
0xa2: {  	s7 =	simm.s32 $0x0;
	s20 =	sshll.u32 s5, $0x1;
	s5 =	sadd.s32 s21, s3  }
0xa3: {  	[timem:s7], [sflag:s22] =	dma.local [hbm:s5], s20  }
0xa4: {  	_ =	swait.ge [sflag:s22], s20  }
0xa5: {  	s4 =	ssub.s32 $0x0, s20;
	[sflag:s22] =	ssyncset.done $0x0  }
0xa6: {  	[sflag:s22] =	ssyncadd.s32 s4;
	_ =	sdelay $0x1  }
0xa7: {  	s23 =	simm.s32 $0x1B8B  }
0xa8: {  	_ =	swait.ge [sflag:s23], $0x1  }
0xa9: {  	[sflag:s23] =	ssyncset.done $0x0  }
0xaa: {  	s25 =	simm.s32 $0x1B8E;
	s24 =	sld [smem:$0x3FFE];
	[sflag:s23] =	ssyncadd.s32 $0xFFFFFFFF  }
0xab: {  	s26 =	simm.s32 $execute0_lowered;
	[smem:$0x3FD2] =	sst s25  }
0xac: {  	s5 =	sshll.u32 s26, $0x1;
	_ =	strace $0x8000004C;
	[dreg:$0x1] =	wrdreg $0xFFFFFFFF  }
0xad: {  	s28 =	simm.s32 $_size_execute0_lowered;
	s3 =	sadd.s32 s3, s5;
	[dreg:$0x0] =	wrdreg $0x0  }
0xae: {  	s5 =	sshll.u32 s28, $0x1;
	[dreg:$0x2] =	wrdreg s3  }
0xaf: {  	[dreg:$0x3] =	wrdreg s5  }
0xb0: {  	[dreg:$0x4] =	wrdreg $0xC0  }
0xb1: {  	_ =	task [dreg:s7], $0x5FFFF  }
0xb2: {  	[dreg:$0x1] =	wrdreg $0xFFFFFFFF  }
0xb3: {  	[dreg:$0x0] =	wrdreg $0x60  }
0xb4: {  	[dreg:$0x2] =	wrdreg s24  }
0xb5: {  	[dreg:$0x3] =	wrdreg s16  }
0xb6: {  	[dreg:$0x4] =	wrdreg $0x90000  }
0xb7: {  	[dreg:$0x5] =	wrdreg $0x9  }
0xb8: {  	_ =	task.clear_ibuf [dreg:s7], $0x6FFFF;
	_ =	strace $0x9000004C  }
0xb9: {  	s29 =	simm.s32 $0x9;
	_ =	strace $0x8000004E  }
0xba: {  	_ =	swait.ge [sflag:s29], $0x1  }
0xbb: {  	[sflag:s29] =	ssyncadd.s32 $0xFFFFFFFF  }
0xbc: {  	_ =	strace $0x9000004E  }
0xbd: {  	_ =	sfence  }
0xbe: {  	s30 =	sld [smem:$0x0];
	_ =	sdelay $0x2  }
0xbf: {  	s31 =	sshll.u32 s1, $0xD;
	s1 =	sshrl.u32 s1, $0x2  }
0xc0: {  	s3 =	sand.u32 $0x4000, s31;
	s1 =	sadd.s32 s1, s30  }
0xc1: {  	s0 =	sor.u32 s3, s0;
	s1 =	sshll.u32 s1, $0x11  }
0xc2: {  	s0 =	sor.u32 s1, s0  }
0xc3: {  	s0 =	sadd.s32 $0x8F2B, s0  }
0xc4: {  	[sflag:s0] =	ssyncadd.remote.s32 $0x1  }
0xc5: {  	_ =	sfence.sel $0xFFFF  }
0xc6: {  	[dreg:$0x0] =	wrdreg $0xFFFFFFFF;
	(pc) =	sbr.abs _section_cstart, $3  }
0xc7: {  	[dreg:$0x1] =	wrdreg $0xFFFFFFFF  }
0xc8: {  	_ =	task.clear_ibuf [dreg:s7], $0x2FFFF;
	_ =	strace $0x9FFFFFFF  }
0xc9: {  	(tm) =	ssettm $0x7FFFFFFF  }
tec
execute0_lowered:
.L_overlay_start_1:
0x0: {  	(tag) =	ssettag $0x1  }
0x1: {  	s6 =	rddreg [dreg:$0x0]  }
0x2: {  	s1 =	rddreg [dreg:$0x1]  }
0x3: {  	s2 =	rddreg [dreg:$0x2];
	s3 =	srdreg.scid  }
0x4: {  	s0 =	rddreg [dreg:$0x3];
	s4 =	simm.s32 $0x0;
	s22 =	simm.s32 $0x80  }
0x5: {  	s23 =	simm.s32 $0x0;
	s9 =	sand.u32 $0x1, s3;
	s3 =	stileid.u32  }
0x6: {  	[smem:$0x7FF] =	sst s4;
	s17 =	sadd.s32 $0x67000, s6;
	s10 =	smul.u32 $0x4F000, s3  }
0x7: {  	s5 =	sshll.u32 s9, $0x4;
	_ =	strace $0x8000004D;
	s12 =	smul.u32 $0x13C00, s3  }
0x8: {  	s8 =	ssub.s32 $0x2, s9;
	s16 =	smul.u32 $0x13C000, s9;
	s5 =	sor.u32 s3, s5  }
0x9: {  	s30 =	sshrl.u32 s8, $0x1;
	s7 =	smul.u32 $0x500, s5;
	s5 =	sadd.s32 $0xD800, s6  }
0xa: {  	s18 =	ssub.s32 s8, s30;
	s31 =	sshrl.u32 s10, $0x2;
	s13 =	sadd.s32 $0x4000, s12  }
0xb: {  	s15 =	sadd.s32 $0x8000, s12;
	s19 =	sadd.s32 $0xC000, s12;
	s14 =	sadd.s32 s12, s16  }
0xc: {  	s20 =	sadd.s32 $0x10000, s12;
	s8 =	sadd.s32 s31, s2;
	s9 =	sadd.s32 s13, s2  }
0xd: {  	s10 =	sadd.s32 s15, s2;
	s11 =	sadd.s32 s19, s2;
	s13 =	sadd.s32 s16, s13  }
0xe: {  	s14 =	sshrl.u32 s14, $0x3;
	s12 =	sadd.s32 s20, s2;
	s15 =	sadd.s32 s16, s15  }
0xf: {  	s19 =	sadd.s32 s16, s19;
	s16 =	sadd.s32 s16, s20;
	s18 =	smax.u32 s18, $0x1  }
0x10: {  	s7 =	sadd.s32 s7, s6;
	s21 =	sshrl.u32 s13, $0x3;
	s13 =	sadd.s32 s17, s14  }
0x11: {  	s15 =	sshrl.u32 s15, $0x3;
	s19 =	sshrl.u32 s19, $0x3;
	s20 =	sshrl.u32 s16, $0x3  }
0x12: {  	s6 =	sadd.s32 $0x5D000, s7;
	s7 =	sadd.s32 $0x3800, s7;
	s14 =	sadd.s32 s17, s21  }
0x13: {  	s15 =	sadd.s32 s17, s15;
	s16 =	sadd.s32 s17, s19;
	s17 =	sadd.s32 s17, s20  }
0x14: {  	s19 =	simm.s32 $0x1;
	s20 =	simm.s32 $0x2800;
	s21 =	simm.s32 $0x5000  }
.LBB2_1:
0x15: {  	[tilespmem:s4], [sflag:$0x1] =	stream.linear.gather [hbm4b:s6+s4], $0x2780, $0x38;
	[tilespmem:$0x1CC00] =	vst v63  }
0x16: {  	_ =	swait.ge [sflag:s19], $0x2780  }
0x17: {  	[sflag:s19] =	ssyncset.done $0x0  }
0x18: {  	[sflag:s19] =	ssyncadd.s32 $0xFFFFD880  }
0x19: {  	[tilespmem:s20], [sflag:$0x1] =	stream.linear.gather [hbm4b:s7+s4], $0x2780, $0x38;
	[tilespmem:$0x1CC00] =	vst v63  }
0x1a: {  	_ =	swait.ge [sflag:s19], $0x2780  }
0x1b: {  	[sflag:s19] =	ssyncset.done $0x0  }
0x1c: {  	[sflag:s19] =	ssyncadd.s32 $0xFFFFD880  }
0x1d: {  	[tilespmem:s21], [sflag:$0x1] =	stream.linear.gather [hbm4b:s1+s4], $0x4000, $0x38;
	[tilespmem:$0x1CC00] =	vst v63  }
0x1e: {  	_ =	swait.ge [sflag:s19], $0x4000  }
0x1f: {  	[sflag:s19] =	ssyncset.done $0x0  }
0x20: {  	[sflag:s19] =	ssyncadd.s32 $0xFFFFC000  }
0x21: {  	[spmem:s8] =	stream.linear.scatter [tilespmem:s21], [sflag:$0x1], $0x4000, $0x38;
	[tilespmem:$0x1CC00] =	vst v63  }
0x22: {  	_ =	swait.ge [sflag:s19], $0x4000  }
0x23: {  	[sflag:s19] =	ssyncset.done $0x0  }
0x24: {  	[sflag:s19] =	ssyncadd.s32 $0xFFFFC000  }
0x25: {  	[spmem:s9] =	stream.linear.scatter [tilespmem:s21], [sflag:$0x1], $0x4000, $0x38;
	[tilespmem:$0x1CC00] =	vst v63  }
0x26: {  	_ =	swait.ge [sflag:s19], $0x4000  }
0x27: {  	[sflag:s19] =	ssyncset.done $0x0  }
0x28: {  	[sflag:s19] =	ssyncadd.s32 $0xFFFFC000  }
0x29: {  	[spmem:s10] =	stream.linear.scatter [tilespmem:s21], [sflag:$0x1], $0x4000, $0x38;
	[tilespmem:$0x1CC00] =	vst v63  }
0x2a: {  	_ =	swait.ge [sflag:s19], $0x4000  }
0x2b: {  	[sflag:s19] =	ssyncset.done $0x0  }
0x2c: {  	[sflag:s19] =	ssyncadd.s32 $0xFFFFC000  }
0x2d: {  	[spmem:s11] =	stream.linear.scatter [tilespmem:s21], [sflag:$0x1], $0x4000, $0x38;
	[tilespmem:$0x1CC00] =	vst v63  }
0x2e: {  	_ =	swait.ge [sflag:s19], $0x4000  }
0x2f: {  	[sflag:s19] =	ssyncset.done $0x0  }
0x30: {  	[sflag:s19] =	ssyncadd.s32 $0xFFFFC000  }
0x31: {  	[spmem:s12] =	stream.linear.scatter [tilespmem:s21], [sflag:$0x1], $0x3C00, $0x38;
	[tilespmem:$0x1CC00] =	vst v63  }
0x32: {  	_ =	swait.ge [sflag:s19], $0x3C00  }
0x33: {  	[sflag:s19] =	ssyncset.done $0x0  }
0x34: {  	[sflag:s19] =	ssyncadd.s32 $0xFFFFC400  }
0x35: {  	s24 =	simm.s32 $0x0;
	[bflag:$0x0] =	sbarrier.arrive $0xFFFF  }
0x36: {  	[tilespmem:s21], [sflag:$0x1] =	stream.indirect.gather [hbm4b:s5+s22], $0x80, s24, s22, $0xb8;
	[tilespmem:$0x1CC00] =	vst v63  }
0x37: {  	_ =	swait.ge [sflag:s19], $0x4000  }
0x38: {  	[sflag:s19] =	ssyncset.done $0x0  }
0x39: {  	s31 =	simm.s32 $0x2800;
	[sflag:s19] =	ssyncadd.s32 $0xFFFFC000  }
0x3a: {  	[spmem:s2] =	stream.indirect.scatter.add.f32 [tilespmem:s21], [sflag:$0x1], $0x80, s31, s22, $0xb8;
	[tilespmem:$0x1CC00] =	vst v63  }
0x3b: {  	_ =	swait.ge [sflag:s19], $0x4000  }
0x3c: {  	s25 =	simm.s32 $0x400;
	s24 =	simm.s32 $0x200;
	[sflag:s19] =	ssyncset.done $0x0  }
.LBB2_2:
0x3d: {  	s26 =	sshra.s32 s24, $0x2  }
0x3e: {  	[sflag:s19] =	ssyncadd.s32 $0xFFFFC000;
	s24 =	smov.u32 s25;
	s28 =	sadd.s32 $0x200, s25  }
0x3f: {  	[tilespmem:s21], [sflag:$0x1] =	stream.indirect.gather [hbm4b:s5+s22], $0x80, s26, s22, $0xb8;
	[tilespmem:$0x1CC00] =	vst v63  }
0x40: {  	p0 =	sne.s32 s25, $0x9C00;
	_ =	swait.ge [sflag:s19], $0x4000  }
.Ltmp0:
0x41: {  	[sflag:s19] =	ssyncset.done $0x0;
	(pc) =	sbr.rel @p0 .LBB2_2-.Ltmp0, $4  }
0x42: {  	s25 =	sadd.s32 $0x2800, s26;
	[sflag:s19] =	ssyncadd.s32 $0xFFFFC000  }
0x43: {  	[spmem:s2] =	stream.indirect.scatter.add.f32 [tilespmem:s21], [sflag:$0x1], $0x80, s25, s22, $0xb8;
	[tilespmem:$0x1CC00] =	vst v63  }
0x44: {  	_ =	swait.ge [sflag:s19], $0x4000  }
0x45: {  	s25 =	smov.u32 s28;
	[sflag:s19] =	ssyncset.done $0x0  }
0x46: {  	s24 =	sshra.s32 s24, $0x2;
	[sflag:s19] =	ssyncadd.s32 $0xFFFFC000  }
0x47: {  	[tilespmem:s21], [sflag:$0x1] =	stream.indirect.gather [hbm4b:s5+s22], $0x80, s24, s22, $0xb8;
	[tilespmem:$0x1CC00] =	vst v63  }
0x48: {  	_ =	swait.ge [sflag:s19], $0x4000  }
0x49: {  	[sflag:s19] =	ssyncset.done $0x0  }
0x4a: {  	s24 =	sadd.s32 $0x2800, s24;
	[sflag:s19] =	ssyncadd.s32 $0xFFFFC000  }
0x4b: {  	[spmem:s2] =	stream.indirect.scatter.add.f32 [tilespmem:s21], [sflag:$0x1], $0x80, s24, s22, $0xb8;
	[tilespmem:$0x1CC00] =	vst v63  }
0x4c: {  	_ =	swait.ge [sflag:s19], $0x4000  }
0x4d: {  	[sflag:s19] =	ssyncset.done $0x0  }
0x4e: {  	[sflag:s19] =	ssyncadd.s32 $0xFFFFC000  }
0x4f: {  	[bflag:$0x0] =	sbarrier.arrive $0xFFFF  }
0x50: {  	[tilespmem:s21], [sflag:$0x1] =	stream.linear.gather [spmem:s8], $0x4000, $0x38;
	[tilespmem:$0x1CC00] =	vst v63  }
0x51: {  	_ =	swait.ge [sflag:s19], $0x4000  }
0x52: {  	[sflag:s19] =	ssyncset.done $0x0  }
0x53: {  	[sflag:s19] =	ssyncadd.s32 $0xFFFFC000  }
0x54: {  	[hbm4b:s13+s4] =	stream.linear.scatter [tilespmem:s21], [sflag:$0x1], $0x4000, $0x38;
	[tilespmem:$0x1CC00] =	vst v63  }
0x55: {  	_ =	swait.ge [sflag:s19], $0x4000  }
0x56: {  	[sflag:s19] =	ssyncset.done $0x0  }
0x57: {  	[sflag:s19] =	ssyncadd.s32 $0xFFFFC000  }
0x58: {  	[tilespmem:s21], [sflag:$0x1] =	stream.linear.gather [spmem:s9], $0x4000, $0x38;
	[tilespmem:$0x1CC00] =	vst v63  }
0x59: {  	_ =	swait.ge [sflag:s19], $0x4000  }
0x5a: {  	[sflag:s19] =	ssyncset.done $0x0  }
0x5b: {  	[sflag:s19] =	ssyncadd.s32 $0xFFFFC000  }
0x5c: {  	[hbm4b:s14+s4] =	stream.linear.scatter [tilespmem:s21], [sflag:$0x1], $0x4000, $0x38;
	[tilespmem:$0x1CC00] =	vst v63  }
0x5d: {  	_ =	swait.ge [sflag:s19], $0x4000  }
0x5e: {  	[sflag:s19] =	ssyncset.done $0x0  }
0x5f: {  	[sflag:s19] =	ssyncadd.s32 $0xFFFFC000  }
0x60: {  	[tilespmem:s21], [sflag:$0x1] =	stream.linear.gather [spmem:s10], $0x4000, $0x38;
	[tilespmem:$0x1CC00] =	vst v63  }
0x61: {  	_ =	swait.ge [sflag:s19], $0x4000  }
0x62: {  	[sflag:s19] =	ssyncset.done $0x0  }
0x63: {  	[sflag:s19] =	ssyncadd.s32 $0xFFFFC000  }
0x64: {  	[hbm4b:s15+s4] =	stream.linear.scatter [tilespmem:s21], [sflag:$0x1], $0x4000, $0x38;
	[tilespmem:$0x1CC00] =	vst v63  }
0x65: {  	_ =	swait.ge [sflag:s19], $0x4000  }
0x66: {  	[sflag:s19] =	ssyncset.done $0x0  }
0x67: {  	[sflag:s19] =	ssyncadd.s32 $0xFFFFC000  }
0x68: {  	[tilespmem:s21], [sflag:$0x1] =	stream.linear.gather [spmem:s11], $0x4000, $0x38;
	[tilespmem:$0x1CC00] =	vst v63  }
0x69: {  	_ =	swait.ge [sflag:s19], $0x4000  }
0x6a: {  	[sflag:s19] =	ssyncset.done $0x0  }
0x6b: {  	[sflag:s19] =	ssyncadd.s32 $0xFFFFC000  }
0x6c: {  	[hbm4b:s16+s4] =	stream.linear.scatter [tilespmem:s21], [sflag:$0x1], $0x4000, $0x38;
	[tilespmem:$0x1CC00] =	vst v63  }
0x6d: {  	_ =	swait.ge [sflag:s19], $0x4000  }
0x6e: {  	[sflag:s19] =	ssyncset.done $0x0  }
0x6f: {  	[sflag:s19] =	ssyncadd.s32 $0xFFFFC000  }
0x70: {  	[tilespmem:s21], [sflag:$0x1] =	stream.linear.gather [spmem:s12], $0x3C00, $0x38;
	[tilespmem:$0x1CC00] =	vst v63  }
0x71: {  	s23 =	sadd.s32 $0x1, s23;
	_ =	swait.ge [sflag:s19], $0x3C00  }
0x72: {  	p0 =	sne.s32 s23, s18;
	[sflag:s19] =	ssyncset.done $0x0  }
.Ltmp1:
0x73: {  	[sflag:s19] =	ssyncadd.s32 $0xFFFFC400;
	(pc) =	sbr.rel @p0 .LBB2_1-.Ltmp1, $4  }
0x74: {  	[hbm4b:s17+s4] =	stream.linear.scatter [tilespmem:s21], [sflag:$0x1], $0x3C00, $0x38;
	[tilespmem:$0x1CC00] =	vst v63  }
0x75: {  	_ =	swait.ge [sflag:s19], $0x3C00  }
0x76: {  	[sflag:s19] =	ssyncset.done $0x0  }
0x77: {  	[sflag:s19] =	ssyncadd.s32 $0xFFFFC400  }
0x78: {  	_ =	sfence.sel $0x180000  }
0x79: {  	[bflag:$0x0] =	sbarrier.arrive $0xFFFF  }
0x7a: {  	p0 =	sne.s32 s3, $0x0;
	_ =	strace $0x9000004D  }
0x7b: {  	s0 =	sadd.s32 @!p0 $0x100000, s0;
	[bflag:$0x2] =	sbarrier.arrive $0xFFFF  }
0x7c: {  	[sflag:s0] =	ssyncadd.tile.s32 @!p0 $0x1;
	_ =	shalt  }
.Lfunc_end2:
_tile_overlayer_lowered:
.L_overlay_start_2:
0x7d: {  	(tag) =	ssettag $0x2  }
0x7e: {  	s0 =	rddreg [dreg:$0x0];
	s2 =	stileid.u32  }
0x7f: {  	s1 =	rddreg [dreg:$0x1];
	p0 =	sne.s32 s2, $0x0  }
0x80: {  	s3 =	rddreg [dreg:$0x2];
	[bflag:$0x3] =	sbarrier.arrive $0xFFFF;
	s2 =	simm.s32 @!p0 $0x1C01  }
0x81: {  	[timem:s3], [sflag:s2] =	dma.local @!p0 [hbm:s0], s1  }
0x82: {  	s0 =	simm.s32 @!p0 $0x1  }
0x83: {  	_ =	swait.ge @!p0 [sflag:s0], s1  }
0x84: {  	s1 =	ssub.s32 @!p0 $0x0, s1;
	[sflag:s0] =	ssyncset.done @!p0 $0x0  }
0x85: {  	[sflag:s0] =	ssyncadd.s32 @!p0 s1  }
0x86: {  	[bflag:$0x3] =	sbarrier.arrive $0xFFFF  }
0x87: {  	_ =	shalt  }

// kernel: kernel.20.cloned.1.call-start
scs
__scs_entry_jumppad:
0x0: {  	(pc) =	sbr.rel $0x88, $3  }
0x1: {  	(tag) =	ssettag $0x0;
	lr =	simm.s32 $0x1  }
0x2: {  	[smem:$0x3F92] =	sst lr;
	_ =	strace $0xD0000000  }
0x3: {  	_ = 	snop  }
0x4: {  	_ = 	snop  }
0x5: {  	_ = 	snop  }
0x6: {  	_ = 	snop  }
0x7: {  	_ = 	snop  }
__scs_overlays_trampoline_lowered:
0x8: {  	[smem:$0x3FA1] =	sst s0  }
0x9: {  	[smem:$0x3FA2] =	sst s1  }
0xa: {  	[smem:$0x3FA3] =	sst s2  }
0xb: {  	[smem:$0x3FA4] =	sst s3  }
0xc: {  	[smem:$0x3FA5] =	sst s4  }
0xd: {  	[smem:$0x3FA6] =	sst s5  }
0xe: {  	[smem:$0x3FA7] =	sst s6  }
0xf: {  	[smem:$0x3FA8] =	sst s7  }
0x10: {  	[smem:$0x3FA9] =	sst s8  }
0x11: {  	[smem:$0x3FAA] =	sst s9;
	s0 =	simm.s32 @!p0 $0x0  }
0x12: {  	s1 =	sld [smem:$0x3F90];
	s0 =	simm.s32 @p0 $0x1  }
0x13: {  	[smem:$0x3FAB] =	sst s0;
	s0 =	simm.s32 @!p1 $0x0  }
0x14: {  	s2 =	sld [smem:$0x3F8F];
	s0 =	simm.s32 @p1 $0x1  }
0x15: {  	[smem:$0x3FAC] =	sst s0;
	s0 =	simm.s32 @!p2 $0x0  }
0x16: {  	s3 =	sld [smem:$0x3FDB];
	s0 =	simm.s32 @p2 $0x1  }
0x17: {  	s4 =	simm.s32 $0x1BF5;
	[smem:$0x3FAE] =	sst s0  }
0x18: {  	s0 =	sld [smem:$0x3F91];
	_ =	swait.ge [sflag:s4], $0x0  }
0x19: {  	s7 =	sld [smem:$0x3F92]  }
0x1a: {  	s8 =	sadd.s32 $0xFFFFE003, lr  }
0x1b: {  	s9 =	sadd.s32 $0xFFFFFEF7, lr;
	s5 =	simm.s32 $0xFFFFFFFF;
	p2 =	slt.u32 s8, $0xFFFFF086  }
0x1c: {  	p1 =	slt.u32 s9, $0xF7A;
	s5 =	simm.s32 @!p2 $0x0  }
0x1d: {  	s5 =	simm.s32 @p1 $0x1;
	p0 =	seq.s32 s7, s2  }
0x1e: {  	s7 =	smul.u32 @!p0 $0xF7A, s2;
	p2 =	seq.s32 @!p0 s5, $0x0  }
0x1f: {  	s9 =	smul.u32 $0xF7A, s1;
	s8 =	simm.s32 @!p0 $0x1BF5;
	p2 =	por !p2, p0  }
0x20: {  	[sflag:s8] =	ssyncset.s32 @!p0 $0xFFFFF086;
	s6 =	sadd.s32 @!p0 s3, s7;
	s7 =	simm.s32 @!p0 $0x108  }
0x21: {  	s3 =	sadd.s32 s3, s9;
	s6 =	sadd.s32 @!p0 $0x88, s6;
	s7 =	simm.s32 @p2 $0x1082  }
0x22: {  	[simem:s7], [sflag:s8] =	dma.local @!p0 [hbm:s6], $0xF7A  }
0x23: {  	s9 =	sor.u32 $0xD0000000, s2;
	s6 =	simm.s32 $0x108;
	_ =	swait.ge @!p0 [sflag:s8], $0x0  }
0x24: {  	s3 =	sadd.s32 $0x88, s3;
	s6 =	simm.s32 @!p1 $0x1082;
	[sflag:s4] =	ssyncset.s32 $0xFFFFF086  }
0x25: {  	[simem:s6], [sflag:s4] =	dma.local [hbm:s3], $0xF7A  }
0x26: {  	[smem:$0x3F92] =	sst s1;
	(tag) =	ssettag s2;
	_ =	strace s9  }
0x27: {  	s1 =	sld [smem:$0x3FA2]  }
0x28: {  	s2 =	sld [smem:$0x3FA3]  }
0x29: {  	s4 =	sld [smem:$0x3FA5]  }
0x2a: {  	p0 =	seq.s32 s5, $0x0;
	s5 =	sld [smem:$0x3FA6]  }
0x2b: {  	s6 =	sld [smem:$0x3FA7]  }
0x2c: {  	s7 =	sld [smem:$0x3FA8]  }
0x2d: {  	s3 =	simm.s32 $0x108;
	s8 =	sld [smem:$0x3FA9]  }
0x2e: {  	s3 =	simm.s32 @!p0 $0x1082;
	s9 =	sld [smem:$0x3FAA]  }
0x2f: {  	lr =	sadd.s32 s0, s3;
	s0 =	sld [smem:$0x3FA1]  }
0x30: {  	s3 =	sld [smem:$0x3FA4]  }
0x31: {  	[smem:$0x3FAD] =	sst s10  }
0x32: {  	s10 =	sld [smem:$0x3FAB];
	_ =	sdelay $0x3  }
0x33: {  	p0 =	seq.s32 s10, $0x1;
	s10 =	sld [smem:$0x3FAD];
	_ =	sdelay $0x3  }
0x34: {  	[smem:$0x3FAD] =	sst s10  }
0x35: {  	s10 =	sld [smem:$0x3FAC];
	_ =	sdelay $0x3  }
0x36: {  	p1 =	seq.s32 s10, $0x1;
	s10 =	sld [smem:$0x3FAD];
	_ =	sdelay $0x3  }
0x37: {  	[smem:$0x3FAD] =	sst s10  }
0x38: {  	s10 =	sld [smem:$0x3FAE]  }
0x39: {  	_ = 	snop;
	(pc) =	sbr.ind lr, $3  }
0x3a: {  	_ = 	snop  }
0x3b: {  	_ = 	snop  }
0x3c: {  	p2 =	seq.s32 s10, $0x1;
	s10 =	sld [smem:$0x3FAD]  }
0x3d: {  	_ =	shalt  }
0x3e: {  	_ =	shalt  }
0x3f: {  	_ =	shalt  }
0x40: {  	_ =	shalt  }
0x41: {  	_ =	shalt  }
0x42: {  	_ =	shalt  }
0x43: {  	_ =	shalt  }
0x44: {  	_ =	shalt  }
0x45: {  	_ =	shalt  }
0x46: {  	_ =	shalt  }
0x47: {  	_ =	shalt  }
0x48: {  	_ =	shalt  }
0x49: {  	_ =	shalt  }
0x4a: {  	_ =	shalt  }
0x4b: {  	_ =	shalt  }
0x4c: {  	_ =	shalt  }
0x4d: {  	_ =	shalt  }
0x4e: {  	_ =	shalt  }
0x4f: {  	_ =	shalt  }
0x50: {  	_ =	shalt  }
0x51: {  	_ =	shalt  }
0x52: {  	_ =	shalt  }
0x53: {  	_ =	shalt  }
0x54: {  	_ =	shalt  }
0x55: {  	_ =	shalt  }
0x56: {  	_ =	shalt  }
0x57: {  	_ =	shalt  }
0x58: {  	_ =	shalt  }
0x59: {  	_ =	shalt  }
0x5a: {  	_ =	shalt  }
0x5b: {  	_ =	shalt  }
0x5c: {  	_ =	shalt  }
0x5d: {  	_ =	shalt  }
0x5e: {  	_ =	shalt  }
0x5f: {  	_ =	shalt  }
0x60: {  	_ =	shalt  }
0x61: {  	_ =	shalt  }
0x62: {  	_ =	shalt  }
0x63: {  	_ =	shalt  }
0x64: {  	_ =	shalt  }
0x65: {  	_ =	shalt  }
0x66: {  	_ =	shalt  }
0x67: {  	_ =	shalt  }
0x68: {  	_ =	shalt  }
0x69: {  	_ =	shalt  }
0x6a: {  	_ =	shalt  }
0x6b: {  	_ =	shalt  }
0x6c: {  	_ =	shalt  }
0x6d: {  	_ =	shalt  }
0x6e: {  	_ =	shalt  }
0x6f: {  	_ =	shalt  }
0x70: {  	_ =	shalt  }
0x71: {  	_ =	shalt  }
0x72: {  	_ =	shalt  }
0x73: {  	_ =	shalt  }
0x74: {  	_ =	shalt  }
0x75: {  	_ =	shalt  }
0x76: {  	_ =	shalt  }
0x77: {  	_ =	shalt  }
0x78: {  	_ =	shalt  }
0x79: {  	_ =	shalt  }
0x7a: {  	_ =	shalt  }
0x7b: {  	_ =	shalt  }
0x7c: {  	_ =	shalt  }
0x7d: {  	_ =	shalt  }
0x7e: {  	_ =	shalt  }
0x7f: {  	_ =	shalt  }
0x80: {  	_ =	shalt  }
0x81: {  	_ =	shalt  }
0x82: {  	_ =	shalt  }
0x83: {  	_ =	shalt  }
0x84: {  	_ =	shalt  }
0x85: {  	_ =	shalt  }
0x86: {  	_ =	shalt  }
0x87: {  	_ =	shalt  }
.Lfunc_end0:
.L_simem_size_0:
called_computation.3_lowered:
.L_overlay_start_0:
0x88: {  	s2 =	sld [smem:$0x3FD9]  }
0x89: {  	s3 =	sld [smem:$0x3FFE];
	_ =	sdelay $0x1  }
0x8a: {  	s1 =	srdreg.scid  }
0x8b: {  	s0 =	sand.u32 $0x1, s1  }
0x8c: {  	s14 =	sshll.u32 s0, $0xA;
	s2 =	sadd.s32 s3, s2  }
0x8d: {  	s2 =	sadd.s32 s2, s14  }
0x8e: {  	[smem:$0x3FB9] =	sst s2  }
0x8f: {  	_ = 	snop  }
0x90: {  	s2 =	sld [smem:$0x3FD0];
	_ =	sdelay $0x2  }
0x91: {  	s15 =	simm.s32 $0xA;
	s4 =	simm.s32 $0x10  }
0x92: {  	[smem:s4], [sflag:s15] =	dma.local [hbm:s2], $0x1  }
0x93: {  	_ =	swait.eq [sflag:s15], $0x1  }
0x94: {  	[sflag:s15] =	ssyncset.done $0x0  }
0x95: {  	[sflag:s15] =	ssyncadd.s32 $0xFFFFFFFF  }
0x96: {  	s16 =	sld [smem:$0x10];
	(tm) =	ssettm $0x1  }
0x97: {  	s17 =	sld [smem:$0x3FFB];
	_ =	sdelay $0x3  }
0x98: {  	_ =	strace s17  }
0x99: {  	s3 =	sld [smem:$0x3FFC];
	_ =	sdelay $0x3  }
0x9a: {  	_ =	strace s3  }
0x9b: {  	s3 =	sld [smem:$0x3FFD];
	_ =	sdelay $0x3  }
0x9c: {  	_ =	strace s3  }
0x9d: {  	_ =	strace $0x8FFFFFFF  }
0x9e: {  	s18 =	sld [smem:$0x3FDB];
	_ =	sdelay $0x1  }
0x9f: {  	s19 =	simm.s32 $_scs_section_size  }
0xa0: {  	s5 =	simm.s32 $_size__tile_overlayer_lowered;
	s6 =	simm.s32 $_tile_overlayer_lowered  }
0xa1: {  	s22 =	simm.s32 $0x1BFF;
	s21 =	sshll.u32 s6, $0x1;
	s3 =	sadd.s32 s19, s18  }
0xa2: {  	s7 =	simm.s32 $0x0;
	s20 =	sshll.u32 s5, $0x1;
	s5 =	sadd.s32 s21, s3  }
0xa3: {  	[timem:s7], [sflag:s22] =	dma.local [hbm:s5], s20  }
0xa4: {  	_ =	swait.ge [sflag:s22], s20  }
0xa5: {  	s4 =	ssub.s32 $0x0, s20;
	[sflag:s22] =	ssyncset.done $0x0  }
0xa6: {  	[sflag:s22] =	ssyncadd.s32 s4;
	_ =	sdelay $0x1  }
0xa7: {  	s23 =	simm.s32 $0x1B8B  }
0xa8: {  	_ =	swait.ge [sflag:s23], $0x1  }
0xa9: {  	[sflag:s23] =	ssyncset.done $0x0  }
0xaa: {  	s25 =	simm.s32 $0x1B8E;
	s24 =	sld [smem:$0x3FFE];
	[sflag:s23] =	ssyncadd.s32 $0xFFFFFFFF  }
0xab: {  	s26 =	simm.s32 $execute0_lowered;
	[smem:$0x3FD2] =	sst s25  }
0xac: {  	s5 =	sshll.u32 s26, $0x1;
	_ =	strace $0x8000004F;
	[dreg:$0x1] =	wrdreg $0xFFFFFFFF  }
0xad: {  	s28 =	simm.s32 $_size_execute0_lowered;
	s3 =	sadd.s32 s3, s5;
	[dreg:$0x0] =	wrdreg $0x0  }
0xae: {  	s5 =	sshll.u32 s28, $0x1;
	[dreg:$0x2] =	wrdreg s3  }
0xaf: {  	[dreg:$0x3] =	wrdreg s5  }
0xb0: {  	[dreg:$0x4] =	wrdreg $0xC0  }
0xb1: {  	_ =	task [dreg:s7], $0x5FFFF  }
0xb2: {  	[dreg:$0x1] =	wrdreg $0xFFFFFFFF  }
0xb3: {  	[dreg:$0x0] =	wrdreg $0x60  }
0xb4: {  	[dreg:$0x2] =	wrdreg s24  }
0xb5: {  	[dreg:$0x3] =	wrdreg s16  }
0xb6: {  	[dreg:$0x4] =	wrdreg $0x90000  }
0xb7: {  	[dreg:$0x5] =	wrdreg $0x9  }
0xb8: {  	_ =	task.clear_ibuf [dreg:s7], $0x6FFFF;
	_ =	strace $0x9000004F  }
0xb9: {  	s29 =	simm.s32 $0x9;
	_ =	strace $0x80000051  }
0xba: {  	_ =	swait.ge [sflag:s29], $0x1  }
0xbb: {  	[sflag:s29] =	ssyncadd.s32 $0xFFFFFFFF  }
0xbc: {  	_ =	strace $0x90000051  }
0xbd: {  	_ =	sfence  }
0xbe: {  	s30 =	sld [smem:$0x0];
	_ =	sdelay $0x2  }
0xbf: {  	s31 =	sshll.u32 s1, $0xD;
	s1 =	sshrl.u32 s1, $0x2  }
0xc0: {  	s3 =	sand.u32 $0x4000, s31;
	s1 =	sadd.s32 s1, s30  }
0xc1: {  	s0 =	sor.u32 s3, s0;
	s1 =	sshll.u32 s1, $0x11  }
0xc2: {  	s0 =	sor.u32 s1, s0  }
0xc3: {  	s0 =	sadd.s32 $0x8F2B, s0  }
0xc4: {  	[sflag:s0] =	ssyncadd.remote.s32 $0x1  }
0xc5: {  	_ =	sfence.sel $0xFFFF  }
0xc6: {  	[dreg:$0x0] =	wrdreg $0xFFFFFFFF;
	(pc) =	sbr.abs _section_cstart, $3  }
0xc7: {  	[dreg:$0x1] =	wrdreg $0xFFFFFFFF  }
0xc8: {  	_ =	task.clear_ibuf [dreg:s7], $0x2FFFF;
	_ =	strace $0x9FFFFFFF  }
0xc9: {  	(tm) =	ssettm $0x7FFFFFFF  }
tec
execute0_lowered:
.L_overlay_start_1:
0x0: {  	(tag) =	ssettag $0x1  }
0x1: {  	s6 =	rddreg [dreg:$0x0]  }
0x2: {  	s1 =	rddreg [dreg:$0x1]  }
0x3: {  	s2 =	rddreg [dreg:$0x2];
	s3 =	srdreg.scid  }
0x4: {  	s0 =	rddreg [dreg:$0x3];
	s4 =	simm.s32 $0x0;
	s22 =	simm.s32 $0x80  }
0x5: {  	s23 =	simm.s32 $0x0;
	s9 =	sand.u32 $0x1, s3;
	s3 =	stileid.u32  }
0x6: {  	[smem:$0x7FF] =	sst s4;
	s17 =	sadd.s32 $0x67000, s6;
	s10 =	smul.u32 $0x4F000, s3  }
0x7: {  	s5 =	sshll.u32 s9, $0x4;
	_ =	strace $0x80000050;
	s12 =	smul.u32 $0x13C00, s3  }
0x8: {  	s8 =	ssub.s32 $0x2, s9;
	s16 =	smul.u32 $0x13C000, s9;
	s5 =	sor.u32 s3, s5  }
0x9: {  	s30 =	sshrl.u32 s8, $0x1;
	s7 =	smul.u32 $0x500, s5;
	s5 =	sadd.s32 $0xD800, s6  }
0xa: {  	s18 =	ssub.s32 s8, s30;
	s31 =	sshrl.u32 s10, $0x2;
	s13 =	sadd.s32 $0x4000, s12  }
0xb: {  	s15 =	sadd.s32 $0x8000, s12;
	s19 =	sadd.s32 $0xC000, s12;
	s14 =	sadd.s32 s12, s16  }
0xc: {  	s20 =	sadd.s32 $0x10000, s12;
	s8 =	sadd.s32 s31, s2;
	s9 =	sadd.s32 s13, s2  }
0xd: {  	s10 =	sadd.s32 s15, s2;
	s11 =	sadd.s32 s19, s2;
	s13 =	sadd.s32 s16, s13  }
0xe: {  	s14 =	sshrl.u32 s14, $0x3;
	s12 =	sadd.s32 s20, s2;
	s15 =	sadd.s32 s16, s15  }
0xf: {  	s19 =	sadd.s32 s16, s19;
	s16 =	sadd.s32 s16, s20;
	s18 =	smax.u32 s18, $0x1  }
0x10: {  	s7 =	sadd.s32 s7, s6;
	s21 =	sshrl.u32 s13, $0x3;
	s13 =	sadd.s32 s17, s14  }
0x11: {  	s15 =	sshrl.u32 s15, $0x3;
	s19 =	sshrl.u32 s19, $0x3;
	s20 =	sshrl.u32 s16, $0x3  }
0x12: {  	s6 =	sadd.s32 $0x5D000, s7;
	s7 =	sadd.s32 $0x3800, s7;
	s14 =	sadd.s32 s17, s21  }
0x13: {  	s15 =	sadd.s32 s17, s15;
	s16 =	sadd.s32 s17, s19;
	s17 =	sadd.s32 s17, s20  }
0x14: {  	s19 =	simm.s32 $0x1;
	s20 =	simm.s32 $0x2800;
	s21 =	simm.s32 $0x5000  }
.LBB2_1:
0x15: {  	[tilespmem:s4], [sflag:$0x1] =	stream.linear.gather [hbm4b:s6+s4], $0x2780, $0x38;
	[tilespmem:$0x1CC00] =	vst v63  }
0x16: {  	_ =	swait.ge [sflag:s19], $0x2780  }
0x17: {  	[sflag:s19] =	ssyncset.done $0x0  }
0x18: {  	[sflag:s19] =	ssyncadd.s32 $0xFFFFD880  }
0x19: {  	[tilespmem:s20], [sflag:$0x1] =	stream.linear.gather [hbm4b:s7+s4], $0x2780, $0x38;
	[tilespmem:$0x1CC00] =	vst v63  }
0x1a: {  	_ =	swait.ge [sflag:s19], $0x2780  }
0x1b: {  	[sflag:s19] =	ssyncset.done $0x0  }
0x1c: {  	[sflag:s19] =	ssyncadd.s32 $0xFFFFD880  }
0x1d: {  	[tilespmem:s21], [sflag:$0x1] =	stream.linear.gather [hbm4b:s1+s4], $0x4000, $0x38;
	[tilespmem:$0x1CC00] =	vst v63  }
0x1e: {  	_ =	swait.ge [sflag:s19], $0x4000  }
0x1f: {  	[sflag:s19] =	ssyncset.done $0x0  }
0x20: {  	[sflag:s19] =	ssyncadd.s32 $0xFFFFC000  }
0x21: {  	[spmem:s8] =	stream.linear.scatter [tilespmem:s21], [sflag:$0x1], $0x4000, $0x38;
	[tilespmem:$0x1CC00] =	vst v63  }
0x22: {  	_ =	swait.ge [sflag:s19], $0x4000  }
0x23: {  	[sflag:s19] =	ssyncset.done $0x0  }
0x24: {  	[sflag:s19] =	ssyncadd.s32 $0xFFFFC000  }
0x25: {  	[spmem:s9] =	stream.linear.scatter [tilespmem:s21], [sflag:$0x1], $0x4000, $0x38;
	[tilespmem:$0x1CC00] =	vst v63  }
0x26: {  	_ =	swait.ge [sflag:s19], $0x4000  }
0x27: {  	[sflag:s19] =	ssyncset.done $0x0  }
0x28: {  	[sflag:s19] =	ssyncadd.s32 $0xFFFFC000  }
0x29: {  	[spmem:s10] =	stream.linear.scatter [tilespmem:s21], [sflag:$0x1], $0x4000, $0x38;
	[tilespmem:$0x1CC00] =	vst v63  }
0x2a: {  	_ =	swait.ge [sflag:s19], $0x4000  }
0x2b: {  	[sflag:s19] =	ssyncset.done $0x0  }
0x2c: {  	[sflag:s19] =	ssyncadd.s32 $0xFFFFC000  }
0x2d: {  	[spmem:s11] =	stream.linear.scatter [tilespmem:s21], [sflag:$0x1], $0x4000, $0x38;
	[tilespmem:$0x1CC00] =	vst v63  }
0x2e: {  	_ =	swait.ge [sflag:s19], $0x4000  }
0x2f: {  	[sflag:s19] =	ssyncset.done $0x0  }
0x30: {  	[sflag:s19] =	ssyncadd.s32 $0xFFFFC000  }
0x31: {  	[spmem:s12] =	stream.linear.scatter [tilespmem:s21], [sflag:$0x1], $0x3C00, $0x38;
	[tilespmem:$0x1CC00] =	vst v63  }
0x32: {  	_ =	swait.ge [sflag:s19], $0x3C00  }
0x33: {  	[sflag:s19] =	ssyncset.done $0x0  }
0x34: {  	[sflag:s19] =	ssyncadd.s32 $0xFFFFC400  }
0x35: {  	s24 =	simm.s32 $0x0;
	[bflag:$0x0] =	sbarrier.arrive $0xFFFF  }
0x36: {  	[tilespmem:s21], [sflag:$0x1] =	stream.indirect.gather [hbm4b:s5+s22], $0x80, s24, s22, $0xb8;
	[tilespmem:$0x1CC00] =	vst v63  }
0x37: {  	_ =	swait.ge [sflag:s19], $0x4000  }
0x38: {  	[sflag:s19] =	ssyncset.done $0x0  }
0x39: {  	s31 =	simm.s32 $0x2800;
	[sflag:s19] =	ssyncadd.s32 $0xFFFFC000  }
0x3a: {  	[spmem:s2] =	stream.indirect.scatter.add.f32 [tilespmem:s21], [sflag:$0x1], $0x80, s31, s22, $0xb8;
	[tilespmem:$0x1CC00] =	vst v63  }
0x3b: {  	_ =	swait.ge [sflag:s19], $0x4000  }
0x3c: {  	s25 =	simm.s32 $0x400;
	s24 =	simm.s32 $0x200;
	[sflag:s19] =	ssyncset.done $0x0  }
.LBB2_2:
0x3d: {  	s26 =	sshra.s32 s24, $0x2  }
0x3e: {  	[sflag:s19] =	ssyncadd.s32 $0xFFFFC000;
	s24 =	smov.u32 s25;
	s28 =	sadd.s32 $0x200, s25  }
0x3f: {  	[tilespmem:s21], [sflag:$0x1] =	stream.indirect.gather [hbm4b:s5+s22], $0x80, s26, s22, $0xb8;
	[tilespmem:$0x1CC00] =	vst v63  }
0x40: {  	p0 =	sne.s32 s25, $0x9C00;
	_ =	swait.ge [sflag:s19], $0x4000  }
.Ltmp0:
0x41: {  	[sflag:s19] =	ssyncset.done $0x0;
	(pc) =	sbr.rel @p0 .LBB2_2-.Ltmp0, $4  }
0x42: {  	s25 =	sadd.s32 $0x2800, s26;
	[sflag:s19] =	ssyncadd.s32 $0xFFFFC000  }
0x43: {  	[spmem:s2] =	stream.indirect.scatter.add.f32 [tilespmem:s21], [sflag:$0x1], $0x80, s25, s22, $0xb8;
	[tilespmem:$0x1CC00] =	vst v63  }
0x44: {  	_ =	swait.ge [sflag:s19], $0x4000  }
0x45: {  	s25 =	smov.u32 s28;
	[sflag:s19] =	ssyncset.done $0x0  }
0x46: {  	s24 =	sshra.s32 s24, $0x2;
	[sflag:s19] =	ssyncadd.s32 $0xFFFFC000  }
0x47: {  	[tilespmem:s21], [sflag:$0x1] =	stream.indirect.gather [hbm4b:s5+s22], $0x80, s24, s22, $0xb8;
	[tilespmem:$0x1CC00] =	vst v63  }
0x48: {  	_ =	swait.ge [sflag:s19], $0x4000  }
0x49: {  	[sflag:s19] =	ssyncset.done $0x0  }
0x4a: {  	s24 =	sadd.s32 $0x2800, s24;
	[sflag:s19] =	ssyncadd.s32 $0xFFFFC000  }
0x4b: {  	[spmem:s2] =	stream.indirect.scatter.add.f32 [tilespmem:s21], [sflag:$0x1], $0x80, s24, s22, $0xb8;
	[tilespmem:$0x1CC00] =	vst v63  }
0x4c: {  	_ =	swait.ge [sflag:s19], $0x4000  }
0x4d: {  	[sflag:s19] =	ssyncset.done $0x0  }
0x4e: {  	[sflag:s19] =	ssyncadd.s32 $0xFFFFC000  }
0x4f: {  	[bflag:$0x0] =	sbarrier.arrive $0xFFFF  }
0x50: {  	[tilespmem:s21], [sflag:$0x1] =	stream.linear.gather [spmem:s8], $0x4000, $0x38;
	[tilespmem:$0x1CC00] =	vst v63  }
0x51: {  	_ =	swait.ge [sflag:s19], $0x4000  }
0x52: {  	[sflag:s19] =	ssyncset.done $0x0  }
0x53: {  	[sflag:s19] =	ssyncadd.s32 $0xFFFFC000  }
0x54: {  	[hbm4b:s13+s4] =	stream.linear.scatter [tilespmem:s21], [sflag:$0x1], $0x4000, $0x38;
	[tilespmem:$0x1CC00] =	vst v63  }
0x55: {  	_ =	swait.ge [sflag:s19], $0x4000  }
0x56: {  	[sflag:s19] =	ssyncset.done $0x0  }
0x57: {  	[sflag:s19] =	ssyncadd.s32 $0xFFFFC000  }
0x58: {  	[tilespmem:s21], [sflag:$0x1] =	stream.linear.gather [spmem:s9], $0x4000, $0x38;
	[tilespmem:$0x1CC00] =	vst v63  }
0x59: {  	_ =	swait.ge [sflag:s19], $0x4000  }
0x5a: {  	[sflag:s19] =	ssyncset.done $0x0  }
0x5b: {  	[sflag:s19] =	ssyncadd.s32 $0xFFFFC000  }
0x5c: {  	[hbm4b:s14+s4] =	stream.linear.scatter [tilespmem:s21], [sflag:$0x1], $0x4000, $0x38;
	[tilespmem:$0x1CC00] =	vst v63  }
0x5d: {  	_ =	swait.ge [sflag:s19], $0x4000  }
0x5e: {  	[sflag:s19] =	ssyncset.done $0x0  }
0x5f: {  	[sflag:s19] =	ssyncadd.s32 $0xFFFFC000  }
0x60: {  	[tilespmem:s21], [sflag:$0x1] =	stream.linear.gather [spmem:s10], $0x4000, $0x38;
	[tilespmem:$0x1CC00] =	vst v63  }
0x61: {  	_ =	swait.ge [sflag:s19], $0x4000  }
0x62: {  	[sflag:s19] =	ssyncset.done $0x0  }
0x63: {  	[sflag:s19] =	ssyncadd.s32 $0xFFFFC000  }
0x64: {  	[hbm4b:s15+s4] =	stream.linear.scatter [tilespmem:s21], [sflag:$0x1], $0x4000, $0x38;
	[tilespmem:$0x1CC00] =	vst v63  }
0x65: {  	_ =	swait.ge [sflag:s19], $0x4000  }
0x66: {  	[sflag:s19] =	ssyncset.done $0x0  }
0x67: {  	[sflag:s19] =	ssyncadd.s32 $0xFFFFC000  }
0x68: {  	[tilespmem:s21], [sflag:$0x1] =	stream.linear.gather [spmem:s11], $0x4000, $0x38;
	[tilespmem:$0x1CC00] =	vst v63  }
0x69: {  	_ =	swait.ge [sflag:s19], $0x4000  }
0x6a: {  	[sflag:s19] =	ssyncset.done $0x0  }
0x6b: {  	[sflag:s19] =	ssyncadd.s32 $0xFFFFC000  }
0x6c: {  	[hbm4b:s16+s4] =	stream.linear.scatter [tilespmem:s21], [sflag:$0x1], $0x4000, $0x38;
	[tilespmem:$0x1CC00] =	vst v63  }
0x6d: {  	_ =	swait.ge [sflag:s19], $0x4000  }
0x6e: {  	[sflag:s19] =	ssyncset.done $0x0  }
0x6f: {  	[sflag:s19] =	ssyncadd.s32 $0xFFFFC000  }
0x70: {  	[tilespmem:s21], [sflag:$0x1] =	stream.linear.gather [spmem:s12], $0x3C00, $0x38;
	[tilespmem:$0x1CC00] =	vst v63  }
0x71: {  	s23 =	sadd.s32 $0x1, s23;
	_ =	swait.ge [sflag:s19], $0x3C00  }
0x72: {  	p0 =	sne.s32 s23, s18;
	[sflag:s19] =	ssyncset.done $0x0  }
.Ltmp1:
0x73: {  	[sflag:s19] =	ssyncadd.s32 $0xFFFFC400;
	(pc) =	sbr.rel @p0 .LBB2_1-.Ltmp1, $4  }
0x74: {  	[hbm4b:s17+s4] =	stream.linear.scatter [tilespmem:s21], [sflag:$0x1], $0x3C00, $0x38;
	[tilespmem:$0x1CC00] =	vst v63  }
0x75: {  	_ =	swait.ge [sflag:s19], $0x3C00  }
0x76: {  	[sflag:s19] =	ssyncset.done $0x0  }
0x77: {  	[sflag:s19] =	ssyncadd.s32 $0xFFFFC400  }
0x78: {  	_ =	sfence.sel $0x180000  }
0x79: {  	[bflag:$0x0] =	sbarrier.arrive $0xFFFF  }
0x7a: {  	p0 =	sne.s32 s3, $0x0;
	_ =	strace $0x90000050  }
0x7b: {  	s0 =	sadd.s32 @!p0 $0x100000, s0;
	[bflag:$0x2] =	sbarrier.arrive $0xFFFF  }
0x7c: {  	[sflag:s0] =	ssyncadd.tile.s32 @!p0 $0x1;
	_ =	shalt  }
.Lfunc_end2:
_tile_overlayer_lowered:
.L_overlay_start_2:
0x7d: {  	(tag) =	ssettag $0x2  }
0x7e: {  	s0 =	rddreg [dreg:$0x0];
	s2 =	stileid.u32  }
0x7f: {  	s1 =	rddreg [dreg:$0x1];
	p0 =	sne.s32 s2, $0x0  }
0x80: {  	s3 =	rddreg [dreg:$0x2];
	[bflag:$0x3] =	sbarrier.arrive $0xFFFF;
	s2 =	simm.s32 @!p0 $0x1C01  }
0x81: {  	[timem:s3], [sflag:s2] =	dma.local @!p0 [hbm:s0], s1  }
0x82: {  	s0 =	simm.s32 @!p0 $0x1  }
0x83: {  	_ =	swait.ge @!p0 [sflag:s0], s1  }
0x84: {  	s1 =	ssub.s32 @!p0 $0x0, s1;
	[sflag:s0] =	ssyncset.done @!p0 $0x0  }
0x85: {  	[sflag:s0] =	ssyncadd.s32 @!p0 s1  }
0x86: {  	[bflag:$0x3] =	sbarrier.arrive $0xFFFF  }
0x87: {  	_ =	shalt  }

</sc_bundles>
